<compile_context>
chip_gen: v7x
topology: tpu7x:2x2x1
jax: 0.10.2.dev20260603
libtpu: 0.0.44.dev20260713+nightly
codegen_flags: <defaults>
</compile_context>

<pallas_src>
import functools

import jax
import jax.numpy as jnp
from jax import lax
from jax.experimental import pallas as pl
from jax.experimental.pallas import tpu as pltpu
from jax.experimental.pallas import tpu_sc as plsc

N = 10000
D = 128
DH = D // 2
E = 320000
NC = 2
NS = 16
C = 48
NBUF = 2
NCHUNK = 418
EPT = NCHUNK * C
E_PAD = NS * EPT

ZSLAB = 640

_DNUMS = lax.GatherDimensionNumbers(
    offset_dims=(), collapsed_slice_dims=(0,), start_index_map=(0,))


def _splat(av, e2):
    return lax.gather(av, jnp.full((16, 1), e2, jnp.int32), _DNUMS, (1,),
                      mode=lax.GatherScatterMode.PROMISE_IN_BOUNDS)


def _sc_aggregate(xb, src3, dst3, attr2):
    mesh = plsc.VectorSubcoreMesh(core_axis_name="c", subcore_axis_name="s")

    @functools.partial(
        pl.kernel,
        out_type=jax.ShapeDtypeStruct((2, N, DH), jnp.float32),
        mesh=mesh,
        compiler_params=pltpu.CompilerParams(use_tc_tiling_on_sc=False),
        scratch_types=[
            pltpu.VMEM((NCHUNK, C), jnp.int32),
            pltpu.VMEM((NCHUNK, C), jnp.int32),
            pltpu.VMEM((EPT,), jnp.float32),
        ] + [pltpu.VMEM((C, DH // 2), jnp.int32)] * NBUF
          + [pltpu.VMEM((C, DH), jnp.float32)] * NBUF
          + [pltpu.VMEM_SHARED((N, DH), jnp.float32),
             pltpu.VMEM_SHARED((N, DH // 2), jnp.int32)]
          + [pltpu.SemaphoreType.DMA] * (2 * NBUF),
    )
    def k(xb_hbm, src_hbm, dst_hbm, attr_hbm, out_hbm,
          src_v, dst_v, attr_v, *rest):
        bbufs = rest[:NBUF]
        obufs = rest[NBUF:2 * NBUF]
        agg_s = rest[2 * NBUF]
        xs = rest[2 * NBUF + 1]
        gsems = rest[2 * NBUF + 2:2 * NBUF + 2 + NBUF]
        ssems = rest[2 * NBUF + 2 + NBUF:]
        c = lax.axis_index("c")
        s = lax.axis_index("s")
        o0 = obufs[0]

        pltpu.sync_copy(src_hbm.at[s], src_v)
        pltpu.sync_copy(dst_hbm.at[s], dst_v)
        pltpu.sync_copy(attr_hbm.at[s], attr_v)

        @plsc.parallel_loop(0, C, unroll=8)
        def _(e):
            for kk in range(DH // 16):
                o0[e, pl.ds(kk * 16, 16)] = jnp.zeros((16,), jnp.float32)

        def zero_slab(base, nrows):
            nfull = nrows // C
            rem = nrows - nfull * C
            for kk in range(nfull):
                pltpu.sync_copy(o0, agg_s.at[pl.ds(base + kk * C, C)])
            if rem:
                pltpu.sync_copy(o0.at[pl.ds(0, rem)],
                                agg_s.at[pl.ds(base + nfull * C, rem)])

        @pl.when(s < 15)
        def _():
            pltpu.sync_copy(xb_hbm.at[c, pl.ds(s * ZSLAB, ZSLAB)],
                            xs.at[pl.ds(s * ZSLAB, ZSLAB)])
            zero_slab(s * ZSLAB, ZSLAB)

        @pl.when(s == 15)
        def _():
            pltpu.sync_copy(xb_hbm.at[c, pl.ds(15 * ZSLAB, N - 15 * ZSLAB)],
                            xs.at[pl.ds(15 * ZSLAB, N - 15 * ZSLAB)])
            zero_slab(15 * ZSLAB, N - 15 * ZSLAB)

        plsc.subcore_barrier()

        xt = xs

        def issue_gather(j, q):
            pltpu.async_copy(xt.at[src_v.at[j]], bbufs[q], gsems[q])

        def wait_gather(j, q):
            pltpu.make_async_copy(xt.at[src_v.at[j]], bbufs[q],
                                  gsems[q]).wait()

        def wait_scatter(j, q):
            pltpu.make_async_copy(obufs[q], agg_s.at[dst_v.at[j]],
                                  ssems[q]).wait()

        for q in range(NBUF - 1):
            issue_gather(q, q)

        def ring_body(t, carry):
            for q in range(NBUF):
                j = NBUF * t + q
                wait_gather(j, q)

                @pl.when(j + NBUF - 1 < NCHUNK)
                def _():
                    issue_gather(j + NBUF - 1, (q + NBUF - 1) % NBUF)

                @pl.when(j >= NBUF)
                def _():
                    wait_scatter(j - NBUF, q)

                @plsc.parallel_loop(0, C // 16, unroll=C // 16)
                def _(g):
                    av = attr_v[pl.ds(j * C + g * 16, 16)]
                    for e2 in range(16):
                        a = _splat(av, e2)
                        e = g * 16 + e2
                        for kk in range(DH // 32):
                            w = bbufs[q][e, pl.ds(kk * 16, 16)]
                            lo = lax.bitcast_convert_type(w << 16,
                                                          jnp.float32)
                            hi = lax.bitcast_convert_type(
                                w & jnp.int32(-65536), jnp.float32)
                            obufs[q][e, pl.ds(kk * 32, 16)] = lo * a
                            obufs[q][e, pl.ds(kk * 32 + 16, 16)] = hi * a

                pltpu.async_copy(obufs[q], agg_s.at[dst_v.at[j]], ssems[q],
                                 add=True)
            return carry

        lax.fori_loop(0, NCHUNK // NBUF, ring_body, 0)
        for q in range(NBUF):
            wait_scatter(NCHUNK - NBUF + q, q)
        plsc.subcore_barrier()

        @pl.when(s < 15)
        def _():
            pltpu.sync_copy(agg_s.at[pl.ds(s * ZSLAB, ZSLAB)],
                            out_hbm.at[c, pl.ds(s * ZSLAB, ZSLAB)])

        @pl.when(s == 15)
        def _():
            pltpu.sync_copy(agg_s.at[pl.ds(15 * ZSLAB, N - 15 * ZSLAB)],
                            out_hbm.at[c, pl.ds(15 * ZSLAB, N - 15 * ZSLAB)])

    return k(xb, src3, dst3, attr2)


def _tc_split_pack(x):
    BR = 400
    G = N // BR

    def body(x_ref, o_ref):
        for cc in range(2):
            for kk in range(2):
                base = cc * DH + kk * 32
                lob = lax.bitcast_convert_type(
                    x_ref[:, base:base + 16], jnp.int32)
                hib = lax.bitcast_convert_type(
                    x_ref[:, base + 16:base + 32], jnp.int32)
                lo16 = ((lob + 0x8000) >> 16) & 0xFFFF
                hi16 = (hib + 0x8000) & jnp.int32(-65536)
                o_ref[cc, :, kk * 16:(kk + 1) * 16] = lo16 | hi16

    return pl.pallas_call(
        body,
        grid=(G,),
        in_specs=[pl.BlockSpec((BR, D), lambda i: (i, 0))],
        out_specs=pl.BlockSpec((2, BR, DH // 2), lambda i: (0, i, 0)),
        out_shape=jax.ShapeDtypeStruct((2, N, DH // 2), jnp.int32),
    )(x)


def _tc_combine(x, agg2, W_self, W_nbr, b2):
    BR = 400
    G = N // BR

    def body(x_ref, a_ref, ws_ref, wn0_ref, wn1_ref, b_ref, o_ref):
        o_ref[...] = (
            jnp.dot(x_ref[...], ws_ref[...], preferred_element_type=jnp.float32)
            + jnp.dot(a_ref[0], wn0_ref[...], preferred_element_type=jnp.float32)
            + jnp.dot(a_ref[1], wn1_ref[...], preferred_element_type=jnp.float32)
            + b_ref[...]
        )

    return pl.pallas_call(
        body,
        grid=(G,),
        in_specs=[
            pl.BlockSpec((BR, D), lambda i: (i, 0)),
            pl.BlockSpec((2, BR, DH), lambda i: (0, i, 0)),
            pl.BlockSpec((D, D), lambda i: (0, 0)),
            pl.BlockSpec((DH, D), lambda i: (0, 0)),
            pl.BlockSpec((DH, D), lambda i: (1, 0)),
            pl.BlockSpec((1, D), lambda i: (0, 0)),
        ],
        out_specs=pl.BlockSpec((BR, D), lambda i: (i, 0)),
        out_shape=jax.ShapeDtypeStruct((N, D), jnp.float32),
    )(x, agg2, W_self, W_nbr, W_nbr, b2)


def kernel(x, edge_index, edge_attr, W_self, W_nbr, b):
    src = edge_index[0].astype(jnp.int32)
    dst = edge_index[1].astype(jnp.int32)
    pad = E_PAD - E
    src3 = jnp.pad(src, (0, pad)).reshape(NS, NCHUNK, C)
    dst3 = jnp.pad(dst, (0, pad)).reshape(NS, NCHUNK, C)
    attr2 = jnp.pad(edge_attr, (0, pad)).reshape(NS, EPT)
    xb = _tc_split_pack(x)
    agg2 = _sc_aggregate(xb, src3, dst3, attr2)
    return _tc_combine(x, agg2, W_self, W_nbr, b.reshape(1, D))

# --- scband reference (transcript-rebuilt; emitter-appended) ---
"""Pipeline reference for scband-gtkla-28235115004394 (READ-ONLY COPY).

The authoritative reference and input builder live on the scoring server;
editing this copy changes nothing except your own understanding.
"""

import jax, jax.numpy as jnp
import numpy as np

N_NODES = 10000
N_EDGES = 320000
D = 128


def setup_inputs(seed: int = 0) -> dict:
    key = jax.random.key(seed)
    k1, k2, k3, k4, k5, k6 = jax.random.split(key, 6)
    x = jax.random.normal(k1, (N_NODES, D), dtype=jnp.float32)
    edge_index = jax.random.randint(k2, (2, N_EDGES), 0, N_NODES, dtype=jnp.int64)
    # edge_attr mimics rbf(distance) in (0, 1]
    edge_attr = jax.random.uniform(k3, (N_EDGES,), dtype=jnp.float32)
    scale = 1.0 / np.sqrt(D)
    W_self = jax.random.normal(k4, (D, D), dtype=jnp.float32) * scale
    W_nbr = jax.random.normal(k5, (D, D), dtype=jnp.float32) * scale
    b = jax.random.normal(k6, (D,), dtype=jnp.float32) * 0.01
    return {"x": x, "edge_index": edge_index, "edge_attr": edge_attr,
            "W_self": W_self, "W_nbr": W_nbr, "b": b}


def reference(x, edge_index, edge_attr, W_self, W_nbr, b):
    # Edge-weighted message passing (GraphConv-style with scalar rbf edge weights):
    # m_e = edge_attr_e * x[src_e]; agg_v = sum_{e: dst_e = v} m_e
    # out = x @ W_self + agg @ W_nbr + b
    src = edge_index[0]
    dst = edge_index[1]
    msgs = jnp.take(x, src, axis=0) * edge_attr[:, None]          # gather
    agg = jax.ops.segment_sum(msgs, dst, num_segments=N_NODES)    # scatter-add
    out = x @ W_self + agg @ W_nbr + b
    return out

if __name__ == "__main__":
    import jax
    _d = setup_inputs()
    print(jax.jit(kernel)(*tuple(_d.values())))

</pallas_src>

<mosaic_0001>
#map = affine_map<(d0, d1) -> (0, 0, 0)>
#map1 = affine_map<(d0, d1) -> (0, 0)>
module attributes {stable_mosaic.version = 14 : i64} {
  func.func @k(%arg0: i32, %arg1: i32, %arg2: memref<2x10000x32xi32, #tpu.memory_space<hbm>>, %arg3: memref<16x418x48xi32, #tpu.memory_space<hbm>>, %arg4: memref<16x418x48xi32, #tpu.memory_space<hbm>>, %arg5: memref<16x20064xf32, #tpu.memory_space<hbm>>, %arg6: memref<2x10000x64xf32, #tpu.memory_space<hbm>>, %arg7: memref<418x48xi32, #tpu.memory_space<vmem>>, %arg8: memref<418x48xi32, #tpu.memory_space<vmem>>, %arg9: memref<20064xf32, #tpu.memory_space<vmem>>, %arg10: memref<48x32xi32, #tpu.memory_space<vmem>>, %arg11: memref<48x32xi32, #tpu.memory_space<vmem>>, %arg12: memref<48x64xf32, #tpu.memory_space<vmem>>, %arg13: memref<48x64xf32, #tpu.memory_space<vmem>>, %arg14: memref<10000x64xf32, #tpu.memory_space<vmem_shared>>, %arg15: memref<10000x32xi32, #tpu.memory_space<vmem_shared>>, %arg16: memref<!tpu.dma_semaphore, #tpu.memory_space<semaphore_mem>>, %arg17: memref<!tpu.dma_semaphore, #tpu.memory_space<semaphore_mem>>, %arg18: memref<!tpu.dma_semaphore, #tpu.memory_space<semaphore_mem>>, %arg19: memref<!tpu.dma_semaphore, #tpu.memory_space<semaphore_mem>>) attributes {dimension_semantics = [#tpu.dimension_semantics<core_parallel>, #tpu.dimension_semantics<subcore_parallel>], iteration_bounds = array<i64: 2, 16>, scalar_prefetch = 0 : i64, scratch_operands = 13 : i64, tpu.core_type = #tpu.core_type<sc_vector_subcore>, window_params = [{transform_indices = #map}, {transform_indices = #map}, {transform_indices = #map}, {transform_indices = #map1}, {transform_indices = #map}]} {
    "tpu.region"() ({
      %run_scoped3A = tpu.sem_alloc : memref<!tpu.dma_semaphore, #tpu.memory_space<semaphore_mem>>
      %dma_start3A_43 = arith.constant 0 : i32
      %dma_start3A_44 = arith.constant 0 : i32
      %dma_start3A_45 = tpu.memref_slice %arg3[%arg1, %dma_start3A_43, %dma_start3A_44] : memref<16x418x48xi32, #tpu.memory_space<hbm>> -> memref<1x418x48xi32, #tpu.memory_space<hbm>>
      %dma_start3A_46 = tpu.memref_squeeze %dma_start3A_45 : memref<1x418x48xi32, #tpu.memory_space<hbm>> -> memref<418x48xi32, #tpu.memory_space<hbm>>
      %dma_start3A_47 = arith.constant 0 : i32
      %dma_start3A_48 = arith.constant 0 : i32
      %dma_start3A_49 = tpu.memref_slice %arg3[%arg1, %dma_start3A_47, %dma_start3A_48] : memref<16x418x48xi32, #tpu.memory_space<hbm>> -> memref<1x418x48xi32, #tpu.memory_space<hbm>>
      %dma_start3A_50 = tpu.memref_squeeze %dma_start3A_49 : memref<1x418x48xi32, #tpu.memory_space<hbm>> -> memref<418x48xi32, #tpu.memory_space<hbm>>
      tpu.enqueue_dma source(%dma_start3A_50 : memref<418x48xi32, #tpu.memory_space<hbm>>) target(%arg7 : memref<418x48xi32, #tpu.memory_space<vmem>>) target_semaphore(%run_scoped3A : memref<!tpu.dma_semaphore, #tpu.memory_space<semaphore_mem>>)
      %dma_wait3A_51 = arith.constant 0 : i32
      %dma_wait3A_52 = arith.constant 0 : i32
      %dma_wait3A_53 = tpu.memref_slice %arg3[%arg1, %dma_wait3A_51, %dma_wait3A_52] : memref<16x418x48xi32, #tpu.memory_space<hbm>> -> memref<1x418x48xi32, #tpu.memory_space<hbm>>
      %dma_wait3A_54 = tpu.memref_squeeze %dma_wait3A_53 : memref<1x418x48xi32, #tpu.memory_space<hbm>> -> memref<418x48xi32, #tpu.memory_space<hbm>>
      %dma_wait3A_55 = arith.constant 0 : i32
      %dma_wait3A_56 = arith.constant 0 : i32
      %dma_wait3A_57 = tpu.memref_slice %arg3[%arg1, %dma_wait3A_55, %dma_wait3A_56] : memref<16x418x48xi32, #tpu.memory_space<hbm>> -> memref<1x418x48xi32, #tpu.memory_space<hbm>>
      %dma_wait3A_58 = tpu.memref_squeeze %dma_wait3A_57 : memref<1x418x48xi32, #tpu.memory_space<hbm>> -> memref<418x48xi32, #tpu.memory_space<hbm>>
      tpu.wait_dma2 semaphore(%run_scoped3A : memref<!tpu.dma_semaphore, #tpu.memory_space<semaphore_mem>>) src(%dma_wait3A_58 : memref<418x48xi32, #tpu.memory_space<hbm>>) dst(%arg7 : memref<418x48xi32, #tpu.memory_space<vmem>>)
      tpu.yield
    }) : () -> ()
    "tpu.region"() ({
      %run_scoped3A = tpu.sem_alloc : memref<!tpu.dma_semaphore, #tpu.memory_space<semaphore_mem>>
      %dma_start3A_43 = arith.constant 0 : i32
      %dma_start3A_44 = arith.constant 0 : i32
      %dma_start3A_45 = tpu.memref_slice %arg4[%arg1, %dma_start3A_43, %dma_start3A_44] : memref<16x418x48xi32, #tpu.memory_space<hbm>> -> memref<1x418x48xi32, #tpu.memory_space<hbm>>
      %dma_start3A_46 = tpu.memref_squeeze %dma_start3A_45 : memref<1x418x48xi32, #tpu.memory_space<hbm>> -> memref<418x48xi32, #tpu.memory_space<hbm>>
      %dma_start3A_47 = arith.constant 0 : i32
      %dma_start3A_48 = arith.constant 0 : i32
      %dma_start3A_49 = tpu.memref_slice %arg4[%arg1, %dma_start3A_47, %dma_start3A_48] : memref<16x418x48xi32, #tpu.memory_space<hbm>> -> memref<1x418x48xi32, #tpu.memory_space<hbm>>
      %dma_start3A_50 = tpu.memref_squeeze %dma_start3A_49 : memref<1x418x48xi32, #tpu.memory_space<hbm>> -> memref<418x48xi32, #tpu.memory_space<hbm>>
      tpu.enqueue_dma source(%dma_start3A_50 : memref<418x48xi32, #tpu.memory_space<hbm>>) target(%arg8 : memref<418x48xi32, #tpu.memory_space<vmem>>) target_semaphore(%run_scoped3A : memref<!tpu.dma_semaphore, #tpu.memory_space<semaphore_mem>>)
      %dma_wait3A_51 = arith.constant 0 : i32
      %dma_wait3A_52 = arith.constant 0 : i32
      %dma_wait3A_53 = tpu.memref_slice %arg4[%arg1, %dma_wait3A_51, %dma_wait3A_52] : memref<16x418x48xi32, #tpu.memory_space<hbm>> -> memref<1x418x48xi32, #tpu.memory_space<hbm>>
      %dma_wait3A_54 = tpu.memref_squeeze %dma_wait3A_53 : memref<1x418x48xi32, #tpu.memory_space<hbm>> -> memref<418x48xi32, #tpu.memory_space<hbm>>
      %dma_wait3A_55 = arith.constant 0 : i32
      %dma_wait3A_56 = arith.constant 0 : i32
      %dma_wait3A_57 = tpu.memref_slice %arg4[%arg1, %dma_wait3A_55, %dma_wait3A_56] : memref<16x418x48xi32, #tpu.memory_space<hbm>> -> memref<1x418x48xi32, #tpu.memory_space<hbm>>
      %dma_wait3A_58 = tpu.memref_squeeze %dma_wait3A_57 : memref<1x418x48xi32, #tpu.memory_space<hbm>> -> memref<418x48xi32, #tpu.memory_space<hbm>>
      tpu.wait_dma2 semaphore(%run_scoped3A : memref<!tpu.dma_semaphore, #tpu.memory_space<semaphore_mem>>) src(%dma_wait3A_58 : memref<418x48xi32, #tpu.memory_space<hbm>>) dst(%arg8 : memref<418x48xi32, #tpu.memory_space<vmem>>)
      tpu.yield
    }) : () -> ()
    "tpu.region"() ({
      %run_scoped3A = tpu.sem_alloc : memref<!tpu.dma_semaphore, #tpu.memory_space<semaphore_mem>>
      %dma_start3A_43 = arith.constant 0 : i32
      %dma_start3A_44 = tpu.memref_slice %arg5[%arg1, %dma_start3A_43] : memref<16x20064xf32, #tpu.memory_space<hbm>> -> memref<1x20064xf32, #tpu.memory_space<hbm>>
      %dma_start3A_45 = tpu.memref_squeeze %dma_start3A_44 : memref<1x20064xf32, #tpu.memory_space<hbm>> -> memref<20064xf32, #tpu.memory_space<hbm>>
      %dma_start3A_46 = arith.constant 0 : i32
      %dma_start3A_47 = tpu.memref_slice %arg5[%arg1, %dma_start3A_46] : memref<16x20064xf32, #tpu.memory_space<hbm>> -> memref<1x20064xf32, #tpu.memory_space<hbm>>
      %dma_start3A_48 = tpu.memref_squeeze %dma_start3A_47 : memref<1x20064xf32, #tpu.memory_space<hbm>> -> memref<20064xf32, #tpu.memory_space<hbm>>
      tpu.enqueue_dma source(%dma_start3A_48 : memref<20064xf32, #tpu.memory_space<hbm>>) target(%arg9 : memref<20064xf32, #tpu.memory_space<vmem>>) target_semaphore(%run_scoped3A : memref<!tpu.dma_semaphore, #tpu.memory_space<semaphore_mem>>)
      %dma_wait3A_49 = arith.constant 0 : i32
      %dma_wait3A_50 = tpu.memref_slice %arg5[%arg1, %dma_wait3A_49] : memref<16x20064xf32, #tpu.memory_space<hbm>> -> memref<1x20064xf32, #tpu.memory_space<hbm>>
      %dma_wait3A_51 = tpu.memref_squeeze %dma_wait3A_50 : memref<1x20064xf32, #tpu.memory_space<hbm>> -> memref<20064xf32, #tpu.memory_space<hbm>>
      %dma_wait3A_52 = arith.constant 0 : i32
      %dma_wait3A_53 = tpu.memref_slice %arg5[%arg1, %dma_wait3A_52] : memref<16x20064xf32, #tpu.memory_space<hbm>> -> memref<1x20064xf32, #tpu.memory_space<hbm>>
      %dma_wait3A_54 = tpu.memref_squeeze %dma_wait3A_53 : memref<1x20064xf32, #tpu.memory_space<hbm>> -> memref<20064xf32, #tpu.memory_space<hbm>>
      tpu.wait_dma2 semaphore(%run_scoped3A : memref<!tpu.dma_semaphore, #tpu.memory_space<semaphore_mem>>) src(%dma_wait3A_54 : memref<20064xf32, #tpu.memory_space<hbm>>) dst(%arg9 : memref<20064xf32, #tpu.memory_space<vmem>>)
      tpu.yield
    }) : () -> ()
    %parallel_loop3A = arith.constant 0 : i32
    %parallel_loop3A_0 = arith.constant 48 : i32
    %parallel_loop3A_1 = arith.constant 1 : i32
    scf.for %parallel_loop3A_43 = %parallel_loop3A to %parallel_loop3A_0 step %parallel_loop3A_1  : i32 {
      %parallel_loop3A_44 = arith.constant 0.000000e+00 : f32
      %parallel_loop3A_45 = vector.broadcast %parallel_loop3A_44 : f32 to vector<16xf32>
      %parallel_loop3A_46 = arith.index_cast %parallel_loop3A_43 : i32 to index
      %parallel_loop3A_47 = arith.constant 0 : index
      %parallel_loop3A_48 = tpu.vector_load %arg12[%parallel_loop3A_46, %parallel_loop3A_47] {strides = array<i32>} : memref<48x64xf32, #tpu.memory_space<vmem>>, vector<1x16xf32>,
      %parallel_loop3A_49 = vector.shape_cast %parallel_loop3A_48 : vector<1x16xf32> to vector<16xf32>
      %parallel_loop3A_50 = vector.shape_cast %parallel_loop3A_45 : vector<16xf32> to vector<1x16xf32>
      tpu.vector_store %arg12[%parallel_loop3A_46, %parallel_loop3A_47], %parallel_loop3A_50 {strides = array<i32>} : memref<48x64xf32, #tpu.memory_space<vmem>>, vector<1x16xf32>,
      %parallel_loop3A_51 = arith.constant 0.000000e+00 : f32
      %parallel_loop3A_52 = vector.broadcast %parallel_loop3A_51 : f32 to vector<16xf32>
      %parallel_loop3A_53 = arith.index_cast %parallel_loop3A_43 : i32 to index
      %parallel_loop3A_54 = arith.constant 16 : index
      %parallel_loop3A_55 = tpu.vector_load %arg12[%parallel_loop3A_53, %parallel_loop3A_54] {strides = array<i32>} : memref<48x64xf32, #tpu.memory_space<vmem>>, vector<1x16xf32>,
      %parallel_loop3A_56 = vector.shape_cast %parallel_loop3A_55 : vector<1x16xf32> to vector<16xf32>
      %parallel_loop3A_57 = vector.shape_cast %parallel_loop3A_52 : vector<16xf32> to vector<1x16xf32>
      tpu.vector_store %arg12[%parallel_loop3A_53, %parallel_loop3A_54], %parallel_loop3A_57 {strides = array<i32>} : memref<48x64xf32, #tpu.memory_space<vmem>>, vector<1x16xf32>,
      %parallel_loop3A_58 = arith.constant 0.000000e+00 : f32
      %parallel_loop3A_59 = vector.broadcast %parallel_loop3A_58 : f32 to vector<16xf32>
      %parallel_loop3A_60 = arith.index_cast %parallel_loop3A_43 : i32 to index
      %parallel_loop3A_61 = arith.constant 32 : index
      %parallel_loop3A_62 = tpu.vector_load %arg12[%parallel_loop3A_60, %parallel_loop3A_61] {strides = array<i32>} : memref<48x64xf32, #tpu.memory_space<vmem>>, vector<1x16xf32>,
      %parallel_loop3A_63 = vector.shape_cast %parallel_loop3A_62 : vector<1x16xf32> to vector<16xf32>
      %parallel_loop3A_64 = vector.shape_cast %parallel_loop3A_59 : vector<16xf32> to vector<1x16xf32>
      tpu.vector_store %arg12[%parallel_loop3A_60, %parallel_loop3A_61], %parallel_loop3A_64 {strides = array<i32>} : memref<48x64xf32, #tpu.memory_space<vmem>>, vector<1x16xf32>,
      %parallel_loop3A_65 = arith.constant 0.000000e+00 : f32
      %parallel_loop3A_66 = vector.broadcast %parallel_loop3A_65 : f32 to vector<16xf32>
      %parallel_loop3A_67 = arith.index_cast %parallel_loop3A_43 : i32 to index
      %parallel_loop3A_68 = arith.constant 48 : index
      %parallel_loop3A_69 = tpu.vector_load %arg12[%parallel_loop3A_67, %parallel_loop3A_68] {strides = array<i32>} : memref<48x64xf32, #tpu.memory_space<vmem>>, vector<1x16xf32>,
      %parallel_loop3A_70 = vector.shape_cast %parallel_loop3A_69 : vector<1x16xf32> to vector<16xf32>
      %parallel_loop3A_71 = vector.shape_cast %parallel_loop3A_66 : vector<16xf32> to vector<1x16xf32>
      tpu.vector_store %arg12[%parallel_loop3A_67, %parallel_loop3A_68], %parallel_loop3A_71 {strides = array<i32>} : memref<48x64xf32, #tpu.memory_space<vmem>>, vector<1x16xf32>,
    } {sc.loop_unroll_factor = 8 : i64, sc.parallel_access}
    %lt3A = arith.constant 15 : i32
    %lt3A_2 = arith.cmpi slt, %arg1, %lt3A : i32
    %convert_element_type3A = arith.extui %lt3A_2 : i1 to i32
    %cond3A = arith.constant 0 : i32
    %cond3A_3 = arith.cmpi ne, %convert_element_type3A, %cond3A : i32
    scf.if %cond3A_3 {
      %mul3A = arith.constant 640 : i32
      %mul3A_43 = arith.muli %arg1, %mul3A : i32
      %mul3A_44 = arith.constant 640 : i32
      %mul3A_45 = arith.muli %arg1, %mul3A_44 : i32
      "tpu.region"() ({
        %run_scoped3A = tpu.sem_alloc : memref<!tpu.dma_semaphore, #tpu.memory_space<semaphore_mem>>
        %dma_start3A_75 = arith.constant 0 : i32
        %dma_start3A_76 = tpu.memref_slice %arg15[%mul3A_45, %dma_start3A_75] : memref<10000x32xi32, #tpu.memory_space<vmem_shared>> -> memref<640x32xi32, #tpu.memory_space<vmem_shared>>
        %dma_start3A_77 = arith.constant 0 : i32
        %dma_start3A_78 = tpu.memref_slice %arg2[%arg0, %mul3A_43, %dma_start3A_77] : memref<2x10000x32xi32, #tpu.memory_space<hbm>> -> memref<1x640x32xi32, #tpu.memory_space<hbm>>
        %dma_start3A_79 = tpu.memref_squeeze %dma_start3A_78 : memref<1x640x32xi32, #tpu.memory_space<hbm>> -> memref<640x32xi32, #tpu.memory_space<hbm>>
        tpu.enqueue_dma source(%dma_start3A_79 : memref<640x32xi32, #tpu.memory_space<hbm>>) target(%dma_start3A_76 : memref<640x32xi32, #tpu.memory_space<vmem_shared>>) target_semaphore(%run_scoped3A : memref<!tpu.dma_semaphore, #tpu.memory_space<semaphore_mem>>)
        %dma_wait3A_80 = arith.constant 0 : i32
        %dma_wait3A_81 = tpu.memref_slice %arg15[%mul3A_45, %dma_wait3A_80] : memref<10000x32xi32, #tpu.memory_space<vmem_shared>> -> memref<640x32xi32, #tpu.memory_space<vmem_shared>>
        %dma_wait3A_82 = arith.constant 0 : i32
        %dma_wait3A_83 = tpu.memref_slice %arg2[%arg0, %mul3A_43, %dma_wait3A_82] : memref<2x10000x32xi32, #tpu.memory_space<hbm>> -> memref<1x640x32xi32, #tpu.memory_space<hbm>>
        %dma_wait3A_84 = tpu.memref_squeeze %dma_wait3A_83 : memref<1x640x32xi32, #tpu.memory_space<hbm>> -> memref<640x32xi32, #tpu.memory_space<hbm>>
        tpu.wait_dma2 semaphore(%run_scoped3A : memref<!tpu.dma_semaphore, #tpu.memory_space<semaphore_mem>>) src(%dma_wait3A_84 : memref<640x32xi32, #tpu.memory_space<hbm>>) dst(%dma_wait3A_81 : memref<640x32xi32, #tpu.memory_space<vmem_shared>>)
        tpu.yield
      }) : () -> ()
      %mul3A_46 = arith.constant 640 : i32
      %mul3A_47 = arith.muli %arg1, %mul3A_46 : i32
      %add3A = arith.constant 0 : i32
      %add3A_48 = arith.addi %mul3A_47, %add3A : i32
      "tpu.region"() ({
        %run_scoped3A = tpu.sem_alloc : memref<!tpu.dma_semaphore, #tpu.memory_space<semaphore_mem>>
        %dma_start3A_75 = arith.constant 0 : i32
        %dma_start3A_76 = tpu.memref_slice %arg14[%add3A_48, %dma_start3A_75] : memref<10000x64xf32, #tpu.memory_space<vmem_shared>> -> memref<48x64xf32, #tpu.memory_space<vmem_shared>>
        %dma_start3A_77 = arith.constant 0 : i32
        %dma_start3A_78 = tpu.memref_slice %arg14[%add3A_48, %dma_start3A_77] : memref<10000x64xf32, #tpu.memory_space<vmem_shared>> -> memref<48x64xf32, #tpu.memory_space<vmem_shared>>
        tpu.enqueue_dma source(%arg12 : memref<48x64xf32, #tpu.memory_space<vmem>>) target(%dma_start3A_78 : memref<48x64xf32, #tpu.memory_space<vmem_shared>>) target_semaphore(%run_scoped3A : memref<!tpu.dma_semaphore, #tpu.memory_space<semaphore_mem>>)
        %dma_wait3A_79 = arith.constant 0 : i32
        %dma_wait3A_80 = tpu.memref_slice %arg14[%add3A_48, %dma_wait3A_79] : memref<10000x64xf32, #tpu.memory_space<vmem_shared>> -> memref<48x64xf32, #tpu.memory_space<vmem_shared>>
        %dma_wait3A_81 = arith.constant 0 : i32
        %dma_wait3A_82 = tpu.memref_slice %arg14[%add3A_48, %dma_wait3A_81] : memref<10000x64xf32, #tpu.memory_space<vmem_shared>> -> memref<48x64xf32, #tpu.memory_space<vmem_shared>>
        tpu.wait_dma2 semaphore(%run_scoped3A : memref<!tpu.dma_semaphore, #tpu.memory_space<semaphore_mem>>) src(%arg12 : memref<48x64xf32, #tpu.memory_space<vmem>>) dst(%dma_wait3A_82 : memref<48x64xf32, #tpu.memory_space<vmem_shared>>)
        tpu.yield
      }) : () -> ()
      %add3A_49 = arith.constant 48 : i32
      %add3A_50 = arith.addi %mul3A_47, %add3A_49 : i32
      "tpu.region"() ({
        %run_scoped3A = tpu.sem_alloc : memref<!tpu.dma_semaphore, #tpu.memory_space<semaphore_mem>>
        %dma_start3A_75 = arith.constant 0 : i32
        %dma_start3A_76 = tpu.memref_slice %arg14[%add3A_50, %dma_start3A_75] : memref<10000x64xf32, #tpu.memory_space<vmem_shared>> -> memref<48x64xf32, #tpu.memory_space<vmem_shared>>
        %dma_start3A_77 = arith.constant 0 : i32
        %dma_start3A_78 = tpu.memref_slice %arg14[%add3A_50, %dma_start3A_77] : memref<10000x64xf32, #tpu.memory_space<vmem_shared>> -> memref<48x64xf32, #tpu.memory_space<vmem_shared>>
        tpu.enqueue_dma source(%arg12 : memref<48x64xf32, #tpu.memory_space<vmem>>) target(%dma_start3A_78 : memref<48x64xf32, #tpu.memory_space<vmem_shared>>) target_semaphore(%run_scoped3A : memref<!tpu.dma_semaphore, #tpu.memory_space<semaphore_mem>>)
        %dma_wait3A_79 = arith.constant 0 : i32
        %dma_wait3A_80 = tpu.memref_slice %arg14[%add3A_50, %dma_wait3A_79] : memref<10000x64xf32, #tpu.memory_space<vmem_shared>> -> memref<48x64xf32, #tpu.memory_space<vmem_shared>>
        %dma_wait3A_81 = arith.constant 0 : i32
        %dma_wait3A_82 = tpu.memref_slice %arg14[%add3A_50, %dma_wait3A_81] : memref<10000x64xf32, #tpu.memory_space<vmem_shared>> -> memref<48x64xf32, #tpu.memory_space<vmem_shared>>
        tpu.wait_dma2 semaphore(%run_scoped3A : memref<!tpu.dma_semaphore, #tpu.memory_space<semaphore_mem>>) src(%arg12 : memref<48x64xf32, #tpu.memory_space<vmem>>) dst(%dma_wait3A_82 : memref<48x64xf32, #tpu.memory_space<vmem_shared>>)
        tpu.yield
      }) : () -> ()
      %add3A_51 = arith.constant 96 : i32
      %add3A_52 = arith.addi %mul3A_47, %add3A_51 : i32
      "tpu.region"() ({
        %run_scoped3A = tpu.sem_alloc : memref<!tpu.dma_semaphore, #tpu.memory_space<semaphore_mem>>
        %dma_start3A_75 = arith.constant 0 : i32
        %dma_start3A_76 = tpu.memref_slice %arg14[%add3A_52, %dma_start3A_75] : memref<10000x64xf32, #tpu.memory_space<vmem_shared>> -> memref<48x64xf32, #tpu.memory_space<vmem_shared>>
        %dma_start3A_77 = arith.constant 0 : i32
        %dma_start3A_78 = tpu.memref_slice %arg14[%add3A_52, %dma_start3A_77] : memref<10000x64xf32, #tpu.memory_space<vmem_shared>> -> memref<48x64xf32, #tpu.memory_space<vmem_shared>>
        tpu.enqueue_dma source(%arg12 : memref<48x64xf32, #tpu.memory_space<vmem>>) target(%dma_start3A_78 : memref<48x64xf32, #tpu.memory_space<vmem_shared>>) target_semaphore(%run_scoped3A : memref<!tpu.dma_semaphore, #tpu.memory_space<semaphore_mem>>)
        %dma_wait3A_79 = arith.constant 0 : i32
        %dma_wait3A_80 = tpu.memref_slice %arg14[%add3A_52, %dma_wait3A_79] : memref<10000x64xf32, #tpu.memory_space<vmem_shared>> -> memref<48x64xf32, #tpu.memory_space<vmem_shared>>
        %dma_wait3A_81 = arith.constant 0 : i32
        %dma_wait3A_82 = tpu.memref_slice %arg14[%add3A_52, %dma_wait3A_81] : memref<10000x64xf32, #tpu.memory_space<vmem_shared>> -> memref<48x64xf32, #tpu.memory_space<vmem_shared>>
        tpu.wait_dma2 semaphore(%run_scoped3A : memref<!tpu.dma_semaphore, #tpu.memory_space<semaphore_mem>>) src(%arg12 : memref<48x64xf32, #tpu.memory_space<vmem>>) dst(%dma_wait3A_82 : memref<48x64xf32, #tpu.memory_space<vmem_shared>>)
        tpu.yield
      }) : () -> ()
      %add3A_53 = arith.constant 144 : i32
      %add3A_54 = arith.addi %mul3A_47, %add3A_53 : i32
      "tpu.region"() ({
        %run_scoped3A = tpu.sem_alloc : memref<!tpu.dma_semaphore, #tpu.memory_space<semaphore_mem>>
        %dma_start3A_75 = arith.constant 0 : i32
        %dma_start3A_76 = tpu.memref_slice %arg14[%add3A_54, %dma_start3A_75] : memref<10000x64xf32, #tpu.memory_space<vmem_shared>> -> memref<48x64xf32, #tpu.memory_space<vmem_shared>>
        %dma_start3A_77 = arith.constant 0 : i32
        %dma_start3A_78 = tpu.memref_slice %arg14[%add3A_54, %dma_start3A_77] : memref<10000x64xf32, #tpu.memory_space<vmem_shared>> -> memref<48x64xf32, #tpu.memory_space<vmem_shared>>
        tpu.enqueue_dma source(%arg12 : memref<48x64xf32, #tpu.memory_space<vmem>>) target(%dma_start3A_78 : memref<48x64xf32, #tpu.memory_space<vmem_shared>>) target_semaphore(%run_scoped3A : memref<!tpu.dma_semaphore, #tpu.memory_space<semaphore_mem>>)
        %dma_wait3A_79 = arith.constant 0 : i32
        %dma_wait3A_80 = tpu.memref_slice %arg14[%add3A_54, %dma_wait3A_79] : memref<10000x64xf32, #tpu.memory_space<vmem_shared>> -> memref<48x64xf32, #tpu.memory_space<vmem_shared>>
        %dma_wait3A_81 = arith.constant 0 : i32
        %dma_wait3A_82 = tpu.memref_slice %arg14[%add3A_54, %dma_wait3A_81] : memref<10000x64xf32, #tpu.memory_space<vmem_shared>> -> memref<48x64xf32, #tpu.memory_space<vmem_shared>>
        tpu.wait_dma2 semaphore(%run_scoped3A : memref<!tpu.dma_semaphore, #tpu.memory_space<semaphore_mem>>) src(%arg12 : memref<48x64xf32, #tpu.memory_space<vmem>>) dst(%dma_wait3A_82 : memref<48x64xf32, #tpu.memory_space<vmem_shared>>)
        tpu.yield
      }) : () -> ()
      %add3A_55 = arith.constant 192 : i32
      %add3A_56 = arith.addi %mul3A_47, %add3A_55 : i32
      "tpu.region"() ({
        %run_scoped3A = tpu.sem_alloc : memref<!tpu.dma_semaphore, #tpu.memory_space<semaphore_mem>>
        %dma_start3A_75 = arith.constant 0 : i32
        %dma_start3A_76 = tpu.memref_slice %arg14[%add3A_56, %dma_start3A_75] : memref<10000x64xf32, #tpu.memory_space<vmem_shared>> -> memref<48x64xf32, #tpu.memory_space<vmem_shared>>
        %dma_start3A_77 = arith.constant 0 : i32
        %dma_start3A_78 = tpu.memref_slice %arg14[%add3A_56, %dma_start3A_77] : memref<10000x64xf32, #tpu.memory_space<vmem_shared>> -> memref<48x64xf32, #tpu.memory_space<vmem_shared>>
        tpu.enqueue_dma source(%arg12 : memref<48x64xf32, #tpu.memory_space<vmem>>) target(%dma_start3A_78 : memref<48x64xf32, #tpu.memory_space<vmem_shared>>) target_semaphore(%run_scoped3A : memref<!tpu.dma_semaphore, #tpu.memory_space<semaphore_mem>>)
        %dma_wait3A_79 = arith.constant 0 : i32
        %dma_wait3A_80 = tpu.memref_slice %arg14[%add3A_56, %dma_wait3A_79] : memref<10000x64xf32, #tpu.memory_space<vmem_shared>> -> memref<48x64xf32, #tpu.memory_space<vmem_shared>>
        %dma_wait3A_81 = arith.constant 0 : i32
        %dma_wait3A_82 = tpu.memref_slice %arg14[%add3A_56, %dma_wait3A_81] : memref<10000x64xf32, #tpu.memory_space<vmem_shared>> -> memref<48x64xf32, #tpu.memory_space<vmem_shared>>
        tpu.wait_dma2 semaphore(%run_scoped3A : memref<!tpu.dma_semaphore, #tpu.memory_space<semaphore_mem>>) src(%arg12 : memref<48x64xf32, #tpu.memory_space<vmem>>) dst(%dma_wait3A_82 : memref<48x64xf32, #tpu.memory_space<vmem_shared>>)
        tpu.yield
      }) : () -> ()
      %add3A_57 = arith.constant 240 : i32
      %add3A_58 = arith.addi %mul3A_47, %add3A_57 : i32
      "tpu.region"() ({
        %run_scoped3A = tpu.sem_alloc : memref<!tpu.dma_semaphore, #tpu.memory_space<semaphore_mem>>
        %dma_start3A_75 = arith.constant 0 : i32
        %dma_start3A_76 = tpu.memref_slice %arg14[%add3A_58, %dma_start3A_75] : memref<10000x64xf32, #tpu.memory_space<vmem_shared>> -> memref<48x64xf32, #tpu.memory_space<vmem_shared>>
        %dma_start3A_77 = arith.constant 0 : i32
        %dma_start3A_78 = tpu.memref_slice %arg14[%add3A_58, %dma_start3A_77] : memref<10000x64xf32, #tpu.memory_space<vmem_shared>> -> memref<48x64xf32, #tpu.memory_space<vmem_shared>>
        tpu.enqueue_dma source(%arg12 : memref<48x64xf32, #tpu.memory_space<vmem>>) target(%dma_start3A_78 : memref<48x64xf32, #tpu.memory_space<vmem_shared>>) target_semaphore(%run_scoped3A : memref<!tpu.dma_semaphore, #tpu.memory_space<semaphore_mem>>)
        %dma_wait3A_79 = arith.constant 0 : i32
        %dma_wait3A_80 = tpu.memref_slice %arg14[%add3A_58, %dma_wait3A_79] : memref<10000x64xf32, #tpu.memory_space<vmem_shared>> -> memref<48x64xf32, #tpu.memory_space<vmem_shared>>
        %dma_wait3A_81 = arith.constant 0 : i32
        %dma_wait3A_82 = tpu.memref_slice %arg14[%add3A_58, %dma_wait3A_81] : memref<10000x64xf32, #tpu.memory_space<vmem_shared>> -> memref<48x64xf32, #tpu.memory_space<vmem_shared>>
        tpu.wait_dma2 semaphore(%run_scoped3A : memref<!tpu.dma_semaphore, #tpu.memory_space<semaphore_mem>>) src(%arg12 : memref<48x64xf32, #tpu.memory_space<vmem>>) dst(%dma_wait3A_82 : memref<48x64xf32, #tpu.memory_space<vmem_shared>>)
        tpu.yield
      }) : () -> ()
      %add3A_59 = arith.constant 288 : i32
      %add3A_60 = arith.addi %mul3A_47, %add3A_59 : i32
      "tpu.region"() ({
        %run_scoped3A = tpu.sem_alloc : memref<!tpu.dma_semaphore, #tpu.memory_space<semaphore_mem>>
        %dma_start3A_75 = arith.constant 0 : i32
        %dma_start3A_76 = tpu.memref_slice %arg14[%add3A_60, %dma_start3A_75] : memref<10000x64xf32, #tpu.memory_space<vmem_shared>> -> memref<48x64xf32, #tpu.memory_space<vmem_shared>>
        %dma_start3A_77 = arith.constant 0 : i32
        %dma_start3A_78 = tpu.memref_slice %arg14[%add3A_60, %dma_start3A_77] : memref<10000x64xf32, #tpu.memory_space<vmem_shared>> -> memref<48x64xf32, #tpu.memory_space<vmem_shared>>
        tpu.enqueue_dma source(%arg12 : memref<48x64xf32, #tpu.memory_space<vmem>>) target(%dma_start3A_78 : memref<48x64xf32, #tpu.memory_space<vmem_shared>>) target_semaphore(%run_scoped3A : memref<!tpu.dma_semaphore, #tpu.memory_space<semaphore_mem>>)
        %dma_wait3A_79 = arith.constant 0 : i32
        %dma_wait3A_80 = tpu.memref_slice %arg14[%add3A_60, %dma_wait3A_79] : memref<10000x64xf32, #tpu.memory_space<vmem_shared>> -> memref<48x64xf32, #tpu.memory_space<vmem_shared>>
        %dma_wait3A_81 = arith.constant 0 : i32
        %dma_wait3A_82 = tpu.memref_slice %arg14[%add3A_60, %dma_wait3A_81] : memref<10000x64xf32, #tpu.memory_space<vmem_shared>> -> memref<48x64xf32, #tpu.memory_space<vmem_shared>>
        tpu.wait_dma2 semaphore(%run_scoped3A : memref<!tpu.dma_semaphore, #tpu.memory_space<semaphore_mem>>) src(%arg12 : memref<48x64xf32, #tpu.memory_space<vmem>>) dst(%dma_wait3A_82 : memref<48x64xf32, #tpu.memory_space<vmem_shared>>)
        tpu.yield
      }) : () -> ()
      %add3A_61 = arith.constant 336 : i32
      %add3A_62 = arith.addi %mul3A_47, %add3A_61 : i32
      "tpu.region"() ({
        %run_scoped3A = tpu.sem_alloc : memref<!tpu.dma_semaphore, #tpu.memory_space<semaphore_mem>>
        %dma_start3A_75 = arith.constant 0 : i32
        %dma_start3A_76 = tpu.memref_slice %arg14[%add3A_62, %dma_start3A_75] : memref<10000x64xf32, #tpu.memory_space<vmem_shared>> -> memref<48x64xf32, #tpu.memory_space<vmem_shared>>
        %dma_start3A_77 = arith.constant 0 : i32
        %dma_start3A_78 = tpu.memref_slice %arg14[%add3A_62, %dma_start3A_77] : memref<10000x64xf32, #tpu.memory_space<vmem_shared>> -> memref<48x64xf32, #tpu.memory_space<vmem_shared>>
        tpu.enqueue_dma source(%arg12 : memref<48x64xf32, #tpu.memory_space<vmem>>) target(%dma_start3A_78 : memref<48x64xf32, #tpu.memory_space<vmem_shared>>) target_semaphore(%run_scoped3A : memref<!tpu.dma_semaphore, #tpu.memory_space<semaphore_mem>>)
        %dma_wait3A_79 = arith.constant 0 : i32
        %dma_wait3A_80 = tpu.memref_slice %arg14[%add3A_62, %dma_wait3A_79] : memref<10000x64xf32, #tpu.memory_space<vmem_shared>> -> memref<48x64xf32, #tpu.memory_space<vmem_shared>>
        %dma_wait3A_81 = arith.constant 0 : i32
        %dma_wait3A_82 = tpu.memref_slice %arg14[%add3A_62, %dma_wait3A_81] : memref<10000x64xf32, #tpu.memory_space<vmem_shared>> -> memref<48x64xf32, #tpu.memory_space<vmem_shared>>
        tpu.wait_dma2 semaphore(%run_scoped3A : memref<!tpu.dma_semaphore, #tpu.memory_space<semaphore_mem>>) src(%arg12 : memref<48x64xf32, #tpu.memory_space<vmem>>) dst(%dma_wait3A_82 : memref<48x64xf32, #tpu.memory_space<vmem_shared>>)
        tpu.yield
      }) : () -> ()
      %add3A_63 = arith.constant 384 : i32
      %add3A_64 = arith.addi %mul3A_47, %add3A_63 : i32
      "tpu.region"() ({
        %run_scoped3A = tpu.sem_alloc : memref<!tpu.dma_semaphore, #tpu.memory_space<semaphore_mem>>
        %dma_start3A_75 = arith.constant 0 : i32
        %dma_start3A_76 = tpu.memref_slice %arg14[%add3A_64, %dma_start3A_75] : memref<10000x64xf32, #tpu.memory_space<vmem_shared>> -> memref<48x64xf32, #tpu.memory_space<vmem_shared>>
        %dma_start3A_77 = arith.constant 0 : i32
        %dma_start3A_78 = tpu.memref_slice %arg14[%add3A_64, %dma_start3A_77] : memref<10000x64xf32, #tpu.memory_space<vmem_shared>> -> memref<48x64xf32, #tpu.memory_space<vmem_shared>>
        tpu.enqueue_dma source(%arg12 : memref<48x64xf32, #tpu.memory_space<vmem>>) target(%dma_start3A_78 : memref<48x64xf32, #tpu.memory_space<vmem_shared>>) target_semaphore(%run_scoped3A : memref<!tpu.dma_semaphore, #tpu.memory_space<semaphore_mem>>)
        %dma_wait3A_79 = arith.constant 0 : i32
        %dma_wait3A_80 = tpu.memref_slice %arg14[%add3A_64, %dma_wait3A_79] : memref<10000x64xf32, #tpu.memory_space<vmem_shared>> -> memref<48x64xf32, #tpu.memory_space<vmem_shared>>
        %dma_wait3A_81 = arith.constant 0 : i32
        %dma_wait3A_82 = tpu.memref_slice %arg14[%add3A_64, %dma_wait3A_81] : memref<10000x64xf32, #tpu.memory_space<vmem_shared>> -> memref<48x64xf32, #tpu.memory_space<vmem_shared>>
        tpu.wait_dma2 semaphore(%run_scoped3A : memref<!tpu.dma_semaphore, #tpu.memory_space<semaphore_mem>>) src(%arg12 : memref<48x64xf32, #tpu.memory_space<vmem>>) dst(%dma_wait3A_82 : memref<48x64xf32, #tpu.memory_space<vmem_shared>>)
        tpu.yield
      }) : () -> ()
      %add3A_65 = arith.constant 432 : i32
      %add3A_66 = arith.addi %mul3A_47, %add3A_65 : i32
      "tpu.region"() ({
        %run_scoped3A = tpu.sem_alloc : memref<!tpu.dma_semaphore, #tpu.memory_space<semaphore_mem>>
        %dma_start3A_75 = arith.constant 0 : i32
        %dma_start3A_76 = tpu.memref_slice %arg14[%add3A_66, %dma_start3A_75] : memref<10000x64xf32, #tpu.memory_space<vmem_shared>> -> memref<48x64xf32, #tpu.memory_space<vmem_shared>>
        %dma_start3A_77 = arith.constant 0 : i32
        %dma_start3A_78 = tpu.memref_slice %arg14[%add3A_66, %dma_start3A_77] : memref<10000x64xf32, #tpu.memory_space<vmem_shared>> -> memref<48x64xf32, #tpu.memory_space<vmem_shared>>
        tpu.enqueue_dma source(%arg12 : memref<48x64xf32, #tpu.memory_space<vmem>>) target(%dma_start3A_78 : memref<48x64xf32, #tpu.memory_space<vmem_shared>>) target_semaphore(%run_scoped3A : memref<!tpu.dma_semaphore, #tpu.memory_space<semaphore_mem>>)
        %dma_wait3A_79 = arith.constant 0 : i32
        %dma_wait3A_80 = tpu.memref_slice %arg14[%add3A_66, %dma_wait3A_79] : memref<10000x64xf32, #tpu.memory_space<vmem_shared>> -> memref<48x64xf32, #tpu.memory_space<vmem_shared>>
        %dma_wait3A_81 = arith.constant 0 : i32
        %dma_wait3A_82 = tpu.memref_slice %arg14[%add3A_66, %dma_wait3A_81] : memref<10000x64xf32, #tpu.memory_space<vmem_shared>> -> memref<48x64xf32, #tpu.memory_space<vmem_shared>>
        tpu.wait_dma2 semaphore(%run_scoped3A : memref<!tpu.dma_semaphore, #tpu.memory_space<semaphore_mem>>) src(%arg12 : memref<48x64xf32, #tpu.memory_space<vmem>>) dst(%dma_wait3A_82 : memref<48x64xf32, #tpu.memory_space<vmem_shared>>)
        tpu.yield
      }) : () -> ()
      %add3A_67 = arith.constant 480 : i32
      %add3A_68 = arith.addi %mul3A_47, %add3A_67 : i32
      "tpu.region"() ({
        %run_scoped3A = tpu.sem_alloc : memref<!tpu.dma_semaphore, #tpu.memory_space<semaphore_mem>>
        %dma_start3A_75 = arith.constant 0 : i32
        %dma_start3A_76 = tpu.memref_slice %arg14[%add3A_68, %dma_start3A_75] : memref<10000x64xf32, #tpu.memory_space<vmem_shared>> -> memref<48x64xf32, #tpu.memory_space<vmem_shared>>
        %dma_start3A_77 = arith.constant 0 : i32
        %dma_start3A_78 = tpu.memref_slice %arg14[%add3A_68, %dma_start3A_77] : memref<10000x64xf32, #tpu.memory_space<vmem_shared>> -> memref<48x64xf32, #tpu.memory_space<vmem_shared>>
        tpu.enqueue_dma source(%arg12 : memref<48x64xf32, #tpu.memory_space<vmem>>) target(%dma_start3A_78 : memref<48x64xf32, #tpu.memory_space<vmem_shared>>) target_semaphore(%run_scoped3A : memref<!tpu.dma_semaphore, #tpu.memory_space<semaphore_mem>>)
        %dma_wait3A_79 = arith.constant 0 : i32
        %dma_wait3A_80 = tpu.memref_slice %arg14[%add3A_68, %dma_wait3A_79] : memref<10000x64xf32, #tpu.memory_space<vmem_shared>> -> memref<48x64xf32, #tpu.memory_space<vmem_shared>>
        %dma_wait3A_81 = arith.constant 0 : i32
        %dma_wait3A_82 = tpu.memref_slice %arg14[%add3A_68, %dma_wait3A_81] : memref<10000x64xf32, #tpu.memory_space<vmem_shared>> -> memref<48x64xf32, #tpu.memory_space<vmem_shared>>
        tpu.wait_dma2 semaphore(%run_scoped3A : memref<!tpu.dma_semaphore, #tpu.memory_space<semaphore_mem>>) src(%arg12 : memref<48x64xf32, #tpu.memory_space<vmem>>) dst(%dma_wait3A_82 : memref<48x64xf32, #tpu.memory_space<vmem_shared>>)
        tpu.yield
      }) : () -> ()
      %add3A_69 = arith.constant 528 : i32
      %add3A_70 = arith.addi %mul3A_47, %add3A_69 : i32
      "tpu.region"() ({
        %run_scoped3A = tpu.sem_alloc : memref<!tpu.dma_semaphore, #tpu.memory_space<semaphore_mem>>
        %dma_start3A_75 = arith.constant 0 : i32
        %dma_start3A_76 = tpu.memref_slice %arg14[%add3A_70, %dma_start3A_75] : memref<10000x64xf32, #tpu.memory_space<vmem_shared>> -> memref<48x64xf32, #tpu.memory_space<vmem_shared>>
        %dma_start3A_77 = arith.constant 0 : i32
        %dma_start3A_78 = tpu.memref_slice %arg14[%add3A_70, %dma_start3A_77] : memref<10000x64xf32, #tpu.memory_space<vmem_shared>> -> memref<48x64xf32, #tpu.memory_space<vmem_shared>>
        tpu.enqueue_dma source(%arg12 : memref<48x64xf32, #tpu.memory_space<vmem>>) target(%dma_start3A_78 : memref<48x64xf32, #tpu.memory_space<vmem_shared>>) target_semaphore(%run_scoped3A : memref<!tpu.dma_semaphore, #tpu.memory_space<semaphore_mem>>)
        %dma_wait3A_79 = arith.constant 0 : i32
        %dma_wait3A_80 = tpu.memref_slice %arg14[%add3A_70, %dma_wait3A_79] : memref<10000x64xf32, #tpu.memory_space<vmem_shared>> -> memref<48x64xf32, #tpu.memory_space<vmem_shared>>
        %dma_wait3A_81 = arith.constant 0 : i32
        %dma_wait3A_82 = tpu.memref_slice %arg14[%add3A_70, %dma_wait3A_81] : memref<10000x64xf32, #tpu.memory_space<vmem_shared>> -> memref<48x64xf32, #tpu.memory_space<vmem_shared>>
        tpu.wait_dma2 semaphore(%run_scoped3A : memref<!tpu.dma_semaphore, #tpu.memory_space<semaphore_mem>>) src(%arg12 : memref<48x64xf32, #tpu.memory_space<vmem>>) dst(%dma_wait3A_82 : memref<48x64xf32, #tpu.memory_space<vmem_shared>>)
        tpu.yield
      }) : () -> ()
      %add3A_71 = arith.constant 576 : i32
      %add3A_72 = arith.addi %mul3A_47, %add3A_71 : i32
      "tpu.region"() ({
        %run_scoped3A = tpu.sem_alloc : memref<!tpu.dma_semaphore, #tpu.memory_space<semaphore_mem>>
        %dma_start3A_75 = arith.constant 0 : i32
        %dma_start3A_76 = tpu.memref_slice %arg14[%add3A_72, %dma_start3A_75] : memref<10000x64xf32, #tpu.memory_space<vmem_shared>> -> memref<48x64xf32, #tpu.memory_space<vmem_shared>>
        %dma_start3A_77 = arith.constant 0 : i32
        %dma_start3A_78 = tpu.memref_slice %arg14[%add3A_72, %dma_start3A_77] : memref<10000x64xf32, #tpu.memory_space<vmem_shared>> -> memref<48x64xf32, #tpu.memory_space<vmem_shared>>
        tpu.enqueue_dma source(%arg12 : memref<48x64xf32, #tpu.memory_space<vmem>>) target(%dma_start3A_78 : memref<48x64xf32, #tpu.memory_space<vmem_shared>>) target_semaphore(%run_scoped3A : memref<!tpu.dma_semaphore, #tpu.memory_space<semaphore_mem>>)
        %dma_wait3A_79 = arith.constant 0 : i32
        %dma_wait3A_80 = tpu.memref_slice %arg14[%add3A_72, %dma_wait3A_79] : memref<10000x64xf32, #tpu.memory_space<vmem_shared>> -> memref<48x64xf32, #tpu.memory_space<vmem_shared>>
        %dma_wait3A_81 = arith.constant 0 : i32
        %dma_wait3A_82 = tpu.memref_slice %arg14[%add3A_72, %dma_wait3A_81] : memref<10000x64xf32, #tpu.memory_space<vmem_shared>> -> memref<48x64xf32, #tpu.memory_space<vmem_shared>>
        tpu.wait_dma2 semaphore(%run_scoped3A : memref<!tpu.dma_semaphore, #tpu.memory_space<semaphore_mem>>) src(%arg12 : memref<48x64xf32, #tpu.memory_space<vmem>>) dst(%dma_wait3A_82 : memref<48x64xf32, #tpu.memory_space<vmem_shared>>)
        tpu.yield
      }) : () -> ()
      %add3A_73 = arith.constant 624 : i32
      %add3A_74 = arith.addi %mul3A_47, %add3A_73 : i32
      "tpu.region"() ({
        %run_scoped3A = tpu.sem_alloc : memref<!tpu.dma_semaphore, #tpu.memory_space<semaphore_mem>>
        %dma_start3A_75 = arith.constant 0 : i32
        %dma_start3A_76 = arith.constant 0 : i32
        %dma_start3A_77 = tpu.memref_slice %arg12[%dma_start3A_75, %dma_start3A_76] : memref<48x64xf32, #tpu.memory_space<vmem>> -> memref<16x64xf32, #tpu.memory_space<vmem>>
        %dma_start3A_78 = arith.constant 0 : i32
        %dma_start3A_79 = tpu.memref_slice %arg14[%add3A_74, %dma_start3A_78] : memref<10000x64xf32, #tpu.memory_space<vmem_shared>> -> memref<16x64xf32, #tpu.memory_space<vmem_shared>>
        %dma_start3A_80 = arith.constant 0 : i32
        %dma_start3A_81 = tpu.memref_slice %arg14[%add3A_74, %dma_start3A_80] : memref<10000x64xf32, #tpu.memory_space<vmem_shared>> -> memref<16x64xf32, #tpu.memory_space<vmem_shared>>
        %dma_start3A_82 = arith.constant 0 : i32
        %dma_start3A_83 = arith.constant 0 : i32
        %dma_start3A_84 = tpu.memref_slice %arg12[%dma_start3A_82, %dma_start3A_83] : memref<48x64xf32, #tpu.memory_space<vmem>> -> memref<16x64xf32, #tpu.memory_space<vmem>>
        tpu.enqueue_dma source(%dma_start3A_84 : memref<16x64xf32, #tpu.memory_space<vmem>>) target(%dma_start3A_81 : memref<16x64xf32, #tpu.memory_space<vmem_shared>>) target_semaphore(%run_scoped3A : memref<!tpu.dma_semaphore, #tpu.memory_space<semaphore_mem>>)
        %dma_wait3A_85 = arith.constant 0 : i32
        %dma_wait3A_86 = arith.constant 0 : i32
        %dma_wait3A_87 = tpu.memref_slice %arg12[%dma_wait3A_85, %dma_wait3A_86] : memref<48x64xf32, #tpu.memory_space<vmem>> -> memref<16x64xf32, #tpu.memory_space<vmem>>
        %dma_wait3A_88 = arith.constant 0 : i32
        %dma_wait3A_89 = tpu.memref_slice %arg14[%add3A_74, %dma_wait3A_88] : memref<10000x64xf32, #tpu.memory_space<vmem_shared>> -> memref<16x64xf32, #tpu.memory_space<vmem_shared>>
        %dma_wait3A_90 = arith.constant 0 : i32
        %dma_wait3A_91 = tpu.memref_slice %arg14[%add3A_74, %dma_wait3A_90] : memref<10000x64xf32, #tpu.memory_space<vmem_shared>> -> memref<16x64xf32, #tpu.memory_space<vmem_shared>>
        %dma_wait3A_92 = arith.constant 0 : i32
        %dma_wait3A_93 = arith.constant 0 : i32
        %dma_wait3A_94 = tpu.memref_slice %arg12[%dma_wait3A_92, %dma_wait3A_93] : memref<48x64xf32, #tpu.memory_space<vmem>> -> memref<16x64xf32, #tpu.memory_space<vmem>>
        tpu.wait_dma2 semaphore(%run_scoped3A : memref<!tpu.dma_semaphore, #tpu.memory_space<semaphore_mem>>) src(%dma_wait3A_94 : memref<16x64xf32, #tpu.memory_space<vmem>>) dst(%dma_wait3A_91 : memref<16x64xf32, #tpu.memory_space<vmem_shared>>)
        tpu.yield
      }) : () -> ()
    } else {
    }
    %eq3A = arith.constant 15 : i32
    %eq3A_4 = arith.cmpi eq, %arg1, %eq3A : i32
    %convert_element_type3A_5 = arith.extui %eq3A_4 : i1 to i32
    %cond3A_6 = arith.constant 0 : i32
    %cond3A_7 = arith.cmpi ne, %convert_element_type3A_5, %cond3A_6 : i32
    scf.if %cond3A_7 {
      "tpu.region"() ({
        %run_scoped3A = tpu.sem_alloc : memref<!tpu.dma_semaphore, #tpu.memory_space<semaphore_mem>>
        %dma_start3A_43 = arith.constant 9600 : i32
        %dma_start3A_44 = arith.constant 0 : i32
        %dma_start3A_45 = tpu.memref_slice %arg15[%dma_start3A_43, %dma_start3A_44] : memref<10000x32xi32, #tpu.memory_space<vmem_shared>> -> memref<400x32xi32, #tpu.memory_space<vmem_shared>>
        %dma_start3A_46 = arith.constant 9600 : i32
        %dma_start3A_47 = arith.constant 0 : i32
        %dma_start3A_48 = tpu.memref_slice %arg2[%arg0, %dma_start3A_46, %dma_start3A_47] : memref<2x10000x32xi32, #tpu.memory_space<hbm>> -> memref<1x400x32xi32, #tpu.memory_space<hbm>>
        %dma_start3A_49 = tpu.memref_squeeze %dma_start3A_48 : memref<1x400x32xi32, #tpu.memory_space<hbm>> -> memref<400x32xi32, #tpu.memory_space<hbm>>
        tpu.enqueue_dma source(%dma_start3A_49 : memref<400x32xi32, #tpu.memory_space<hbm>>) target(%dma_start3A_45 : memref<400x32xi32, #tpu.memory_space<vmem_shared>>) target_semaphore(%run_scoped3A : memref<!tpu.dma_semaphore, #tpu.memory_space<semaphore_mem>>)
        %dma_wait3A_50 = arith.constant 9600 : i32
        %dma_wait3A_51 = arith.constant 0 : i32
        %dma_wait3A_52 = tpu.memref_slice %arg15[%dma_wait3A_50, %dma_wait3A_51] : memref<10000x32xi32, #tpu.memory_space<vmem_shared>> -> memref<400x32xi32, #tpu.memory_space<vmem_shared>>
        %dma_wait3A_53 = arith.constant 9600 : i32
        %dma_wait3A_54 = arith.constant 0 : i32
        %dma_wait3A_55 = tpu.memref_slice %arg2[%arg0, %dma_wait3A_53, %dma_wait3A_54] : memref<2x10000x32xi32, #tpu.memory_space<hbm>> -> memref<1x400x32xi32, #tpu.memory_space<hbm>>
        %dma_wait3A_56 = tpu.memref_squeeze %dma_wait3A_55 : memref<1x400x32xi32, #tpu.memory_space<hbm>> -> memref<400x32xi32, #tpu.memory_space<hbm>>
        tpu.wait_dma2 semaphore(%run_scoped3A : memref<!tpu.dma_semaphore, #tpu.memory_space<semaphore_mem>>) src(%dma_wait3A_56 : memref<400x32xi32, #tpu.memory_space<hbm>>) dst(%dma_wait3A_52 : memref<400x32xi32, #tpu.memory_space<vmem_shared>>)
        tpu.yield
      }) : () -> ()
      "tpu.region"() ({
        %run_scoped3A = tpu.sem_alloc : memref<!tpu.dma_semaphore, #tpu.memory_space<semaphore_mem>>
        %dma_start3A_43 = arith.constant 9600 : i32
        %dma_start3A_44 = arith.constant 0 : i32
        %dma_start3A_45 = tpu.memref_slice %arg14[%dma_start3A_43, %dma_start3A_44] : memref<10000x64xf32, #tpu.memory_space<vmem_shared>> -> memref<48x64xf32, #tpu.memory_space<vmem_shared>>
        %dma_start3A_46 = arith.constant 9600 : i32
        %dma_start3A_47 = arith.constant 0 : i32
        %dma_start3A_48 = tpu.memref_slice %arg14[%dma_start3A_46, %dma_start3A_47] : memref<10000x64xf32, #tpu.memory_space<vmem_shared>> -> memref<48x64xf32, #tpu.memory_space<vmem_shared>>
        tpu.enqueue_dma source(%arg12 : memref<48x64xf32, #tpu.memory_space<vmem>>) target(%dma_start3A_48 : memref<48x64xf32, #tpu.memory_space<vmem_shared>>) target_semaphore(%run_scoped3A : memref<!tpu.dma_semaphore, #tpu.memory_space<semaphore_mem>>)
        %dma_wait3A_49 = arith.constant 9600 : i32
        %dma_wait3A_50 = arith.constant 0 : i32
        %dma_wait3A_51 = tpu.memref_slice %arg14[%dma_wait3A_49, %dma_wait3A_50] : memref<10000x64xf32, #tpu.memory_space<vmem_shared>> -> memref<48x64xf32, #tpu.memory_space<vmem_shared>>
        %dma_wait3A_52 = arith.constant 9600 : i32
        %dma_wait3A_53 = arith.constant 0 : i32
        %dma_wait3A_54 = tpu.memref_slice %arg14[%dma_wait3A_52, %dma_wait3A_53] : memref<10000x64xf32, #tpu.memory_space<vmem_shared>> -> memref<48x64xf32, #tpu.memory_space<vmem_shared>>
        tpu.wait_dma2 semaphore(%run_scoped3A : memref<!tpu.dma_semaphore, #tpu.memory_space<semaphore_mem>>) src(%arg12 : memref<48x64xf32, #tpu.memory_space<vmem>>) dst(%dma_wait3A_54 : memref<48x64xf32, #tpu.memory_space<vmem_shared>>)
        tpu.yield
      }) : () -> ()
      "tpu.region"() ({
        %run_scoped3A = tpu.sem_alloc : memref<!tpu.dma_semaphore, #tpu.memory_space<semaphore_mem>>
        %dma_start3A_43 = arith.constant 9648 : i32
        %dma_start3A_44 = arith.constant 0 : i32
        %dma_start3A_45 = tpu.memref_slice %arg14[%dma_start3A_43, %dma_start3A_44] : memref<10000x64xf32, #tpu.memory_space<vmem_shared>> -> memref<48x64xf32, #tpu.memory_space<vmem_shared>>
        %dma_start3A_46 = arith.constant 9648 : i32
        %dma_start3A_47 = arith.constant 0 : i32
        %dma_start3A_48 = tpu.memref_slice %arg14[%dma_start3A_46, %dma_start3A_47] : memref<10000x64xf32, #tpu.memory_space<vmem_shared>> -> memref<48x64xf32, #tpu.memory_space<vmem_shared>>
        tpu.enqueue_dma source(%arg12 : memref<48x64xf32, #tpu.memory_space<vmem>>) target(%dma_start3A_48 : memref<48x64xf32, #tpu.memory_space<vmem_shared>>) target_semaphore(%run_scoped3A : memref<!tpu.dma_semaphore, #tpu.memory_space<semaphore_mem>>)
        %dma_wait3A_49 = arith.constant 9648 : i32
        %dma_wait3A_50 = arith.constant 0 : i32
        %dma_wait3A_51 = tpu.memref_slice %arg14[%dma_wait3A_49, %dma_wait3A_50] : memref<10000x64xf32, #tpu.memory_space<vmem_shared>> -> memref<48x64xf32, #tpu.memory_space<vmem_shared>>
        %dma_wait3A_52 = arith.constant 9648 : i32
        %dma_wait3A_53 = arith.constant 0 : i32
        %dma_wait3A_54 = tpu.memref_slice %arg14[%dma_wait3A_52, %dma_wait3A_53] : memref<10000x64xf32, #tpu.memory_space<vmem_shared>> -> memref<48x64xf32, #tpu.memory_space<vmem_shared>>
        tpu.wait_dma2 semaphore(%run_scoped3A : memref<!tpu.dma_semaphore, #tpu.memory_space<semaphore_mem>>) src(%arg12 : memref<48x64xf32, #tpu.memory_space<vmem>>) dst(%dma_wait3A_54 : memref<48x64xf32, #tpu.memory_space<vmem_shared>>)
        tpu.yield
      }) : () -> ()
      "tpu.region"() ({
        %run_scoped3A = tpu.sem_alloc : memref<!tpu.dma_semaphore, #tpu.memory_space<semaphore_mem>>
        %dma_start3A_43 = arith.constant 9696 : i32
        %dma_start3A_44 = arith.constant 0 : i32
        %dma_start3A_45 = tpu.memref_slice %arg14[%dma_start3A_43, %dma_start3A_44] : memref<10000x64xf32, #tpu.memory_space<vmem_shared>> -> memref<48x64xf32, #tpu.memory_space<vmem_shared>>
        %dma_start3A_46 = arith.constant 9696 : i32
        %dma_start3A_47 = arith.constant 0 : i32
        %dma_start3A_48 = tpu.memref_slice %arg14[%dma_start3A_46, %dma_start3A_47] : memref<10000x64xf32, #tpu.memory_space<vmem_shared>> -> memref<48x64xf32, #tpu.memory_space<vmem_shared>>
        tpu.enqueue_dma source(%arg12 : memref<48x64xf32, #tpu.memory_space<vmem>>) target(%dma_start3A_48 : memref<48x64xf32, #tpu.memory_space<vmem_shared>>) target_semaphore(%run_scoped3A : memref<!tpu.dma_semaphore, #tpu.memory_space<semaphore_mem>>)
        %dma_wait3A_49 = arith.constant 9696 : i32
        %dma_wait3A_50 = arith.constant 0 : i32
        %dma_wait3A_51 = tpu.memref_slice %arg14[%dma_wait3A_49, %dma_wait3A_50] : memref<10000x64xf32, #tpu.memory_space<vmem_shared>> -> memref<48x64xf32, #tpu.memory_space<vmem_shared>>
        %dma_wait3A_52 = arith.constant 9696 : i32
        %dma_wait3A_53 = arith.constant 0 : i32
        %dma_wait3A_54 = tpu.memref_slice %arg14[%dma_wait3A_52, %dma_wait3A_53] : memref<10000x64xf32, #tpu.memory_space<vmem_shared>> -> memref<48x64xf32, #tpu.memory_space<vmem_shared>>
        tpu.wait_dma2 semaphore(%run_scoped3A : memref<!tpu.dma_semaphore, #tpu.memory_space<semaphore_mem>>) src(%arg12 : memref<48x64xf32, #tpu.memory_space<vmem>>) dst(%dma_wait3A_54 : memref<48x64xf32, #tpu.memory_space<vmem_shared>>)
        tpu.yield
      }) : () -> ()
      "tpu.region"() ({
        %run_scoped3A = tpu.sem_alloc : memref<!tpu.dma_semaphore, #tpu.memory_space<semaphore_mem>>
        %dma_start3A_43 = arith.constant 9744 : i32
        %dma_start3A_44 = arith.constant 0 : i32
        %dma_start3A_45 = tpu.memref_slice %arg14[%dma_start3A_43, %dma_start3A_44] : memref<10000x64xf32, #tpu.memory_space<vmem_shared>> -> memref<48x64xf32, #tpu.memory_space<vmem_shared>>
        %dma_start3A_46 = arith.constant 9744 : i32
        %dma_start3A_47 = arith.constant 0 : i32
        %dma_start3A_48 = tpu.memref_slice %arg14[%dma_start3A_46, %dma_start3A_47] : memref<10000x64xf32, #tpu.memory_space<vmem_shared>> -> memref<48x64xf32, #tpu.memory_space<vmem_shared>>
        tpu.enqueue_dma source(%arg12 : memref<48x64xf32, #tpu.memory_space<vmem>>) target(%dma_start3A_48 : memref<48x64xf32, #tpu.memory_space<vmem_shared>>) target_semaphore(%run_scoped3A : memref<!tpu.dma_semaphore, #tpu.memory_space<semaphore_mem>>)
        %dma_wait3A_49 = arith.constant 9744 : i32
        %dma_wait3A_50 = arith.constant 0 : i32
        %dma_wait3A_51 = tpu.memref_slice %arg14[%dma_wait3A_49, %dma_wait3A_50] : memref<10000x64xf32, #tpu.memory_space<vmem_shared>> -> memref<48x64xf32, #tpu.memory_space<vmem_shared>>
        %dma_wait3A_52 = arith.constant 9744 : i32
        %dma_wait3A_53 = arith.constant 0 : i32
        %dma_wait3A_54 = tpu.memref_slice %arg14[%dma_wait3A_52, %dma_wait3A_53] : memref<10000x64xf32, #tpu.memory_space<vmem_shared>> -> memref<48x64xf32, #tpu.memory_space<vmem_shared>>
        tpu.wait_dma2 semaphore(%run_scoped3A : memref<!tpu.dma_semaphore, #tpu.memory_space<semaphore_mem>>) src(%arg12 : memref<48x64xf32, #tpu.memory_space<vmem>>) dst(%dma_wait3A_54 : memref<48x64xf32, #tpu.memory_space<vmem_shared>>)
        tpu.yield
      }) : () -> ()
      "tpu.region"() ({
        %run_scoped3A = tpu.sem_alloc : memref<!tpu.dma_semaphore, #tpu.memory_space<semaphore_mem>>
        %dma_start3A_43 = arith.constant 9792 : i32
        %dma_start3A_44 = arith.constant 0 : i32
        %dma_start3A_45 = tpu.memref_slice %arg14[%dma_start3A_43, %dma_start3A_44] : memref<10000x64xf32, #tpu.memory_space<vmem_shared>> -> memref<48x64xf32, #tpu.memory_space<vmem_shared>>
        %dma_start3A_46 = arith.constant 9792 : i32
        %dma_start3A_47 = arith.constant 0 : i32
        %dma_start3A_48 = tpu.memref_slice %arg14[%dma_start3A_46, %dma_start3A_47] : memref<10000x64xf32, #tpu.memory_space<vmem_shared>> -> memref<48x64xf32, #tpu.memory_space<vmem_shared>>
        tpu.enqueue_dma source(%arg12 : memref<48x64xf32, #tpu.memory_space<vmem>>) target(%dma_start3A_48 : memref<48x64xf32, #tpu.memory_space<vmem_shared>>) target_semaphore(%run_scoped3A : memref<!tpu.dma_semaphore, #tpu.memory_space<semaphore_mem>>)
        %dma_wait3A_49 = arith.constant 9792 : i32
        %dma_wait3A_50 = arith.constant 0 : i32
        %dma_wait3A_51 = tpu.memref_slice %arg14[%dma_wait3A_49, %dma_wait3A_50] : memref<10000x64xf32, #tpu.memory_space<vmem_shared>> -> memref<48x64xf32, #tpu.memory_space<vmem_shared>>
        %dma_wait3A_52 = arith.constant 9792 : i32
        %dma_wait3A_53 = arith.constant 0 : i32
        %dma_wait3A_54 = tpu.memref_slice %arg14[%dma_wait3A_52, %dma_wait3A_53] : memref<10000x64xf32, #tpu.memory_space<vmem_shared>> -> memref<48x64xf32, #tpu.memory_space<vmem_shared>>
        tpu.wait_dma2 semaphore(%run_scoped3A : memref<!tpu.dma_semaphore, #tpu.memory_space<semaphore_mem>>) src(%arg12 : memref<48x64xf32, #tpu.memory_space<vmem>>) dst(%dma_wait3A_54 : memref<48x64xf32, #tpu.memory_space<vmem_shared>>)
        tpu.yield
      }) : () -> ()
      "tpu.region"() ({
        %run_scoped3A = tpu.sem_alloc : memref<!tpu.dma_semaphore, #tpu.memory_space<semaphore_mem>>
        %dma_start3A_43 = arith.constant 9840 : i32
        %dma_start3A_44 = arith.constant 0 : i32
        %dma_start3A_45 = tpu.memref_slice %arg14[%dma_start3A_43, %dma_start3A_44] : memref<10000x64xf32, #tpu.memory_space<vmem_shared>> -> memref<48x64xf32, #tpu.memory_space<vmem_shared>>
        %dma_start3A_46 = arith.constant 9840 : i32
        %dma_start3A_47 = arith.constant 0 : i32
        %dma_start3A_48 = tpu.memref_slice %arg14[%dma_start3A_46, %dma_start3A_47] : memref<10000x64xf32, #tpu.memory_space<vmem_shared>> -> memref<48x64xf32, #tpu.memory_space<vmem_shared>>
        tpu.enqueue_dma source(%arg12 : memref<48x64xf32, #tpu.memory_space<vmem>>) target(%dma_start3A_48 : memref<48x64xf32, #tpu.memory_space<vmem_shared>>) target_semaphore(%run_scoped3A : memref<!tpu.dma_semaphore, #tpu.memory_space<semaphore_mem>>)
        %dma_wait3A_49 = arith.constant 9840 : i32
        %dma_wait3A_50 = arith.constant 0 : i32
        %dma_wait3A_51 = tpu.memref_slice %arg14[%dma_wait3A_49, %dma_wait3A_50] : memref<10000x64xf32, #tpu.memory_space<vmem_shared>> -> memref<48x64xf32, #tpu.memory_space<vmem_shared>>
        %dma_wait3A_52 = arith.constant 9840 : i32
        %dma_wait3A_53 = arith.constant 0 : i32
        %dma_wait3A_54 = tpu.memref_slice %arg14[%dma_wait3A_52, %dma_wait3A_53] : memref<10000x64xf32, #tpu.memory_space<vmem_shared>> -> memref<48x64xf32, #tpu.memory_space<vmem_shared>>
        tpu.wait_dma2 semaphore(%run_scoped3A : memref<!tpu.dma_semaphore, #tpu.memory_space<semaphore_mem>>) src(%arg12 : memref<48x64xf32, #tpu.memory_space<vmem>>) dst(%dma_wait3A_54 : memref<48x64xf32, #tpu.memory_space<vmem_shared>>)
        tpu.yield
      }) : () -> ()
      "tpu.region"() ({
        %run_scoped3A = tpu.sem_alloc : memref<!tpu.dma_semaphore, #tpu.memory_space<semaphore_mem>>
        %dma_start3A_43 = arith.constant 9888 : i32
        %dma_start3A_44 = arith.constant 0 : i32
        %dma_start3A_45 = tpu.memref_slice %arg14[%dma_start3A_43, %dma_start3A_44] : memref<10000x64xf32, #tpu.memory_space<vmem_shared>> -> memref<48x64xf32, #tpu.memory_space<vmem_shared>>
        %dma_start3A_46 = arith.constant 9888 : i32
        %dma_start3A_47 = arith.constant 0 : i32
        %dma_start3A_48 = tpu.memref_slice %arg14[%dma_start3A_46, %dma_start3A_47] : memref<10000x64xf32, #tpu.memory_space<vmem_shared>> -> memref<48x64xf32, #tpu.memory_space<vmem_shared>>
        tpu.enqueue_dma source(%arg12 : memref<48x64xf32, #tpu.memory_space<vmem>>) target(%dma_start3A_48 : memref<48x64xf32, #tpu.memory_space<vmem_shared>>) target_semaphore(%run_scoped3A : memref<!tpu.dma_semaphore, #tpu.memory_space<semaphore_mem>>)
        %dma_wait3A_49 = arith.constant 9888 : i32
        %dma_wait3A_50 = arith.constant 0 : i32
        %dma_wait3A_51 = tpu.memref_slice %arg14[%dma_wait3A_49, %dma_wait3A_50] : memref<10000x64xf32, #tpu.memory_space<vmem_shared>> -> memref<48x64xf32, #tpu.memory_space<vmem_shared>>
        %dma_wait3A_52 = arith.constant 9888 : i32
        %dma_wait3A_53 = arith.constant 0 : i32
        %dma_wait3A_54 = tpu.memref_slice %arg14[%dma_wait3A_52, %dma_wait3A_53] : memref<10000x64xf32, #tpu.memory_space<vmem_shared>> -> memref<48x64xf32, #tpu.memory_space<vmem_shared>>
        tpu.wait_dma2 semaphore(%run_scoped3A : memref<!tpu.dma_semaphore, #tpu.memory_space<semaphore_mem>>) src(%arg12 : memref<48x64xf32, #tpu.memory_space<vmem>>) dst(%dma_wait3A_54 : memref<48x64xf32, #tpu.memory_space<vmem_shared>>)
        tpu.yield
      }) : () -> ()
      "tpu.region"() ({
        %run_scoped3A = tpu.sem_alloc : memref<!tpu.dma_semaphore, #tpu.memory_space<semaphore_mem>>
        %dma_start3A_43 = arith.constant 9936 : i32
        %dma_start3A_44 = arith.constant 0 : i32
        %dma_start3A_45 = tpu.memref_slice %arg14[%dma_start3A_43, %dma_start3A_44] : memref<10000x64xf32, #tpu.memory_space<vmem_shared>> -> memref<48x64xf32, #tpu.memory_space<vmem_shared>>
        %dma_start3A_46 = arith.constant 9936 : i32
        %dma_start3A_47 = arith.constant 0 : i32
        %dma_start3A_48 = tpu.memref_slice %arg14[%dma_start3A_46, %dma_start3A_47] : memref<10000x64xf32, #tpu.memory_space<vmem_shared>> -> memref<48x64xf32, #tpu.memory_space<vmem_shared>>
        tpu.enqueue_dma source(%arg12 : memref<48x64xf32, #tpu.memory_space<vmem>>) target(%dma_start3A_48 : memref<48x64xf32, #tpu.memory_space<vmem_shared>>) target_semaphore(%run_scoped3A : memref<!tpu.dma_semaphore, #tpu.memory_space<semaphore_mem>>)
        %dma_wait3A_49 = arith.constant 9936 : i32
        %dma_wait3A_50 = arith.constant 0 : i32
        %dma_wait3A_51 = tpu.memref_slice %arg14[%dma_wait3A_49, %dma_wait3A_50] : memref<10000x64xf32, #tpu.memory_space<vmem_shared>> -> memref<48x64xf32, #tpu.memory_space<vmem_shared>>
        %dma_wait3A_52 = arith.constant 9936 : i32
        %dma_wait3A_53 = arith.constant 0 : i32
        %dma_wait3A_54 = tpu.memref_slice %arg14[%dma_wait3A_52, %dma_wait3A_53] : memref<10000x64xf32, #tpu.memory_space<vmem_shared>> -> memref<48x64xf32, #tpu.memory_space<vmem_shared>>
        tpu.wait_dma2 semaphore(%run_scoped3A : memref<!tpu.dma_semaphore, #tpu.memory_space<semaphore_mem>>) src(%arg12 : memref<48x64xf32, #tpu.memory_space<vmem>>) dst(%dma_wait3A_54 : memref<48x64xf32, #tpu.memory_space<vmem_shared>>)
        tpu.yield
      }) : () -> ()
      "tpu.region"() ({
        %run_scoped3A = tpu.sem_alloc : memref<!tpu.dma_semaphore, #tpu.memory_space<semaphore_mem>>
        %dma_start3A_43 = arith.constant 0 : i32
        %dma_start3A_44 = arith.constant 0 : i32
        %dma_start3A_45 = tpu.memref_slice %arg12[%dma_start3A_43, %dma_start3A_44] : memref<48x64xf32, #tpu.memory_space<vmem>> -> memref<16x64xf32, #tpu.memory_space<vmem>>
        %dma_start3A_46 = arith.constant 9984 : i32
        %dma_start3A_47 = arith.constant 0 : i32
        %dma_start3A_48 = tpu.memref_slice %arg14[%dma_start3A_46, %dma_start3A_47] : memref<10000x64xf32, #tpu.memory_space<vmem_shared>> -> memref<16x64xf32, #tpu.memory_space<vmem_shared>>
        %dma_start3A_49 = arith.constant 9984 : i32
        %dma_start3A_50 = arith.constant 0 : i32
        %dma_start3A_51 = tpu.memref_slice %arg14[%dma_start3A_49, %dma_start3A_50] : memref<10000x64xf32, #tpu.memory_space<vmem_shared>> -> memref<16x64xf32, #tpu.memory_space<vmem_shared>>
        %dma_start3A_52 = arith.constant 0 : i32
        %dma_start3A_53 = arith.constant 0 : i32
        %dma_start3A_54 = tpu.memref_slice %arg12[%dma_start3A_52, %dma_start3A_53] : memref<48x64xf32, #tpu.memory_space<vmem>> -> memref<16x64xf32, #tpu.memory_space<vmem>>
        tpu.enqueue_dma source(%dma_start3A_54 : memref<16x64xf32, #tpu.memory_space<vmem>>) target(%dma_start3A_51 : memref<16x64xf32, #tpu.memory_space<vmem_shared>>) target_semaphore(%run_scoped3A : memref<!tpu.dma_semaphore, #tpu.memory_space<semaphore_mem>>)
        %dma_wait3A_55 = arith.constant 0 : i32
        %dma_wait3A_56 = arith.constant 0 : i32
        %dma_wait3A_57 = tpu.memref_slice %arg12[%dma_wait3A_55, %dma_wait3A_56] : memref<48x64xf32, #tpu.memory_space<vmem>> -> memref<16x64xf32, #tpu.memory_space<vmem>>
        %dma_wait3A_58 = arith.constant 9984 : i32
        %dma_wait3A_59 = arith.constant 0 : i32
        %dma_wait3A_60 = tpu.memref_slice %arg14[%dma_wait3A_58, %dma_wait3A_59] : memref<10000x64xf32, #tpu.memory_space<vmem_shared>> -> memref<16x64xf32, #tpu.memory_space<vmem_shared>>
        %dma_wait3A_61 = arith.constant 9984 : i32
        %dma_wait3A_62 = arith.constant 0 : i32
        %dma_wait3A_63 = tpu.memref_slice %arg14[%dma_wait3A_61, %dma_wait3A_62] : memref<10000x64xf32, #tpu.memory_space<vmem_shared>> -> memref<16x64xf32, #tpu.memory_space<vmem_shared>>
        %dma_wait3A_64 = arith.constant 0 : i32
        %dma_wait3A_65 = arith.constant 0 : i32
        %dma_wait3A_66 = tpu.memref_slice %arg12[%dma_wait3A_64, %dma_wait3A_65] : memref<48x64xf32, #tpu.memory_space<vmem>> -> memref<16x64xf32, #tpu.memory_space<vmem>>
        tpu.wait_dma2 semaphore(%run_scoped3A : memref<!tpu.dma_semaphore, #tpu.memory_space<semaphore_mem>>) src(%dma_wait3A_66 : memref<16x64xf32, #tpu.memory_space<vmem>>) dst(%dma_wait3A_63 : memref<16x64xf32, #tpu.memory_space<vmem_shared>>)
        tpu.yield
      }) : () -> ()
    } else {
    }
    %barrier3A = arith.constant 0 : index
    tpu.barrier barrier_id(%barrier3A)
    %dma_start3A = arith.constant 0 : i32
    %dma_start3A_8 = arith.constant 0 : i32
    %dma_start3A_9 = tpu.memref_slice %arg7[%dma_start3A, %dma_start3A_8] : memref<418x48xi32, #tpu.memory_space<vmem>> -> memref<1x48xi32, #tpu.memory_space<vmem>>
    %dma_start3A_10 = tpu.memref_squeeze %dma_start3A_9 : memref<1x48xi32, #tpu.memory_space<vmem>> -> memref<48xi32, #tpu.memory_space<vmem>>
    %dma_start3A_11 = arith.constant 0 : i32
    %dma_start3A_12 = arith.constant 0 : i32
    %dma_start3A_13 = tpu.memref_slice %arg15[%dma_start3A_11, %dma_start3A_12] : memref<10000x32xi32, #tpu.memory_space<vmem_shared>> -> memref<10000x32xi32, #tpu.memory_space<vmem_shared>>
    tpu.enqueue_indirect_dma source(%dma_start3A_13 : memref<10000x32xi32, #tpu.memory_space<vmem_shared>>) target(%arg10 : memref<48x32xi32, #tpu.memory_space<vmem>>) offsets(%dma_start3A_10 : memref<48xi32, #tpu.memory_space<vmem>>) semaphore(%arg16 : memref<!tpu.dma_semaphore, #tpu.memory_space<semaphore_mem>>)
    %scan3A = arith.constant 0 : i32
    %scan3A_14 = arith.constant 0 : i32
    %scan3A_15 = arith.constant 209 : i32
    %scan3A_16 = arith.addi %scan3A_14, %scan3A_15 : i32
    %scan3A_17 = arith.constant 1 : i32
    scf.for %scan3A_43 = %scan3A_14 to %scan3A_16 step %scan3A_17  : i32 {
      %mul3A = arith.constant 2 : i32
      %mul3A_44 = arith.muli %mul3A, %scan3A_43 : i32
      %add3A = arith.constant 0 : i32
      %add3A_45 = arith.addi %mul3A_44, %add3A : i32
      %dma_wait3A_46 = arith.constant 0 : i32
      %dma_wait3A_47 = tpu.memref_slice %arg7[%add3A_45, %dma_wait3A_46] : memref<418x48xi32, #tpu.memory_space<vmem>> -> memref<1x48xi32, #tpu.memory_space<vmem>>
      %dma_wait3A_48 = tpu.memref_squeeze %dma_wait3A_47 : memref<1x48xi32, #tpu.memory_space<vmem>> -> memref<48xi32, #tpu.memory_space<vmem>>
      %dma_wait3A_49 = arith.constant 0 : i32
      %dma_wait3A_50 = arith.constant 0 : i32
      %dma_wait3A_51 = tpu.memref_slice %arg15[%dma_wait3A_49, %dma_wait3A_50] : memref<10000x32xi32, #tpu.memory_space<vmem_shared>> -> memref<10000x32xi32, #tpu.memory_space<vmem_shared>>
      tpu.wait_indirect_dma semaphore(%arg16 : memref<!tpu.dma_semaphore, #tpu.memory_space<semaphore_mem>>) src(%dma_wait3A_51 : memref<10000x32xi32, #tpu.memory_space<vmem_shared>>) dst(%arg10 : memref<48x32xi32, #tpu.memory_space<vmem>>)
      %add3A_52 = arith.constant 2 : i32
      %add3A_53 = arith.addi %add3A_45, %add3A_52 : i32
      %sub3A = arith.constant 1 : i32
      %sub3A_54 = arith.subi %add3A_53, %sub3A : i32
      %lt3A_55 = arith.constant 418 : i32
      %lt3A_56 = arith.cmpi slt, %sub3A_54, %lt3A_55 : i32
      %convert_element_type3A_57 = arith.extui %lt3A_56 : i1 to i32
      %cond3A_58 = arith.constant 0 : i32
      %cond3A_59 = arith.cmpi ne, %convert_element_type3A_57, %cond3A_58 : i32
      scf.if %cond3A_59 {
        %add3A_106 = arith.constant 2 : i32
        %add3A_107 = arith.addi %add3A_45, %add3A_106 : i32
        %sub3A_108 = arith.constant 1 : i32
        %sub3A_109 = arith.subi %add3A_107, %sub3A_108 : i32
        %dma_start3A_110 = arith.constant 0 : i32
        %dma_start3A_111 = tpu.memref_slice %arg7[%sub3A_109, %dma_start3A_110] : memref<418x48xi32, #tpu.memory_space<vmem>> -> memref<1x48xi32, #tpu.memory_space<vmem>>
        %dma_start3A_112 = tpu.memref_squeeze %dma_start3A_111 : memref<1x48xi32, #tpu.memory_space<vmem>> -> memref<48xi32, #tpu.memory_space<vmem>>
        %dma_start3A_113 = arith.constant 0 : i32
        %dma_start3A_114 = arith.constant 0 : i32
        %dma_start3A_115 = tpu.memref_slice %arg15[%dma_start3A_113, %dma_start3A_114] : memref<10000x32xi32, #tpu.memory_space<vmem_shared>> -> memref<10000x32xi32, #tpu.memory_space<vmem_shared>>
        tpu.enqueue_indirect_dma source(%dma_start3A_115 : memref<10000x32xi32, #tpu.memory_space<vmem_shared>>) target(%arg11 : memref<48x32xi32, #tpu.memory_space<vmem>>) offsets(%dma_start3A_112 : memref<48xi32, #tpu.memory_space<vmem>>) semaphore(%arg17 : memref<!tpu.dma_semaphore, #tpu.memory_space<semaphore_mem>>)
      } else {
      }
      %ge3A = arith.constant 2 : i32
      %ge3A_60 = arith.cmpi sge, %add3A_45, %ge3A : i32
      %convert_element_type3A_61 = arith.extui %ge3A_60 : i1 to i32
      %cond3A_62 = arith.constant 0 : i32
      %cond3A_63 = arith.cmpi ne, %convert_element_type3A_61, %cond3A_62 : i32
      scf.if %cond3A_63 {
        %sub3A_106 = arith.constant 2 : i32
        %sub3A_107 = arith.subi %add3A_45, %sub3A_106 : i32
        %dma_wait3A_108 = arith.constant 0 : i32
        %dma_wait3A_109 = tpu.memref_slice %arg8[%sub3A_107, %dma_wait3A_108] : memref<418x48xi32, #tpu.memory_space<vmem>> -> memref<1x48xi32, #tpu.memory_space<vmem>>
        %dma_wait3A_110 = tpu.memref_squeeze %dma_wait3A_109 : memref<1x48xi32, #tpu.memory_space<vmem>> -> memref<48xi32, #tpu.memory_space<vmem>>
        %dma_wait3A_111 = arith.constant 0 : i32
        %dma_wait3A_112 = arith.constant 0 : i32
        %dma_wait3A_113 = tpu.memref_slice %arg14[%dma_wait3A_111, %dma_wait3A_112] : memref<10000x64xf32, #tpu.memory_space<vmem_shared>> -> memref<10000x64xf32, #tpu.memory_space<vmem_shared>>
        tpu.wait_indirect_dma semaphore(%arg18 : memref<!tpu.dma_semaphore, #tpu.memory_space<semaphore_mem>>) src(%arg12 : memref<48x64xf32, #tpu.memory_space<vmem>>) dst(%dma_wait3A_113 : memref<10000x64xf32, #tpu.memory_space<vmem_shared>>)
      } else {
      }
      %parallel_loop3A_64 = arith.constant 0 : i32
      %parallel_loop3A_65 = arith.constant 3 : i32
      %parallel_loop3A_66 = arith.constant 1 : i32
      scf.for %parallel_loop3A_106 = %parallel_loop3A_64 to %parallel_loop3A_65 step %parallel_loop3A_66  : i32 {
        %parallel_loop3A_107 = arith.constant 48 : i32
        %parallel_loop3A_108 = arith.muli %add3A_45, %parallel_loop3A_107 : i32
        %parallel_loop3A_109 = arith.constant 16 : i32
        %parallel_loop3A_110 = arith.muli %parallel_loop3A_106, %parallel_loop3A_109 : i32
        %parallel_loop3A_111 = arith.addi %parallel_loop3A_108, %parallel_loop3A_110 : i32
        %parallel_loop3A_112 = arith.index_cast %parallel_loop3A_111 : i32 to index
        %parallel_loop3A_113 = tpu.vector_load %arg9[%parallel_loop3A_112] {strides = array<i32>} : memref<20064xf32, #tpu.memory_space<vmem>>, vector<16xf32>,
        %parallel_loop3A_114 = vector.shape_cast %parallel_loop3A_113 : vector<16xf32> to vector<16xf32>
        %parallel_loop3A_115 = arith.constant 0 : i32
        %parallel_loop3A_116 = vector.broadcast %parallel_loop3A_115 : i32 to vector<16x1xi32>
        %parallel_loop3A_117 = vector.shape_cast %parallel_loop3A_116 : vector<16x1xi32> to vector<16xi32>
        %parallel_loop3A_118 = tpu.dynamic_gather %parallel_loop3A_114[%parallel_loop3A_117] in [0] : vector<16xf32>, vector<16xi32> -> vector<16xf32>
        %parallel_loop3A_119 = arith.constant 16 : i32
        %parallel_loop3A_120 = arith.muli %parallel_loop3A_106, %parallel_loop3A_119 : i32
        %parallel_loop3A_121 = arith.constant 0 : i32
        %parallel_loop3A_122 = arith.addi %parallel_loop3A_120, %parallel_loop3A_121 : i32
        %parallel_loop3A_123 = arith.index_cast %parallel_loop3A_122 : i32 to index
        %parallel_loop3A_124 = arith.constant 0 : index
        %parallel_loop3A_125 = tpu.vector_load %arg10[%parallel_loop3A_123, %parallel_loop3A_124] {strides = array<i32>} : memref<48x32xi32, #tpu.memory_space<vmem>>, vector<1x16xi32>,
        %parallel_loop3A_126 = vector.shape_cast %parallel_loop3A_125 : vector<1x16xi32> to vector<16xi32>
        %parallel_loop3A_127 = arith.constant 16 : i32
        %parallel_loop3A_128 = vector.broadcast %parallel_loop3A_127 : i32 to vector<16xi32>
        %parallel_loop3A_129 = arith.shli %parallel_loop3A_126, %parallel_loop3A_128 : vector<16xi32>
        %parallel_loop3A_130 = tpu.bitcast %parallel_loop3A_129 : vector<16xi32> -> vector<16xf32>
        %parallel_loop3A_131 = arith.constant -65536 : i32
        %parallel_loop3A_132 = vector.broadcast %parallel_loop3A_131 : i32 to vector<16xi32>
        %parallel_loop3A_133 = arith.andi %parallel_loop3A_126, %parallel_loop3A_132 : vector<16xi32>
        %parallel_loop3A_134 = tpu.bitcast %parallel_loop3A_133 : vector<16xi32> -> vector<16xf32>
        %parallel_loop3A_135 = arith.mulf %parallel_loop3A_130, %parallel_loop3A_118 : vector<16xf32>
        %parallel_loop3A_136 = arith.index_cast %parallel_loop3A_122 : i32 to index
        %parallel_loop3A_137 = arith.constant 0 : index
        %parallel_loop3A_138 = tpu.vector_load %arg12[%parallel_loop3A_136, %parallel_loop3A_137] {strides = array<i32>} : memref<48x64xf32, #tpu.memory_space<vmem>>, vector<1x16xf32>,
        %parallel_loop3A_139 = vector.shape_cast %parallel_loop3A_138 : vector<1x16xf32> to vector<16xf32>
        %parallel_loop3A_140 = vector.shape_cast %parallel_loop3A_135 : vector<16xf32> to vector<1x16xf32>
        tpu.vector_store %arg12[%parallel_loop3A_136, %parallel_loop3A_137], %parallel_loop3A_140 {strides = array<i32>} : memref<48x64xf32, #tpu.memory_space<vmem>>, vector<1x16xf32>,
        %parallel_loop3A_141 = arith.mulf %parallel_loop3A_134, %parallel_loop3A_118 : vector<16xf32>
        %parallel_loop3A_142 = arith.index_cast %parallel_loop3A_122 : i32 to index
        %parallel_loop3A_143 = arith.constant 16 : index
        %parallel_loop3A_144 = tpu.vector_load %arg12[%parallel_loop3A_142, %parallel_loop3A_143] {strides = array<i32>} : memref<48x64xf32, #tpu.memory_space<vmem>>, vector<1x16xf32>,
        %parallel_loop3A_145 = vector.shape_cast %parallel_loop3A_144 : vector<1x16xf32> to vector<16xf32>
        %parallel_loop3A_146 = vector.shape_cast %parallel_loop3A_141 : vector<16xf32> to vector<1x16xf32>
        tpu.vector_store %arg12[%parallel_loop3A_142, %parallel_loop3A_143], %parallel_loop3A_146 {strides = array<i32>} : memref<48x64xf32, #tpu.memory_space<vmem>>, vector<1x16xf32>,
        %parallel_loop3A_147 = arith.index_cast %parallel_loop3A_122 : i32 to index
        %parallel_loop3A_148 = arith.constant 16 : index
        %parallel_loop3A_149 = tpu.vector_load %arg10[%parallel_loop3A_147, %parallel_loop3A_148] {strides = array<i32>} : memref<48x32xi32, #tpu.memory_space<vmem>>, vector<1x16xi32>,
        %parallel_loop3A_150 = vector.shape_cast %parallel_loop3A_149 : vector<1x16xi32> to vector<16xi32>
        %parallel_loop3A_151 = arith.constant 16 : i32
        %parallel_loop3A_152 = vector.broadcast %parallel_loop3A_151 : i32 to vector<16xi32>
        %parallel_loop3A_153 = arith.shli %parallel_loop3A_150, %parallel_loop3A_152 : vector<16xi32>
        %parallel_loop3A_154 = tpu.bitcast %parallel_loop3A_153 : vector<16xi32> -> vector<16xf32>
        %parallel_loop3A_155 = arith.constant -65536 : i32
        %parallel_loop3A_156 = vector.broadcast %parallel_loop3A_155 : i32 to vector<16xi32>
        %parallel_loop3A_157 = arith.andi %parallel_loop3A_150, %parallel_loop3A_156 : vector<16xi32>
        %parallel_loop3A_158 = tpu.bitcast %parallel_loop3A_157 : vector<16xi32> -> vector<16xf32>
        %parallel_loop3A_159 = arith.mulf %parallel_loop3A_154, %parallel_loop3A_118 : vector<16xf32>
        %parallel_loop3A_160 = arith.index_cast %parallel_loop3A_122 : i32 to index
        %parallel_loop3A_161 = arith.constant 32 : index
        %parallel_loop3A_162 = tpu.vector_load %arg12[%parallel_loop3A_160, %parallel_loop3A_161] {strides = array<i32>} : memref<48x64xf32, #tpu.memory_space<vmem>>, vector<1x16xf32>,
        %parallel_loop3A_163 = vector.shape_cast %parallel_loop3A_162 : vector<1x16xf32> to vector<16xf32>
        %parallel_loop3A_164 = vector.shape_cast %parallel_loop3A_159 : vector<16xf32> to vector<1x16xf32>
        tpu.vector_store %arg12[%parallel_loop3A_160, %parallel_loop3A_161], %parallel_loop3A_164 {strides = array<i32>} : memref<48x64xf32, #tpu.memory_space<vmem>>, vector<1x16xf32>,
        %parallel_loop3A_165 = arith.mulf %parallel_loop3A_158, %parallel_loop3A_118 : vector<16xf32>
        %parallel_loop3A_166 = arith.index_cast %parallel_loop3A_122 : i32 to index
        %parallel_loop3A_167 = arith.constant 48 : index
        %parallel_loop3A_168 = tpu.vector_load %arg12[%parallel_loop3A_166, %parallel_loop3A_167] {strides = array<i32>} : memref<48x64xf32, #tpu.memory_space<vmem>>, vector<1x16xf32>,
        %parallel_loop3A_169 = vector.shape_cast %parallel_loop3A_168 : vector<1x16xf32> to vector<16xf32>
        %parallel_loop3A_170 = vector.shape_cast %parallel_loop3A_165 : vector<16xf32> to vector<1x16xf32>
        tpu.vector_store %arg12[%parallel_loop3A_166, %parallel_loop3A_167], %parallel_loop3A_170 {strides = array<i32>} : memref<48x64xf32, #tpu.memory_space<vmem>>, vector<1x16xf32>,
        %parallel_loop3A_171 = arith.constant 1 : i32
        %parallel_loop3A_172 = vector.broadcast %parallel_loop3A_171 : i32 to vector<16x1xi32>
        %parallel_loop3A_173 = vector.shape_cast %parallel_loop3A_172 : vector<16x1xi32> to vector<16xi32>
        %parallel_loop3A_174 = tpu.dynamic_gather %parallel_loop3A_114[%parallel_loop3A_173] in [0] : vector<16xf32>, vector<16xi32> -> vector<16xf32>
        %parallel_loop3A_175 = arith.constant 16 : i32
        %parallel_loop3A_176 = arith.muli %parallel_loop3A_106, %parallel_loop3A_175 : i32
        %parallel_loop3A_177 = arith.constant 1 : i32
        %parallel_loop3A_178 = arith.addi %parallel_loop3A_176, %parallel_loop3A_177 : i32
        %parallel_loop3A_179 = arith.index_cast %parallel_loop3A_178 : i32 to index
        %parallel_loop3A_180 = arith.constant 0 : index
        %parallel_loop3A_181 = tpu.vector_load %arg10[%parallel_loop3A_179, %parallel_loop3A_180] {strides = array<i32>} : memref<48x32xi32, #tpu.memory_space<vmem>>, vector<1x16xi32>,
        %parallel_loop3A_182 = vector.shape_cast %parallel_loop3A_181 : vector<1x16xi32> to vector<16xi32>
        %parallel_loop3A_183 = arith.constant 16 : i32
        %parallel_loop3A_184 = vector.broadcast %parallel_loop3A_183 : i32 to vector<16xi32>
        %parallel_loop3A_185 = arith.shli %parallel_loop3A_182, %parallel_loop3A_184 : vector<16xi32>
        %parallel_loop3A_186 = tpu.bitcast %parallel_loop3A_185 : vector<16xi32> -> vector<16xf32>
        %parallel_loop3A_187 = arith.constant -65536 : i32
        %parallel_loop3A_188 = vector.broadcast %parallel_loop3A_187 : i32 to vector<16xi32>
        %parallel_loop3A_189 = arith.andi %parallel_loop3A_182, %parallel_loop3A_188 : vector<16xi32>
        %parallel_loop3A_190 = tpu.bitcast %parallel_loop3A_189 : vector<16xi32> -> vector<16xf32>
        %parallel_loop3A_191 = arith.mulf %parallel_loop3A_186, %parallel_loop3A_174 : vector<16xf32>
        %parallel_loop3A_192 = arith.index_cast %parallel_loop3A_178 : i32 to index
        %parallel_loop3A_193 = arith.constant 0 : index
        %parallel_loop3A_194 = tpu.vector_load %arg12[%parallel_loop3A_192, %parallel_loop3A_193] {strides = array<i32>} : memref<48x64xf32, #tpu.memory_space<vmem>>, vector<1x16xf32>,
        %parallel_loop3A_195 = vector.shape_cast %parallel_loop3A_194 : vector<1x16xf32> to vector<16xf32>
        %parallel_loop3A_196 = vector.shape_cast %parallel_loop3A_191 : vector<16xf32> to vector<1x16xf32>
        tpu.vector_store %arg12[%parallel_loop3A_192, %parallel_loop3A_193], %parallel_loop3A_196 {strides = array<i32>} : memref<48x64xf32, #tpu.memory_space<vmem>>, vector<1x16xf32>,
        %parallel_loop3A_197 = arith.mulf %parallel_loop3A_190, %parallel_loop3A_174 : vector<16xf32>
        %parallel_loop3A_198 = arith.index_cast %parallel_loop3A_178 : i32 to index
        %parallel_loop3A_199 = arith.constant 16 : index
        %parallel_loop3A_200 = tpu.vector_load %arg12[%parallel_loop3A_198, %parallel_loop3A_199] {strides = array<i32>} : memref<48x64xf32, #tpu.memory_space<vmem>>, vector<1x16xf32>,
        %parallel_loop3A_201 = vector.shape_cast %parallel_loop3A_200 : vector<1x16xf32> to vector<16xf32>
        %parallel_loop3A_202 = vector.shape_cast %parallel_loop3A_197 : vector<16xf32> to vector<1x16xf32>
        tpu.vector_store %arg12[%parallel_loop3A_198, %parallel_loop3A_199], %parallel_loop3A_202 {strides = array<i32>} : memref<48x64xf32, #tpu.memory_space<vmem>>, vector<1x16xf32>,
        %parallel_loop3A_203 = arith.index_cast %parallel_loop3A_178 : i32 to index
        %parallel_loop3A_204 = arith.constant 16 : index
        %parallel_loop3A_205 = tpu.vector_load %arg10[%parallel_loop3A_203, %parallel_loop3A_204] {strides = array<i32>} : memref<48x32xi32, #tpu.memory_space<vmem>>, vector<1x16xi32>,
        %parallel_loop3A_206 = vector.shape_cast %parallel_loop3A_205 : vector<1x16xi32> to vector<16xi32>
        %parallel_loop3A_207 = arith.constant 16 : i32
        %parallel_loop3A_208 = vector.broadcast %parallel_loop3A_207 : i32 to vector<16xi32>
        %parallel_loop3A_209 = arith.shli %parallel_loop3A_206, %parallel_loop3A_208 : vector<16xi32>
        %parallel_loop3A_210 = tpu.bitcast %parallel_loop3A_209 : vector<16xi32> -> vector<16xf32>
        %parallel_loop3A_211 = arith.constant -65536 : i32
        %parallel_loop3A_212 = vector.broadcast %parallel_loop3A_211 : i32 to vector<16xi32>
        %parallel_loop3A_213 = arith.andi %parallel_loop3A_206, %parallel_loop3A_212 : vector<16xi32>
        %parallel_loop3A_214 = tpu.bitcast %parallel_loop3A_213 : vector<16xi32> -> vector<16xf32>
        %parallel_loop3A_215 = arith.mulf %parallel_loop3A_210, %parallel_loop3A_174 : vector<16xf32>
        %parallel_loop3A_216 = arith.index_cast %parallel_loop3A_178 : i32 to index
        %parallel_loop3A_217 = arith.constant 32 : index
        %parallel_loop3A_218 = tpu.vector_load %arg12[%parallel_loop3A_216, %parallel_loop3A_217] {strides = array<i32>} : memref<48x64xf32, #tpu.memory_space<vmem>>, vector<1x16xf32>,
        %parallel_loop3A_219 = vector.shape_cast %parallel_loop3A_218 : vector<1x16xf32> to vector<16xf32>
        %parallel_loop3A_220 = vector.shape_cast %parallel_loop3A_215 : vector<16xf32> to vector<1x16xf32>
        tpu.vector_store %arg12[%parallel_loop3A_216, %parallel_loop3A_217], %parallel_loop3A_220 {strides = array<i32>} : memref<48x64xf32, #tpu.memory_space<vmem>>, vector<1x16xf32>,
        %parallel_loop3A_221 = arith.mulf %parallel_loop3A_214, %parallel_loop3A_174 : vector<16xf32>
        %parallel_loop3A_222 = arith.index_cast %parallel_loop3A_178 : i32 to index
        %parallel_loop3A_223 = arith.constant 48 : index
        %parallel_loop3A_224 = tpu.vector_load %arg12[%parallel_loop3A_222, %parallel_loop3A_223] {strides = array<i32>} : memref<48x64xf32, #tpu.memory_space<vmem>>, vector<1x16xf32>,
        %parallel_loop3A_225 = vector.shape_cast %parallel_loop3A_224 : vector<1x16xf32> to vector<16xf32>
        %parallel_loop3A_226 = vector.shape_cast %parallel_loop3A_221 : vector<16xf32> to vector<1x16xf32>
        tpu.vector_store %arg12[%parallel_loop3A_222, %parallel_loop3A_223], %parallel_loop3A_226 {strides = array<i32>} : memref<48x64xf32, #tpu.memory_space<vmem>>, vector<1x16xf32>,
        %parallel_loop3A_227 = arith.constant 2 : i32
        %parallel_loop3A_228 = vector.broadcast %parallel_loop3A_227 : i32 to vector<16x1xi32>
        %parallel_loop3A_229 = vector.shape_cast %parallel_loop3A_228 : vector<16x1xi32> to vector<16xi32>
        %parallel_loop3A_230 = tpu.dynamic_gather %parallel_loop3A_114[%parallel_loop3A_229] in [0] : vector<16xf32>, vector<16xi32> -> vector<16xf32>
        %parallel_loop3A_231 = arith.constant 16 : i32
        %parallel_loop3A_232 = arith.muli %parallel_loop3A_106, %parallel_loop3A_231 : i32
        %parallel_loop3A_233 = arith.constant 2 : i32
        %parallel_loop3A_234 = arith.addi %parallel_loop3A_232, %parallel_loop3A_233 : i32
        %parallel_loop3A_235 = arith.index_cast %parallel_loop3A_234 : i32 to index
        %parallel_loop3A_236 = arith.constant 0 : index
        %parallel_loop3A_237 = tpu.vector_load %arg10[%parallel_loop3A_235, %parallel_loop3A_236] {strides = array<i32>} : memref<48x32xi32, #tpu.memory_space<vmem>>, vector<1x16xi32>,
        %parallel_loop3A_238 = vector.shape_cast %parallel_loop3A_237 : vector<1x16xi32> to vector<16xi32>
        %parallel_loop3A_239 = arith.constant 16 : i32
        %parallel_loop3A_240 = vector.broadcast %parallel_loop3A_239 : i32 to vector<16xi32>
        %parallel_loop3A_241 = arith.shli %parallel_loop3A_238, %parallel_loop3A_240 : vector<16xi32>
        %parallel_loop3A_242 = tpu.bitcast %parallel_loop3A_241 : vector<16xi32> -> vector<16xf32>
        %parallel_loop3A_243 = arith.constant -65536 : i32
        %parallel_loop3A_244 = vector.broadcast %parallel_loop3A_243 : i32 to vector<16xi32>
        %parallel_loop3A_245 = arith.andi %parallel_loop3A_238, %parallel_loop3A_244 : vector<16xi32>
        %parallel_loop3A_246 = tpu.bitcast %parallel_loop3A_245 : vector<16xi32> -> vector<16xf32>
        %parallel_loop3A_247 = arith.mulf %parallel_loop3A_242, %parallel_loop3A_230 : vector<16xf32>
        %parallel_loop3A_248 = arith.index_cast %parallel_loop3A_234 : i32 to index
        %parallel_loop3A_249 = arith.constant 0 : index
        %parallel_loop3A_250 = tpu.vector_load %arg12[%parallel_loop3A_248, %parallel_loop3A_249] {strides = array<i32>} : memref<48x64xf32, #tpu.memory_space<vmem>>, vector<1x16xf32>,
        %parallel_loop3A_251 = vector.shape_cast %parallel_loop3A_250 : vector<1x16xf32> to vector<16xf32>
        %parallel_loop3A_252 = vector.shape_cast %parallel_loop3A_247 : vector<16xf32> to vector<1x16xf32>
        tpu.vector_store %arg12[%parallel_loop3A_248, %parallel_loop3A_249], %parallel_loop3A_252 {strides = array<i32>} : memref<48x64xf32, #tpu.memory_space<vmem>>, vector<1x16xf32>,
        %parallel_loop3A_253 = arith.mulf %parallel_loop3A_246, %parallel_loop3A_230 : vector<16xf32>
        %parallel_loop3A_254 = arith.index_cast %parallel_loop3A_234 : i32 to index
        %parallel_loop3A_255 = arith.constant 16 : index
        %parallel_loop3A_256 = tpu.vector_load %arg12[%parallel_loop3A_254, %parallel_loop3A_255] {strides = array<i32>} : memref<48x64xf32, #tpu.memory_space<vmem>>, vector<1x16xf32>,
        %parallel_loop3A_257 = vector.shape_cast %parallel_loop3A_256 : vector<1x16xf32> to vector<16xf32>
        %parallel_loop3A_258 = vector.shape_cast %parallel_loop3A_253 : vector<16xf32> to vector<1x16xf32>
        tpu.vector_store %arg12[%parallel_loop3A_254, %parallel_loop3A_255], %parallel_loop3A_258 {strides = array<i32>} : memref<48x64xf32, #tpu.memory_space<vmem>>, vector<1x16xf32>,
        %parallel_loop3A_259 = arith.index_cast %parallel_loop3A_234 : i32 to index
        %parallel_loop3A_260 = arith.constant 16 : index
        %parallel_loop3A_261 = tpu.vector_load %arg10[%parallel_loop3A_259, %parallel_loop3A_260] {strides = array<i32>} : memref<48x32xi32, #tpu.memory_space<vmem>>, vector<1x16xi32>,
        %parallel_loop3A_262 = vector.shape_cast %parallel_loop3A_261 : vector<1x16xi32> to vector<16xi32>
        %parallel_loop3A_263 = arith.constant 16 : i32
        %parallel_loop3A_264 = vector.broadcast %parallel_loop3A_263 : i32 to vector<16xi32>
        %parallel_loop3A_265 = arith.shli %parallel_loop3A_262, %parallel_loop3A_264 : vector<16xi32>
        %parallel_loop3A_266 = tpu.bitcast %parallel_loop3A_265 : vector<16xi32> -> vector<16xf32>
        %parallel_loop3A_267 = arith.constant -65536 : i32
        %parallel_loop3A_268 = vector.broadcast %parallel_loop3A_267 : i32 to vector<16xi32>
        %parallel_loop3A_269 = arith.andi %parallel_loop3A_262, %parallel_loop3A_268 : vector<16xi32>
        %parallel_loop3A_270 = tpu.bitcast %parallel_loop3A_269 : vector<16xi32> -> vector<16xf32>
        %parallel_loop3A_271 = arith.mulf %parallel_loop3A_266, %parallel_loop3A_230 : vector<16xf32>
        %parallel_loop3A_272 = arith.index_cast %parallel_loop3A_234 : i32 to index
        %parallel_loop3A_273 = arith.constant 32 : index
        %parallel_loop3A_274 = tpu.vector_load %arg12[%parallel_loop3A_272, %parallel_loop3A_273] {strides = array<i32>} : memref<48x64xf32, #tpu.memory_space<vmem>>, vector<1x16xf32>,
        %parallel_loop3A_275 = vector.shape_cast %parallel_loop3A_274 : vector<1x16xf32> to vector<16xf32>
        %parallel_loop3A_276 = vector.shape_cast %parallel_loop3A_271 : vector<16xf32> to vector<1x16xf32>
        tpu.vector_store %arg12[%parallel_loop3A_272, %parallel_loop3A_273], %parallel_loop3A_276 {strides = array<i32>} : memref<48x64xf32, #tpu.memory_space<vmem>>, vector<1x16xf32>,
        %parallel_loop3A_277 = arith.mulf %parallel_loop3A_270, %parallel_loop3A_230 : vector<16xf32>
        %parallel_loop3A_278 = arith.index_cast %parallel_loop3A_234 : i32 to index
        %parallel_loop3A_279 = arith.constant 48 : index
        %parallel_loop3A_280 = tpu.vector_load %arg12[%parallel_loop3A_278, %parallel_loop3A_279] {strides = array<i32>} : memref<48x64xf32, #tpu.memory_space<vmem>>, vector<1x16xf32>,
        %parallel_loop3A_281 = vector.shape_cast %parallel_loop3A_280 : vector<1x16xf32> to vector<16xf32>
        %parallel_loop3A_282 = vector.shape_cast %parallel_loop3A_277 : vector<16xf32> to vector<1x16xf32>
        tpu.vector_store %arg12[%parallel_loop3A_278, %parallel_loop3A_279], %parallel_loop3A_282 {strides = array<i32>} : memref<48x64xf32, #tpu.memory_space<vmem>>, vector<1x16xf32>,
        %parallel_loop3A_283 = arith.constant 3 : i32
        %parallel_loop3A_284 = vector.broadcast %parallel_loop3A_283 : i32 to vector<16x1xi32>
        %parallel_loop3A_285 = vector.shape_cast %parallel_loop3A_284 : vector<16x1xi32> to vector<16xi32>
        %parallel_loop3A_286 = tpu.dynamic_gather %parallel_loop3A_114[%parallel_loop3A_285] in [0] : vector<16xf32>, vector<16xi32> -> vector<16xf32>
        %parallel_loop3A_287 = arith.constant 16 : i32
        %parallel_loop3A_288 = arith.muli %parallel_loop3A_106, %parallel_loop3A_287 : i32
        %parallel_loop3A_289 = arith.constant 3 : i32
        %parallel_loop3A_290 = arith.addi %parallel_loop3A_288, %parallel_loop3A_289 : i32
        %parallel_loop3A_291 = arith.index_cast %parallel_loop3A_290 : i32 to index
        %parallel_loop3A_292 = arith.constant 0 : index
        %parallel_loop3A_293 = tpu.vector_load %arg10[%parallel_loop3A_291, %parallel_loop3A_292] {strides = array<i32>} : memref<48x32xi32, #tpu.memory_space<vmem>>, vector<1x16xi32>,
        %parallel_loop3A_294 = vector.shape_cast %parallel_loop3A_293 : vector<1x16xi32> to vector<16xi32>
        %parallel_loop3A_295 = arith.constant 16 : i32
        %parallel_loop3A_296 = vector.broadcast %parallel_loop3A_295 : i32 to vector<16xi32>
        %parallel_loop3A_297 = arith.shli %parallel_loop3A_294, %parallel_loop3A_296 : vector<16xi32>
        %parallel_loop3A_298 = tpu.bitcast %parallel_loop3A_297 : vector<16xi32> -> vector<16xf32>
        %parallel_loop3A_299 = arith.constant -65536 : i32
        %parallel_loop3A_300 = vector.broadcast %parallel_loop3A_299 : i32 to vector<16xi32>
        %parallel_loop3A_301 = arith.andi %parallel_loop3A_294, %parallel_loop3A_300 : vector<16xi32>
        %parallel_loop3A_302 = tpu.bitcast %parallel_loop3A_301 : vector<16xi32> -> vector<16xf32>
        %parallel_loop3A_303 = arith.mulf %parallel_loop3A_298, %parallel_loop3A_286 : vector<16xf32>
        %parallel_loop3A_304 = arith.index_cast %parallel_loop3A_290 : i32 to index
        %parallel_loop3A_305 = arith.constant 0 : index
        %parallel_loop3A_306 = tpu.vector_load %arg12[%parallel_loop3A_304, %parallel_loop3A_305] {strides = array<i32>} : memref<48x64xf32, #tpu.memory_space<vmem>>, vector<1x16xf32>,
        %parallel_loop3A_307 = vector.shape_cast %parallel_loop3A_306 : vector<1x16xf32> to vector<16xf32>
        %parallel_loop3A_308 = vector.shape_cast %parallel_loop3A_303 : vector<16xf32> to vector<1x16xf32>
        tpu.vector_store %arg12[%parallel_loop3A_304, %parallel_loop3A_305], %parallel_loop3A_308 {strides = array<i32>} : memref<48x64xf32, #tpu.memory_space<vmem>>, vector<1x16xf32>,
        %parallel_loop3A_309 = arith.mulf %parallel_loop3A_302, %parallel_loop3A_286 : vector<16xf32>
        %parallel_loop3A_310 = arith.index_cast %parallel_loop3A_290 : i32 to index
        %parallel_loop3A_311 = arith.constant 16 : index
        %parallel_loop3A_312 = tpu.vector_load %arg12[%parallel_loop3A_310, %parallel_loop3A_311] {strides = array<i32>} : memref<48x64xf32, #tpu.memory_space<vmem>>, vector<1x16xf32>,
        %parallel_loop3A_313 = vector.shape_cast %parallel_loop3A_312 : vector<1x16xf32> to vector<16xf32>
        %parallel_loop3A_314 = vector.shape_cast %parallel_loop3A_309 : vector<16xf32> to vector<1x16xf32>
        tpu.vector_store %arg12[%parallel_loop3A_310, %parallel_loop3A_311], %parallel_loop3A_314 {strides = array<i32>} : memref<48x64xf32, #tpu.memory_space<vmem>>, vector<1x16xf32>,
        %parallel_loop3A_315 = arith.index_cast %parallel_loop3A_290 : i32 to index
        %parallel_loop3A_316 = arith.constant 16 : index
        %parallel_loop3A_317 = tpu.vector_load %arg10[%parallel_loop3A_315, %parallel_loop3A_316] {strides = array<i32>} : memref<48x32xi32, #tpu.memory_space<vmem>>, vector<1x16xi32>,
        %parallel_loop3A_318 = vector.shape_cast %parallel_loop3A_317 : vector<1x16xi32> to vector<16xi32>
        %parallel_loop3A_319 = arith.constant 16 : i32
        %parallel_loop3A_320 = vector.broadcast %parallel_loop3A_319 : i32 to vector<16xi32>
        %parallel_loop3A_321 = arith.shli %parallel_loop3A_318, %parallel_loop3A_320 : vector<16xi32>
        %parallel_loop3A_322 = tpu.bitcast %parallel_loop3A_321 : vector<16xi32> -> vector<16xf32>
        %parallel_loop3A_323 = arith.constant -65536 : i32
        %parallel_loop3A_324 = vector.broadcast %parallel_loop3A_323 : i32 to vector<16xi32>
        %parallel_loop3A_325 = arith.andi %parallel_loop3A_318, %parallel_loop3A_324 : vector<16xi32>
        %parallel_loop3A_326 = tpu.bitcast %parallel_loop3A_325 : vector<16xi32> -> vector<16xf32>
        %parallel_loop3A_327 = arith.mulf %parallel_loop3A_322, %parallel_loop3A_286 : vector<16xf32>
        %parallel_loop3A_328 = arith.index_cast %parallel_loop3A_290 : i32 to index
        %parallel_loop3A_329 = arith.constant 32 : index
        %parallel_loop3A_330 = tpu.vector_load %arg12[%parallel_loop3A_328, %parallel_loop3A_329] {strides = array<i32>} : memref<48x64xf32, #tpu.memory_space<vmem>>, vector<1x16xf32>,
        %parallel_loop3A_331 = vector.shape_cast %parallel_loop3A_330 : vector<1x16xf32> to vector<16xf32>
        %parallel_loop3A_332 = vector.shape_cast %parallel_loop3A_327 : vector<16xf32> to vector<1x16xf32>
        tpu.vector_store %arg12[%parallel_loop3A_328, %parallel_loop3A_329], %parallel_loop3A_332 {strides = array<i32>} : memref<48x64xf32, #tpu.memory_space<vmem>>, vector<1x16xf32>,
        %parallel_loop3A_333 = arith.mulf %parallel_loop3A_326, %parallel_loop3A_286 : vector<16xf32>
        %parallel_loop3A_334 = arith.index_cast %parallel_loop3A_290 : i32 to index
        %parallel_loop3A_335 = arith.constant 48 : index
        %parallel_loop3A_336 = tpu.vector_load %arg12[%parallel_loop3A_334, %parallel_loop3A_335] {strides = array<i32>} : memref<48x64xf32, #tpu.memory_space<vmem>>, vector<1x16xf32>,
        %parallel_loop3A_337 = vector.shape_cast %parallel_loop3A_336 : vector<1x16xf32> to vector<16xf32>
        %parallel_loop3A_338 = vector.shape_cast %parallel_loop3A_333 : vector<16xf32> to vector<1x16xf32>
        tpu.vector_store %arg12[%parallel_loop3A_334, %parallel_loop3A_335], %parallel_loop3A_338 {strides = array<i32>} : memref<48x64xf32, #tpu.memory_space<vmem>>, vector<1x16xf32>,
        %parallel_loop3A_339 = arith.constant 4 : i32
        %parallel_loop3A_340 = vector.broadcast %parallel_loop3A_339 : i32 to vector<16x1xi32>
        %parallel_loop3A_341 = vector.shape_cast %parallel_loop3A_340 : vector<16x1xi32> to vector<16xi32>
        %parallel_loop3A_342 = tpu.dynamic_gather %parallel_loop3A_114[%parallel_loop3A_341] in [0] : vector<16xf32>, vector<16xi32> -> vector<16xf32>
        %parallel_loop3A_343 = arith.constant 16 : i32
        %parallel_loop3A_344 = arith.muli %parallel_loop3A_106, %parallel_loop3A_343 : i32
        %parallel_loop3A_345 = arith.constant 4 : i32
        %parallel_loop3A_346 = arith.addi %parallel_loop3A_344, %parallel_loop3A_345 : i32
        %parallel_loop3A_347 = arith.index_cast %parallel_loop3A_346 : i32 to index
        %parallel_loop3A_348 = arith.constant 0 : index
        %parallel_loop3A_349 = tpu.vector_load %arg10[%parallel_loop3A_347, %parallel_loop3A_348] {strides = array<i32>} : memref<48x32xi32, #tpu.memory_space<vmem>>, vector<1x16xi32>,
        %parallel_loop3A_350 = vector.shape_cast %parallel_loop3A_349 : vector<1x16xi32> to vector<16xi32>
        %parallel_loop3A_351 = arith.constant 16 : i32
        %parallel_loop3A_352 = vector.broadcast %parallel_loop3A_351 : i32 to vector<16xi32>
        %parallel_loop3A_353 = arith.shli %parallel_loop3A_350, %parallel_loop3A_352 : vector<16xi32>
        %parallel_loop3A_354 = tpu.bitcast %parallel_loop3A_353 : vector<16xi32> -> vector<16xf32>
        %parallel_loop3A_355 = arith.constant -65536 : i32
        %parallel_loop3A_356 = vector.broadcast %parallel_loop3A_355 : i32 to vector<16xi32>
        %parallel_loop3A_357 = arith.andi %parallel_loop3A_350, %parallel_loop3A_356 : vector<16xi32>
        %parallel_loop3A_358 = tpu.bitcast %parallel_loop3A_357 : vector<16xi32> -> vector<16xf32>
        %parallel_loop3A_359 = arith.mulf %parallel_loop3A_354, %parallel_loop3A_342 : vector<16xf32>
        %parallel_loop3A_360 = arith.index_cast %parallel_loop3A_346 : i32 to index
        %parallel_loop3A_361 = arith.constant 0 : index
        %parallel_loop3A_362 = tpu.vector_load %arg12[%parallel_loop3A_360, %parallel_loop3A_361] {strides = array<i32>} : memref<48x64xf32, #tpu.memory_space<vmem>>, vector<1x16xf32>,
        %parallel_loop3A_363 = vector.shape_cast %parallel_loop3A_362 : vector<1x16xf32> to vector<16xf32>
        %parallel_loop3A_364 = vector.shape_cast %parallel_loop3A_359 : vector<16xf32> to vector<1x16xf32>
        tpu.vector_store %arg12[%parallel_loop3A_360, %parallel_loop3A_361], %parallel_loop3A_364 {strides = array<i32>} : memref<48x64xf32, #tpu.memory_space<vmem>>, vector<1x16xf32>,
        %parallel_loop3A_365 = arith.mulf %parallel_loop3A_358, %parallel_loop3A_342 : vector<16xf32>
        %parallel_loop3A_366 = arith.index_cast %parallel_loop3A_346 : i32 to index
        %parallel_loop3A_367 = arith.constant 16 : index
        %parallel_loop3A_368 = tpu.vector_load %arg12[%parallel_loop3A_366, %parallel_loop3A_367] {strides = array<i32>} : memref<48x64xf32, #tpu.memory_space<vmem>>, vector<1x16xf32>,
        %parallel_loop3A_369 = vector.shape_cast %parallel_loop3A_368 : vector<1x16xf32> to vector<16xf32>
        %parallel_loop3A_370 = vector.shape_cast %parallel_loop3A_365 : vector<16xf32> to vector<1x16xf32>
        tpu.vector_store %arg12[%parallel_loop3A_366, %parallel_loop3A_367], %parallel_loop3A_370 {strides = array<i32>} : memref<48x64xf32, #tpu.memory_space<vmem>>, vector<1x16xf32>,
        %parallel_loop3A_371 = arith.index_cast %parallel_loop3A_346 : i32 to index
        %parallel_loop3A_372 = arith.constant 16 : index
        %parallel_loop3A_373 = tpu.vector_load %arg10[%parallel_loop3A_371, %parallel_loop3A_372] {strides = array<i32>} : memref<48x32xi32, #tpu.memory_space<vmem>>, vector<1x16xi32>,
        %parallel_loop3A_374 = vector.shape_cast %parallel_loop3A_373 : vector<1x16xi32> to vector<16xi32>
        %parallel_loop3A_375 = arith.constant 16 : i32
        %parallel_loop3A_376 = vector.broadcast %parallel_loop3A_375 : i32 to vector<16xi32>
        %parallel_loop3A_377 = arith.shli %parallel_loop3A_374, %parallel_loop3A_376 : vector<16xi32>
        %parallel_loop3A_378 = tpu.bitcast %parallel_loop3A_377 : vector<16xi32> -> vector<16xf32>
        %parallel_loop3A_379 = arith.constant -65536 : i32
        %parallel_loop3A_380 = vector.broadcast %parallel_loop3A_379 : i32 to vector<16xi32>
        %parallel_loop3A_381 = arith.andi %parallel_loop3A_374, %parallel_loop3A_380 : vector<16xi32>
        %parallel_loop3A_382 = tpu.bitcast %parallel_loop3A_381 : vector<16xi32> -> vector<16xf32>
        %parallel_loop3A_383 = arith.mulf %parallel_loop3A_378, %parallel_loop3A_342 : vector<16xf32>
        %parallel_loop3A_384 = arith.index_cast %parallel_loop3A_346 : i32 to index
        %parallel_loop3A_385 = arith.constant 32 : index
        %parallel_loop3A_386 = tpu.vector_load %arg12[%parallel_loop3A_384, %parallel_loop3A_385] {strides = array<i32>} : memref<48x64xf32, #tpu.memory_space<vmem>>, vector<1x16xf32>,
        %parallel_loop3A_387 = vector.shape_cast %parallel_loop3A_386 : vector<1x16xf32> to vector<16xf32>
        %parallel_loop3A_388 = vector.shape_cast %parallel_loop3A_383 : vector<16xf32> to vector<1x16xf32>
        tpu.vector_store %arg12[%parallel_loop3A_384, %parallel_loop3A_385], %parallel_loop3A_388 {strides = array<i32>} : memref<48x64xf32, #tpu.memory_space<vmem>>, vector<1x16xf32>,
        %parallel_loop3A_389 = arith.mulf %parallel_loop3A_382, %parallel_loop3A_342 : vector<16xf32>
        %parallel_loop3A_390 = arith.index_cast %parallel_loop3A_346 : i32 to index
        %parallel_loop3A_391 = arith.constant 48 : index
        %parallel_loop3A_392 = tpu.vector_load %arg12[%parallel_loop3A_390, %parallel_loop3A_391] {strides = array<i32>} : memref<48x64xf32, #tpu.memory_space<vmem>>, vector<1x16xf32>,
        %parallel_loop3A_393 = vector.shape_cast %parallel_loop3A_392 : vector<1x16xf32> to vector<16xf32>
        %parallel_loop3A_394 = vector.shape_cast %parallel_loop3A_389 : vector<16xf32> to vector<1x16xf32>
        tpu.vector_store %arg12[%parallel_loop3A_390, %parallel_loop3A_391], %parallel_loop3A_394 {strides = array<i32>} : memref<48x64xf32, #tpu.memory_space<vmem>>, vector<1x16xf32>,
        %parallel_loop3A_395 = arith.constant 5 : i32
        %parallel_loop3A_396 = vector.broadcast %parallel_loop3A_395 : i32 to vector<16x1xi32>
        %parallel_loop3A_397 = vector.shape_cast %parallel_loop3A_396 : vector<16x1xi32> to vector<16xi32>
        %parallel_loop3A_398 = tpu.dynamic_gather %parallel_loop3A_114[%parallel_loop3A_397] in [0] : vector<16xf32>, vector<16xi32> -> vector<16xf32>
        %parallel_loop3A_399 = arith.constant 16 : i32
        %parallel_loop3A_400 = arith.muli %parallel_loop3A_106, %parallel_loop3A_399 : i32
        %parallel_loop3A_401 = arith.constant 5 : i32
        %parallel_loop3A_402 = arith.addi %parallel_loop3A_400, %parallel_loop3A_401 : i32
        %parallel_loop3A_403 = arith.index_cast %parallel_loop3A_402 : i32 to index
        %parallel_loop3A_404 = arith.constant 0 : index
        %parallel_loop3A_405 = tpu.vector_load %arg10[%parallel_loop3A_403, %parallel_loop3A_404] {strides = array<i32>} : memref<48x32xi32, #tpu.memory_space<vmem>>, vector<1x16xi32>,
        %parallel_loop3A_406 = vector.shape_cast %parallel_loop3A_405 : vector<1x16xi32> to vector<16xi32>
        %parallel_loop3A_407 = arith.constant 16 : i32
        %parallel_loop3A_408 = vector.broadcast %parallel_loop3A_407 : i32 to vector<16xi32>
        %parallel_loop3A_409 = arith.shli %parallel_loop3A_406, %parallel_loop3A_408 : vector<16xi32>
        %parallel_loop3A_410 = tpu.bitcast %parallel_loop3A_409 : vector<16xi32> -> vector<16xf32>
        %parallel_loop3A_411 = arith.constant -65536 : i32
        %parallel_loop3A_412 = vector.broadcast %parallel_loop3A_411 : i32 to vector<16xi32>
        %parallel_loop3A_413 = arith.andi %parallel_loop3A_406, %parallel_loop3A_412 : vector<16xi32>
        %parallel_loop3A_414 = tpu.bitcast %parallel_loop3A_413 : vector<16xi32> -> vector<16xf32>
        %parallel_loop3A_415 = arith.mulf %parallel_loop3A_410, %parallel_loop3A_398 : vector<16xf32>
        %parallel_loop3A_416 = arith.index_cast %parallel_loop3A_402 : i32 to index
        %parallel_loop3A_417 = arith.constant 0 : index
        %parallel_loop3A_418 = tpu.vector_load %arg12[%parallel_loop3A_416, %parallel_loop3A_417] {strides = array<i32>} : memref<48x64xf32, #tpu.memory_space<vmem>>, vector<1x16xf32>,
        %parallel_loop3A_419 = vector.shape_cast %parallel_loop3A_418 : vector<1x16xf32> to vector<16xf32>
        %parallel_loop3A_420 = vector.shape_cast %parallel_loop3A_415 : vector<16xf32> to vector<1x16xf32>
        tpu.vector_store %arg12[%parallel_loop3A_416, %parallel_loop3A_417], %parallel_loop3A_420 {strides = array<i32>} : memref<48x64xf32, #tpu.memory_space<vmem>>, vector<1x16xf32>,
        %parallel_loop3A_421 = arith.mulf %parallel_loop3A_414, %parallel_loop3A_398 : vector<16xf32>
        %parallel_loop3A_422 = arith.index_cast %parallel_loop3A_402 : i32 to index
        %parallel_loop3A_423 = arith.constant 16 : index
        %parallel_loop3A_424 = tpu.vector_load %arg12[%parallel_loop3A_422, %parallel_loop3A_423] {strides = array<i32>} : memref<48x64xf32, #tpu.memory_space<vmem>>, vector<1x16xf32>,
        %parallel_loop3A_425 = vector.shape_cast %parallel_loop3A_424 : vector<1x16xf32> to vector<16xf32>
        %parallel_loop3A_426 = vector.shape_cast %parallel_loop3A_421 : vector<16xf32> to vector<1x16xf32>
        tpu.vector_store %arg12[%parallel_loop3A_422, %parallel_loop3A_423], %parallel_loop3A_426 {strides = array<i32>} : memref<48x64xf32, #tpu.memory_space<vmem>>, vector<1x16xf32>,
        %parallel_loop3A_427 = arith.index_cast %parallel_loop3A_402 : i32 to index
        %parallel_loop3A_428 = arith.constant 16 : index
        %parallel_loop3A_429 = tpu.vector_load %arg10[%parallel_loop3A_427, %parallel_loop3A_428] {strides = array<i32>} : memref<48x32xi32, #tpu.memory_space<vmem>>, vector<1x16xi32>,
        %parallel_loop3A_430 = vector.shape_cast %parallel_loop3A_429 : vector<1x16xi32> to vector<16xi32>
        %parallel_loop3A_431 = arith.constant 16 : i32
        %parallel_loop3A_432 = vector.broadcast %parallel_loop3A_431 : i32 to vector<16xi32>
        %parallel_loop3A_433 = arith.shli %parallel_loop3A_430, %parallel_loop3A_432 : vector<16xi32>
        %parallel_loop3A_434 = tpu.bitcast %parallel_loop3A_433 : vector<16xi32> -> vector<16xf32>
        %parallel_loop3A_435 = arith.constant -65536 : i32
        %parallel_loop3A_436 = vector.broadcast %parallel_loop3A_435 : i32 to vector<16xi32>
        %parallel_loop3A_437 = arith.andi %parallel_loop3A_430, %parallel_loop3A_436 : vector<16xi32>
        %parallel_loop3A_438 = tpu.bitcast %parallel_loop3A_437 : vector<16xi32> -> vector<16xf32>
        %parallel_loop3A_439 = arith.mulf %parallel_loop3A_434, %parallel_loop3A_398 : vector<16xf32>
        %parallel_loop3A_440 = arith.index_cast %parallel_loop3A_402 : i32 to index
        %parallel_loop3A_441 = arith.constant 32 : index
        %parallel_loop3A_442 = tpu.vector_load %arg12[%parallel_loop3A_440, %parallel_loop3A_441] {strides = array<i32>} : memref<48x64xf32, #tpu.memory_space<vmem>>, vector<1x16xf32>,
        %parallel_loop3A_443 = vector.shape_cast %parallel_loop3A_442 : vector<1x16xf32> to vector<16xf32>
        %parallel_loop3A_444 = vector.shape_cast %parallel_loop3A_439 : vector<16xf32> to vector<1x16xf32>
        tpu.vector_store %arg12[%parallel_loop3A_440, %parallel_loop3A_441], %parallel_loop3A_444 {strides = array<i32>} : memref<48x64xf32, #tpu.memory_space<vmem>>, vector<1x16xf32>,
        %parallel_loop3A_445 = arith.mulf %parallel_loop3A_438, %parallel_loop3A_398 : vector<16xf32>
        %parallel_loop3A_446 = arith.index_cast %parallel_loop3A_402 : i32 to index
        %parallel_loop3A_447 = arith.constant 48 : index
        %parallel_loop3A_448 = tpu.vector_load %arg12[%parallel_loop3A_446, %parallel_loop3A_447] {strides = array<i32>} : memref<48x64xf32, #tpu.memory_space<vmem>>, vector<1x16xf32>,
        %parallel_loop3A_449 = vector.shape_cast %parallel_loop3A_448 : vector<1x16xf32> to vector<16xf32>
        %parallel_loop3A_450 = vector.shape_cast %parallel_loop3A_445 : vector<16xf32> to vector<1x16xf32>
        tpu.vector_store %arg12[%parallel_loop3A_446, %parallel_loop3A_447], %parallel_loop3A_450 {strides = array<i32>} : memref<48x64xf32, #tpu.memory_space<vmem>>, vector<1x16xf32>,
        %parallel_loop3A_451 = arith.constant 6 : i32
        %parallel_loop3A_452 = vector.broadcast %parallel_loop3A_451 : i32 to vector<16x1xi32>
        %parallel_loop3A_453 = vector.shape_cast %parallel_loop3A_452 : vector<16x1xi32> to vector<16xi32>
        %parallel_loop3A_454 = tpu.dynamic_gather %parallel_loop3A_114[%parallel_loop3A_453] in [0] : vector<16xf32>, vector<16xi32> -> vector<16xf32>
        %parallel_loop3A_455 = arith.constant 16 : i32
        %parallel_loop3A_456 = arith.muli %parallel_loop3A_106, %parallel_loop3A_455 : i32
        %parallel_loop3A_457 = arith.constant 6 : i32
        %parallel_loop3A_458 = arith.addi %parallel_loop3A_456, %parallel_loop3A_457 : i32
        %parallel_loop3A_459 = arith.index_cast %parallel_loop3A_458 : i32 to index
        %parallel_loop3A_460 = arith.constant 0 : index
        %parallel_loop3A_461 = tpu.vector_load %arg10[%parallel_loop3A_459, %parallel_loop3A_460] {strides = array<i32>} : memref<48x32xi32, #tpu.memory_space<vmem>>, vector<1x16xi32>,
        %parallel_loop3A_462 = vector.shape_cast %parallel_loop3A_461 : vector<1x16xi32> to vector<16xi32>
        %parallel_loop3A_463 = arith.constant 16 : i32
        %parallel_loop3A_464 = vector.broadcast %parallel_loop3A_463 : i32 to vector<16xi32>
        %parallel_loop3A_465 = arith.shli %parallel_loop3A_462, %parallel_loop3A_464 : vector<16xi32>
        %parallel_loop3A_466 = tpu.bitcast %parallel_loop3A_465 : vector<16xi32> -> vector<16xf32>
        %parallel_loop3A_467 = arith.constant -65536 : i32
        %parallel_loop3A_468 = vector.broadcast %parallel_loop3A_467 : i32 to vector<16xi32>
        %parallel_loop3A_469 = arith.andi %parallel_loop3A_462, %parallel_loop3A_468 : vector<16xi32>
        %parallel_loop3A_470 = tpu.bitcast %parallel_loop3A_469 : vector<16xi32> -> vector<16xf32>
        %parallel_loop3A_471 = arith.mulf %parallel_loop3A_466, %parallel_loop3A_454 : vector<16xf32>
        %parallel_loop3A_472 = arith.index_cast %parallel_loop3A_458 : i32 to index
        %parallel_loop3A_473 = arith.constant 0 : index
        %parallel_loop3A_474 = tpu.vector_load %arg12[%parallel_loop3A_472, %parallel_loop3A_473] {strides = array<i32>} : memref<48x64xf32, #tpu.memory_space<vmem>>, vector<1x16xf32>,
        %parallel_loop3A_475 = vector.shape_cast %parallel_loop3A_474 : vector<1x16xf32> to vector<16xf32>
        %parallel_loop3A_476 = vector.shape_cast %parallel_loop3A_471 : vector<16xf32> to vector<1x16xf32>
        tpu.vector_store %arg12[%parallel_loop3A_472, %parallel_loop3A_473], %parallel_loop3A_476 {strides = array<i32>} : memref<48x64xf32, #tpu.memory_space<vmem>>, vector<1x16xf32>,
        %parallel_loop3A_477 = arith.mulf %parallel_loop3A_470, %parallel_loop3A_454 : vector<16xf32>
        %parallel_loop3A_478 = arith.index_cast %parallel_loop3A_458 : i32 to index
        %parallel_loop3A_479 = arith.constant 16 : index
        %parallel_loop3A_480 = tpu.vector_load %arg12[%parallel_loop3A_478, %parallel_loop3A_479] {strides = array<i32>} : memref<48x64xf32, #tpu.memory_space<vmem>>, vector<1x16xf32>,
        %parallel_loop3A_481 = vector.shape_cast %parallel_loop3A_480 : vector<1x16xf32> to vector<16xf32>
        %parallel_loop3A_482 = vector.shape_cast %parallel_loop3A_477 : vector<16xf32> to vector<1x16xf32>
        tpu.vector_store %arg12[%parallel_loop3A_478, %parallel_loop3A_479], %parallel_loop3A_482 {strides = array<i32>} : memref<48x64xf32, #tpu.memory_space<vmem>>, vector<1x16xf32>,
        %parallel_loop3A_483 = arith.index_cast %parallel_loop3A_458 : i32 to index
        %parallel_loop3A_484 = arith.constant 16 : index
        %parallel_loop3A_485 = tpu.vector_load %arg10[%parallel_loop3A_483, %parallel_loop3A_484] {strides = array<i32>} : memref<48x32xi32, #tpu.memory_space<vmem>>, vector<1x16xi32>,
        %parallel_loop3A_486 = vector.shape_cast %parallel_loop3A_485 : vector<1x16xi32> to vector<16xi32>
        %parallel_loop3A_487 = arith.constant 16 : i32
        %parallel_loop3A_488 = vector.broadcast %parallel_loop3A_487 : i32 to vector<16xi32>
        %parallel_loop3A_489 = arith.shli %parallel_loop3A_486, %parallel_loop3A_488 : vector<16xi32>
        %parallel_loop3A_490 = tpu.bitcast %parallel_loop3A_489 : vector<16xi32> -> vector<16xf32>
        %parallel_loop3A_491 = arith.constant -65536 : i32
        %parallel_loop3A_492 = vector.broadcast %parallel_loop3A_491 : i32 to vector<16xi32>
        %parallel_loop3A_493 = arith.andi %parallel_loop3A_486, %parallel_loop3A_492 : vector<16xi32>
        %parallel_loop3A_494 = tpu.bitcast %parallel_loop3A_493 : vector<16xi32> -> vector<16xf32>
        %parallel_loop3A_495 = arith.mulf %parallel_loop3A_490, %parallel_loop3A_454 : vector<16xf32>
        %parallel_loop3A_496 = arith.index_cast %parallel_loop3A_458 : i32 to index
        %parallel_loop3A_497 = arith.constant 32 : index
        %parallel_loop3A_498 = tpu.vector_load %arg12[%parallel_loop3A_496, %parallel_loop3A_497] {strides = array<i32>} : memref<48x64xf32, #tpu.memory_space<vmem>>, vector<1x16xf32>,
        %parallel_loop3A_499 = vector.shape_cast %parallel_loop3A_498 : vector<1x16xf32> to vector<16xf32>
        %parallel_loop3A_500 = vector.shape_cast %parallel_loop3A_495 : vector<16xf32> to vector<1x16xf32>
        tpu.vector_store %arg12[%parallel_loop3A_496, %parallel_loop3A_497], %parallel_loop3A_500 {strides = array<i32>} : memref<48x64xf32, #tpu.memory_space<vmem>>, vector<1x16xf32>,
        %parallel_loop3A_501 = arith.mulf %parallel_loop3A_494, %parallel_loop3A_454 : vector<16xf32>
        %parallel_loop3A_502 = arith.index_cast %parallel_loop3A_458 : i32 to index
        %parallel_loop3A_503 = arith.constant 48 : index
        %parallel_loop3A_504 = tpu.vector_load %arg12[%parallel_loop3A_502, %parallel_loop3A_503] {strides = array<i32>} : memref<48x64xf32, #tpu.memory_space<vmem>>, vector<1x16xf32>,
        %parallel_loop3A_505 = vector.shape_cast %parallel_loop3A_504 : vector<1x16xf32> to vector<16xf32>
        %parallel_loop3A_506 = vector.shape_cast %parallel_loop3A_501 : vector<16xf32> to vector<1x16xf32>
        tpu.vector_store %arg12[%parallel_loop3A_502, %parallel_loop3A_503], %parallel_loop3A_506 {strides = array<i32>} : memref<48x64xf32, #tpu.memory_space<vmem>>, vector<1x16xf32>,
        %parallel_loop3A_507 = arith.constant 7 : i32
        %parallel_loop3A_508 = vector.broadcast %parallel_loop3A_507 : i32 to vector<16x1xi32>
        %parallel_loop3A_509 = vector.shape_cast %parallel_loop3A_508 : vector<16x1xi32> to vector<16xi32>
        %parallel_loop3A_510 = tpu.dynamic_gather %parallel_loop3A_114[%parallel_loop3A_509] in [0] : vector<16xf32>, vector<16xi32> -> vector<16xf32>
        %parallel_loop3A_511 = arith.constant 16 : i32
        %parallel_loop3A_512 = arith.muli %parallel_loop3A_106, %parallel_loop3A_511 : i32
        %parallel_loop3A_513 = arith.constant 7 : i32
        %parallel_loop3A_514 = arith.addi %parallel_loop3A_512, %parallel_loop3A_513 : i32
        %parallel_loop3A_515 = arith.index_cast %parallel_loop3A_514 : i32 to index
        %parallel_loop3A_516 = arith.constant 0 : index
        %parallel_loop3A_517 = tpu.vector_load %arg10[%parallel_loop3A_515, %parallel_loop3A_516] {strides = array<i32>} : memref<48x32xi32, #tpu.memory_space<vmem>>, vector<1x16xi32>,
        %parallel_loop3A_518 = vector.shape_cast %parallel_loop3A_517 : vector<1x16xi32> to vector<16xi32>
        %parallel_loop3A_519 = arith.constant 16 : i32
        %parallel_loop3A_520 = vector.broadcast %parallel_loop3A_519 : i32 to vector<16xi32>
        %parallel_loop3A_521 = arith.shli %parallel_loop3A_518, %parallel_loop3A_520 : vector<16xi32>
        %parallel_loop3A_522 = tpu.bitcast %parallel_loop3A_521 : vector<16xi32> -> vector<16xf32>
        %parallel_loop3A_523 = arith.constant -65536 : i32
        %parallel_loop3A_524 = vector.broadcast %parallel_loop3A_523 : i32 to vector<16xi32>
        %parallel_loop3A_525 = arith.andi %parallel_loop3A_518, %parallel_loop3A_524 : vector<16xi32>
        %parallel_loop3A_526 = tpu.bitcast %parallel_loop3A_525 : vector<16xi32> -> vector<16xf32>
        %parallel_loop3A_527 = arith.mulf %parallel_loop3A_522, %parallel_loop3A_510 : vector<16xf32>
        %parallel_loop3A_528 = arith.index_cast %parallel_loop3A_514 : i32 to index
        %parallel_loop3A_529 = arith.constant 0 : index
        %parallel_loop3A_530 = tpu.vector_load %arg12[%parallel_loop3A_528, %parallel_loop3A_529] {strides = array<i32>} : memref<48x64xf32, #tpu.memory_space<vmem>>, vector<1x16xf32>,
        %parallel_loop3A_531 = vector.shape_cast %parallel_loop3A_530 : vector<1x16xf32> to vector<16xf32>
        %parallel_loop3A_532 = vector.shape_cast %parallel_loop3A_527 : vector<16xf32> to vector<1x16xf32>
        tpu.vector_store %arg12[%parallel_loop3A_528, %parallel_loop3A_529], %parallel_loop3A_532 {strides = array<i32>} : memref<48x64xf32, #tpu.memory_space<vmem>>, vector<1x16xf32>,
        %parallel_loop3A_533 = arith.mulf %parallel_loop3A_526, %parallel_loop3A_510 : vector<16xf32>
        %parallel_loop3A_534 = arith.index_cast %parallel_loop3A_514 : i32 to index
        %parallel_loop3A_535 = arith.constant 16 : index
        %parallel_loop3A_536 = tpu.vector_load %arg12[%parallel_loop3A_534, %parallel_loop3A_535] {strides = array<i32>} : memref<48x64xf32, #tpu.memory_space<vmem>>, vector<1x16xf32>,
        %parallel_loop3A_537 = vector.shape_cast %parallel_loop3A_536 : vector<1x16xf32> to vector<16xf32>
        %parallel_loop3A_538 = vector.shape_cast %parallel_loop3A_533 : vector<16xf32> to vector<1x16xf32>
        tpu.vector_store %arg12[%parallel_loop3A_534, %parallel_loop3A_535], %parallel_loop3A_538 {strides = array<i32>} : memref<48x64xf32, #tpu.memory_space<vmem>>, vector<1x16xf32>,
        %parallel_loop3A_539 = arith.index_cast %parallel_loop3A_514 : i32 to index
        %parallel_loop3A_540 = arith.constant 16 : index
        %parallel_loop3A_541 = tpu.vector_load %arg10[%parallel_loop3A_539, %parallel_loop3A_540] {strides = array<i32>} : memref<48x32xi32, #tpu.memory_space<vmem>>, vector<1x16xi32>,
        %parallel_loop3A_542 = vector.shape_cast %parallel_loop3A_541 : vector<1x16xi32> to vector<16xi32>
        %parallel_loop3A_543 = arith.constant 16 : i32
        %parallel_loop3A_544 = vector.broadcast %parallel_loop3A_543 : i32 to vector<16xi32>
        %parallel_loop3A_545 = arith.shli %parallel_loop3A_542, %parallel_loop3A_544 : vector<16xi32>
        %parallel_loop3A_546 = tpu.bitcast %parallel_loop3A_545 : vector<16xi32> -> vector<16xf32>
        %parallel_loop3A_547 = arith.constant -65536 : i32
        %parallel_loop3A_548 = vector.broadcast %parallel_loop3A_547 : i32 to vector<16xi32>
        %parallel_loop3A_549 = arith.andi %parallel_loop3A_542, %parallel_loop3A_548 : vector<16xi32>
        %parallel_loop3A_550 = tpu.bitcast %parallel_loop3A_549 : vector<16xi32> -> vector<16xf32>
        %parallel_loop3A_551 = arith.mulf %parallel_loop3A_546, %parallel_loop3A_510 : vector<16xf32>
        %parallel_loop3A_552 = arith.index_cast %parallel_loop3A_514 : i32 to index
        %parallel_loop3A_553 = arith.constant 32 : index
        %parallel_loop3A_554 = tpu.vector_load %arg12[%parallel_loop3A_552, %parallel_loop3A_553] {strides = array<i32>} : memref<48x64xf32, #tpu.memory_space<vmem>>, vector<1x16xf32>,
        %parallel_loop3A_555 = vector.shape_cast %parallel_loop3A_554 : vector<1x16xf32> to vector<16xf32>
        %parallel_loop3A_556 = vector.shape_cast %parallel_loop3A_551 : vector<16xf32> to vector<1x16xf32>
        tpu.vector_store %arg12[%parallel_loop3A_552, %parallel_loop3A_553], %parallel_loop3A_556 {strides = array<i32>} : memref<48x64xf32, #tpu.memory_space<vmem>>, vector<1x16xf32>,
        %parallel_loop3A_557 = arith.mulf %parallel_loop3A_550, %parallel_loop3A_510 : vector<16xf32>
        %parallel_loop3A_558 = arith.index_cast %parallel_loop3A_514 : i32 to index
        %parallel_loop3A_559 = arith.constant 48 : index
        %parallel_loop3A_560 = tpu.vector_load %arg12[%parallel_loop3A_558, %parallel_loop3A_559] {strides = array<i32>} : memref<48x64xf32, #tpu.memory_space<vmem>>, vector<1x16xf32>,
        %parallel_loop3A_561 = vector.shape_cast %parallel_loop3A_560 : vector<1x16xf32> to vector<16xf32>
        %parallel_loop3A_562 = vector.shape_cast %parallel_loop3A_557 : vector<16xf32> to vector<1x16xf32>
        tpu.vector_store %arg12[%parallel_loop3A_558, %parallel_loop3A_559], %parallel_loop3A_562 {strides = array<i32>} : memref<48x64xf32, #tpu.memory_space<vmem>>, vector<1x16xf32>,
        %parallel_loop3A_563 = arith.constant 8 : i32
        %parallel_loop3A_564 = vector.broadcast %parallel_loop3A_563 : i32 to vector<16x1xi32>
        %parallel_loop3A_565 = vector.shape_cast %parallel_loop3A_564 : vector<16x1xi32> to vector<16xi32>
        %parallel_loop3A_566 = tpu.dynamic_gather %parallel_loop3A_114[%parallel_loop3A_565] in [0] : vector<16xf32>, vector<16xi32> -> vector<16xf32>
        %parallel_loop3A_567 = arith.constant 16 : i32
        %parallel_loop3A_568 = arith.muli %parallel_loop3A_106, %parallel_loop3A_567 : i32
        %parallel_loop3A_569 = arith.constant 8 : i32
        %parallel_loop3A_570 = arith.addi %parallel_loop3A_568, %parallel_loop3A_569 : i32
        %parallel_loop3A_571 = arith.index_cast %parallel_loop3A_570 : i32 to index
        %parallel_loop3A_572 = arith.constant 0 : index
        %parallel_loop3A_573 = tpu.vector_load %arg10[%parallel_loop3A_571, %parallel_loop3A_572] {strides = array<i32>} : memref<48x32xi32, #tpu.memory_space<vmem>>, vector<1x16xi32>,
        %parallel_loop3A_574 = vector.shape_cast %parallel_loop3A_573 : vector<1x16xi32> to vector<16xi32>
        %parallel_loop3A_575 = arith.constant 16 : i32
        %parallel_loop3A_576 = vector.broadcast %parallel_loop3A_575 : i32 to vector<16xi32>
        %parallel_loop3A_577 = arith.shli %parallel_loop3A_574, %parallel_loop3A_576 : vector<16xi32>
        %parallel_loop3A_578 = tpu.bitcast %parallel_loop3A_577 : vector<16xi32> -> vector<16xf32>
        %parallel_loop3A_579 = arith.constant -65536 : i32
        %parallel_loop3A_580 = vector.broadcast %parallel_loop3A_579 : i32 to vector<16xi32>
        %parallel_loop3A_581 = arith.andi %parallel_loop3A_574, %parallel_loop3A_580 : vector<16xi32>
        %parallel_loop3A_582 = tpu.bitcast %parallel_loop3A_581 : vector<16xi32> -> vector<16xf32>
        %parallel_loop3A_583 = arith.mulf %parallel_loop3A_578, %parallel_loop3A_566 : vector<16xf32>
        %parallel_loop3A_584 = arith.index_cast %parallel_loop3A_570 : i32 to index
        %parallel_loop3A_585 = arith.constant 0 : index
        %parallel_loop3A_586 = tpu.vector_load %arg12[%parallel_loop3A_584, %parallel_loop3A_585] {strides = array<i32>} : memref<48x64xf32, #tpu.memory_space<vmem>>, vector<1x16xf32>,
        %parallel_loop3A_587 = vector.shape_cast %parallel_loop3A_586 : vector<1x16xf32> to vector<16xf32>
        %parallel_loop3A_588 = vector.shape_cast %parallel_loop3A_583 : vector<16xf32> to vector<1x16xf32>
        tpu.vector_store %arg12[%parallel_loop3A_584, %parallel_loop3A_585], %parallel_loop3A_588 {strides = array<i32>} : memref<48x64xf32, #tpu.memory_space<vmem>>, vector<1x16xf32>,
        %parallel_loop3A_589 = arith.mulf %parallel_loop3A_582, %parallel_loop3A_566 : vector<16xf32>
        %parallel_loop3A_590 = arith.index_cast %parallel_loop3A_570 : i32 to index
        %parallel_loop3A_591 = arith.constant 16 : index
        %parallel_loop3A_592 = tpu.vector_load %arg12[%parallel_loop3A_590, %parallel_loop3A_591] {strides = array<i32>} : memref<48x64xf32, #tpu.memory_space<vmem>>, vector<1x16xf32>,
        %parallel_loop3A_593 = vector.shape_cast %parallel_loop3A_592 : vector<1x16xf32> to vector<16xf32>
        %parallel_loop3A_594 = vector.shape_cast %parallel_loop3A_589 : vector<16xf32> to vector<1x16xf32>
        tpu.vector_store %arg12[%parallel_loop3A_590, %parallel_loop3A_591], %parallel_loop3A_594 {strides = array<i32>} : memref<48x64xf32, #tpu.memory_space<vmem>>, vector<1x16xf32>,
        %parallel_loop3A_595 = arith.index_cast %parallel_loop3A_570 : i32 to index
        %parallel_loop3A_596 = arith.constant 16 : index
        %parallel_loop3A_597 = tpu.vector_load %arg10[%parallel_loop3A_595, %parallel_loop3A_596] {strides = array<i32>} : memref<48x32xi32, #tpu.memory_space<vmem>>, vector<1x16xi32>,
        %parallel_loop3A_598 = vector.shape_cast %parallel_loop3A_597 : vector<1x16xi32> to vector<16xi32>
        %parallel_loop3A_599 = arith.constant 16 : i32
        %parallel_loop3A_600 = vector.broadcast %parallel_loop3A_599 : i32 to vector<16xi32>
        %parallel_loop3A_601 = arith.shli %parallel_loop3A_598, %parallel_loop3A_600 : vector<16xi32>
        %parallel_loop3A_602 = tpu.bitcast %parallel_loop3A_601 : vector<16xi32> -> vector<16xf32>
        %parallel_loop3A_603 = arith.constant -65536 : i32
        %parallel_loop3A_604 = vector.broadcast %parallel_loop3A_603 : i32 to vector<16xi32>
        %parallel_loop3A_605 = arith.andi %parallel_loop3A_598, %parallel_loop3A_604 : vector<16xi32>
        %parallel_loop3A_606 = tpu.bitcast %parallel_loop3A_605 : vector<16xi32> -> vector<16xf32>
        %parallel_loop3A_607 = arith.mulf %parallel_loop3A_602, %parallel_loop3A_566 : vector<16xf32>
        %parallel_loop3A_608 = arith.index_cast %parallel_loop3A_570 : i32 to index
        %parallel_loop3A_609 = arith.constant 32 : index
        %parallel_loop3A_610 = tpu.vector_load %arg12[%parallel_loop3A_608, %parallel_loop3A_609] {strides = array<i32>} : memref<48x64xf32, #tpu.memory_space<vmem>>, vector<1x16xf32>,
        %parallel_loop3A_611 = vector.shape_cast %parallel_loop3A_610 : vector<1x16xf32> to vector<16xf32>
        %parallel_loop3A_612 = vector.shape_cast %parallel_loop3A_607 : vector<16xf32> to vector<1x16xf32>
        tpu.vector_store %arg12[%parallel_loop3A_608, %parallel_loop3A_609], %parallel_loop3A_612 {strides = array<i32>} : memref<48x64xf32, #tpu.memory_space<vmem>>, vector<1x16xf32>,
        %parallel_loop3A_613 = arith.mulf %parallel_loop3A_606, %parallel_loop3A_566 : vector<16xf32>
        %parallel_loop3A_614 = arith.index_cast %parallel_loop3A_570 : i32 to index
        %parallel_loop3A_615 = arith.constant 48 : index
        %parallel_loop3A_616 = tpu.vector_load %arg12[%parallel_loop3A_614, %parallel_loop3A_615] {strides = array<i32>} : memref<48x64xf32, #tpu.memory_space<vmem>>, vector<1x16xf32>,
        %parallel_loop3A_617 = vector.shape_cast %parallel_loop3A_616 : vector<1x16xf32> to vector<16xf32>
        %parallel_loop3A_618 = vector.shape_cast %parallel_loop3A_613 : vector<16xf32> to vector<1x16xf32>
        tpu.vector_store %arg12[%parallel_loop3A_614, %parallel_loop3A_615], %parallel_loop3A_618 {strides = array<i32>} : memref<48x64xf32, #tpu.memory_space<vmem>>, vector<1x16xf32>,
        %parallel_loop3A_619 = arith.constant 9 : i32
        %parallel_loop3A_620 = vector.broadcast %parallel_loop3A_619 : i32 to vector<16x1xi32>
        %parallel_loop3A_621 = vector.shape_cast %parallel_loop3A_620 : vector<16x1xi32> to vector<16xi32>
        %parallel_loop3A_622 = tpu.dynamic_gather %parallel_loop3A_114[%parallel_loop3A_621] in [0] : vector<16xf32>, vector<16xi32> -> vector<16xf32>
        %parallel_loop3A_623 = arith.constant 16 : i32
        %parallel_loop3A_624 = arith.muli %parallel_loop3A_106, %parallel_loop3A_623 : i32
        %parallel_loop3A_625 = arith.constant 9 : i32
        %parallel_loop3A_626 = arith.addi %parallel_loop3A_624, %parallel_loop3A_625 : i32
        %parallel_loop3A_627 = arith.index_cast %parallel_loop3A_626 : i32 to index
        %parallel_loop3A_628 = arith.constant 0 : index
        %parallel_loop3A_629 = tpu.vector_load %arg10[%parallel_loop3A_627, %parallel_loop3A_628] {strides = array<i32>} : memref<48x32xi32, #tpu.memory_space<vmem>>, vector<1x16xi32>,
        %parallel_loop3A_630 = vector.shape_cast %parallel_loop3A_629 : vector<1x16xi32> to vector<16xi32>
        %parallel_loop3A_631 = arith.constant 16 : i32
        %parallel_loop3A_632 = vector.broadcast %parallel_loop3A_631 : i32 to vector<16xi32>
        %parallel_loop3A_633 = arith.shli %parallel_loop3A_630, %parallel_loop3A_632 : vector<16xi32>
        %parallel_loop3A_634 = tpu.bitcast %parallel_loop3A_633 : vector<16xi32> -> vector<16xf32>
        %parallel_loop3A_635 = arith.constant -65536 : i32
        %parallel_loop3A_636 = vector.broadcast %parallel_loop3A_635 : i32 to vector<16xi32>
        %parallel_loop3A_637 = arith.andi %parallel_loop3A_630, %parallel_loop3A_636 : vector<16xi32>
        %parallel_loop3A_638 = tpu.bitcast %parallel_loop3A_637 : vector<16xi32> -> vector<16xf32>
        %parallel_loop3A_639 = arith.mulf %parallel_loop3A_634, %parallel_loop3A_622 : vector<16xf32>
        %parallel_loop3A_640 = arith.index_cast %parallel_loop3A_626 : i32 to index
        %parallel_loop3A_641 = arith.constant 0 : index
        %parallel_loop3A_642 = tpu.vector_load %arg12[%parallel_loop3A_640, %parallel_loop3A_641] {strides = array<i32>} : memref<48x64xf32, #tpu.memory_space<vmem>>, vector<1x16xf32>,
        %parallel_loop3A_643 = vector.shape_cast %parallel_loop3A_642 : vector<1x16xf32> to vector<16xf32>
        %parallel_loop3A_644 = vector.shape_cast %parallel_loop3A_639 : vector<16xf32> to vector<1x16xf32>
        tpu.vector_store %arg12[%parallel_loop3A_640, %parallel_loop3A_641], %parallel_loop3A_644 {strides = array<i32>} : memref<48x64xf32, #tpu.memory_space<vmem>>, vector<1x16xf32>,
        %parallel_loop3A_645 = arith.mulf %parallel_loop3A_638, %parallel_loop3A_622 : vector<16xf32>
        %parallel_loop3A_646 = arith.index_cast %parallel_loop3A_626 : i32 to index
        %parallel_loop3A_647 = arith.constant 16 : index
        %parallel_loop3A_648 = tpu.vector_load %arg12[%parallel_loop3A_646, %parallel_loop3A_647] {strides = array<i32>} : memref<48x64xf32, #tpu.memory_space<vmem>>, vector<1x16xf32>,
        %parallel_loop3A_649 = vector.shape_cast %parallel_loop3A_648 : vector<1x16xf32> to vector<16xf32>
        %parallel_loop3A_650 = vector.shape_cast %parallel_loop3A_645 : vector<16xf32> to vector<1x16xf32>
        tpu.vector_store %arg12[%parallel_loop3A_646, %parallel_loop3A_647], %parallel_loop3A_650 {strides = array<i32>} : memref<48x64xf32, #tpu.memory_space<vmem>>, vector<1x16xf32>,
        %parallel_loop3A_651 = arith.index_cast %parallel_loop3A_626 : i32 to index
        %parallel_loop3A_652 = arith.constant 16 : index
        %parallel_loop3A_653 = tpu.vector_load %arg10[%parallel_loop3A_651, %parallel_loop3A_652] {strides = array<i32>} : memref<48x32xi32, #tpu.memory_space<vmem>>, vector<1x16xi32>,
        %parallel_loop3A_654 = vector.shape_cast %parallel_loop3A_653 : vector<1x16xi32> to vector<16xi32>
        %parallel_loop3A_655 = arith.constant 16 : i32
        %parallel_loop3A_656 = vector.broadcast %parallel_loop3A_655 : i32 to vector<16xi32>
        %parallel_loop3A_657 = arith.shli %parallel_loop3A_654, %parallel_loop3A_656 : vector<16xi32>
        %parallel_loop3A_658 = tpu.bitcast %parallel_loop3A_657 : vector<16xi32> -> vector<16xf32>
        %parallel_loop3A_659 = arith.constant -65536 : i32
        %parallel_loop3A_660 = vector.broadcast %parallel_loop3A_659 : i32 to vector<16xi32>
        %parallel_loop3A_661 = arith.andi %parallel_loop3A_654, %parallel_loop3A_660 : vector<16xi32>
        %parallel_loop3A_662 = tpu.bitcast %parallel_loop3A_661 : vector<16xi32> -> vector<16xf32>
        %parallel_loop3A_663 = arith.mulf %parallel_loop3A_658, %parallel_loop3A_622 : vector<16xf32>
        %parallel_loop3A_664 = arith.index_cast %parallel_loop3A_626 : i32 to index
        %parallel_loop3A_665 = arith.constant 32 : index
        %parallel_loop3A_666 = tpu.vector_load %arg12[%parallel_loop3A_664, %parallel_loop3A_665] {strides = array<i32>} : memref<48x64xf32, #tpu.memory_space<vmem>>, vector<1x16xf32>,
        %parallel_loop3A_667 = vector.shape_cast %parallel_loop3A_666 : vector<1x16xf32> to vector<16xf32>
        %parallel_loop3A_668 = vector.shape_cast %parallel_loop3A_663 : vector<16xf32> to vector<1x16xf32>
        tpu.vector_store %arg12[%parallel_loop3A_664, %parallel_loop3A_665], %parallel_loop3A_668 {strides = array<i32>} : memref<48x64xf32, #tpu.memory_space<vmem>>, vector<1x16xf32>,
        %parallel_loop3A_669 = arith.mulf %parallel_loop3A_662, %parallel_loop3A_622 : vector<16xf32>
        %parallel_loop3A_670 = arith.index_cast %parallel_loop3A_626 : i32 to index
        %parallel_loop3A_671 = arith.constant 48 : index
        %parallel_loop3A_672 = tpu.vector_load %arg12[%parallel_loop3A_670, %parallel_loop3A_671] {strides = array<i32>} : memref<48x64xf32, #tpu.memory_space<vmem>>, vector<1x16xf32>,
        %parallel_loop3A_673 = vector.shape_cast %parallel_loop3A_672 : vector<1x16xf32> to vector<16xf32>
        %parallel_loop3A_674 = vector.shape_cast %parallel_loop3A_669 : vector<16xf32> to vector<1x16xf32>
        tpu.vector_store %arg12[%parallel_loop3A_670, %parallel_loop3A_671], %parallel_loop3A_674 {strides = array<i32>} : memref<48x64xf32, #tpu.memory_space<vmem>>, vector<1x16xf32>,
        %parallel_loop3A_675 = arith.constant 10 : i32
        %parallel_loop3A_676 = vector.broadcast %parallel_loop3A_675 : i32 to vector<16x1xi32>
        %parallel_loop3A_677 = vector.shape_cast %parallel_loop3A_676 : vector<16x1xi32> to vector<16xi32>
        %parallel_loop3A_678 = tpu.dynamic_gather %parallel_loop3A_114[%parallel_loop3A_677] in [0] : vector<16xf32>, vector<16xi32> -> vector<16xf32>
        %parallel_loop3A_679 = arith.constant 16 : i32
        %parallel_loop3A_680 = arith.muli %parallel_loop3A_106, %parallel_loop3A_679 : i32
        %parallel_loop3A_681 = arith.constant 10 : i32
        %parallel_loop3A_682 = arith.addi %parallel_loop3A_680, %parallel_loop3A_681 : i32
        %parallel_loop3A_683 = arith.index_cast %parallel_loop3A_682 : i32 to index
        %parallel_loop3A_684 = arith.constant 0 : index
        %parallel_loop3A_685 = tpu.vector_load %arg10[%parallel_loop3A_683, %parallel_loop3A_684] {strides = array<i32>} : memref<48x32xi32, #tpu.memory_space<vmem>>, vector<1x16xi32>,
        %parallel_loop3A_686 = vector.shape_cast %parallel_loop3A_685 : vector<1x16xi32> to vector<16xi32>
        %parallel_loop3A_687 = arith.constant 16 : i32
        %parallel_loop3A_688 = vector.broadcast %parallel_loop3A_687 : i32 to vector<16xi32>
        %parallel_loop3A_689 = arith.shli %parallel_loop3A_686, %parallel_loop3A_688 : vector<16xi32>
        %parallel_loop3A_690 = tpu.bitcast %parallel_loop3A_689 : vector<16xi32> -> vector<16xf32>
        %parallel_loop3A_691 = arith.constant -65536 : i32
        %parallel_loop3A_692 = vector.broadcast %parallel_loop3A_691 : i32 to vector<16xi32>
        %parallel_loop3A_693 = arith.andi %parallel_loop3A_686, %parallel_loop3A_692 : vector<16xi32>
        %parallel_loop3A_694 = tpu.bitcast %parallel_loop3A_693 : vector<16xi32> -> vector<16xf32>
        %parallel_loop3A_695 = arith.mulf %parallel_loop3A_690, %parallel_loop3A_678 : vector<16xf32>
        %parallel_loop3A_696 = arith.index_cast %parallel_loop3A_682 : i32 to index
        %parallel_loop3A_697 = arith.constant 0 : index
        %parallel_loop3A_698 = tpu.vector_load %arg12[%parallel_loop3A_696, %parallel_loop3A_697] {strides = array<i32>} : memref<48x64xf32, #tpu.memory_space<vmem>>, vector<1x16xf32>,
        %parallel_loop3A_699 = vector.shape_cast %parallel_loop3A_698 : vector<1x16xf32> to vector<16xf32>
        %parallel_loop3A_700 = vector.shape_cast %parallel_loop3A_695 : vector<16xf32> to vector<1x16xf32>
        tpu.vector_store %arg12[%parallel_loop3A_696, %parallel_loop3A_697], %parallel_loop3A_700 {strides = array<i32>} : memref<48x64xf32, #tpu.memory_space<vmem>>, vector<1x16xf32>,
        %parallel_loop3A_701 = arith.mulf %parallel_loop3A_694, %parallel_loop3A_678 : vector<16xf32>
        %parallel_loop3A_702 = arith.index_cast %parallel_loop3A_682 : i32 to index
        %parallel_loop3A_703 = arith.constant 16 : index
        %parallel_loop3A_704 = tpu.vector_load %arg12[%parallel_loop3A_702, %parallel_loop3A_703] {strides = array<i32>} : memref<48x64xf32, #tpu.memory_space<vmem>>, vector<1x16xf32>,
        %parallel_loop3A_705 = vector.shape_cast %parallel_loop3A_704 : vector<1x16xf32> to vector<16xf32>
        %parallel_loop3A_706 = vector.shape_cast %parallel_loop3A_701 : vector<16xf32> to vector<1x16xf32>
        tpu.vector_store %arg12[%parallel_loop3A_702, %parallel_loop3A_703], %parallel_loop3A_706 {strides = array<i32>} : memref<48x64xf32, #tpu.memory_space<vmem>>, vector<1x16xf32>,
        %parallel_loop3A_707 = arith.index_cast %parallel_loop3A_682 : i32 to index
        %parallel_loop3A_708 = arith.constant 16 : index
        %parallel_loop3A_709 = tpu.vector_load %arg10[%parallel_loop3A_707, %parallel_loop3A_708] {strides = array<i32>} : memref<48x32xi32, #tpu.memory_space<vmem>>, vector<1x16xi32>,
        %parallel_loop3A_710 = vector.shape_cast %parallel_loop3A_709 : vector<1x16xi32> to vector<16xi32>
        %parallel_loop3A_711 = arith.constant 16 : i32
        %parallel_loop3A_712 = vector.broadcast %parallel_loop3A_711 : i32 to vector<16xi32>
        %parallel_loop3A_713 = arith.shli %parallel_loop3A_710, %parallel_loop3A_712 : vector<16xi32>
        %parallel_loop3A_714 = tpu.bitcast %parallel_loop3A_713 : vector<16xi32> -> vector<16xf32>
        %parallel_loop3A_715 = arith.constant -65536 : i32
        %parallel_loop3A_716 = vector.broadcast %parallel_loop3A_715 : i32 to vector<16xi32>
        %parallel_loop3A_717 = arith.andi %parallel_loop3A_710, %parallel_loop3A_716 : vector<16xi32>
        %parallel_loop3A_718 = tpu.bitcast %parallel_loop3A_717 : vector<16xi32> -> vector<16xf32>
        %parallel_loop3A_719 = arith.mulf %parallel_loop3A_714, %parallel_loop3A_678 : vector<16xf32>
        %parallel_loop3A_720 = arith.index_cast %parallel_loop3A_682 : i32 to index
        %parallel_loop3A_721 = arith.constant 32 : index
        %parallel_loop3A_722 = tpu.vector_load %arg12[%parallel_loop3A_720, %parallel_loop3A_721] {strides = array<i32>} : memref<48x64xf32, #tpu.memory_space<vmem>>, vector<1x16xf32>,
        %parallel_loop3A_723 = vector.shape_cast %parallel_loop3A_722 : vector<1x16xf32> to vector<16xf32>
        %parallel_loop3A_724 = vector.shape_cast %parallel_loop3A_719 : vector<16xf32> to vector<1x16xf32>
        tpu.vector_store %arg12[%parallel_loop3A_720, %parallel_loop3A_721], %parallel_loop3A_724 {strides = array<i32>} : memref<48x64xf32, #tpu.memory_space<vmem>>, vector<1x16xf32>,
        %parallel_loop3A_725 = arith.mulf %parallel_loop3A_718, %parallel_loop3A_678 : vector<16xf32>
        %parallel_loop3A_726 = arith.index_cast %parallel_loop3A_682 : i32 to index
        %parallel_loop3A_727 = arith.constant 48 : index
        %parallel_loop3A_728 = tpu.vector_load %arg12[%parallel_loop3A_726, %parallel_loop3A_727] {strides = array<i32>} : memref<48x64xf32, #tpu.memory_space<vmem>>, vector<1x16xf32>,
        %parallel_loop3A_729 = vector.shape_cast %parallel_loop3A_728 : vector<1x16xf32> to vector<16xf32>
        %parallel_loop3A_730 = vector.shape_cast %parallel_loop3A_725 : vector<16xf32> to vector<1x16xf32>
        tpu.vector_store %arg12[%parallel_loop3A_726, %parallel_loop3A_727], %parallel_loop3A_730 {strides = array<i32>} : memref<48x64xf32, #tpu.memory_space<vmem>>, vector<1x16xf32>,
        %parallel_loop3A_731 = arith.constant 11 : i32
        %parallel_loop3A_732 = vector.broadcast %parallel_loop3A_731 : i32 to vector<16x1xi32>
        %parallel_loop3A_733 = vector.shape_cast %parallel_loop3A_732 : vector<16x1xi32> to vector<16xi32>
        %parallel_loop3A_734 = tpu.dynamic_gather %parallel_loop3A_114[%parallel_loop3A_733] in [0] : vector<16xf32>, vector<16xi32> -> vector<16xf32>
        %parallel_loop3A_735 = arith.constant 16 : i32
        %parallel_loop3A_736 = arith.muli %parallel_loop3A_106, %parallel_loop3A_735 : i32
        %parallel_loop3A_737 = arith.constant 11 : i32
        %parallel_loop3A_738 = arith.addi %parallel_loop3A_736, %parallel_loop3A_737 : i32
        %parallel_loop3A_739 = arith.index_cast %parallel_loop3A_738 : i32 to index
        %parallel_loop3A_740 = arith.constant 0 : index
        %parallel_loop3A_741 = tpu.vector_load %arg10[%parallel_loop3A_739, %parallel_loop3A_740] {strides = array<i32>} : memref<48x32xi32, #tpu.memory_space<vmem>>, vector<1x16xi32>,
        %parallel_loop3A_742 = vector.shape_cast %parallel_loop3A_741 : vector<1x16xi32> to vector<16xi32>
        %parallel_loop3A_743 = arith.constant 16 : i32
        %parallel_loop3A_744 = vector.broadcast %parallel_loop3A_743 : i32 to vector<16xi32>
        %parallel_loop3A_745 = arith.shli %parallel_loop3A_742, %parallel_loop3A_744 : vector<16xi32>
        %parallel_loop3A_746 = tpu.bitcast %parallel_loop3A_745 : vector<16xi32> -> vector<16xf32>
        %parallel_loop3A_747 = arith.constant -65536 : i32
        %parallel_loop3A_748 = vector.broadcast %parallel_loop3A_747 : i32 to vector<16xi32>
        %parallel_loop3A_749 = arith.andi %parallel_loop3A_742, %parallel_loop3A_748 : vector<16xi32>
        %parallel_loop3A_750 = tpu.bitcast %parallel_loop3A_749 : vector<16xi32> -> vector<16xf32>
        %parallel_loop3A_751 = arith.mulf %parallel_loop3A_746, %parallel_loop3A_734 : vector<16xf32>
        %parallel_loop3A_752 = arith.index_cast %parallel_loop3A_738 : i32 to index
        %parallel_loop3A_753 = arith.constant 0 : index
        %parallel_loop3A_754 = tpu.vector_load %arg12[%parallel_loop3A_752, %parallel_loop3A_753] {strides = array<i32>} : memref<48x64xf32, #tpu.memory_space<vmem>>, vector<1x16xf32>,
        %parallel_loop3A_755 = vector.shape_cast %parallel_loop3A_754 : vector<1x16xf32> to vector<16xf32>
        %parallel_loop3A_756 = vector.shape_cast %parallel_loop3A_751 : vector<16xf32> to vector<1x16xf32>
        tpu.vector_store %arg12[%parallel_loop3A_752, %parallel_loop3A_753], %parallel_loop3A_756 {strides = array<i32>} : memref<48x64xf32, #tpu.memory_space<vmem>>, vector<1x16xf32>,
        %parallel_loop3A_757 = arith.mulf %parallel_loop3A_750, %parallel_loop3A_734 : vector<16xf32>
        %parallel_loop3A_758 = arith.index_cast %parallel_loop3A_738 : i32 to index
        %parallel_loop3A_759 = arith.constant 16 : index
        %parallel_loop3A_760 = tpu.vector_load %arg12[%parallel_loop3A_758, %parallel_loop3A_759] {strides = array<i32>} : memref<48x64xf32, #tpu.memory_space<vmem>>, vector<1x16xf32>,
        %parallel_loop3A_761 = vector.shape_cast %parallel_loop3A_760 : vector<1x16xf32> to vector<16xf32>
        %parallel_loop3A_762 = vector.shape_cast %parallel_loop3A_757 : vector<16xf32> to vector<1x16xf32>
        tpu.vector_store %arg12[%parallel_loop3A_758, %parallel_loop3A_759], %parallel_loop3A_762 {strides = array<i32>} : memref<48x64xf32, #tpu.memory_space<vmem>>, vector<1x16xf32>,
        %parallel_loop3A_763 = arith.index_cast %parallel_loop3A_738 : i32 to index
        %parallel_loop3A_764 = arith.constant 16 : index
        %parallel_loop3A_765 = tpu.vector_load %arg10[%parallel_loop3A_763, %parallel_loop3A_764] {strides = array<i32>} : memref<48x32xi32, #tpu.memory_space<vmem>>, vector<1x16xi32>,
        %parallel_loop3A_766 = vector.shape_cast %parallel_loop3A_765 : vector<1x16xi32> to vector<16xi32>
        %parallel_loop3A_767 = arith.constant 16 : i32
        %parallel_loop3A_768 = vector.broadcast %parallel_loop3A_767 : i32 to vector<16xi32>
        %parallel_loop3A_769 = arith.shli %parallel_loop3A_766, %parallel_loop3A_768 : vector<16xi32>
        %parallel_loop3A_770 = tpu.bitcast %parallel_loop3A_769 : vector<16xi32> -> vector<16xf32>
        %parallel_loop3A_771 = arith.constant -65536 : i32
        %parallel_loop3A_772 = vector.broadcast %parallel_loop3A_771 : i32 to vector<16xi32>
        %parallel_loop3A_773 = arith.andi %parallel_loop3A_766, %parallel_loop3A_772 : vector<16xi32>
        %parallel_loop3A_774 = tpu.bitcast %parallel_loop3A_773 : vector<16xi32> -> vector<16xf32>
        %parallel_loop3A_775 = arith.mulf %parallel_loop3A_770, %parallel_loop3A_734 : vector<16xf32>
        %parallel_loop3A_776 = arith.index_cast %parallel_loop3A_738 : i32 to index
        %parallel_loop3A_777 = arith.constant 32 : index
        %parallel_loop3A_778 = tpu.vector_load %arg12[%parallel_loop3A_776, %parallel_loop3A_777] {strides = array<i32>} : memref<48x64xf32, #tpu.memory_space<vmem>>, vector<1x16xf32>,
        %parallel_loop3A_779 = vector.shape_cast %parallel_loop3A_778 : vector<1x16xf32> to vector<16xf32>
        %parallel_loop3A_780 = vector.shape_cast %parallel_loop3A_775 : vector<16xf32> to vector<1x16xf32>
        tpu.vector_store %arg12[%parallel_loop3A_776, %parallel_loop3A_777], %parallel_loop3A_780 {strides = array<i32>} : memref<48x64xf32, #tpu.memory_space<vmem>>, vector<1x16xf32>,
        %parallel_loop3A_781 = arith.mulf %parallel_loop3A_774, %parallel_loop3A_734 : vector<16xf32>
        %parallel_loop3A_782 = arith.index_cast %parallel_loop3A_738 : i32 to index
        %parallel_loop3A_783 = arith.constant 48 : index
        %parallel_loop3A_784 = tpu.vector_load %arg12[%parallel_loop3A_782, %parallel_loop3A_783] {strides = array<i32>} : memref<48x64xf32, #tpu.memory_space<vmem>>, vector<1x16xf32>,
        %parallel_loop3A_785 = vector.shape_cast %parallel_loop3A_784 : vector<1x16xf32> to vector<16xf32>
        %parallel_loop3A_786 = vector.shape_cast %parallel_loop3A_781 : vector<16xf32> to vector<1x16xf32>
        tpu.vector_store %arg12[%parallel_loop3A_782, %parallel_loop3A_783], %parallel_loop3A_786 {strides = array<i32>} : memref<48x64xf32, #tpu.memory_space<vmem>>, vector<1x16xf32>,
        %parallel_loop3A_787 = arith.constant 12 : i32
        %parallel_loop3A_788 = vector.broadcast %parallel_loop3A_787 : i32 to vector<16x1xi32>
        %parallel_loop3A_789 = vector.shape_cast %parallel_loop3A_788 : vector<16x1xi32> to vector<16xi32>
        %parallel_loop3A_790 = tpu.dynamic_gather %parallel_loop3A_114[%parallel_loop3A_789] in [0] : vector<16xf32>, vector<16xi32> -> vector<16xf32>
        %parallel_loop3A_791 = arith.constant 16 : i32
        %parallel_loop3A_792 = arith.muli %parallel_loop3A_106, %parallel_loop3A_791 : i32
        %parallel_loop3A_793 = arith.constant 12 : i32
        %parallel_loop3A_794 = arith.addi %parallel_loop3A_792, %parallel_loop3A_793 : i32
        %parallel_loop3A_795 = arith.index_cast %parallel_loop3A_794 : i32 to index
        %parallel_loop3A_796 = arith.constant 0 : index
        %parallel_loop3A_797 = tpu.vector_load %arg10[%parallel_loop3A_795, %parallel_loop3A_796] {strides = array<i32>} : memref<48x32xi32, #tpu.memory_space<vmem>>, vector<1x16xi32>,
        %parallel_loop3A_798 = vector.shape_cast %parallel_loop3A_797 : vector<1x16xi32> to vector<16xi32>
        %parallel_loop3A_799 = arith.constant 16 : i32
        %parallel_loop3A_800 = vector.broadcast %parallel_loop3A_799 : i32 to vector<16xi32>
        %parallel_loop3A_801 = arith.shli %parallel_loop3A_798, %parallel_loop3A_800 : vector<16xi32>
        %parallel_loop3A_802 = tpu.bitcast %parallel_loop3A_801 : vector<16xi32> -> vector<16xf32>
        %parallel_loop3A_803 = arith.constant -65536 : i32
        %parallel_loop3A_804 = vector.broadcast %parallel_loop3A_803 : i32 to vector<16xi32>
        %parallel_loop3A_805 = arith.andi %parallel_loop3A_798, %parallel_loop3A_804 : vector<16xi32>
        %parallel_loop3A_806 = tpu.bitcast %parallel_loop3A_805 : vector<16xi32> -> vector<16xf32>
        %parallel_loop3A_807 = arith.mulf %parallel_loop3A_802, %parallel_loop3A_790 : vector<16xf32>
        %parallel_loop3A_808 = arith.index_cast %parallel_loop3A_794 : i32 to index
        %parallel_loop3A_809 = arith.constant 0 : index
        %parallel_loop3A_810 = tpu.vector_load %arg12[%parallel_loop3A_808, %parallel_loop3A_809] {strides = array<i32>} : memref<48x64xf32, #tpu.memory_space<vmem>>, vector<1x16xf32>,
        %parallel_loop3A_811 = vector.shape_cast %parallel_loop3A_810 : vector<1x16xf32> to vector<16xf32>
        %parallel_loop3A_812 = vector.shape_cast %parallel_loop3A_807 : vector<16xf32> to vector<1x16xf32>
        tpu.vector_store %arg12[%parallel_loop3A_808, %parallel_loop3A_809], %parallel_loop3A_812 {strides = array<i32>} : memref<48x64xf32, #tpu.memory_space<vmem>>, vector<1x16xf32>,
        %parallel_loop3A_813 = arith.mulf %parallel_loop3A_806, %parallel_loop3A_790 : vector<16xf32>
        %parallel_loop3A_814 = arith.index_cast %parallel_loop3A_794 : i32 to index
        %parallel_loop3A_815 = arith.constant 16 : index
        %parallel_loop3A_816 = tpu.vector_load %arg12[%parallel_loop3A_814, %parallel_loop3A_815] {strides = array<i32>} : memref<48x64xf32, #tpu.memory_space<vmem>>, vector<1x16xf32>,
        %parallel_loop3A_817 = vector.shape_cast %parallel_loop3A_816 : vector<1x16xf32> to vector<16xf32>
        %parallel_loop3A_818 = vector.shape_cast %parallel_loop3A_813 : vector<16xf32> to vector<1x16xf32>
        tpu.vector_store %arg12[%parallel_loop3A_814, %parallel_loop3A_815], %parallel_loop3A_818 {strides = array<i32>} : memref<48x64xf32, #tpu.memory_space<vmem>>, vector<1x16xf32>,
        %parallel_loop3A_819 = arith.index_cast %parallel_loop3A_794 : i32 to index
        %parallel_loop3A_820 = arith.constant 16 : index
        %parallel_loop3A_821 = tpu.vector_load %arg10[%parallel_loop3A_819, %parallel_loop3A_820] {strides = array<i32>} : memref<48x32xi32, #tpu.memory_space<vmem>>, vector<1x16xi32>,
        %parallel_loop3A_822 = vector.shape_cast %parallel_loop3A_821 : vector<1x16xi32> to vector<16xi32>
        %parallel_loop3A_823 = arith.constant 16 : i32
        %parallel_loop3A_824 = vector.broadcast %parallel_loop3A_823 : i32 to vector<16xi32>
        %parallel_loop3A_825 = arith.shli %parallel_loop3A_822, %parallel_loop3A_824 : vector<16xi32>
        %parallel_loop3A_826 = tpu.bitcast %parallel_loop3A_825 : vector<16xi32> -> vector<16xf32>
        %parallel_loop3A_827 = arith.constant -65536 : i32
        %parallel_loop3A_828 = vector.broadcast %parallel_loop3A_827 : i32 to vector<16xi32>
        %parallel_loop3A_829 = arith.andi %parallel_loop3A_822, %parallel_loop3A_828 : vector<16xi32>
        %parallel_loop3A_830 = tpu.bitcast %parallel_loop3A_829 : vector<16xi32> -> vector<16xf32>
        %parallel_loop3A_831 = arith.mulf %parallel_loop3A_826, %parallel_loop3A_790 : vector<16xf32>
        %parallel_loop3A_832 = arith.index_cast %parallel_loop3A_794 : i32 to index
        %parallel_loop3A_833 = arith.constant 32 : index
        %parallel_loop3A_834 = tpu.vector_load %arg12[%parallel_loop3A_832, %parallel_loop3A_833] {strides = array<i32>} : memref<48x64xf32, #tpu.memory_space<vmem>>, vector<1x16xf32>,
        %parallel_loop3A_835 = vector.shape_cast %parallel_loop3A_834 : vector<1x16xf32> to vector<16xf32>
        %parallel_loop3A_836 = vector.shape_cast %parallel_loop3A_831 : vector<16xf32> to vector<1x16xf32>
        tpu.vector_store %arg12[%parallel_loop3A_832, %parallel_loop3A_833], %parallel_loop3A_836 {strides = array<i32>} : memref<48x64xf32, #tpu.memory_space<vmem>>, vector<1x16xf32>,
        %parallel_loop3A_837 = arith.mulf %parallel_loop3A_830, %parallel_loop3A_790 : vector<16xf32>
        %parallel_loop3A_838 = arith.index_cast %parallel_loop3A_794 : i32 to index
        %parallel_loop3A_839 = arith.constant 48 : index
        %parallel_loop3A_840 = tpu.vector_load %arg12[%parallel_loop3A_838, %parallel_loop3A_839] {strides = array<i32>} : memref<48x64xf32, #tpu.memory_space<vmem>>, vector<1x16xf32>,
        %parallel_loop3A_841 = vector.shape_cast %parallel_loop3A_840 : vector<1x16xf32> to vector<16xf32>
        %parallel_loop3A_842 = vector.shape_cast %parallel_loop3A_837 : vector<16xf32> to vector<1x16xf32>
        tpu.vector_store %arg12[%parallel_loop3A_838, %parallel_loop3A_839], %parallel_loop3A_842 {strides = array<i32>} : memref<48x64xf32, #tpu.memory_space<vmem>>, vector<1x16xf32>,
        %parallel_loop3A_843 = arith.constant 13 : i32
        %parallel_loop3A_844 = vector.broadcast %parallel_loop3A_843 : i32 to vector<16x1xi32>
        %parallel_loop3A_845 = vector.shape_cast %parallel_loop3A_844 : vector<16x1xi32> to vector<16xi32>
        %parallel_loop3A_846 = tpu.dynamic_gather %parallel_loop3A_114[%parallel_loop3A_845] in [0] : vector<16xf32>, vector<16xi32> -> vector<16xf32>
        %parallel_loop3A_847 = arith.constant 16 : i32
        %parallel_loop3A_848 = arith.muli %parallel_loop3A_106, %parallel_loop3A_847 : i32
        %parallel_loop3A_849 = arith.constant 13 : i32
        %parallel_loop3A_850 = arith.addi %parallel_loop3A_848, %parallel_loop3A_849 : i32
        %parallel_loop3A_851 = arith.index_cast %parallel_loop3A_850 : i32 to index
        %parallel_loop3A_852 = arith.constant 0 : index
        %parallel_loop3A_853 = tpu.vector_load %arg10[%parallel_loop3A_851, %parallel_loop3A_852] {strides = array<i32>} : memref<48x32xi32, #tpu.memory_space<vmem>>, vector<1x16xi32>,
        %parallel_loop3A_854 = vector.shape_cast %parallel_loop3A_853 : vector<1x16xi32> to vector<16xi32>
        %parallel_loop3A_855 = arith.constant 16 : i32
        %parallel_loop3A_856 = vector.broadcast %parallel_loop3A_855 : i32 to vector<16xi32>
        %parallel_loop3A_857 = arith.shli %parallel_loop3A_854, %parallel_loop3A_856 : vector<16xi32>
        %parallel_loop3A_858 = tpu.bitcast %parallel_loop3A_857 : vector<16xi32> -> vector<16xf32>
        %parallel_loop3A_859 = arith.constant -65536 : i32
        %parallel_loop3A_860 = vector.broadcast %parallel_loop3A_859 : i32 to vector<16xi32>
        %parallel_loop3A_861 = arith.andi %parallel_loop3A_854, %parallel_loop3A_860 : vector<16xi32>
        %parallel_loop3A_862 = tpu.bitcast %parallel_loop3A_861 : vector<16xi32> -> vector<16xf32>
        %parallel_loop3A_863 = arith.mulf %parallel_loop3A_858, %parallel_loop3A_846 : vector<16xf32>
        %parallel_loop3A_864 = arith.index_cast %parallel_loop3A_850 : i32 to index
        %parallel_loop3A_865 = arith.constant 0 : index
        %parallel_loop3A_866 = tpu.vector_load %arg12[%parallel_loop3A_864, %parallel_loop3A_865] {strides = array<i32>} : memref<48x64xf32, #tpu.memory_space<vmem>>, vector<1x16xf32>,
        %parallel_loop3A_867 = vector.shape_cast %parallel_loop3A_866 : vector<1x16xf32> to vector<16xf32>
        %parallel_loop3A_868 = vector.shape_cast %parallel_loop3A_863 : vector<16xf32> to vector<1x16xf32>
        tpu.vector_store %arg12[%parallel_loop3A_864, %parallel_loop3A_865], %parallel_loop3A_868 {strides = array<i32>} : memref<48x64xf32, #tpu.memory_space<vmem>>, vector<1x16xf32>,
        %parallel_loop3A_869 = arith.mulf %parallel_loop3A_862, %parallel_loop3A_846 : vector<16xf32>
        %parallel_loop3A_870 = arith.index_cast %parallel_loop3A_850 : i32 to index
        %parallel_loop3A_871 = arith.constant 16 : index
        %parallel_loop3A_872 = tpu.vector_load %arg12[%parallel_loop3A_870, %parallel_loop3A_871] {strides = array<i32>} : memref<48x64xf32, #tpu.memory_space<vmem>>, vector<1x16xf32>,
        %parallel_loop3A_873 = vector.shape_cast %parallel_loop3A_872 : vector<1x16xf32> to vector<16xf32>
        %parallel_loop3A_874 = vector.shape_cast %parallel_loop3A_869 : vector<16xf32> to vector<1x16xf32>
        tpu.vector_store %arg12[%parallel_loop3A_870, %parallel_loop3A_871], %parallel_loop3A_874 {strides = array<i32>} : memref<48x64xf32, #tpu.memory_space<vmem>>, vector<1x16xf32>,
        %parallel_loop3A_875 = arith.index_cast %parallel_loop3A_850 : i32 to index
        %parallel_loop3A_876 = arith.constant 16 : index
        %parallel_loop3A_877 = tpu.vector_load %arg10[%parallel_loop3A_875, %parallel_loop3A_876] {strides = array<i32>} : memref<48x32xi32, #tpu.memory_space<vmem>>, vector<1x16xi32>,
        %parallel_loop3A_878 = vector.shape_cast %parallel_loop3A_877 : vector<1x16xi32> to vector<16xi32>
        %parallel_loop3A_879 = arith.constant 16 : i32
        %parallel_loop3A_880 = vector.broadcast %parallel_loop3A_879 : i32 to vector<16xi32>
        %parallel_loop3A_881 = arith.shli %parallel_loop3A_878, %parallel_loop3A_880 : vector<16xi32>
        %parallel_loop3A_882 = tpu.bitcast %parallel_loop3A_881 : vector<16xi32> -> vector<16xf32>
        %parallel_loop3A_883 = arith.constant -65536 : i32
        %parallel_loop3A_884 = vector.broadcast %parallel_loop3A_883 : i32 to vector<16xi32>
        %parallel_loop3A_885 = arith.andi %parallel_loop3A_878, %parallel_loop3A_884 : vector<16xi32>
        %parallel_loop3A_886 = tpu.bitcast %parallel_loop3A_885 : vector<16xi32> -> vector<16xf32>
        %parallel_loop3A_887 = arith.mulf %parallel_loop3A_882, %parallel_loop3A_846 : vector<16xf32>
        %parallel_loop3A_888 = arith.index_cast %parallel_loop3A_850 : i32 to index
        %parallel_loop3A_889 = arith.constant 32 : index
        %parallel_loop3A_890 = tpu.vector_load %arg12[%parallel_loop3A_888, %parallel_loop3A_889] {strides = array<i32>} : memref<48x64xf32, #tpu.memory_space<vmem>>, vector<1x16xf32>,
        %parallel_loop3A_891 = vector.shape_cast %parallel_loop3A_890 : vector<1x16xf32> to vector<16xf32>
        %parallel_loop3A_892 = vector.shape_cast %parallel_loop3A_887 : vector<16xf32> to vector<1x16xf32>
        tpu.vector_store %arg12[%parallel_loop3A_888, %parallel_loop3A_889], %parallel_loop3A_892 {strides = array<i32>} : memref<48x64xf32, #tpu.memory_space<vmem>>, vector<1x16xf32>,
        %parallel_loop3A_893 = arith.mulf %parallel_loop3A_886, %parallel_loop3A_846 : vector<16xf32>
        %parallel_loop3A_894 = arith.index_cast %parallel_loop3A_850 : i32 to index
        %parallel_loop3A_895 = arith.constant 48 : index
        %parallel_loop3A_896 = tpu.vector_load %arg12[%parallel_loop3A_894, %parallel_loop3A_895] {strides = array<i32>} : memref<48x64xf32, #tpu.memory_space<vmem>>, vector<1x16xf32>,
        %parallel_loop3A_897 = vector.shape_cast %parallel_loop3A_896 : vector<1x16xf32> to vector<16xf32>
        %parallel_loop3A_898 = vector.shape_cast %parallel_loop3A_893 : vector<16xf32> to vector<1x16xf32>
        tpu.vector_store %arg12[%parallel_loop3A_894, %parallel_loop3A_895], %parallel_loop3A_898 {strides = array<i32>} : memref<48x64xf32, #tpu.memory_space<vmem>>, vector<1x16xf32>,
        %parallel_loop3A_899 = arith.constant 14 : i32
        %parallel_loop3A_900 = vector.broadcast %parallel_loop3A_899 : i32 to vector<16x1xi32>
        %parallel_loop3A_901 = vector.shape_cast %parallel_loop3A_900 : vector<16x1xi32> to vector<16xi32>
        %parallel_loop3A_902 = tpu.dynamic_gather %parallel_loop3A_114[%parallel_loop3A_901] in [0] : vector<16xf32>, vector<16xi32> -> vector<16xf32>
        %parallel_loop3A_903 = arith.constant 16 : i32
        %parallel_loop3A_904 = arith.muli %parallel_loop3A_106, %parallel_loop3A_903 : i32
        %parallel_loop3A_905 = arith.constant 14 : i32
        %parallel_loop3A_906 = arith.addi %parallel_loop3A_904, %parallel_loop3A_905 : i32
        %parallel_loop3A_907 = arith.index_cast %parallel_loop3A_906 : i32 to index
        %parallel_loop3A_908 = arith.constant 0 : index
        %parallel_loop3A_909 = tpu.vector_load %arg10[%parallel_loop3A_907, %parallel_loop3A_908] {strides = array<i32>} : memref<48x32xi32, #tpu.memory_space<vmem>>, vector<1x16xi32>,
        %parallel_loop3A_910 = vector.shape_cast %parallel_loop3A_909 : vector<1x16xi32> to vector<16xi32>
        %parallel_loop3A_911 = arith.constant 16 : i32
        %parallel_loop3A_912 = vector.broadcast %parallel_loop3A_911 : i32 to vector<16xi32>
        %parallel_loop3A_913 = arith.shli %parallel_loop3A_910, %parallel_loop3A_912 : vector<16xi32>
        %parallel_loop3A_914 = tpu.bitcast %parallel_loop3A_913 : vector<16xi32> -> vector<16xf32>
        %parallel_loop3A_915 = arith.constant -65536 : i32
        %parallel_loop3A_916 = vector.broadcast %parallel_loop3A_915 : i32 to vector<16xi32>
        %parallel_loop3A_917 = arith.andi %parallel_loop3A_910, %parallel_loop3A_916 : vector<16xi32>
        %parallel_loop3A_918 = tpu.bitcast %parallel_loop3A_917 : vector<16xi32> -> vector<16xf32>
        %parallel_loop3A_919 = arith.mulf %parallel_loop3A_914, %parallel_loop3A_902 : vector<16xf32>
        %parallel_loop3A_920 = arith.index_cast %parallel_loop3A_906 : i32 to index
        %parallel_loop3A_921 = arith.constant 0 : index
        %parallel_loop3A_922 = tpu.vector_load %arg12[%parallel_loop3A_920, %parallel_loop3A_921] {strides = array<i32>} : memref<48x64xf32, #tpu.memory_space<vmem>>, vector<1x16xf32>,
        %parallel_loop3A_923 = vector.shape_cast %parallel_loop3A_922 : vector<1x16xf32> to vector<16xf32>
        %parallel_loop3A_924 = vector.shape_cast %parallel_loop3A_919 : vector<16xf32> to vector<1x16xf32>
        tpu.vector_store %arg12[%parallel_loop3A_920, %parallel_loop3A_921], %parallel_loop3A_924 {strides = array<i32>} : memref<48x64xf32, #tpu.memory_space<vmem>>, vector<1x16xf32>,
        %parallel_loop3A_925 = arith.mulf %parallel_loop3A_918, %parallel_loop3A_902 : vector<16xf32>
        %parallel_loop3A_926 = arith.index_cast %parallel_loop3A_906 : i32 to index
        %parallel_loop3A_927 = arith.constant 16 : index
        %parallel_loop3A_928 = tpu.vector_load %arg12[%parallel_loop3A_926, %parallel_loop3A_927] {strides = array<i32>} : memref<48x64xf32, #tpu.memory_space<vmem>>, vector<1x16xf32>,
        %parallel_loop3A_929 = vector.shape_cast %parallel_loop3A_928 : vector<1x16xf32> to vector<16xf32>
        %parallel_loop3A_930 = vector.shape_cast %parallel_loop3A_925 : vector<16xf32> to vector<1x16xf32>
        tpu.vector_store %arg12[%parallel_loop3A_926, %parallel_loop3A_927], %parallel_loop3A_930 {strides = array<i32>} : memref<48x64xf32, #tpu.memory_space<vmem>>, vector<1x16xf32>,
        %parallel_loop3A_931 = arith.index_cast %parallel_loop3A_906 : i32 to index
        %parallel_loop3A_932 = arith.constant 16 : index
        %parallel_loop3A_933 = tpu.vector_load %arg10[%parallel_loop3A_931, %parallel_loop3A_932] {strides = array<i32>} : memref<48x32xi32, #tpu.memory_space<vmem>>, vector<1x16xi32>,
        %parallel_loop3A_934 = vector.shape_cast %parallel_loop3A_933 : vector<1x16xi32> to vector<16xi32>
        %parallel_loop3A_935 = arith.constant 16 : i32
        %parallel_loop3A_936 = vector.broadcast %parallel_loop3A_935 : i32 to vector<16xi32>
        %parallel_loop3A_937 = arith.shli %parallel_loop3A_934, %parallel_loop3A_936 : vector<16xi32>
        %parallel_loop3A_938 = tpu.bitcast %parallel_loop3A_937 : vector<16xi32> -> vector<16xf32>
        %parallel_loop3A_939 = arith.constant -65536 : i32
        %parallel_loop3A_940 = vector.broadcast %parallel_loop3A_939 : i32 to vector<16xi32>
        %parallel_loop3A_941 = arith.andi %parallel_loop3A_934, %parallel_loop3A_940 : vector<16xi32>
        %parallel_loop3A_942 = tpu.bitcast %parallel_loop3A_941 : vector<16xi32> -> vector<16xf32>
        %parallel_loop3A_943 = arith.mulf %parallel_loop3A_938, %parallel_loop3A_902 : vector<16xf32>
        %parallel_loop3A_944 = arith.index_cast %parallel_loop3A_906 : i32 to index
        %parallel_loop3A_945 = arith.constant 32 : index
        %parallel_loop3A_946 = tpu.vector_load %arg12[%parallel_loop3A_944, %parallel_loop3A_945] {strides = array<i32>} : memref<48x64xf32, #tpu.memory_space<vmem>>, vector<1x16xf32>,
        %parallel_loop3A_947 = vector.shape_cast %parallel_loop3A_946 : vector<1x16xf32> to vector<16xf32>
        %parallel_loop3A_948 = vector.shape_cast %parallel_loop3A_943 : vector<16xf32> to vector<1x16xf32>
        tpu.vector_store %arg12[%parallel_loop3A_944, %parallel_loop3A_945], %parallel_loop3A_948 {strides = array<i32>} : memref<48x64xf32, #tpu.memory_space<vmem>>, vector<1x16xf32>,
        %parallel_loop3A_949 = arith.mulf %parallel_loop3A_942, %parallel_loop3A_902 : vector<16xf32>
        %parallel_loop3A_950 = arith.index_cast %parallel_loop3A_906 : i32 to index
        %parallel_loop3A_951 = arith.constant 48 : index
        %parallel_loop3A_952 = tpu.vector_load %arg12[%parallel_loop3A_950, %parallel_loop3A_951] {strides = array<i32>} : memref<48x64xf32, #tpu.memory_space<vmem>>, vector<1x16xf32>,
        %parallel_loop3A_953 = vector.shape_cast %parallel_loop3A_952 : vector<1x16xf32> to vector<16xf32>
        %parallel_loop3A_954 = vector.shape_cast %parallel_loop3A_949 : vector<16xf32> to vector<1x16xf32>
        tpu.vector_store %arg12[%parallel_loop3A_950, %parallel_loop3A_951], %parallel_loop3A_954 {strides = array<i32>} : memref<48x64xf32, #tpu.memory_space<vmem>>, vector<1x16xf32>,
        %parallel_loop3A_955 = arith.constant 15 : i32
        %parallel_loop3A_956 = vector.broadcast %parallel_loop3A_955 : i32 to vector<16x1xi32>
        %parallel_loop3A_957 = vector.shape_cast %parallel_loop3A_956 : vector<16x1xi32> to vector<16xi32>
        %parallel_loop3A_958 = tpu.dynamic_gather %parallel_loop3A_114[%parallel_loop3A_957] in [0] : vector<16xf32>, vector<16xi32> -> vector<16xf32>
        %parallel_loop3A_959 = arith.constant 16 : i32
        %parallel_loop3A_960 = arith.muli %parallel_loop3A_106, %parallel_loop3A_959 : i32
        %parallel_loop3A_961 = arith.constant 15 : i32
        %parallel_loop3A_962 = arith.addi %parallel_loop3A_960, %parallel_loop3A_961 : i32
        %parallel_loop3A_963 = arith.index_cast %parallel_loop3A_962 : i32 to index
        %parallel_loop3A_964 = arith.constant 0 : index
        %parallel_loop3A_965 = tpu.vector_load %arg10[%parallel_loop3A_963, %parallel_loop3A_964] {strides = array<i32>} : memref<48x32xi32, #tpu.memory_space<vmem>>, vector<1x16xi32>,
        %parallel_loop3A_966 = vector.shape_cast %parallel_loop3A_965 : vector<1x16xi32> to vector<16xi32>
        %parallel_loop3A_967 = arith.constant 16 : i32
        %parallel_loop3A_968 = vector.broadcast %parallel_loop3A_967 : i32 to vector<16xi32>
        %parallel_loop3A_969 = arith.shli %parallel_loop3A_966, %parallel_loop3A_968 : vector<16xi32>
        %parallel_loop3A_970 = tpu.bitcast %parallel_loop3A_969 : vector<16xi32> -> vector<16xf32>
        %parallel_loop3A_971 = arith.constant -65536 : i32
        %parallel_loop3A_972 = vector.broadcast %parallel_loop3A_971 : i32 to vector<16xi32>
        %parallel_loop3A_973 = arith.andi %parallel_loop3A_966, %parallel_loop3A_972 : vector<16xi32>
        %parallel_loop3A_974 = tpu.bitcast %parallel_loop3A_973 : vector<16xi32> -> vector<16xf32>
        %parallel_loop3A_975 = arith.mulf %parallel_loop3A_970, %parallel_loop3A_958 : vector<16xf32>
        %parallel_loop3A_976 = arith.index_cast %parallel_loop3A_962 : i32 to index
        %parallel_loop3A_977 = arith.constant 0 : index
        %parallel_loop3A_978 = tpu.vector_load %arg12[%parallel_loop3A_976, %parallel_loop3A_977] {strides = array<i32>} : memref<48x64xf32, #tpu.memory_space<vmem>>, vector<1x16xf32>,
        %parallel_loop3A_979 = vector.shape_cast %parallel_loop3A_978 : vector<1x16xf32> to vector<16xf32>
        %parallel_loop3A_980 = vector.shape_cast %parallel_loop3A_975 : vector<16xf32> to vector<1x16xf32>
        tpu.vector_store %arg12[%parallel_loop3A_976, %parallel_loop3A_977], %parallel_loop3A_980 {strides = array<i32>} : memref<48x64xf32, #tpu.memory_space<vmem>>, vector<1x16xf32>,
        %parallel_loop3A_981 = arith.mulf %parallel_loop3A_974, %parallel_loop3A_958 : vector<16xf32>
        %parallel_loop3A_982 = arith.index_cast %parallel_loop3A_962 : i32 to index
        %parallel_loop3A_983 = arith.constant 16 : index
        %parallel_loop3A_984 = tpu.vector_load %arg12[%parallel_loop3A_982, %parallel_loop3A_983] {strides = array<i32>} : memref<48x64xf32, #tpu.memory_space<vmem>>, vector<1x16xf32>,
        %parallel_loop3A_985 = vector.shape_cast %parallel_loop3A_984 : vector<1x16xf32> to vector<16xf32>
        %parallel_loop3A_986 = vector.shape_cast %parallel_loop3A_981 : vector<16xf32> to vector<1x16xf32>
        tpu.vector_store %arg12[%parallel_loop3A_982, %parallel_loop3A_983], %parallel_loop3A_986 {strides = array<i32>} : memref<48x64xf32, #tpu.memory_space<vmem>>, vector<1x16xf32>,
        %parallel_loop3A_987 = arith.index_cast %parallel_loop3A_962 : i32 to index
        %parallel_loop3A_988 = arith.constant 16 : index
        %parallel_loop3A_989 = tpu.vector_load %arg10[%parallel_loop3A_987, %parallel_loop3A_988] {strides = array<i32>} : memref<48x32xi32, #tpu.memory_space<vmem>>, vector<1x16xi32>,
        %parallel_loop3A_990 = vector.shape_cast %parallel_loop3A_989 : vector<1x16xi32> to vector<16xi32>
        %parallel_loop3A_991 = arith.constant 16 : i32
        %parallel_loop3A_992 = vector.broadcast %parallel_loop3A_991 : i32 to vector<16xi32>
        %parallel_loop3A_993 = arith.shli %parallel_loop3A_990, %parallel_loop3A_992 : vector<16xi32>
        %parallel_loop3A_994 = tpu.bitcast %parallel_loop3A_993 : vector<16xi32> -> vector<16xf32>
        %parallel_loop3A_995 = arith.constant -65536 : i32
        %parallel_loop3A_996 = vector.broadcast %parallel_loop3A_995 : i32 to vector<16xi32>
        %parallel_loop3A_997 = arith.andi %parallel_loop3A_990, %parallel_loop3A_996 : vector<16xi32>
        %parallel_loop3A_998 = tpu.bitcast %parallel_loop3A_997 : vector<16xi32> -> vector<16xf32>
        %parallel_loop3A_999 = arith.mulf %parallel_loop3A_994, %parallel_loop3A_958 : vector<16xf32>
        %parallel_loop3A_1000 = arith.index_cast %parallel_loop3A_962 : i32 to index
        %parallel_loop3A_1001 = arith.constant 32 : index
        %parallel_loop3A_1002 = tpu.vector_load %arg12[%parallel_loop3A_1000, %parallel_loop3A_1001] {strides = array<i32>} : memref<48x64xf32, #tpu.memory_space<vmem>>, vector<1x16xf32>,
        %parallel_loop3A_1003 = vector.shape_cast %parallel_loop3A_1002 : vector<1x16xf32> to vector<16xf32>
        %parallel_loop3A_1004 = vector.shape_cast %parallel_loop3A_999 : vector<16xf32> to vector<1x16xf32>
        tpu.vector_store %arg12[%parallel_loop3A_1000, %parallel_loop3A_1001], %parallel_loop3A_1004 {strides = array<i32>} : memref<48x64xf32, #tpu.memory_space<vmem>>, vector<1x16xf32>,
        %parallel_loop3A_1005 = arith.mulf %parallel_loop3A_998, %parallel_loop3A_958 : vector<16xf32>
        %parallel_loop3A_1006 = arith.index_cast %parallel_loop3A_962 : i32 to index
        %parallel_loop3A_1007 = arith.constant 48 : index
        %parallel_loop3A_1008 = tpu.vector_load %arg12[%parallel_loop3A_1006, %parallel_loop3A_1007] {strides = array<i32>} : memref<48x64xf32, #tpu.memory_space<vmem>>, vector<1x16xf32>,
        %parallel_loop3A_1009 = vector.shape_cast %parallel_loop3A_1008 : vector<1x16xf32> to vector<16xf32>
        %parallel_loop3A_1010 = vector.shape_cast %parallel_loop3A_1005 : vector<16xf32> to vector<1x16xf32>
        tpu.vector_store %arg12[%parallel_loop3A_1006, %parallel_loop3A_1007], %parallel_loop3A_1010 {strides = array<i32>} : memref<48x64xf32, #tpu.memory_space<vmem>>, vector<1x16xf32>,
      } {sc.loop_unroll_factor = 3 : i64, sc.parallel_access}
      %dma_start3A_67 = arith.constant 0 : i32
      %dma_start3A_68 = tpu.memref_slice %arg8[%add3A_45, %dma_start3A_67] : memref<418x48xi32, #tpu.memory_space<vmem>> -> memref<1x48xi32, #tpu.memory_space<vmem>>
      %dma_start3A_69 = tpu.memref_squeeze %dma_start3A_68 : memref<1x48xi32, #tpu.memory_space<vmem>> -> memref<48xi32, #tpu.memory_space<vmem>>
      %dma_start3A_70 = arith.constant 0 : i32
      %dma_start3A_71 = arith.constant 0 : i32
      %dma_start3A_72 = tpu.memref_slice %arg14[%dma_start3A_70, %dma_start3A_71] : memref<10000x64xf32, #tpu.memory_space<vmem_shared>> -> memref<10000x64xf32, #tpu.memory_space<vmem_shared>>
      tpu.enqueue_indirect_dma source(%arg12 : memref<48x64xf32, #tpu.memory_space<vmem>>) target(%dma_start3A_72 : memref<10000x64xf32, #tpu.memory_space<vmem_shared>>) offsets(%dma_start3A_69 : memref<48xi32, #tpu.memory_space<vmem>>) semaphore(%arg18 : memref<!tpu.dma_semaphore, #tpu.memory_space<semaphore_mem>>) {add = true}
      %mul3A_73 = arith.constant 2 : i32
      %mul3A_74 = arith.muli %mul3A_73, %scan3A_43 : i32
      %add3A_75 = arith.constant 1 : i32
      %add3A_76 = arith.addi %mul3A_74, %add3A_75 : i32
      %dma_wait3A_77 = arith.constant 0 : i32
      %dma_wait3A_78 = tpu.memref_slice %arg7[%add3A_76, %dma_wait3A_77] : memref<418x48xi32, #tpu.memory_space<vmem>> -> memref<1x48xi32, #tpu.memory_space<vmem>>
      %dma_wait3A_79 = tpu.memref_squeeze %dma_wait3A_78 : memref<1x48xi32, #tpu.memory_space<vmem>> -> memref<48xi32, #tpu.memory_space<vmem>>
      %dma_wait3A_80 = arith.constant 0 : i32
      %dma_wait3A_81 = arith.constant 0 : i32
      %dma_wait3A_82 = tpu.memref_slice %arg15[%dma_wait3A_80, %dma_wait3A_81] : memref<10000x32xi32, #tpu.memory_space<vmem_shared>> -> memref<10000x32xi32, #tpu.memory_space<vmem_shared>>
      tpu.wait_indirect_dma semaphore(%arg17 : memref<!tpu.dma_semaphore, #tpu.memory_space<semaphore_mem>>) src(%dma_wait3A_82 : memref<10000x32xi32, #tpu.memory_space<vmem_shared>>) dst(%arg11 : memref<48x32xi32, #tpu.memory_space<vmem>>)
      %add3A_83 = arith.constant 2 : i32
      %add3A_84 = arith.addi %add3A_76, %add3A_83 : i32
      %sub3A_85 = arith.constant 1 : i32
      %sub3A_86 = arith.subi %add3A_84, %sub3A_85 : i32
      %lt3A_87 = arith.constant 418 : i32
      %lt3A_88 = arith.cmpi slt, %sub3A_86, %lt3A_87 : i32
      %convert_element_type3A_89 = arith.extui %lt3A_88 : i1 to i32
      %cond3A_90 = arith.constant 0 : i32
      %cond3A_91 = arith.cmpi ne, %convert_element_type3A_89, %cond3A_90 : i32
      scf.if %cond3A_91 {
        %add3A_106 = arith.constant 2 : i32
        %add3A_107 = arith.addi %add3A_76, %add3A_106 : i32
        %sub3A_108 = arith.constant 1 : i32
        %sub3A_109 = arith.subi %add3A_107, %sub3A_108 : i32
        %dma_start3A_110 = arith.constant 0 : i32
        %dma_start3A_111 = tpu.memref_slice %arg7[%sub3A_109, %dma_start3A_110] : memref<418x48xi32, #tpu.memory_space<vmem>> -> memref<1x48xi32, #tpu.memory_space<vmem>>
        %dma_start3A_112 = tpu.memref_squeeze %dma_start3A_111 : memref<1x48xi32, #tpu.memory_space<vmem>> -> memref<48xi32, #tpu.memory_space<vmem>>
        %dma_start3A_113 = arith.constant 0 : i32
        %dma_start3A_114 = arith.constant 0 : i32
        %dma_start3A_115 = tpu.memref_slice %arg15[%dma_start3A_113, %dma_start3A_114] : memref<10000x32xi32, #tpu.memory_space<vmem_shared>> -> memref<10000x32xi32, #tpu.memory_space<vmem_shared>>
        tpu.enqueue_indirect_dma source(%dma_start3A_115 : memref<10000x32xi32, #tpu.memory_space<vmem_shared>>) target(%arg10 : memref<48x32xi32, #tpu.memory_space<vmem>>) offsets(%dma_start3A_112 : memref<48xi32, #tpu.memory_space<vmem>>) semaphore(%arg16 : memref<!tpu.dma_semaphore, #tpu.memory_space<semaphore_mem>>)
      } else {
      }
      %ge3A_92 = arith.constant 2 : i32
      %ge3A_93 = arith.cmpi sge, %add3A_76, %ge3A_92 : i32
      %convert_element_type3A_94 = arith.extui %ge3A_93 : i1 to i32
      %cond3A_95 = arith.constant 0 : i32
      %cond3A_96 = arith.cmpi ne, %convert_element_type3A_94, %cond3A_95 : i32
      scf.if %cond3A_96 {
        %sub3A_106 = arith.constant 2 : i32
        %sub3A_107 = arith.subi %add3A_76, %sub3A_106 : i32
        %dma_wait3A_108 = arith.constant 0 : i32
        %dma_wait3A_109 = tpu.memref_slice %arg8[%sub3A_107, %dma_wait3A_108] : memref<418x48xi32, #tpu.memory_space<vmem>> -> memref<1x48xi32, #tpu.memory_space<vmem>>
        %dma_wait3A_110 = tpu.memref_squeeze %dma_wait3A_109 : memref<1x48xi32, #tpu.memory_space<vmem>> -> memref<48xi32, #tpu.memory_space<vmem>>
        %dma_wait3A_111 = arith.constant 0 : i32
        %dma_wait3A_112 = arith.constant 0 : i32
        %dma_wait3A_113 = tpu.memref_slice %arg14[%dma_wait3A_111, %dma_wait3A_112] : memref<10000x64xf32, #tpu.memory_space<vmem_shared>> -> memref<10000x64xf32, #tpu.memory_space<vmem_shared>>
        tpu.wait_indirect_dma semaphore(%arg19 : memref<!tpu.dma_semaphore, #tpu.memory_space<semaphore_mem>>) src(%arg13 : memref<48x64xf32, #tpu.memory_space<vmem>>) dst(%dma_wait3A_113 : memref<10000x64xf32, #tpu.memory_space<vmem_shared>>)
      } else {
      }
      %parallel_loop3A_97 = arith.constant 0 : i32
      %parallel_loop3A_98 = arith.constant 3 : i32
      %parallel_loop3A_99 = arith.constant 1 : i32
      scf.for %parallel_loop3A_106 = %parallel_loop3A_97 to %parallel_loop3A_98 step %parallel_loop3A_99  : i32 {
        %parallel_loop3A_107 = arith.constant 48 : i32
        %parallel_loop3A_108 = arith.muli %add3A_76, %parallel_loop3A_107 : i32
        %parallel_loop3A_109 = arith.constant 16 : i32
        %parallel_loop3A_110 = arith.muli %parallel_loop3A_106, %parallel_loop3A_109 : i32
        %parallel_loop3A_111 = arith.addi %parallel_loop3A_108, %parallel_loop3A_110 : i32
        %parallel_loop3A_112 = arith.index_cast %parallel_loop3A_111 : i32 to index
        %parallel_loop3A_113 = tpu.vector_load %arg9[%parallel_loop3A_112] {strides = array<i32>} : memref<20064xf32, #tpu.memory_space<vmem>>, vector<16xf32>,
        %parallel_loop3A_114 = vector.shape_cast %parallel_loop3A_113 : vector<16xf32> to vector<16xf32>
        %parallel_loop3A_115 = arith.constant 0 : i32
        %parallel_loop3A_116 = vector.broadcast %parallel_loop3A_115 : i32 to vector<16x1xi32>
        %parallel_loop3A_117 = vector.shape_cast %parallel_loop3A_116 : vector<16x1xi32> to vector<16xi32>
        %parallel_loop3A_118 = tpu.dynamic_gather %parallel_loop3A_114[%parallel_loop3A_117] in [0] : vector<16xf32>, vector<16xi32> -> vector<16xf32>
        %parallel_loop3A_119 = arith.constant 16 : i32
        %parallel_loop3A_120 = arith.muli %parallel_loop3A_106, %parallel_loop3A_119 : i32
        %parallel_loop3A_121 = arith.constant 0 : i32
        %parallel_loop3A_122 = arith.addi %parallel_loop3A_120, %parallel_loop3A_121 : i32
        %parallel_loop3A_123 = arith.index_cast %parallel_loop3A_122 : i32 to index
        %parallel_loop3A_124 = arith.constant 0 : index
        %parallel_loop3A_125 = tpu.vector_load %arg11[%parallel_loop3A_123, %parallel_loop3A_124] {strides = array<i32>} : memref<48x32xi32, #tpu.memory_space<vmem>>, vector<1x16xi32>,
        %parallel_loop3A_126 = vector.shape_cast %parallel_loop3A_125 : vector<1x16xi32> to vector<16xi32>
        %parallel_loop3A_127 = arith.constant 16 : i32
        %parallel_loop3A_128 = vector.broadcast %parallel_loop3A_127 : i32 to vector<16xi32>
        %parallel_loop3A_129 = arith.shli %parallel_loop3A_126, %parallel_loop3A_128 : vector<16xi32>
        %parallel_loop3A_130 = tpu.bitcast %parallel_loop3A_129 : vector<16xi32> -> vector<16xf32>
        %parallel_loop3A_131 = arith.constant -65536 : i32
        %parallel_loop3A_132 = vector.broadcast %parallel_loop3A_131 : i32 to vector<16xi32>
        %parallel_loop3A_133 = arith.andi %parallel_loop3A_126, %parallel_loop3A_132 : vector<16xi32>
        %parallel_loop3A_134 = tpu.bitcast %parallel_loop3A_133 : vector<16xi32> -> vector<16xf32>
        %parallel_loop3A_135 = arith.mulf %parallel_loop3A_130, %parallel_loop3A_118 : vector<16xf32>
        %parallel_loop3A_136 = arith.index_cast %parallel_loop3A_122 : i32 to index
        %parallel_loop3A_137 = arith.constant 0 : index
        %parallel_loop3A_138 = tpu.vector_load %arg13[%parallel_loop3A_136, %parallel_loop3A_137] {strides = array<i32>} : memref<48x64xf32, #tpu.memory_space<vmem>>, vector<1x16xf32>,
        %parallel_loop3A_139 = vector.shape_cast %parallel_loop3A_138 : vector<1x16xf32> to vector<16xf32>
        %parallel_loop3A_140 = vector.shape_cast %parallel_loop3A_135 : vector<16xf32> to vector<1x16xf32>
        tpu.vector_store %arg13[%parallel_loop3A_136, %parallel_loop3A_137], %parallel_loop3A_140 {strides = array<i32>} : memref<48x64xf32, #tpu.memory_space<vmem>>, vector<1x16xf32>,
        %parallel_loop3A_141 = arith.mulf %parallel_loop3A_134, %parallel_loop3A_118 : vector<16xf32>
        %parallel_loop3A_142 = arith.index_cast %parallel_loop3A_122 : i32 to index
        %parallel_loop3A_143 = arith.constant 16 : index
        %parallel_loop3A_144 = tpu.vector_load %arg13[%parallel_loop3A_142, %parallel_loop3A_143] {strides = array<i32>} : memref<48x64xf32, #tpu.memory_space<vmem>>, vector<1x16xf32>,
        %parallel_loop3A_145 = vector.shape_cast %parallel_loop3A_144 : vector<1x16xf32> to vector<16xf32>
        %parallel_loop3A_146 = vector.shape_cast %parallel_loop3A_141 : vector<16xf32> to vector<1x16xf32>
        tpu.vector_store %arg13[%parallel_loop3A_142, %parallel_loop3A_143], %parallel_loop3A_146 {strides = array<i32>} : memref<48x64xf32, #tpu.memory_space<vmem>>, vector<1x16xf32>,
        %parallel_loop3A_147 = arith.index_cast %parallel_loop3A_122 : i32 to index
        %parallel_loop3A_148 = arith.constant 16 : index
        %parallel_loop3A_149 = tpu.vector_load %arg11[%parallel_loop3A_147, %parallel_loop3A_148] {strides = array<i32>} : memref<48x32xi32, #tpu.memory_space<vmem>>, vector<1x16xi32>,
        %parallel_loop3A_150 = vector.shape_cast %parallel_loop3A_149 : vector<1x16xi32> to vector<16xi32>
        %parallel_loop3A_151 = arith.constant 16 : i32
        %parallel_loop3A_152 = vector.broadcast %parallel_loop3A_151 : i32 to vector<16xi32>
        %parallel_loop3A_153 = arith.shli %parallel_loop3A_150, %parallel_loop3A_152 : vector<16xi32>
        %parallel_loop3A_154 = tpu.bitcast %parallel_loop3A_153 : vector<16xi32> -> vector<16xf32>
        %parallel_loop3A_155 = arith.constant -65536 : i32
        %parallel_loop3A_156 = vector.broadcast %parallel_loop3A_155 : i32 to vector<16xi32>
        %parallel_loop3A_157 = arith.andi %parallel_loop3A_150, %parallel_loop3A_156 : vector<16xi32>
        %parallel_loop3A_158 = tpu.bitcast %parallel_loop3A_157 : vector<16xi32> -> vector<16xf32>
        %parallel_loop3A_159 = arith.mulf %parallel_loop3A_154, %parallel_loop3A_118 : vector<16xf32>
        %parallel_loop3A_160 = arith.index_cast %parallel_loop3A_122 : i32 to index
        %parallel_loop3A_161 = arith.constant 32 : index
        %parallel_loop3A_162 = tpu.vector_load %arg13[%parallel_loop3A_160, %parallel_loop3A_161] {strides = array<i32>} : memref<48x64xf32, #tpu.memory_space<vmem>>, vector<1x16xf32>,
        %parallel_loop3A_163 = vector.shape_cast %parallel_loop3A_162 : vector<1x16xf32> to vector<16xf32>
        %parallel_loop3A_164 = vector.shape_cast %parallel_loop3A_159 : vector<16xf32> to vector<1x16xf32>
        tpu.vector_store %arg13[%parallel_loop3A_160, %parallel_loop3A_161], %parallel_loop3A_164 {strides = array<i32>} : memref<48x64xf32, #tpu.memory_space<vmem>>, vector<1x16xf32>,
        %parallel_loop3A_165 = arith.mulf %parallel_loop3A_158, %parallel_loop3A_118 : vector<16xf32>
        %parallel_loop3A_166 = arith.index_cast %parallel_loop3A_122 : i32 to index
        %parallel_loop3A_167 = arith.constant 48 : index
        %parallel_loop3A_168 = tpu.vector_load %arg13[%parallel_loop3A_166, %parallel_loop3A_167] {strides = array<i32>} : memref<48x64xf32, #tpu.memory_space<vmem>>, vector<1x16xf32>,
        %parallel_loop3A_169 = vector.shape_cast %parallel_loop3A_168 : vector<1x16xf32> to vector<16xf32>
        %parallel_loop3A_170 = vector.shape_cast %parallel_loop3A_165 : vector<16xf32> to vector<1x16xf32>
        tpu.vector_store %arg13[%parallel_loop3A_166, %parallel_loop3A_167], %parallel_loop3A_170 {strides = array<i32>} : memref<48x64xf32, #tpu.memory_space<vmem>>, vector<1x16xf32>,
        %parallel_loop3A_171 = arith.constant 1 : i32
        %parallel_loop3A_172 = vector.broadcast %parallel_loop3A_171 : i32 to vector<16x1xi32>
        %parallel_loop3A_173 = vector.shape_cast %parallel_loop3A_172 : vector<16x1xi32> to vector<16xi32>
        %parallel_loop3A_174 = tpu.dynamic_gather %parallel_loop3A_114[%parallel_loop3A_173] in [0] : vector<16xf32>, vector<16xi32> -> vector<16xf32>
        %parallel_loop3A_175 = arith.constant 16 : i32
        %parallel_loop3A_176 = arith.muli %parallel_loop3A_106, %parallel_loop3A_175 : i32
        %parallel_loop3A_177 = arith.constant 1 : i32
        %parallel_loop3A_178 = arith.addi %parallel_loop3A_176, %parallel_loop3A_177 : i32
        %parallel_loop3A_179 = arith.index_cast %parallel_loop3A_178 : i32 to index
        %parallel_loop3A_180 = arith.constant 0 : index
        %parallel_loop3A_181 = tpu.vector_load %arg11[%parallel_loop3A_179, %parallel_loop3A_180] {strides = array<i32>} : memref<48x32xi32, #tpu.memory_space<vmem>>, vector<1x16xi32>,
        %parallel_loop3A_182 = vector.shape_cast %parallel_loop3A_181 : vector<1x16xi32> to vector<16xi32>
        %parallel_loop3A_183 = arith.constant 16 : i32
        %parallel_loop3A_184 = vector.broadcast %parallel_loop3A_183 : i32 to vector<16xi32>
        %parallel_loop3A_185 = arith.shli %parallel_loop3A_182, %parallel_loop3A_184 : vector<16xi32>
        %parallel_loop3A_186 = tpu.bitcast %parallel_loop3A_185 : vector<16xi32> -> vector<16xf32>
        %parallel_loop3A_187 = arith.constant -65536 : i32
        %parallel_loop3A_188 = vector.broadcast %parallel_loop3A_187 : i32 to vector<16xi32>
        %parallel_loop3A_189 = arith.andi %parallel_loop3A_182, %parallel_loop3A_188 : vector<16xi32>
        %parallel_loop3A_190 = tpu.bitcast %parallel_loop3A_189 : vector<16xi32> -> vector<16xf32>
        %parallel_loop3A_191 = arith.mulf %parallel_loop3A_186, %parallel_loop3A_174 : vector<16xf32>
        %parallel_loop3A_192 = arith.index_cast %parallel_loop3A_178 : i32 to index
        %parallel_loop3A_193 = arith.constant 0 : index
        %parallel_loop3A_194 = tpu.vector_load %arg13[%parallel_loop3A_192, %parallel_loop3A_193] {strides = array<i32>} : memref<48x64xf32, #tpu.memory_space<vmem>>, vector<1x16xf32>,
        %parallel_loop3A_195 = vector.shape_cast %parallel_loop3A_194 : vector<1x16xf32> to vector<16xf32>
        %parallel_loop3A_196 = vector.shape_cast %parallel_loop3A_191 : vector<16xf32> to vector<1x16xf32>
        tpu.vector_store %arg13[%parallel_loop3A_192, %parallel_loop3A_193], %parallel_loop3A_196 {strides = array<i32>} : memref<48x64xf32, #tpu.memory_space<vmem>>, vector<1x16xf32>,
        %parallel_loop3A_197 = arith.mulf %parallel_loop3A_190, %parallel_loop3A_174 : vector<16xf32>
        %parallel_loop3A_198 = arith.index_cast %parallel_loop3A_178 : i32 to index
        %parallel_loop3A_199 = arith.constant 16 : index
        %parallel_loop3A_200 = tpu.vector_load %arg13[%parallel_loop3A_198, %parallel_loop3A_199] {strides = array<i32>} : memref<48x64xf32, #tpu.memory_space<vmem>>, vector<1x16xf32>,
        %parallel_loop3A_201 = vector.shape_cast %parallel_loop3A_200 : vector<1x16xf32> to vector<16xf32>
        %parallel_loop3A_202 = vector.shape_cast %parallel_loop3A_197 : vector<16xf32> to vector<1x16xf32>
        tpu.vector_store %arg13[%parallel_loop3A_198, %parallel_loop3A_199], %parallel_loop3A_202 {strides = array<i32>} : memref<48x64xf32, #tpu.memory_space<vmem>>, vector<1x16xf32>,
        %parallel_loop3A_203 = arith.index_cast %parallel_loop3A_178 : i32 to index
        %parallel_loop3A_204 = arith.constant 16 : index
        %parallel_loop3A_205 = tpu.vector_load %arg11[%parallel_loop3A_203, %parallel_loop3A_204] {strides = array<i32>} : memref<48x32xi32, #tpu.memory_space<vmem>>, vector<1x16xi32>,
        %parallel_loop3A_206 = vector.shape_cast %parallel_loop3A_205 : vector<1x16xi32> to vector<16xi32>
        %parallel_loop3A_207 = arith.constant 16 : i32
        %parallel_loop3A_208 = vector.broadcast %parallel_loop3A_207 : i32 to vector<16xi32>
        %parallel_loop3A_209 = arith.shli %parallel_loop3A_206, %parallel_loop3A_208 : vector<16xi32>
        %parallel_loop3A_210 = tpu.bitcast %parallel_loop3A_209 : vector<16xi32> -> vector<16xf32>
        %parallel_loop3A_211 = arith.constant -65536 : i32
        %parallel_loop3A_212 = vector.broadcast %parallel_loop3A_211 : i32 to vector<16xi32>
        %parallel_loop3A_213 = arith.andi %parallel_loop3A_206, %parallel_loop3A_212 : vector<16xi32>
        %parallel_loop3A_214 = tpu.bitcast %parallel_loop3A_213 : vector<16xi32> -> vector<16xf32>
        %parallel_loop3A_215 = arith.mulf %parallel_loop3A_210, %parallel_loop3A_174 : vector<16xf32>
        %parallel_loop3A_216 = arith.index_cast %parallel_loop3A_178 : i32 to index
        %parallel_loop3A_217 = arith.constant 32 : index
        %parallel_loop3A_218 = tpu.vector_load %arg13[%parallel_loop3A_216, %parallel_loop3A_217] {strides = array<i32>} : memref<48x64xf32, #tpu.memory_space<vmem>>, vector<1x16xf32>,
        %parallel_loop3A_219 = vector.shape_cast %parallel_loop3A_218 : vector<1x16xf32> to vector<16xf32>
        %parallel_loop3A_220 = vector.shape_cast %parallel_loop3A_215 : vector<16xf32> to vector<1x16xf32>
        tpu.vector_store %arg13[%parallel_loop3A_216, %parallel_loop3A_217], %parallel_loop3A_220 {strides = array<i32>} : memref<48x64xf32, #tpu.memory_space<vmem>>, vector<1x16xf32>,
        %parallel_loop3A_221 = arith.mulf %parallel_loop3A_214, %parallel_loop3A_174 : vector<16xf32>
        %parallel_loop3A_222 = arith.index_cast %parallel_loop3A_178 : i32 to index
        %parallel_loop3A_223 = arith.constant 48 : index
        %parallel_loop3A_224 = tpu.vector_load %arg13[%parallel_loop3A_222, %parallel_loop3A_223] {strides = array<i32>} : memref<48x64xf32, #tpu.memory_space<vmem>>, vector<1x16xf32>,
        %parallel_loop3A_225 = vector.shape_cast %parallel_loop3A_224 : vector<1x16xf32> to vector<16xf32>
        %parallel_loop3A_226 = vector.shape_cast %parallel_loop3A_221 : vector<16xf32> to vector<1x16xf32>
        tpu.vector_store %arg13[%parallel_loop3A_222, %parallel_loop3A_223], %parallel_loop3A_226 {strides = array<i32>} : memref<48x64xf32, #tpu.memory_space<vmem>>, vector<1x16xf32>,
        %parallel_loop3A_227 = arith.constant 2 : i32
        %parallel_loop3A_228 = vector.broadcast %parallel_loop3A_227 : i32 to vector<16x1xi32>
        %parallel_loop3A_229 = vector.shape_cast %parallel_loop3A_228 : vector<16x1xi32> to vector<16xi32>
        %parallel_loop3A_230 = tpu.dynamic_gather %parallel_loop3A_114[%parallel_loop3A_229] in [0] : vector<16xf32>, vector<16xi32> -> vector<16xf32>
        %parallel_loop3A_231 = arith.constant 16 : i32
        %parallel_loop3A_232 = arith.muli %parallel_loop3A_106, %parallel_loop3A_231 : i32
        %parallel_loop3A_233 = arith.constant 2 : i32
        %parallel_loop3A_234 = arith.addi %parallel_loop3A_232, %parallel_loop3A_233 : i32
        %parallel_loop3A_235 = arith.index_cast %parallel_loop3A_234 : i32 to index
        %parallel_loop3A_236 = arith.constant 0 : index
        %parallel_loop3A_237 = tpu.vector_load %arg11[%parallel_loop3A_235, %parallel_loop3A_236] {strides = array<i32>} : memref<48x32xi32, #tpu.memory_space<vmem>>, vector<1x16xi32>,
        %parallel_loop3A_238 = vector.shape_cast %parallel_loop3A_237 : vector<1x16xi32> to vector<16xi32>
        %parallel_loop3A_239 = arith.constant 16 : i32
        %parallel_loop3A_240 = vector.broadcast %parallel_loop3A_239 : i32 to vector<16xi32>
        %parallel_loop3A_241 = arith.shli %parallel_loop3A_238, %parallel_loop3A_240 : vector<16xi32>
        %parallel_loop3A_242 = tpu.bitcast %parallel_loop3A_241 : vector<16xi32> -> vector<16xf32>
        %parallel_loop3A_243 = arith.constant -65536 : i32
        %parallel_loop3A_244 = vector.broadcast %parallel_loop3A_243 : i32 to vector<16xi32>
        %parallel_loop3A_245 = arith.andi %parallel_loop3A_238, %parallel_loop3A_244 : vector<16xi32>
        %parallel_loop3A_246 = tpu.bitcast %parallel_loop3A_245 : vector<16xi32> -> vector<16xf32>
        %parallel_loop3A_247 = arith.mulf %parallel_loop3A_242, %parallel_loop3A_230 : vector<16xf32>
        %parallel_loop3A_248 = arith.index_cast %parallel_loop3A_234 : i32 to index
        %parallel_loop3A_249 = arith.constant 0 : index
        %parallel_loop3A_250 = tpu.vector_load %arg13[%parallel_loop3A_248, %parallel_loop3A_249] {strides = array<i32>} : memref<48x64xf32, #tpu.memory_space<vmem>>, vector<1x16xf32>,
        %parallel_loop3A_251 = vector.shape_cast %parallel_loop3A_250 : vector<1x16xf32> to vector<16xf32>
        %parallel_loop3A_252 = vector.shape_cast %parallel_loop3A_247 : vector<16xf32> to vector<1x16xf32>
        tpu.vector_store %arg13[%parallel_loop3A_248, %parallel_loop3A_249], %parallel_loop3A_252 {strides = array<i32>} : memref<48x64xf32, #tpu.memory_space<vmem>>, vector<1x16xf32>,
        %parallel_loop3A_253 = arith.mulf %parallel_loop3A_246, %parallel_loop3A_230 : vector<16xf32>
        %parallel_loop3A_254 = arith.index_cast %parallel_loop3A_234 : i32 to index
        %parallel_loop3A_255 = arith.constant 16 : index
        %parallel_loop3A_256 = tpu.vector_load %arg13[%parallel_loop3A_254, %parallel_loop3A_255] {strides = array<i32>} : memref<48x64xf32, #tpu.memory_space<vmem>>, vector<1x16xf32>,
        %parallel_loop3A_257 = vector.shape_cast %parallel_loop3A_256 : vector<1x16xf32> to vector<16xf32>
        %parallel_loop3A_258 = vector.shape_cast %parallel_loop3A_253 : vector<16xf32> to vector<1x16xf32>
        tpu.vector_store %arg13[%parallel_loop3A_254, %parallel_loop3A_255], %parallel_loop3A_258 {strides = array<i32>} : memref<48x64xf32, #tpu.memory_space<vmem>>, vector<1x16xf32>,
        %parallel_loop3A_259 = arith.index_cast %parallel_loop3A_234 : i32 to index
        %parallel_loop3A_260 = arith.constant 16 : index
        %parallel_loop3A_261 = tpu.vector_load %arg11[%parallel_loop3A_259, %parallel_loop3A_260] {strides = array<i32>} : memref<48x32xi32, #tpu.memory_space<vmem>>, vector<1x16xi32>,
        %parallel_loop3A_262 = vector.shape_cast %parallel_loop3A_261 : vector<1x16xi32> to vector<16xi32>
        %parallel_loop3A_263 = arith.constant 16 : i32
        %parallel_loop3A_264 = vector.broadcast %parallel_loop3A_263 : i32 to vector<16xi32>
        %parallel_loop3A_265 = arith.shli %parallel_loop3A_262, %parallel_loop3A_264 : vector<16xi32>
        %parallel_loop3A_266 = tpu.bitcast %parallel_loop3A_265 : vector<16xi32> -> vector<16xf32>
        %parallel_loop3A_267 = arith.constant -65536 : i32
        %parallel_loop3A_268 = vector.broadcast %parallel_loop3A_267 : i32 to vector<16xi32>
        %parallel_loop3A_269 = arith.andi %parallel_loop3A_262, %parallel_loop3A_268 : vector<16xi32>
        %parallel_loop3A_270 = tpu.bitcast %parallel_loop3A_269 : vector<16xi32> -> vector<16xf32>
        %parallel_loop3A_271 = arith.mulf %parallel_loop3A_266, %parallel_loop3A_230 : vector<16xf32>
        %parallel_loop3A_272 = arith.index_cast %parallel_loop3A_234 : i32 to index
        %parallel_loop3A_273 = arith.constant 32 : index
        %parallel_loop3A_274 = tpu.vector_load %arg13[%parallel_loop3A_272, %parallel_loop3A_273] {strides = array<i32>} : memref<48x64xf32, #tpu.memory_space<vmem>>, vector<1x16xf32>,
        %parallel_loop3A_275 = vector.shape_cast %parallel_loop3A_274 : vector<1x16xf32> to vector<16xf32>
        %parallel_loop3A_276 = vector.shape_cast %parallel_loop3A_271 : vector<16xf32> to vector<1x16xf32>
        tpu.vector_store %arg13[%parallel_loop3A_272, %parallel_loop3A_273], %parallel_loop3A_276 {strides = array<i32>} : memref<48x64xf32, #tpu.memory_space<vmem>>, vector<1x16xf32>,
        %parallel_loop3A_277 = arith.mulf %parallel_loop3A_270, %parallel_loop3A_230 : vector<16xf32>
        %parallel_loop3A_278 = arith.index_cast %parallel_loop3A_234 : i32 to index
        %parallel_loop3A_279 = arith.constant 48 : index
        %parallel_loop3A_280 = tpu.vector_load %arg13[%parallel_loop3A_278, %parallel_loop3A_279] {strides = array<i32>} : memref<48x64xf32, #tpu.memory_space<vmem>>, vector<1x16xf32>,
        %parallel_loop3A_281 = vector.shape_cast %parallel_loop3A_280 : vector<1x16xf32> to vector<16xf32>
        %parallel_loop3A_282 = vector.shape_cast %parallel_loop3A_277 : vector<16xf32> to vector<1x16xf32>
        tpu.vector_store %arg13[%parallel_loop3A_278, %parallel_loop3A_279], %parallel_loop3A_282 {strides = array<i32>} : memref<48x64xf32, #tpu.memory_space<vmem>>, vector<1x16xf32>,
        %parallel_loop3A_283 = arith.constant 3 : i32
        %parallel_loop3A_284 = vector.broadcast %parallel_loop3A_283 : i32 to vector<16x1xi32>
        %parallel_loop3A_285 = vector.shape_cast %parallel_loop3A_284 : vector<16x1xi32> to vector<16xi32>
        %parallel_loop3A_286 = tpu.dynamic_gather %parallel_loop3A_114[%parallel_loop3A_285] in [0] : vector<16xf32>, vector<16xi32> -> vector<16xf32>
        %parallel_loop3A_287 = arith.constant 16 : i32
        %parallel_loop3A_288 = arith.muli %parallel_loop3A_106, %parallel_loop3A_287 : i32
        %parallel_loop3A_289 = arith.constant 3 : i32
        %parallel_loop3A_290 = arith.addi %parallel_loop3A_288, %parallel_loop3A_289 : i32
        %parallel_loop3A_291 = arith.index_cast %parallel_loop3A_290 : i32 to index
        %parallel_loop3A_292 = arith.constant 0 : index
        %parallel_loop3A_293 = tpu.vector_load %arg11[%parallel_loop3A_291, %parallel_loop3A_292] {strides = array<i32>} : memref<48x32xi32, #tpu.memory_space<vmem>>, vector<1x16xi32>,
        %parallel_loop3A_294 = vector.shape_cast %parallel_loop3A_293 : vector<1x16xi32> to vector<16xi32>
        %parallel_loop3A_295 = arith.constant 16 : i32
        %parallel_loop3A_296 = vector.broadcast %parallel_loop3A_295 : i32 to vector<16xi32>
        %parallel_loop3A_297 = arith.shli %parallel_loop3A_294, %parallel_loop3A_296 : vector<16xi32>
        %parallel_loop3A_298 = tpu.bitcast %parallel_loop3A_297 : vector<16xi32> -> vector<16xf32>
        %parallel_loop3A_299 = arith.constant -65536 : i32
        %parallel_loop3A_300 = vector.broadcast %parallel_loop3A_299 : i32 to vector<16xi32>
        %parallel_loop3A_301 = arith.andi %parallel_loop3A_294, %parallel_loop3A_300 : vector<16xi32>
        %parallel_loop3A_302 = tpu.bitcast %parallel_loop3A_301 : vector<16xi32> -> vector<16xf32>
        %parallel_loop3A_303 = arith.mulf %parallel_loop3A_298, %parallel_loop3A_286 : vector<16xf32>
        %parallel_loop3A_304 = arith.index_cast %parallel_loop3A_290 : i32 to index
        %parallel_loop3A_305 = arith.constant 0 : index
        %parallel_loop3A_306 = tpu.vector_load %arg13[%parallel_loop3A_304, %parallel_loop3A_305] {strides = array<i32>} : memref<48x64xf32, #tpu.memory_space<vmem>>, vector<1x16xf32>,
        %parallel_loop3A_307 = vector.shape_cast %parallel_loop3A_306 : vector<1x16xf32> to vector<16xf32>
        %parallel_loop3A_308 = vector.shape_cast %parallel_loop3A_303 : vector<16xf32> to vector<1x16xf32>
        tpu.vector_store %arg13[%parallel_loop3A_304, %parallel_loop3A_305], %parallel_loop3A_308 {strides = array<i32>} : memref<48x64xf32, #tpu.memory_space<vmem>>, vector<1x16xf32>,
        %parallel_loop3A_309 = arith.mulf %parallel_loop3A_302, %parallel_loop3A_286 : vector<16xf32>
        %parallel_loop3A_310 = arith.index_cast %parallel_loop3A_290 : i32 to index
        %parallel_loop3A_311 = arith.constant 16 : index
        %parallel_loop3A_312 = tpu.vector_load %arg13[%parallel_loop3A_310, %parallel_loop3A_311] {strides = array<i32>} : memref<48x64xf32, #tpu.memory_space<vmem>>, vector<1x16xf32>,
        %parallel_loop3A_313 = vector.shape_cast %parallel_loop3A_312 : vector<1x16xf32> to vector<16xf32>
        %parallel_loop3A_314 = vector.shape_cast %parallel_loop3A_309 : vector<16xf32> to vector<1x16xf32>
        tpu.vector_store %arg13[%parallel_loop3A_310, %parallel_loop3A_311], %parallel_loop3A_314 {strides = array<i32>} : memref<48x64xf32, #tpu.memory_space<vmem>>, vector<1x16xf32>,
        %parallel_loop3A_315 = arith.index_cast %parallel_loop3A_290 : i32 to index
        %parallel_loop3A_316 = arith.constant 16 : index
        %parallel_loop3A_317 = tpu.vector_load %arg11[%parallel_loop3A_315, %parallel_loop3A_316] {strides = array<i32>} : memref<48x32xi32, #tpu.memory_space<vmem>>, vector<1x16xi32>,
        %parallel_loop3A_318 = vector.shape_cast %parallel_loop3A_317 : vector<1x16xi32> to vector<16xi32>
        %parallel_loop3A_319 = arith.constant 16 : i32
        %parallel_loop3A_320 = vector.broadcast %parallel_loop3A_319 : i32 to vector<16xi32>
        %parallel_loop3A_321 = arith.shli %parallel_loop3A_318, %parallel_loop3A_320 : vector<16xi32>
        %parallel_loop3A_322 = tpu.bitcast %parallel_loop3A_321 : vector<16xi32> -> vector<16xf32>
        %parallel_loop3A_323 = arith.constant -65536 : i32
        %parallel_loop3A_324 = vector.broadcast %parallel_loop3A_323 : i32 to vector<16xi32>
        %parallel_loop3A_325 = arith.andi %parallel_loop3A_318, %parallel_loop3A_324 : vector<16xi32>
        %parallel_loop3A_326 = tpu.bitcast %parallel_loop3A_325 : vector<16xi32> -> vector<16xf32>
        %parallel_loop3A_327 = arith.mulf %parallel_loop3A_322, %parallel_loop3A_286 : vector<16xf32>
        %parallel_loop3A_328 = arith.index_cast %parallel_loop3A_290 : i32 to index
        %parallel_loop3A_329 = arith.constant 32 : index
        %parallel_loop3A_330 = tpu.vector_load %arg13[%parallel_loop3A_328, %parallel_loop3A_329] {strides = array<i32>} : memref<48x64xf32, #tpu.memory_space<vmem>>, vector<1x16xf32>,
        %parallel_loop3A_331 = vector.shape_cast %parallel_loop3A_330 : vector<1x16xf32> to vector<16xf32>
        %parallel_loop3A_332 = vector.shape_cast %parallel_loop3A_327 : vector<16xf32> to vector<1x16xf32>
        tpu.vector_store %arg13[%parallel_loop3A_328, %parallel_loop3A_329], %parallel_loop3A_332 {strides = array<i32>} : memref<48x64xf32, #tpu.memory_space<vmem>>, vector<1x16xf32>,
        %parallel_loop3A_333 = arith.mulf %parallel_loop3A_326, %parallel_loop3A_286 : vector<16xf32>
        %parallel_loop3A_334 = arith.index_cast %parallel_loop3A_290 : i32 to index
        %parallel_loop3A_335 = arith.constant 48 : index
        %parallel_loop3A_336 = tpu.vector_load %arg13[%parallel_loop3A_334, %parallel_loop3A_335] {strides = array<i32>} : memref<48x64xf32, #tpu.memory_space<vmem>>, vector<1x16xf32>,
        %parallel_loop3A_337 = vector.shape_cast %parallel_loop3A_336 : vector<1x16xf32> to vector<16xf32>
        %parallel_loop3A_338 = vector.shape_cast %parallel_loop3A_333 : vector<16xf32> to vector<1x16xf32>
        tpu.vector_store %arg13[%parallel_loop3A_334, %parallel_loop3A_335], %parallel_loop3A_338 {strides = array<i32>} : memref<48x64xf32, #tpu.memory_space<vmem>>, vector<1x16xf32>,
        %parallel_loop3A_339 = arith.constant 4 : i32
        %parallel_loop3A_340 = vector.broadcast %parallel_loop3A_339 : i32 to vector<16x1xi32>
        %parallel_loop3A_341 = vector.shape_cast %parallel_loop3A_340 : vector<16x1xi32> to vector<16xi32>
        %parallel_loop3A_342 = tpu.dynamic_gather %parallel_loop3A_114[%parallel_loop3A_341] in [0] : vector<16xf32>, vector<16xi32> -> vector<16xf32>
        %parallel_loop3A_343 = arith.constant 16 : i32
        %parallel_loop3A_344 = arith.muli %parallel_loop3A_106, %parallel_loop3A_343 : i32
        %parallel_loop3A_345 = arith.constant 4 : i32
        %parallel_loop3A_346 = arith.addi %parallel_loop3A_344, %parallel_loop3A_345 : i32
        %parallel_loop3A_347 = arith.index_cast %parallel_loop3A_346 : i32 to index
        %parallel_loop3A_348 = arith.constant 0 : index
        %parallel_loop3A_349 = tpu.vector_load %arg11[%parallel_loop3A_347, %parallel_loop3A_348] {strides = array<i32>} : memref<48x32xi32, #tpu.memory_space<vmem>>, vector<1x16xi32>,
        %parallel_loop3A_350 = vector.shape_cast %parallel_loop3A_349 : vector<1x16xi32> to vector<16xi32>
        %parallel_loop3A_351 = arith.constant 16 : i32
        %parallel_loop3A_352 = vector.broadcast %parallel_loop3A_351 : i32 to vector<16xi32>
        %parallel_loop3A_353 = arith.shli %parallel_loop3A_350, %parallel_loop3A_352 : vector<16xi32>
        %parallel_loop3A_354 = tpu.bitcast %parallel_loop3A_353 : vector<16xi32> -> vector<16xf32>
        %parallel_loop3A_355 = arith.constant -65536 : i32
        %parallel_loop3A_356 = vector.broadcast %parallel_loop3A_355 : i32 to vector<16xi32>
        %parallel_loop3A_357 = arith.andi %parallel_loop3A_350, %parallel_loop3A_356 : vector<16xi32>
        %parallel_loop3A_358 = tpu.bitcast %parallel_loop3A_357 : vector<16xi32> -> vector<16xf32>
        %parallel_loop3A_359 = arith.mulf %parallel_loop3A_354, %parallel_loop3A_342 : vector<16xf32>
        %parallel_loop3A_360 = arith.index_cast %parallel_loop3A_346 : i32 to index
        %parallel_loop3A_361 = arith.constant 0 : index
        %parallel_loop3A_362 = tpu.vector_load %arg13[%parallel_loop3A_360, %parallel_loop3A_361] {strides = array<i32>} : memref<48x64xf32, #tpu.memory_space<vmem>>, vector<1x16xf32>,
        %parallel_loop3A_363 = vector.shape_cast %parallel_loop3A_362 : vector<1x16xf32> to vector<16xf32>
        %parallel_loop3A_364 = vector.shape_cast %parallel_loop3A_359 : vector<16xf32> to vector<1x16xf32>
        tpu.vector_store %arg13[%parallel_loop3A_360, %parallel_loop3A_361], %parallel_loop3A_364 {strides = array<i32>} : memref<48x64xf32, #tpu.memory_space<vmem>>, vector<1x16xf32>,
        %parallel_loop3A_365 = arith.mulf %parallel_loop3A_358, %parallel_loop3A_342 : vector<16xf32>
        %parallel_loop3A_366 = arith.index_cast %parallel_loop3A_346 : i32 to index
        %parallel_loop3A_367 = arith.constant 16 : index
        %parallel_loop3A_368 = tpu.vector_load %arg13[%parallel_loop3A_366, %parallel_loop3A_367] {strides = array<i32>} : memref<48x64xf32, #tpu.memory_space<vmem>>, vector<1x16xf32>,
        %parallel_loop3A_369 = vector.shape_cast %parallel_loop3A_368 : vector<1x16xf32> to vector<16xf32>
        %parallel_loop3A_370 = vector.shape_cast %parallel_loop3A_365 : vector<16xf32> to vector<1x16xf32>
        tpu.vector_store %arg13[%parallel_loop3A_366, %parallel_loop3A_367], %parallel_loop3A_370 {strides = array<i32>} : memref<48x64xf32, #tpu.memory_space<vmem>>, vector<1x16xf32>,
        %parallel_loop3A_371 = arith.index_cast %parallel_loop3A_346 : i32 to index
        %parallel_loop3A_372 = arith.constant 16 : index
        %parallel_loop3A_373 = tpu.vector_load %arg11[%parallel_loop3A_371, %parallel_loop3A_372] {strides = array<i32>} : memref<48x32xi32, #tpu.memory_space<vmem>>, vector<1x16xi32>,
        %parallel_loop3A_374 = vector.shape_cast %parallel_loop3A_373 : vector<1x16xi32> to vector<16xi32>
        %parallel_loop3A_375 = arith.constant 16 : i32
        %parallel_loop3A_376 = vector.broadcast %parallel_loop3A_375 : i32 to vector<16xi32>
        %parallel_loop3A_377 = arith.shli %parallel_loop3A_374, %parallel_loop3A_376 : vector<16xi32>
        %parallel_loop3A_378 = tpu.bitcast %parallel_loop3A_377 : vector<16xi32> -> vector<16xf32>
        %parallel_loop3A_379 = arith.constant -65536 : i32
        %parallel_loop3A_380 = vector.broadcast %parallel_loop3A_379 : i32 to vector<16xi32>
        %parallel_loop3A_381 = arith.andi %parallel_loop3A_374, %parallel_loop3A_380 : vector<16xi32>
        %parallel_loop3A_382 = tpu.bitcast %parallel_loop3A_381 : vector<16xi32> -> vector<16xf32>
        %parallel_loop3A_383 = arith.mulf %parallel_loop3A_378, %parallel_loop3A_342 : vector<16xf32>
        %parallel_loop3A_384 = arith.index_cast %parallel_loop3A_346 : i32 to index
        %parallel_loop3A_385 = arith.constant 32 : index
        %parallel_loop3A_386 = tpu.vector_load %arg13[%parallel_loop3A_384, %parallel_loop3A_385] {strides = array<i32>} : memref<48x64xf32, #tpu.memory_space<vmem>>, vector<1x16xf32>,
        %parallel_loop3A_387 = vector.shape_cast %parallel_loop3A_386 : vector<1x16xf32> to vector<16xf32>
        %parallel_loop3A_388 = vector.shape_cast %parallel_loop3A_383 : vector<16xf32> to vector<1x16xf32>
        tpu.vector_store %arg13[%parallel_loop3A_384, %parallel_loop3A_385], %parallel_loop3A_388 {strides = array<i32>} : memref<48x64xf32, #tpu.memory_space<vmem>>, vector<1x16xf32>,
        %parallel_loop3A_389 = arith.mulf %parallel_loop3A_382, %parallel_loop3A_342 : vector<16xf32>
        %parallel_loop3A_390 = arith.index_cast %parallel_loop3A_346 : i32 to index
        %parallel_loop3A_391 = arith.constant 48 : index
        %parallel_loop3A_392 = tpu.vector_load %arg13[%parallel_loop3A_390, %parallel_loop3A_391] {strides = array<i32>} : memref<48x64xf32, #tpu.memory_space<vmem>>, vector<1x16xf32>,
        %parallel_loop3A_393 = vector.shape_cast %parallel_loop3A_392 : vector<1x16xf32> to vector<16xf32>
        %parallel_loop3A_394 = vector.shape_cast %parallel_loop3A_389 : vector<16xf32> to vector<1x16xf32>
        tpu.vector_store %arg13[%parallel_loop3A_390, %parallel_loop3A_391], %parallel_loop3A_394 {strides = array<i32>} : memref<48x64xf32, #tpu.memory_space<vmem>>, vector<1x16xf32>,
        %parallel_loop3A_395 = arith.constant 5 : i32
        %parallel_loop3A_396 = vector.broadcast %parallel_loop3A_395 : i32 to vector<16x1xi32>
        %parallel_loop3A_397 = vector.shape_cast %parallel_loop3A_396 : vector<16x1xi32> to vector<16xi32>
        %parallel_loop3A_398 = tpu.dynamic_gather %parallel_loop3A_114[%parallel_loop3A_397] in [0] : vector<16xf32>, vector<16xi32> -> vector<16xf32>
        %parallel_loop3A_399 = arith.constant 16 : i32
        %parallel_loop3A_400 = arith.muli %parallel_loop3A_106, %parallel_loop3A_399 : i32
        %parallel_loop3A_401 = arith.constant 5 : i32
        %parallel_loop3A_402 = arith.addi %parallel_loop3A_400, %parallel_loop3A_401 : i32
        %parallel_loop3A_403 = arith.index_cast %parallel_loop3A_402 : i32 to index
        %parallel_loop3A_404 = arith.constant 0 : index
        %parallel_loop3A_405 = tpu.vector_load %arg11[%parallel_loop3A_403, %parallel_loop3A_404] {strides = array<i32>} : memref<48x32xi32, #tpu.memory_space<vmem>>, vector<1x16xi32>,
        %parallel_loop3A_406 = vector.shape_cast %parallel_loop3A_405 : vector<1x16xi32> to vector<16xi32>
        %parallel_loop3A_407 = arith.constant 16 : i32
        %parallel_loop3A_408 = vector.broadcast %parallel_loop3A_407 : i32 to vector<16xi32>
        %parallel_loop3A_409 = arith.shli %parallel_loop3A_406, %parallel_loop3A_408 : vector<16xi32>
        %parallel_loop3A_410 = tpu.bitcast %parallel_loop3A_409 : vector<16xi32> -> vector<16xf32>
        %parallel_loop3A_411 = arith.constant -65536 : i32
        %parallel_loop3A_412 = vector.broadcast %parallel_loop3A_411 : i32 to vector<16xi32>
        %parallel_loop3A_413 = arith.andi %parallel_loop3A_406, %parallel_loop3A_412 : vector<16xi32>
        %parallel_loop3A_414 = tpu.bitcast %parallel_loop3A_413 : vector<16xi32> -> vector<16xf32>
        %parallel_loop3A_415 = arith.mulf %parallel_loop3A_410, %parallel_loop3A_398 : vector<16xf32>
        %parallel_loop3A_416 = arith.index_cast %parallel_loop3A_402 : i32 to index
        %parallel_loop3A_417 = arith.constant 0 : index
        %parallel_loop3A_418 = tpu.vector_load %arg13[%parallel_loop3A_416, %parallel_loop3A_417] {strides = array<i32>} : memref<48x64xf32, #tpu.memory_space<vmem>>, vector<1x16xf32>,
        %parallel_loop3A_419 = vector.shape_cast %parallel_loop3A_418 : vector<1x16xf32> to vector<16xf32>
        %parallel_loop3A_420 = vector.shape_cast %parallel_loop3A_415 : vector<16xf32> to vector<1x16xf32>
        tpu.vector_store %arg13[%parallel_loop3A_416, %parallel_loop3A_417], %parallel_loop3A_420 {strides = array<i32>} : memref<48x64xf32, #tpu.memory_space<vmem>>, vector<1x16xf32>,
        %parallel_loop3A_421 = arith.mulf %parallel_loop3A_414, %parallel_loop3A_398 : vector<16xf32>
        %parallel_loop3A_422 = arith.index_cast %parallel_loop3A_402 : i32 to index
        %parallel_loop3A_423 = arith.constant 16 : index
        %parallel_loop3A_424 = tpu.vector_load %arg13[%parallel_loop3A_422, %parallel_loop3A_423] {strides = array<i32>} : memref<48x64xf32, #tpu.memory_space<vmem>>, vector<1x16xf32>,
        %parallel_loop3A_425 = vector.shape_cast %parallel_loop3A_424 : vector<1x16xf32> to vector<16xf32>
        %parallel_loop3A_426 = vector.shape_cast %parallel_loop3A_421 : vector<16xf32> to vector<1x16xf32>
        tpu.vector_store %arg13[%parallel_loop3A_422, %parallel_loop3A_423], %parallel_loop3A_426 {strides = array<i32>} : memref<48x64xf32, #tpu.memory_space<vmem>>, vector<1x16xf32>,
        %parallel_loop3A_427 = arith.index_cast %parallel_loop3A_402 : i32 to index
        %parallel_loop3A_428 = arith.constant 16 : index
        %parallel_loop3A_429 = tpu.vector_load %arg11[%parallel_loop3A_427, %parallel_loop3A_428] {strides = array<i32>} : memref<48x32xi32, #tpu.memory_space<vmem>>, vector<1x16xi32>,
        %parallel_loop3A_430 = vector.shape_cast %parallel_loop3A_429 : vector<1x16xi32> to vector<16xi32>
        %parallel_loop3A_431 = arith.constant 16 : i32
        %parallel_loop3A_432 = vector.broadcast %parallel_loop3A_431 : i32 to vector<16xi32>
        %parallel_loop3A_433 = arith.shli %parallel_loop3A_430, %parallel_loop3A_432 : vector<16xi32>
        %parallel_loop3A_434 = tpu.bitcast %parallel_loop3A_433 : vector<16xi32> -> vector<16xf32>
        %parallel_loop3A_435 = arith.constant -65536 : i32
        %parallel_loop3A_436 = vector.broadcast %parallel_loop3A_435 : i32 to vector<16xi32>
        %parallel_loop3A_437 = arith.andi %parallel_loop3A_430, %parallel_loop3A_436 : vector<16xi32>
        %parallel_loop3A_438 = tpu.bitcast %parallel_loop3A_437 : vector<16xi32> -> vector<16xf32>
        %parallel_loop3A_439 = arith.mulf %parallel_loop3A_434, %parallel_loop3A_398 : vector<16xf32>
        %parallel_loop3A_440 = arith.index_cast %parallel_loop3A_402 : i32 to index
        %parallel_loop3A_441 = arith.constant 32 : index
        %parallel_loop3A_442 = tpu.vector_load %arg13[%parallel_loop3A_440, %parallel_loop3A_441] {strides = array<i32>} : memref<48x64xf32, #tpu.memory_space<vmem>>, vector<1x16xf32>,
        %parallel_loop3A_443 = vector.shape_cast %parallel_loop3A_442 : vector<1x16xf32> to vector<16xf32>
        %parallel_loop3A_444 = vector.shape_cast %parallel_loop3A_439 : vector<16xf32> to vector<1x16xf32>
        tpu.vector_store %arg13[%parallel_loop3A_440, %parallel_loop3A_441], %parallel_loop3A_444 {strides = array<i32>} : memref<48x64xf32, #tpu.memory_space<vmem>>, vector<1x16xf32>,
        %parallel_loop3A_445 = arith.mulf %parallel_loop3A_438, %parallel_loop3A_398 : vector<16xf32>
        %parallel_loop3A_446 = arith.index_cast %parallel_loop3A_402 : i32 to index
        %parallel_loop3A_447 = arith.constant 48 : index
        %parallel_loop3A_448 = tpu.vector_load %arg13[%parallel_loop3A_446, %parallel_loop3A_447] {strides = array<i32>} : memref<48x64xf32, #tpu.memory_space<vmem>>, vector<1x16xf32>,
        %parallel_loop3A_449 = vector.shape_cast %parallel_loop3A_448 : vector<1x16xf32> to vector<16xf32>
        %parallel_loop3A_450 = vector.shape_cast %parallel_loop3A_445 : vector<16xf32> to vector<1x16xf32>
        tpu.vector_store %arg13[%parallel_loop3A_446, %parallel_loop3A_447], %parallel_loop3A_450 {strides = array<i32>} : memref<48x64xf32, #tpu.memory_space<vmem>>, vector<1x16xf32>,
        %parallel_loop3A_451 = arith.constant 6 : i32
        %parallel_loop3A_452 = vector.broadcast %parallel_loop3A_451 : i32 to vector<16x1xi32>
        %parallel_loop3A_453 = vector.shape_cast %parallel_loop3A_452 : vector<16x1xi32> to vector<16xi32>
        %parallel_loop3A_454 = tpu.dynamic_gather %parallel_loop3A_114[%parallel_loop3A_453] in [0] : vector<16xf32>, vector<16xi32> -> vector<16xf32>
        %parallel_loop3A_455 = arith.constant 16 : i32
        %parallel_loop3A_456 = arith.muli %parallel_loop3A_106, %parallel_loop3A_455 : i32
        %parallel_loop3A_457 = arith.constant 6 : i32
        %parallel_loop3A_458 = arith.addi %parallel_loop3A_456, %parallel_loop3A_457 : i32
        %parallel_loop3A_459 = arith.index_cast %parallel_loop3A_458 : i32 to index
        %parallel_loop3A_460 = arith.constant 0 : index
        %parallel_loop3A_461 = tpu.vector_load %arg11[%parallel_loop3A_459, %parallel_loop3A_460] {strides = array<i32>} : memref<48x32xi32, #tpu.memory_space<vmem>>, vector<1x16xi32>,
        %parallel_loop3A_462 = vector.shape_cast %parallel_loop3A_461 : vector<1x16xi32> to vector<16xi32>
        %parallel_loop3A_463 = arith.constant 16 : i32
        %parallel_loop3A_464 = vector.broadcast %parallel_loop3A_463 : i32 to vector<16xi32>
        %parallel_loop3A_465 = arith.shli %parallel_loop3A_462, %parallel_loop3A_464 : vector<16xi32>
        %parallel_loop3A_466 = tpu.bitcast %parallel_loop3A_465 : vector<16xi32> -> vector<16xf32>
        %parallel_loop3A_467 = arith.constant -65536 : i32
        %parallel_loop3A_468 = vector.broadcast %parallel_loop3A_467 : i32 to vector<16xi32>
        %parallel_loop3A_469 = arith.andi %parallel_loop3A_462, %parallel_loop3A_468 : vector<16xi32>
        %parallel_loop3A_470 = tpu.bitcast %parallel_loop3A_469 : vector<16xi32> -> vector<16xf32>
        %parallel_loop3A_471 = arith.mulf %parallel_loop3A_466, %parallel_loop3A_454 : vector<16xf32>
        %parallel_loop3A_472 = arith.index_cast %parallel_loop3A_458 : i32 to index
        %parallel_loop3A_473 = arith.constant 0 : index
        %parallel_loop3A_474 = tpu.vector_load %arg13[%parallel_loop3A_472, %parallel_loop3A_473] {strides = array<i32>} : memref<48x64xf32, #tpu.memory_space<vmem>>, vector<1x16xf32>,
        %parallel_loop3A_475 = vector.shape_cast %parallel_loop3A_474 : vector<1x16xf32> to vector<16xf32>
        %parallel_loop3A_476 = vector.shape_cast %parallel_loop3A_471 : vector<16xf32> to vector<1x16xf32>
        tpu.vector_store %arg13[%parallel_loop3A_472, %parallel_loop3A_473], %parallel_loop3A_476 {strides = array<i32>} : memref<48x64xf32, #tpu.memory_space<vmem>>, vector<1x16xf32>,
        %parallel_loop3A_477 = arith.mulf %parallel_loop3A_470, %parallel_loop3A_454 : vector<16xf32>
        %parallel_loop3A_478 = arith.index_cast %parallel_loop3A_458 : i32 to index
        %parallel_loop3A_479 = arith.constant 16 : index
        %parallel_loop3A_480 = tpu.vector_load %arg13[%parallel_loop3A_478, %parallel_loop3A_479] {strides = array<i32>} : memref<48x64xf32, #tpu.memory_space<vmem>>, vector<1x16xf32>,
        %parallel_loop3A_481 = vector.shape_cast %parallel_loop3A_480 : vector<1x16xf32> to vector<16xf32>
        %parallel_loop3A_482 = vector.shape_cast %parallel_loop3A_477 : vector<16xf32> to vector<1x16xf32>
        tpu.vector_store %arg13[%parallel_loop3A_478, %parallel_loop3A_479], %parallel_loop3A_482 {strides = array<i32>} : memref<48x64xf32, #tpu.memory_space<vmem>>, vector<1x16xf32>,
        %parallel_loop3A_483 = arith.index_cast %parallel_loop3A_458 : i32 to index
        %parallel_loop3A_484 = arith.constant 16 : index
        %parallel_loop3A_485 = tpu.vector_load %arg11[%parallel_loop3A_483, %parallel_loop3A_484] {strides = array<i32>} : memref<48x32xi32, #tpu.memory_space<vmem>>, vector<1x16xi32>,
        %parallel_loop3A_486 = vector.shape_cast %parallel_loop3A_485 : vector<1x16xi32> to vector<16xi32>
        %parallel_loop3A_487 = arith.constant 16 : i32
        %parallel_loop3A_488 = vector.broadcast %parallel_loop3A_487 : i32 to vector<16xi32>
        %parallel_loop3A_489 = arith.shli %parallel_loop3A_486, %parallel_loop3A_488 : vector<16xi32>
        %parallel_loop3A_490 = tpu.bitcast %parallel_loop3A_489 : vector<16xi32> -> vector<16xf32>
        %parallel_loop3A_491 = arith.constant -65536 : i32
        %parallel_loop3A_492 = vector.broadcast %parallel_loop3A_491 : i32 to vector<16xi32>
        %parallel_loop3A_493 = arith.andi %parallel_loop3A_486, %parallel_loop3A_492 : vector<16xi32>
        %parallel_loop3A_494 = tpu.bitcast %parallel_loop3A_493 : vector<16xi32> -> vector<16xf32>
        %parallel_loop3A_495 = arith.mulf %parallel_loop3A_490, %parallel_loop3A_454 : vector<16xf32>
        %parallel_loop3A_496 = arith.index_cast %parallel_loop3A_458 : i32 to index
        %parallel_loop3A_497 = arith.constant 32 : index
        %parallel_loop3A_498 = tpu.vector_load %arg13[%parallel_loop3A_496, %parallel_loop3A_497] {strides = array<i32>} : memref<48x64xf32, #tpu.memory_space<vmem>>, vector<1x16xf32>,
        %parallel_loop3A_499 = vector.shape_cast %parallel_loop3A_498 : vector<1x16xf32> to vector<16xf32>
        %parallel_loop3A_500 = vector.shape_cast %parallel_loop3A_495 : vector<16xf32> to vector<1x16xf32>
        tpu.vector_store %arg13[%parallel_loop3A_496, %parallel_loop3A_497], %parallel_loop3A_500 {strides = array<i32>} : memref<48x64xf32, #tpu.memory_space<vmem>>, vector<1x16xf32>,
        %parallel_loop3A_501 = arith.mulf %parallel_loop3A_494, %parallel_loop3A_454 : vector<16xf32>
        %parallel_loop3A_502 = arith.index_cast %parallel_loop3A_458 : i32 to index
        %parallel_loop3A_503 = arith.constant 48 : index
        %parallel_loop3A_504 = tpu.vector_load %arg13[%parallel_loop3A_502, %parallel_loop3A_503] {strides = array<i32>} : memref<48x64xf32, #tpu.memory_space<vmem>>, vector<1x16xf32>,
        %parallel_loop3A_505 = vector.shape_cast %parallel_loop3A_504 : vector<1x16xf32> to vector<16xf32>
        %parallel_loop3A_506 = vector.shape_cast %parallel_loop3A_501 : vector<16xf32> to vector<1x16xf32>
        tpu.vector_store %arg13[%parallel_loop3A_502, %parallel_loop3A_503], %parallel_loop3A_506 {strides = array<i32>} : memref<48x64xf32, #tpu.memory_space<vmem>>, vector<1x16xf32>,
        %parallel_loop3A_507 = arith.constant 7 : i32
        %parallel_loop3A_508 = vector.broadcast %parallel_loop3A_507 : i32 to vector<16x1xi32>
        %parallel_loop3A_509 = vector.shape_cast %parallel_loop3A_508 : vector<16x1xi32> to vector<16xi32>
        %parallel_loop3A_510 = tpu.dynamic_gather %parallel_loop3A_114[%parallel_loop3A_509] in [0] : vector<16xf32>, vector<16xi32> -> vector<16xf32>
        %parallel_loop3A_511 = arith.constant 16 : i32
        %parallel_loop3A_512 = arith.muli %parallel_loop3A_106, %parallel_loop3A_511 : i32
        %parallel_loop3A_513 = arith.constant 7 : i32
        %parallel_loop3A_514 = arith.addi %parallel_loop3A_512, %parallel_loop3A_513 : i32
        %parallel_loop3A_515 = arith.index_cast %parallel_loop3A_514 : i32 to index
        %parallel_loop3A_516 = arith.constant 0 : index
        %parallel_loop3A_517 = tpu.vector_load %arg11[%parallel_loop3A_515, %parallel_loop3A_516] {strides = array<i32>} : memref<48x32xi32, #tpu.memory_space<vmem>>, vector<1x16xi32>,
        %parallel_loop3A_518 = vector.shape_cast %parallel_loop3A_517 : vector<1x16xi32> to vector<16xi32>
        %parallel_loop3A_519 = arith.constant 16 : i32
        %parallel_loop3A_520 = vector.broadcast %parallel_loop3A_519 : i32 to vector<16xi32>
        %parallel_loop3A_521 = arith.shli %parallel_loop3A_518, %parallel_loop3A_520 : vector<16xi32>
        %parallel_loop3A_522 = tpu.bitcast %parallel_loop3A_521 : vector<16xi32> -> vector<16xf32>
        %parallel_loop3A_523 = arith.constant -65536 : i32
        %parallel_loop3A_524 = vector.broadcast %parallel_loop3A_523 : i32 to vector<16xi32>
        %parallel_loop3A_525 = arith.andi %parallel_loop3A_518, %parallel_loop3A_524 : vector<16xi32>
        %parallel_loop3A_526 = tpu.bitcast %parallel_loop3A_525 : vector<16xi32> -> vector<16xf32>
        %parallel_loop3A_527 = arith.mulf %parallel_loop3A_522, %parallel_loop3A_510 : vector<16xf32>
        %parallel_loop3A_528 = arith.index_cast %parallel_loop3A_514 : i32 to index
        %parallel_loop3A_529 = arith.constant 0 : index
        %parallel_loop3A_530 = tpu.vector_load %arg13[%parallel_loop3A_528, %parallel_loop3A_529] {strides = array<i32>} : memref<48x64xf32, #tpu.memory_space<vmem>>, vector<1x16xf32>,
        %parallel_loop3A_531 = vector.shape_cast %parallel_loop3A_530 : vector<1x16xf32> to vector<16xf32>
        %parallel_loop3A_532 = vector.shape_cast %parallel_loop3A_527 : vector<16xf32> to vector<1x16xf32>
        tpu.vector_store %arg13[%parallel_loop3A_528, %parallel_loop3A_529], %parallel_loop3A_532 {strides = array<i32>} : memref<48x64xf32, #tpu.memory_space<vmem>>, vector<1x16xf32>,
        %parallel_loop3A_533 = arith.mulf %parallel_loop3A_526, %parallel_loop3A_510 : vector<16xf32>
        %parallel_loop3A_534 = arith.index_cast %parallel_loop3A_514 : i32 to index
        %parallel_loop3A_535 = arith.constant 16 : index
        %parallel_loop3A_536 = tpu.vector_load %arg13[%parallel_loop3A_534, %parallel_loop3A_535] {strides = array<i32>} : memref<48x64xf32, #tpu.memory_space<vmem>>, vector<1x16xf32>,
        %parallel_loop3A_537 = vector.shape_cast %parallel_loop3A_536 : vector<1x16xf32> to vector<16xf32>
        %parallel_loop3A_538 = vector.shape_cast %parallel_loop3A_533 : vector<16xf32> to vector<1x16xf32>
        tpu.vector_store %arg13[%parallel_loop3A_534, %parallel_loop3A_535], %parallel_loop3A_538 {strides = array<i32>} : memref<48x64xf32, #tpu.memory_space<vmem>>, vector<1x16xf32>,
        %parallel_loop3A_539 = arith.index_cast %parallel_loop3A_514 : i32 to index
        %parallel_loop3A_540 = arith.constant 16 : index
        %parallel_loop3A_541 = tpu.vector_load %arg11[%parallel_loop3A_539, %parallel_loop3A_540] {strides = array<i32>} : memref<48x32xi32, #tpu.memory_space<vmem>>, vector<1x16xi32>,
        %parallel_loop3A_542 = vector.shape_cast %parallel_loop3A_541 : vector<1x16xi32> to vector<16xi32>
        %parallel_loop3A_543 = arith.constant 16 : i32
        %parallel_loop3A_544 = vector.broadcast %parallel_loop3A_543 : i32 to vector<16xi32>
        %parallel_loop3A_545 = arith.shli %parallel_loop3A_542, %parallel_loop3A_544 : vector<16xi32>
        %parallel_loop3A_546 = tpu.bitcast %parallel_loop3A_545 : vector<16xi32> -> vector<16xf32>
        %parallel_loop3A_547 = arith.constant -65536 : i32
        %parallel_loop3A_548 = vector.broadcast %parallel_loop3A_547 : i32 to vector<16xi32>
        %parallel_loop3A_549 = arith.andi %parallel_loop3A_542, %parallel_loop3A_548 : vector<16xi32>
        %parallel_loop3A_550 = tpu.bitcast %parallel_loop3A_549 : vector<16xi32> -> vector<16xf32>
        %parallel_loop3A_551 = arith.mulf %parallel_loop3A_546, %parallel_loop3A_510 : vector<16xf32>
        %parallel_loop3A_552 = arith.index_cast %parallel_loop3A_514 : i32 to index
        %parallel_loop3A_553 = arith.constant 32 : index
        %parallel_loop3A_554 = tpu.vector_load %arg13[%parallel_loop3A_552, %parallel_loop3A_553] {strides = array<i32>} : memref<48x64xf32, #tpu.memory_space<vmem>>, vector<1x16xf32>,
        %parallel_loop3A_555 = vector.shape_cast %parallel_loop3A_554 : vector<1x16xf32> to vector<16xf32>
        %parallel_loop3A_556 = vector.shape_cast %parallel_loop3A_551 : vector<16xf32> to vector<1x16xf32>
        tpu.vector_store %arg13[%parallel_loop3A_552, %parallel_loop3A_553], %parallel_loop3A_556 {strides = array<i32>} : memref<48x64xf32, #tpu.memory_space<vmem>>, vector<1x16xf32>,
        %parallel_loop3A_557 = arith.mulf %parallel_loop3A_550, %parallel_loop3A_510 : vector<16xf32>
        %parallel_loop3A_558 = arith.index_cast %parallel_loop3A_514 : i32 to index
        %parallel_loop3A_559 = arith.constant 48 : index
        %parallel_loop3A_560 = tpu.vector_load %arg13[%parallel_loop3A_558, %parallel_loop3A_559] {strides = array<i32>} : memref<48x64xf32, #tpu.memory_space<vmem>>, vector<1x16xf32>,
        %parallel_loop3A_561 = vector.shape_cast %parallel_loop3A_560 : vector<1x16xf32> to vector<16xf32>
        %parallel_loop3A_562 = vector.shape_cast %parallel_loop3A_557 : vector<16xf32> to vector<1x16xf32>
        tpu.vector_store %arg13[%parallel_loop3A_558, %parallel_loop3A_559], %parallel_loop3A_562 {strides = array<i32>} : memref<48x64xf32, #tpu.memory_space<vmem>>, vector<1x16xf32>,
        %parallel_loop3A_563 = arith.constant 8 : i32
        %parallel_loop3A_564 = vector.broadcast %parallel_loop3A_563 : i32 to vector<16x1xi32>
        %parallel_loop3A_565 = vector.shape_cast %parallel_loop3A_564 : vector<16x1xi32> to vector<16xi32>
        %parallel_loop3A_566 = tpu.dynamic_gather %parallel_loop3A_114[%parallel_loop3A_565] in [0] : vector<16xf32>, vector<16xi32> -> vector<16xf32>
        %parallel_loop3A_567 = arith.constant 16 : i32
        %parallel_loop3A_568 = arith.muli %parallel_loop3A_106, %parallel_loop3A_567 : i32
        %parallel_loop3A_569 = arith.constant 8 : i32
        %parallel_loop3A_570 = arith.addi %parallel_loop3A_568, %parallel_loop3A_569 : i32
        %parallel_loop3A_571 = arith.index_cast %parallel_loop3A_570 : i32 to index
        %parallel_loop3A_572 = arith.constant 0 : index
        %parallel_loop3A_573 = tpu.vector_load %arg11[%parallel_loop3A_571, %parallel_loop3A_572] {strides = array<i32>} : memref<48x32xi32, #tpu.memory_space<vmem>>, vector<1x16xi32>,
        %parallel_loop3A_574 = vector.shape_cast %parallel_loop3A_573 : vector<1x16xi32> to vector<16xi32>
        %parallel_loop3A_575 = arith.constant 16 : i32
        %parallel_loop3A_576 = vector.broadcast %parallel_loop3A_575 : i32 to vector<16xi32>
        %parallel_loop3A_577 = arith.shli %parallel_loop3A_574, %parallel_loop3A_576 : vector<16xi32>
        %parallel_loop3A_578 = tpu.bitcast %parallel_loop3A_577 : vector<16xi32> -> vector<16xf32>
        %parallel_loop3A_579 = arith.constant -65536 : i32
        %parallel_loop3A_580 = vector.broadcast %parallel_loop3A_579 : i32 to vector<16xi32>
        %parallel_loop3A_581 = arith.andi %parallel_loop3A_574, %parallel_loop3A_580 : vector<16xi32>
        %parallel_loop3A_582 = tpu.bitcast %parallel_loop3A_581 : vector<16xi32> -> vector<16xf32>
        %parallel_loop3A_583 = arith.mulf %parallel_loop3A_578, %parallel_loop3A_566 : vector<16xf32>
        %parallel_loop3A_584 = arith.index_cast %parallel_loop3A_570 : i32 to index
        %parallel_loop3A_585 = arith.constant 0 : index
        %parallel_loop3A_586 = tpu.vector_load %arg13[%parallel_loop3A_584, %parallel_loop3A_585] {strides = array<i32>} : memref<48x64xf32, #tpu.memory_space<vmem>>, vector<1x16xf32>,
        %parallel_loop3A_587 = vector.shape_cast %parallel_loop3A_586 : vector<1x16xf32> to vector<16xf32>
        %parallel_loop3A_588 = vector.shape_cast %parallel_loop3A_583 : vector<16xf32> to vector<1x16xf32>
        tpu.vector_store %arg13[%parallel_loop3A_584, %parallel_loop3A_585], %parallel_loop3A_588 {strides = array<i32>} : memref<48x64xf32, #tpu.memory_space<vmem>>, vector<1x16xf32>,
        %parallel_loop3A_589 = arith.mulf %parallel_loop3A_582, %parallel_loop3A_566 : vector<16xf32>
        %parallel_loop3A_590 = arith.index_cast %parallel_loop3A_570 : i32 to index
        %parallel_loop3A_591 = arith.constant 16 : index
        %parallel_loop3A_592 = tpu.vector_load %arg13[%parallel_loop3A_590, %parallel_loop3A_591] {strides = array<i32>} : memref<48x64xf32, #tpu.memory_space<vmem>>, vector<1x16xf32>,
        %parallel_loop3A_593 = vector.shape_cast %parallel_loop3A_592 : vector<1x16xf32> to vector<16xf32>
        %parallel_loop3A_594 = vector.shape_cast %parallel_loop3A_589 : vector<16xf32> to vector<1x16xf32>
        tpu.vector_store %arg13[%parallel_loop3A_590, %parallel_loop3A_591], %parallel_loop3A_594 {strides = array<i32>} : memref<48x64xf32, #tpu.memory_space<vmem>>, vector<1x16xf32>,
        %parallel_loop3A_595 = arith.index_cast %parallel_loop3A_570 : i32 to index
        %parallel_loop3A_596 = arith.constant 16 : index
        %parallel_loop3A_597 = tpu.vector_load %arg11[%parallel_loop3A_595, %parallel_loop3A_596] {strides = array<i32>} : memref<48x32xi32, #tpu.memory_space<vmem>>, vector<1x16xi32>,
        %parallel_loop3A_598 = vector.shape_cast %parallel_loop3A_597 : vector<1x16xi32> to vector<16xi32>
        %parallel_loop3A_599 = arith.constant 16 : i32
        %parallel_loop3A_600 = vector.broadcast %parallel_loop3A_599 : i32 to vector<16xi32>
        %parallel_loop3A_601 = arith.shli %parallel_loop3A_598, %parallel_loop3A_600 : vector<16xi32>
        %parallel_loop3A_602 = tpu.bitcast %parallel_loop3A_601 : vector<16xi32> -> vector<16xf32>
        %parallel_loop3A_603 = arith.constant -65536 : i32
        %parallel_loop3A_604 = vector.broadcast %parallel_loop3A_603 : i32 to vector<16xi32>
        %parallel_loop3A_605 = arith.andi %parallel_loop3A_598, %parallel_loop3A_604 : vector<16xi32>
        %parallel_loop3A_606 = tpu.bitcast %parallel_loop3A_605 : vector<16xi32> -> vector<16xf32>
        %parallel_loop3A_607 = arith.mulf %parallel_loop3A_602, %parallel_loop3A_566 : vector<16xf32>
        %parallel_loop3A_608 = arith.index_cast %parallel_loop3A_570 : i32 to index
        %parallel_loop3A_609 = arith.constant 32 : index
        %parallel_loop3A_610 = tpu.vector_load %arg13[%parallel_loop3A_608, %parallel_loop3A_609] {strides = array<i32>} : memref<48x64xf32, #tpu.memory_space<vmem>>, vector<1x16xf32>,
        %parallel_loop3A_611 = vector.shape_cast %parallel_loop3A_610 : vector<1x16xf32> to vector<16xf32>
        %parallel_loop3A_612 = vector.shape_cast %parallel_loop3A_607 : vector<16xf32> to vector<1x16xf32>
        tpu.vector_store %arg13[%parallel_loop3A_608, %parallel_loop3A_609], %parallel_loop3A_612 {strides = array<i32>} : memref<48x64xf32, #tpu.memory_space<vmem>>, vector<1x16xf32>,
        %parallel_loop3A_613 = arith.mulf %parallel_loop3A_606, %parallel_loop3A_566 : vector<16xf32>
        %parallel_loop3A_614 = arith.index_cast %parallel_loop3A_570 : i32 to index
        %parallel_loop3A_615 = arith.constant 48 : index
        %parallel_loop3A_616 = tpu.vector_load %arg13[%parallel_loop3A_614, %parallel_loop3A_615] {strides = array<i32>} : memref<48x64xf32, #tpu.memory_space<vmem>>, vector<1x16xf32>,
        %parallel_loop3A_617 = vector.shape_cast %parallel_loop3A_616 : vector<1x16xf32> to vector<16xf32>
        %parallel_loop3A_618 = vector.shape_cast %parallel_loop3A_613 : vector<16xf32> to vector<1x16xf32>
        tpu.vector_store %arg13[%parallel_loop3A_614, %parallel_loop3A_615], %parallel_loop3A_618 {strides = array<i32>} : memref<48x64xf32, #tpu.memory_space<vmem>>, vector<1x16xf32>,
        %parallel_loop3A_619 = arith.constant 9 : i32
        %parallel_loop3A_620 = vector.broadcast %parallel_loop3A_619 : i32 to vector<16x1xi32>
        %parallel_loop3A_621 = vector.shape_cast %parallel_loop3A_620 : vector<16x1xi32> to vector<16xi32>
        %parallel_loop3A_622 = tpu.dynamic_gather %parallel_loop3A_114[%parallel_loop3A_621] in [0] : vector<16xf32>, vector<16xi32> -> vector<16xf32>
        %parallel_loop3A_623 = arith.constant 16 : i32
        %parallel_loop3A_624 = arith.muli %parallel_loop3A_106, %parallel_loop3A_623 : i32
        %parallel_loop3A_625 = arith.constant 9 : i32
        %parallel_loop3A_626 = arith.addi %parallel_loop3A_624, %parallel_loop3A_625 : i32
        %parallel_loop3A_627 = arith.index_cast %parallel_loop3A_626 : i32 to index
        %parallel_loop3A_628 = arith.constant 0 : index
        %parallel_loop3A_629 = tpu.vector_load %arg11[%parallel_loop3A_627, %parallel_loop3A_628] {strides = array<i32>} : memref<48x32xi32, #tpu.memory_space<vmem>>, vector<1x16xi32>,
        %parallel_loop3A_630 = vector.shape_cast %parallel_loop3A_629 : vector<1x16xi32> to vector<16xi32>
        %parallel_loop3A_631 = arith.constant 16 : i32
        %parallel_loop3A_632 = vector.broadcast %parallel_loop3A_631 : i32 to vector<16xi32>
        %parallel_loop3A_633 = arith.shli %parallel_loop3A_630, %parallel_loop3A_632 : vector<16xi32>
        %parallel_loop3A_634 = tpu.bitcast %parallel_loop3A_633 : vector<16xi32> -> vector<16xf32>
        %parallel_loop3A_635 = arith.constant -65536 : i32
        %parallel_loop3A_636 = vector.broadcast %parallel_loop3A_635 : i32 to vector<16xi32>
        %parallel_loop3A_637 = arith.andi %parallel_loop3A_630, %parallel_loop3A_636 : vector<16xi32>
        %parallel_loop3A_638 = tpu.bitcast %parallel_loop3A_637 : vector<16xi32> -> vector<16xf32>
        %parallel_loop3A_639 = arith.mulf %parallel_loop3A_634, %parallel_loop3A_622 : vector<16xf32>
        %parallel_loop3A_640 = arith.index_cast %parallel_loop3A_626 : i32 to index
        %parallel_loop3A_641 = arith.constant 0 : index
        %parallel_loop3A_642 = tpu.vector_load %arg13[%parallel_loop3A_640, %parallel_loop3A_641] {strides = array<i32>} : memref<48x64xf32, #tpu.memory_space<vmem>>, vector<1x16xf32>,
        %parallel_loop3A_643 = vector.shape_cast %parallel_loop3A_642 : vector<1x16xf32> to vector<16xf32>
        %parallel_loop3A_644 = vector.shape_cast %parallel_loop3A_639 : vector<16xf32> to vector<1x16xf32>
        tpu.vector_store %arg13[%parallel_loop3A_640, %parallel_loop3A_641], %parallel_loop3A_644 {strides = array<i32>} : memref<48x64xf32, #tpu.memory_space<vmem>>, vector<1x16xf32>,
        %parallel_loop3A_645 = arith.mulf %parallel_loop3A_638, %parallel_loop3A_622 : vector<16xf32>
        %parallel_loop3A_646 = arith.index_cast %parallel_loop3A_626 : i32 to index
        %parallel_loop3A_647 = arith.constant 16 : index
        %parallel_loop3A_648 = tpu.vector_load %arg13[%parallel_loop3A_646, %parallel_loop3A_647] {strides = array<i32>} : memref<48x64xf32, #tpu.memory_space<vmem>>, vector<1x16xf32>,
        %parallel_loop3A_649 = vector.shape_cast %parallel_loop3A_648 : vector<1x16xf32> to vector<16xf32>
        %parallel_loop3A_650 = vector.shape_cast %parallel_loop3A_645 : vector<16xf32> to vector<1x16xf32>
        tpu.vector_store %arg13[%parallel_loop3A_646, %parallel_loop3A_647], %parallel_loop3A_650 {strides = array<i32>} : memref<48x64xf32, #tpu.memory_space<vmem>>, vector<1x16xf32>,
        %parallel_loop3A_651 = arith.index_cast %parallel_loop3A_626 : i32 to index
        %parallel_loop3A_652 = arith.constant 16 : index
        %parallel_loop3A_653 = tpu.vector_load %arg11[%parallel_loop3A_651, %parallel_loop3A_652] {strides = array<i32>} : memref<48x32xi32, #tpu.memory_space<vmem>>, vector<1x16xi32>,
        %parallel_loop3A_654 = vector.shape_cast %parallel_loop3A_653 : vector<1x16xi32> to vector<16xi32>
        %parallel_loop3A_655 = arith.constant 16 : i32
        %parallel_loop3A_656 = vector.broadcast %parallel_loop3A_655 : i32 to vector<16xi32>
        %parallel_loop3A_657 = arith.shli %parallel_loop3A_654, %parallel_loop3A_656 : vector<16xi32>
        %parallel_loop3A_658 = tpu.bitcast %parallel_loop3A_657 : vector<16xi32> -> vector<16xf32>
        %parallel_loop3A_659 = arith.constant -65536 : i32
        %parallel_loop3A_660 = vector.broadcast %parallel_loop3A_659 : i32 to vector<16xi32>
        %parallel_loop3A_661 = arith.andi %parallel_loop3A_654, %parallel_loop3A_660 : vector<16xi32>
        %parallel_loop3A_662 = tpu.bitcast %parallel_loop3A_661 : vector<16xi32> -> vector<16xf32>
        %parallel_loop3A_663 = arith.mulf %parallel_loop3A_658, %parallel_loop3A_622 : vector<16xf32>
        %parallel_loop3A_664 = arith.index_cast %parallel_loop3A_626 : i32 to index
        %parallel_loop3A_665 = arith.constant 32 : index
        %parallel_loop3A_666 = tpu.vector_load %arg13[%parallel_loop3A_664, %parallel_loop3A_665] {strides = array<i32>} : memref<48x64xf32, #tpu.memory_space<vmem>>, vector<1x16xf32>,
        %parallel_loop3A_667 = vector.shape_cast %parallel_loop3A_666 : vector<1x16xf32> to vector<16xf32>
        %parallel_loop3A_668 = vector.shape_cast %parallel_loop3A_663 : vector<16xf32> to vector<1x16xf32>
        tpu.vector_store %arg13[%parallel_loop3A_664, %parallel_loop3A_665], %parallel_loop3A_668 {strides = array<i32>} : memref<48x64xf32, #tpu.memory_space<vmem>>, vector<1x16xf32>,
        %parallel_loop3A_669 = arith.mulf %parallel_loop3A_662, %parallel_loop3A_622 : vector<16xf32>
        %parallel_loop3A_670 = arith.index_cast %parallel_loop3A_626 : i32 to index
        %parallel_loop3A_671 = arith.constant 48 : index
        %parallel_loop3A_672 = tpu.vector_load %arg13[%parallel_loop3A_670, %parallel_loop3A_671] {strides = array<i32>} : memref<48x64xf32, #tpu.memory_space<vmem>>, vector<1x16xf32>,
        %parallel_loop3A_673 = vector.shape_cast %parallel_loop3A_672 : vector<1x16xf32> to vector<16xf32>
        %parallel_loop3A_674 = vector.shape_cast %parallel_loop3A_669 : vector<16xf32> to vector<1x16xf32>
        tpu.vector_store %arg13[%parallel_loop3A_670, %parallel_loop3A_671], %parallel_loop3A_674 {strides = array<i32>} : memref<48x64xf32, #tpu.memory_space<vmem>>, vector<1x16xf32>,
        %parallel_loop3A_675 = arith.constant 10 : i32
        %parallel_loop3A_676 = vector.broadcast %parallel_loop3A_675 : i32 to vector<16x1xi32>
        %parallel_loop3A_677 = vector.shape_cast %parallel_loop3A_676 : vector<16x1xi32> to vector<16xi32>
        %parallel_loop3A_678 = tpu.dynamic_gather %parallel_loop3A_114[%parallel_loop3A_677] in [0] : vector<16xf32>, vector<16xi32> -> vector<16xf32>
        %parallel_loop3A_679 = arith.constant 16 : i32
        %parallel_loop3A_680 = arith.muli %parallel_loop3A_106, %parallel_loop3A_679 : i32
        %parallel_loop3A_681 = arith.constant 10 : i32
        %parallel_loop3A_682 = arith.addi %parallel_loop3A_680, %parallel_loop3A_681 : i32
        %parallel_loop3A_683 = arith.index_cast %parallel_loop3A_682 : i32 to index
        %parallel_loop3A_684 = arith.constant 0 : index
        %parallel_loop3A_685 = tpu.vector_load %arg11[%parallel_loop3A_683, %parallel_loop3A_684] {strides = array<i32>} : memref<48x32xi32, #tpu.memory_space<vmem>>, vector<1x16xi32>,
        %parallel_loop3A_686 = vector.shape_cast %parallel_loop3A_685 : vector<1x16xi32> to vector<16xi32>
        %parallel_loop3A_687 = arith.constant 16 : i32
        %parallel_loop3A_688 = vector.broadcast %parallel_loop3A_687 : i32 to vector<16xi32>
        %parallel_loop3A_689 = arith.shli %parallel_loop3A_686, %parallel_loop3A_688 : vector<16xi32>
        %parallel_loop3A_690 = tpu.bitcast %parallel_loop3A_689 : vector<16xi32> -> vector<16xf32>
        %parallel_loop3A_691 = arith.constant -65536 : i32
        %parallel_loop3A_692 = vector.broadcast %parallel_loop3A_691 : i32 to vector<16xi32>
        %parallel_loop3A_693 = arith.andi %parallel_loop3A_686, %parallel_loop3A_692 : vector<16xi32>
        %parallel_loop3A_694 = tpu.bitcast %parallel_loop3A_693 : vector<16xi32> -> vector<16xf32>
        %parallel_loop3A_695 = arith.mulf %parallel_loop3A_690, %parallel_loop3A_678 : vector<16xf32>
        %parallel_loop3A_696 = arith.index_cast %parallel_loop3A_682 : i32 to index
        %parallel_loop3A_697 = arith.constant 0 : index
        %parallel_loop3A_698 = tpu.vector_load %arg13[%parallel_loop3A_696, %parallel_loop3A_697] {strides = array<i32>} : memref<48x64xf32, #tpu.memory_space<vmem>>, vector<1x16xf32>,
        %parallel_loop3A_699 = vector.shape_cast %parallel_loop3A_698 : vector<1x16xf32> to vector<16xf32>
        %parallel_loop3A_700 = vector.shape_cast %parallel_loop3A_695 : vector<16xf32> to vector<1x16xf32>
        tpu.vector_store %arg13[%parallel_loop3A_696, %parallel_loop3A_697], %parallel_loop3A_700 {strides = array<i32>} : memref<48x64xf32, #tpu.memory_space<vmem>>, vector<1x16xf32>,
        %parallel_loop3A_701 = arith.mulf %parallel_loop3A_694, %parallel_loop3A_678 : vector<16xf32>
        %parallel_loop3A_702 = arith.index_cast %parallel_loop3A_682 : i32 to index
        %parallel_loop3A_703 = arith.constant 16 : index
        %parallel_loop3A_704 = tpu.vector_load %arg13[%parallel_loop3A_702, %parallel_loop3A_703] {strides = array<i32>} : memref<48x64xf32, #tpu.memory_space<vmem>>, vector<1x16xf32>,
        %parallel_loop3A_705 = vector.shape_cast %parallel_loop3A_704 : vector<1x16xf32> to vector<16xf32>
        %parallel_loop3A_706 = vector.shape_cast %parallel_loop3A_701 : vector<16xf32> to vector<1x16xf32>
        tpu.vector_store %arg13[%parallel_loop3A_702, %parallel_loop3A_703], %parallel_loop3A_706 {strides = array<i32>} : memref<48x64xf32, #tpu.memory_space<vmem>>, vector<1x16xf32>,
        %parallel_loop3A_707 = arith.index_cast %parallel_loop3A_682 : i32 to index
        %parallel_loop3A_708 = arith.constant 16 : index
        %parallel_loop3A_709 = tpu.vector_load %arg11[%parallel_loop3A_707, %parallel_loop3A_708] {strides = array<i32>} : memref<48x32xi32, #tpu.memory_space<vmem>>, vector<1x16xi32>,
        %parallel_loop3A_710 = vector.shape_cast %parallel_loop3A_709 : vector<1x16xi32> to vector<16xi32>
        %parallel_loop3A_711 = arith.constant 16 : i32
        %parallel_loop3A_712 = vector.broadcast %parallel_loop3A_711 : i32 to vector<16xi32>
        %parallel_loop3A_713 = arith.shli %parallel_loop3A_710, %parallel_loop3A_712 : vector<16xi32>
        %parallel_loop3A_714 = tpu.bitcast %parallel_loop3A_713 : vector<16xi32> -> vector<16xf32>
        %parallel_loop3A_715 = arith.constant -65536 : i32
        %parallel_loop3A_716 = vector.broadcast %parallel_loop3A_715 : i32 to vector<16xi32>
        %parallel_loop3A_717 = arith.andi %parallel_loop3A_710, %parallel_loop3A_716 : vector<16xi32>
        %parallel_loop3A_718 = tpu.bitcast %parallel_loop3A_717 : vector<16xi32> -> vector<16xf32>
        %parallel_loop3A_719 = arith.mulf %parallel_loop3A_714, %parallel_loop3A_678 : vector<16xf32>
        %parallel_loop3A_720 = arith.index_cast %parallel_loop3A_682 : i32 to index
        %parallel_loop3A_721 = arith.constant 32 : index
        %parallel_loop3A_722 = tpu.vector_load %arg13[%parallel_loop3A_720, %parallel_loop3A_721] {strides = array<i32>} : memref<48x64xf32, #tpu.memory_space<vmem>>, vector<1x16xf32>,
        %parallel_loop3A_723 = vector.shape_cast %parallel_loop3A_722 : vector<1x16xf32> to vector<16xf32>
        %parallel_loop3A_724 = vector.shape_cast %parallel_loop3A_719 : vector<16xf32> to vector<1x16xf32>
        tpu.vector_store %arg13[%parallel_loop3A_720, %parallel_loop3A_721], %parallel_loop3A_724 {strides = array<i32>} : memref<48x64xf32, #tpu.memory_space<vmem>>, vector<1x16xf32>,
        %parallel_loop3A_725 = arith.mulf %parallel_loop3A_718, %parallel_loop3A_678 : vector<16xf32>
        %parallel_loop3A_726 = arith.index_cast %parallel_loop3A_682 : i32 to index
        %parallel_loop3A_727 = arith.constant 48 : index
        %parallel_loop3A_728 = tpu.vector_load %arg13[%parallel_loop3A_726, %parallel_loop3A_727] {strides = array<i32>} : memref<48x64xf32, #tpu.memory_space<vmem>>, vector<1x16xf32>,
        %parallel_loop3A_729 = vector.shape_cast %parallel_loop3A_728 : vector<1x16xf32> to vector<16xf32>
        %parallel_loop3A_730 = vector.shape_cast %parallel_loop3A_725 : vector<16xf32> to vector<1x16xf32>
        tpu.vector_store %arg13[%parallel_loop3A_726, %parallel_loop3A_727], %parallel_loop3A_730 {strides = array<i32>} : memref<48x64xf32, #tpu.memory_space<vmem>>, vector<1x16xf32>,
        %parallel_loop3A_731 = arith.constant 11 : i32
        %parallel_loop3A_732 = vector.broadcast %parallel_loop3A_731 : i32 to vector<16x1xi32>
        %parallel_loop3A_733 = vector.shape_cast %parallel_loop3A_732 : vector<16x1xi32> to vector<16xi32>
        %parallel_loop3A_734 = tpu.dynamic_gather %parallel_loop3A_114[%parallel_loop3A_733] in [0] : vector<16xf32>, vector<16xi32> -> vector<16xf32>
        %parallel_loop3A_735 = arith.constant 16 : i32
        %parallel_loop3A_736 = arith.muli %parallel_loop3A_106, %parallel_loop3A_735 : i32
        %parallel_loop3A_737 = arith.constant 11 : i32
        %parallel_loop3A_738 = arith.addi %parallel_loop3A_736, %parallel_loop3A_737 : i32
        %parallel_loop3A_739 = arith.index_cast %parallel_loop3A_738 : i32 to index
        %parallel_loop3A_740 = arith.constant 0 : index
        %parallel_loop3A_741 = tpu.vector_load %arg11[%parallel_loop3A_739, %parallel_loop3A_740] {strides = array<i32>} : memref<48x32xi32, #tpu.memory_space<vmem>>, vector<1x16xi32>,
        %parallel_loop3A_742 = vector.shape_cast %parallel_loop3A_741 : vector<1x16xi32> to vector<16xi32>
        %parallel_loop3A_743 = arith.constant 16 : i32
        %parallel_loop3A_744 = vector.broadcast %parallel_loop3A_743 : i32 to vector<16xi32>
        %parallel_loop3A_745 = arith.shli %parallel_loop3A_742, %parallel_loop3A_744 : vector<16xi32>
        %parallel_loop3A_746 = tpu.bitcast %parallel_loop3A_745 : vector<16xi32> -> vector<16xf32>
        %parallel_loop3A_747 = arith.constant -65536 : i32
        %parallel_loop3A_748 = vector.broadcast %parallel_loop3A_747 : i32 to vector<16xi32>
        %parallel_loop3A_749 = arith.andi %parallel_loop3A_742, %parallel_loop3A_748 : vector<16xi32>
        %parallel_loop3A_750 = tpu.bitcast %parallel_loop3A_749 : vector<16xi32> -> vector<16xf32>
        %parallel_loop3A_751 = arith.mulf %parallel_loop3A_746, %parallel_loop3A_734 : vector<16xf32>
        %parallel_loop3A_752 = arith.index_cast %parallel_loop3A_738 : i32 to index
        %parallel_loop3A_753 = arith.constant 0 : index
        %parallel_loop3A_754 = tpu.vector_load %arg13[%parallel_loop3A_752, %parallel_loop3A_753] {strides = array<i32>} : memref<48x64xf32, #tpu.memory_space<vmem>>, vector<1x16xf32>,
        %parallel_loop3A_755 = vector.shape_cast %parallel_loop3A_754 : vector<1x16xf32> to vector<16xf32>
        %parallel_loop3A_756 = vector.shape_cast %parallel_loop3A_751 : vector<16xf32> to vector<1x16xf32>
        tpu.vector_store %arg13[%parallel_loop3A_752, %parallel_loop3A_753], %parallel_loop3A_756 {strides = array<i32>} : memref<48x64xf32, #tpu.memory_space<vmem>>, vector<1x16xf32>,
        %parallel_loop3A_757 = arith.mulf %parallel_loop3A_750, %parallel_loop3A_734 : vector<16xf32>
        %parallel_loop3A_758 = arith.index_cast %parallel_loop3A_738 : i32 to index
        %parallel_loop3A_759 = arith.constant 16 : index
        %parallel_loop3A_760 = tpu.vector_load %arg13[%parallel_loop3A_758, %parallel_loop3A_759] {strides = array<i32>} : memref<48x64xf32, #tpu.memory_space<vmem>>, vector<1x16xf32>,
        %parallel_loop3A_761 = vector.shape_cast %parallel_loop3A_760 : vector<1x16xf32> to vector<16xf32>
        %parallel_loop3A_762 = vector.shape_cast %parallel_loop3A_757 : vector<16xf32> to vector<1x16xf32>
        tpu.vector_store %arg13[%parallel_loop3A_758, %parallel_loop3A_759], %parallel_loop3A_762 {strides = array<i32>} : memref<48x64xf32, #tpu.memory_space<vmem>>, vector<1x16xf32>,
        %parallel_loop3A_763 = arith.index_cast %parallel_loop3A_738 : i32 to index
        %parallel_loop3A_764 = arith.constant 16 : index
        %parallel_loop3A_765 = tpu.vector_load %arg11[%parallel_loop3A_763, %parallel_loop3A_764] {strides = array<i32>} : memref<48x32xi32, #tpu.memory_space<vmem>>, vector<1x16xi32>,
        %parallel_loop3A_766 = vector.shape_cast %parallel_loop3A_765 : vector<1x16xi32> to vector<16xi32>
        %parallel_loop3A_767 = arith.constant 16 : i32
        %parallel_loop3A_768 = vector.broadcast %parallel_loop3A_767 : i32 to vector<16xi32>
        %parallel_loop3A_769 = arith.shli %parallel_loop3A_766, %parallel_loop3A_768 : vector<16xi32>
        %parallel_loop3A_770 = tpu.bitcast %parallel_loop3A_769 : vector<16xi32> -> vector<16xf32>
        %parallel_loop3A_771 = arith.constant -65536 : i32
        %parallel_loop3A_772 = vector.broadcast %parallel_loop3A_771 : i32 to vector<16xi32>
        %parallel_loop3A_773 = arith.andi %parallel_loop3A_766, %parallel_loop3A_772 : vector<16xi32>
        %parallel_loop3A_774 = tpu.bitcast %parallel_loop3A_773 : vector<16xi32> -> vector<16xf32>
        %parallel_loop3A_775 = arith.mulf %parallel_loop3A_770, %parallel_loop3A_734 : vector<16xf32>
        %parallel_loop3A_776 = arith.index_cast %parallel_loop3A_738 : i32 to index
        %parallel_loop3A_777 = arith.constant 32 : index
        %parallel_loop3A_778 = tpu.vector_load %arg13[%parallel_loop3A_776, %parallel_loop3A_777] {strides = array<i32>} : memref<48x64xf32, #tpu.memory_space<vmem>>, vector<1x16xf32>,
        %parallel_loop3A_779 = vector.shape_cast %parallel_loop3A_778 : vector<1x16xf32> to vector<16xf32>
        %parallel_loop3A_780 = vector.shape_cast %parallel_loop3A_775 : vector<16xf32> to vector<1x16xf32>
        tpu.vector_store %arg13[%parallel_loop3A_776, %parallel_loop3A_777], %parallel_loop3A_780 {strides = array<i32>} : memref<48x64xf32, #tpu.memory_space<vmem>>, vector<1x16xf32>,
        %parallel_loop3A_781 = arith.mulf %parallel_loop3A_774, %parallel_loop3A_734 : vector<16xf32>
        %parallel_loop3A_782 = arith.index_cast %parallel_loop3A_738 : i32 to index
        %parallel_loop3A_783 = arith.constant 48 : index
        %parallel_loop3A_784 = tpu.vector_load %arg13[%parallel_loop3A_782, %parallel_loop3A_783] {strides = array<i32>} : memref<48x64xf32, #tpu.memory_space<vmem>>, vector<1x16xf32>,
        %parallel_loop3A_785 = vector.shape_cast %parallel_loop3A_784 : vector<1x16xf32> to vector<16xf32>
        %parallel_loop3A_786 = vector.shape_cast %parallel_loop3A_781 : vector<16xf32> to vector<1x16xf32>
        tpu.vector_store %arg13[%parallel_loop3A_782, %parallel_loop3A_783], %parallel_loop3A_786 {strides = array<i32>} : memref<48x64xf32, #tpu.memory_space<vmem>>, vector<1x16xf32>,
        %parallel_loop3A_787 = arith.constant 12 : i32
        %parallel_loop3A_788 = vector.broadcast %parallel_loop3A_787 : i32 to vector<16x1xi32>
        %parallel_loop3A_789 = vector.shape_cast %parallel_loop3A_788 : vector<16x1xi32> to vector<16xi32>
        %parallel_loop3A_790 = tpu.dynamic_gather %parallel_loop3A_114[%parallel_loop3A_789] in [0] : vector<16xf32>, vector<16xi32> -> vector<16xf32>
        %parallel_loop3A_791 = arith.constant 16 : i32
        %parallel_loop3A_792 = arith.muli %parallel_loop3A_106, %parallel_loop3A_791 : i32
        %parallel_loop3A_793 = arith.constant 12 : i32
        %parallel_loop3A_794 = arith.addi %parallel_loop3A_792, %parallel_loop3A_793 : i32
        %parallel_loop3A_795 = arith.index_cast %parallel_loop3A_794 : i32 to index
        %parallel_loop3A_796 = arith.constant 0 : index
        %parallel_loop3A_797 = tpu.vector_load %arg11[%parallel_loop3A_795, %parallel_loop3A_796] {strides = array<i32>} : memref<48x32xi32, #tpu.memory_space<vmem>>, vector<1x16xi32>,
        %parallel_loop3A_798 = vector.shape_cast %parallel_loop3A_797 : vector<1x16xi32> to vector<16xi32>
        %parallel_loop3A_799 = arith.constant 16 : i32
        %parallel_loop3A_800 = vector.broadcast %parallel_loop3A_799 : i32 to vector<16xi32>
        %parallel_loop3A_801 = arith.shli %parallel_loop3A_798, %parallel_loop3A_800 : vector<16xi32>
        %parallel_loop3A_802 = tpu.bitcast %parallel_loop3A_801 : vector<16xi32> -> vector<16xf32>
        %parallel_loop3A_803 = arith.constant -65536 : i32
        %parallel_loop3A_804 = vector.broadcast %parallel_loop3A_803 : i32 to vector<16xi32>
        %parallel_loop3A_805 = arith.andi %parallel_loop3A_798, %parallel_loop3A_804 : vector<16xi32>
        %parallel_loop3A_806 = tpu.bitcast %parallel_loop3A_805 : vector<16xi32> -> vector<16xf32>
        %parallel_loop3A_807 = arith.mulf %parallel_loop3A_802, %parallel_loop3A_790 : vector<16xf32>
        %parallel_loop3A_808 = arith.index_cast %parallel_loop3A_794 : i32 to index
        %parallel_loop3A_809 = arith.constant 0 : index
        %parallel_loop3A_810 = tpu.vector_load %arg13[%parallel_loop3A_808, %parallel_loop3A_809] {strides = array<i32>} : memref<48x64xf32, #tpu.memory_space<vmem>>, vector<1x16xf32>,
        %parallel_loop3A_811 = vector.shape_cast %parallel_loop3A_810 : vector<1x16xf32> to vector<16xf32>
        %parallel_loop3A_812 = vector.shape_cast %parallel_loop3A_807 : vector<16xf32> to vector<1x16xf32>
        tpu.vector_store %arg13[%parallel_loop3A_808, %parallel_loop3A_809], %parallel_loop3A_812 {strides = array<i32>} : memref<48x64xf32, #tpu.memory_space<vmem>>, vector<1x16xf32>,
        %parallel_loop3A_813 = arith.mulf %parallel_loop3A_806, %parallel_loop3A_790 : vector<16xf32>
        %parallel_loop3A_814 = arith.index_cast %parallel_loop3A_794 : i32 to index
        %parallel_loop3A_815 = arith.constant 16 : index
        %parallel_loop3A_816 = tpu.vector_load %arg13[%parallel_loop3A_814, %parallel_loop3A_815] {strides = array<i32>} : memref<48x64xf32, #tpu.memory_space<vmem>>, vector<1x16xf32>,
        %parallel_loop3A_817 = vector.shape_cast %parallel_loop3A_816 : vector<1x16xf32> to vector<16xf32>
        %parallel_loop3A_818 = vector.shape_cast %parallel_loop3A_813 : vector<16xf32> to vector<1x16xf32>
        tpu.vector_store %arg13[%parallel_loop3A_814, %parallel_loop3A_815], %parallel_loop3A_818 {strides = array<i32>} : memref<48x64xf32, #tpu.memory_space<vmem>>, vector<1x16xf32>,
        %parallel_loop3A_819 = arith.index_cast %parallel_loop3A_794 : i32 to index
        %parallel_loop3A_820 = arith.constant 16 : index
        %parallel_loop3A_821 = tpu.vector_load %arg11[%parallel_loop3A_819, %parallel_loop3A_820] {strides = array<i32>} : memref<48x32xi32, #tpu.memory_space<vmem>>, vector<1x16xi32>,
        %parallel_loop3A_822 = vector.shape_cast %parallel_loop3A_821 : vector<1x16xi32> to vector<16xi32>
        %parallel_loop3A_823 = arith.constant 16 : i32
        %parallel_loop3A_824 = vector.broadcast %parallel_loop3A_823 : i32 to vector<16xi32>
        %parallel_loop3A_825 = arith.shli %parallel_loop3A_822, %parallel_loop3A_824 : vector<16xi32>
        %parallel_loop3A_826 = tpu.bitcast %parallel_loop3A_825 : vector<16xi32> -> vector<16xf32>
        %parallel_loop3A_827 = arith.constant -65536 : i32
        %parallel_loop3A_828 = vector.broadcast %parallel_loop3A_827 : i32 to vector<16xi32>
        %parallel_loop3A_829 = arith.andi %parallel_loop3A_822, %parallel_loop3A_828 : vector<16xi32>
        %parallel_loop3A_830 = tpu.bitcast %parallel_loop3A_829 : vector<16xi32> -> vector<16xf32>
        %parallel_loop3A_831 = arith.mulf %parallel_loop3A_826, %parallel_loop3A_790 : vector<16xf32>
        %parallel_loop3A_832 = arith.index_cast %parallel_loop3A_794 : i32 to index
        %parallel_loop3A_833 = arith.constant 32 : index
        %parallel_loop3A_834 = tpu.vector_load %arg13[%parallel_loop3A_832, %parallel_loop3A_833] {strides = array<i32>} : memref<48x64xf32, #tpu.memory_space<vmem>>, vector<1x16xf32>,
        %parallel_loop3A_835 = vector.shape_cast %parallel_loop3A_834 : vector<1x16xf32> to vector<16xf32>
        %parallel_loop3A_836 = vector.shape_cast %parallel_loop3A_831 : vector<16xf32> to vector<1x16xf32>
        tpu.vector_store %arg13[%parallel_loop3A_832, %parallel_loop3A_833], %parallel_loop3A_836 {strides = array<i32>} : memref<48x64xf32, #tpu.memory_space<vmem>>, vector<1x16xf32>,
        %parallel_loop3A_837 = arith.mulf %parallel_loop3A_830, %parallel_loop3A_790 : vector<16xf32>
        %parallel_loop3A_838 = arith.index_cast %parallel_loop3A_794 : i32 to index
        %parallel_loop3A_839 = arith.constant 48 : index
        %parallel_loop3A_840 = tpu.vector_load %arg13[%parallel_loop3A_838, %parallel_loop3A_839] {strides = array<i32>} : memref<48x64xf32, #tpu.memory_space<vmem>>, vector<1x16xf32>,
        %parallel_loop3A_841 = vector.shape_cast %parallel_loop3A_840 : vector<1x16xf32> to vector<16xf32>
        %parallel_loop3A_842 = vector.shape_cast %parallel_loop3A_837 : vector<16xf32> to vector<1x16xf32>
        tpu.vector_store %arg13[%parallel_loop3A_838, %parallel_loop3A_839], %parallel_loop3A_842 {strides = array<i32>} : memref<48x64xf32, #tpu.memory_space<vmem>>, vector<1x16xf32>,
        %parallel_loop3A_843 = arith.constant 13 : i32
        %parallel_loop3A_844 = vector.broadcast %parallel_loop3A_843 : i32 to vector<16x1xi32>
        %parallel_loop3A_845 = vector.shape_cast %parallel_loop3A_844 : vector<16x1xi32> to vector<16xi32>
        %parallel_loop3A_846 = tpu.dynamic_gather %parallel_loop3A_114[%parallel_loop3A_845] in [0] : vector<16xf32>, vector<16xi32> -> vector<16xf32>
        %parallel_loop3A_847 = arith.constant 16 : i32
        %parallel_loop3A_848 = arith.muli %parallel_loop3A_106, %parallel_loop3A_847 : i32
        %parallel_loop3A_849 = arith.constant 13 : i32
        %parallel_loop3A_850 = arith.addi %parallel_loop3A_848, %parallel_loop3A_849 : i32
        %parallel_loop3A_851 = arith.index_cast %parallel_loop3A_850 : i32 to index
        %parallel_loop3A_852 = arith.constant 0 : index
        %parallel_loop3A_853 = tpu.vector_load %arg11[%parallel_loop3A_851, %parallel_loop3A_852] {strides = array<i32>} : memref<48x32xi32, #tpu.memory_space<vmem>>, vector<1x16xi32>,
        %parallel_loop3A_854 = vector.shape_cast %parallel_loop3A_853 : vector<1x16xi32> to vector<16xi32>
        %parallel_loop3A_855 = arith.constant 16 : i32
        %parallel_loop3A_856 = vector.broadcast %parallel_loop3A_855 : i32 to vector<16xi32>
        %parallel_loop3A_857 = arith.shli %parallel_loop3A_854, %parallel_loop3A_856 : vector<16xi32>
        %parallel_loop3A_858 = tpu.bitcast %parallel_loop3A_857 : vector<16xi32> -> vector<16xf32>
        %parallel_loop3A_859 = arith.constant -65536 : i32
        %parallel_loop3A_860 = vector.broadcast %parallel_loop3A_859 : i32 to vector<16xi32>
        %parallel_loop3A_861 = arith.andi %parallel_loop3A_854, %parallel_loop3A_860 : vector<16xi32>
        %parallel_loop3A_862 = tpu.bitcast %parallel_loop3A_861 : vector<16xi32> -> vector<16xf32>
        %parallel_loop3A_863 = arith.mulf %parallel_loop3A_858, %parallel_loop3A_846 : vector<16xf32>
        %parallel_loop3A_864 = arith.index_cast %parallel_loop3A_850 : i32 to index
        %parallel_loop3A_865 = arith.constant 0 : index
        %parallel_loop3A_866 = tpu.vector_load %arg13[%parallel_loop3A_864, %parallel_loop3A_865] {strides = array<i32>} : memref<48x64xf32, #tpu.memory_space<vmem>>, vector<1x16xf32>,
        %parallel_loop3A_867 = vector.shape_cast %parallel_loop3A_866 : vector<1x16xf32> to vector<16xf32>
        %parallel_loop3A_868 = vector.shape_cast %parallel_loop3A_863 : vector<16xf32> to vector<1x16xf32>
        tpu.vector_store %arg13[%parallel_loop3A_864, %parallel_loop3A_865], %parallel_loop3A_868 {strides = array<i32>} : memref<48x64xf32, #tpu.memory_space<vmem>>, vector<1x16xf32>,
        %parallel_loop3A_869 = arith.mulf %parallel_loop3A_862, %parallel_loop3A_846 : vector<16xf32>
        %parallel_loop3A_870 = arith.index_cast %parallel_loop3A_850 : i32 to index
        %parallel_loop3A_871 = arith.constant 16 : index
        %parallel_loop3A_872 = tpu.vector_load %arg13[%parallel_loop3A_870, %parallel_loop3A_871] {strides = array<i32>} : memref<48x64xf32, #tpu.memory_space<vmem>>, vector<1x16xf32>,
        %parallel_loop3A_873 = vector.shape_cast %parallel_loop3A_872 : vector<1x16xf32> to vector<16xf32>
        %parallel_loop3A_874 = vector.shape_cast %parallel_loop3A_869 : vector<16xf32> to vector<1x16xf32>
        tpu.vector_store %arg13[%parallel_loop3A_870, %parallel_loop3A_871], %parallel_loop3A_874 {strides = array<i32>} : memref<48x64xf32, #tpu.memory_space<vmem>>, vector<1x16xf32>,
        %parallel_loop3A_875 = arith.index_cast %parallel_loop3A_850 : i32 to index
        %parallel_loop3A_876 = arith.constant 16 : index
        %parallel_loop3A_877 = tpu.vector_load %arg11[%parallel_loop3A_875, %parallel_loop3A_876] {strides = array<i32>} : memref<48x32xi32, #tpu.memory_space<vmem>>, vector<1x16xi32>,
        %parallel_loop3A_878 = vector.shape_cast %parallel_loop3A_877 : vector<1x16xi32> to vector<16xi32>
        %parallel_loop3A_879 = arith.constant 16 : i32
        %parallel_loop3A_880 = vector.broadcast %parallel_loop3A_879 : i32 to vector<16xi32>
        %parallel_loop3A_881 = arith.shli %parallel_loop3A_878, %parallel_loop3A_880 : vector<16xi32>
        %parallel_loop3A_882 = tpu.bitcast %parallel_loop3A_881 : vector<16xi32> -> vector<16xf32>
        %parallel_loop3A_883 = arith.constant -65536 : i32
        %parallel_loop3A_884 = vector.broadcast %parallel_loop3A_883 : i32 to vector<16xi32>
        %parallel_loop3A_885 = arith.andi %parallel_loop3A_878, %parallel_loop3A_884 : vector<16xi32>
        %parallel_loop3A_886 = tpu.bitcast %parallel_loop3A_885 : vector<16xi32> -> vector<16xf32>
        %parallel_loop3A_887 = arith.mulf %parallel_loop3A_882, %parallel_loop3A_846 : vector<16xf32>
        %parallel_loop3A_888 = arith.index_cast %parallel_loop3A_850 : i32 to index
        %parallel_loop3A_889 = arith.constant 32 : index
        %parallel_loop3A_890 = tpu.vector_load %arg13[%parallel_loop3A_888, %parallel_loop3A_889] {strides = array<i32>} : memref<48x64xf32, #tpu.memory_space<vmem>>, vector<1x16xf32>,
        %parallel_loop3A_891 = vector.shape_cast %parallel_loop3A_890 : vector<1x16xf32> to vector<16xf32>
        %parallel_loop3A_892 = vector.shape_cast %parallel_loop3A_887 : vector<16xf32> to vector<1x16xf32>
        tpu.vector_store %arg13[%parallel_loop3A_888, %parallel_loop3A_889], %parallel_loop3A_892 {strides = array<i32>} : memref<48x64xf32, #tpu.memory_space<vmem>>, vector<1x16xf32>,
        %parallel_loop3A_893 = arith.mulf %parallel_loop3A_886, %parallel_loop3A_846 : vector<16xf32>
        %parallel_loop3A_894 = arith.index_cast %parallel_loop3A_850 : i32 to index
        %parallel_loop3A_895 = arith.constant 48 : index
        %parallel_loop3A_896 = tpu.vector_load %arg13[%parallel_loop3A_894, %parallel_loop3A_895] {strides = array<i32>} : memref<48x64xf32, #tpu.memory_space<vmem>>, vector<1x16xf32>,
        %parallel_loop3A_897 = vector.shape_cast %parallel_loop3A_896 : vector<1x16xf32> to vector<16xf32>
        %parallel_loop3A_898 = vector.shape_cast %parallel_loop3A_893 : vector<16xf32> to vector<1x16xf32>
        tpu.vector_store %arg13[%parallel_loop3A_894, %parallel_loop3A_895], %parallel_loop3A_898 {strides = array<i32>} : memref<48x64xf32, #tpu.memory_space<vmem>>, vector<1x16xf32>,
        %parallel_loop3A_899 = arith.constant 14 : i32
        %parallel_loop3A_900 = vector.broadcast %parallel_loop3A_899 : i32 to vector<16x1xi32>
        %parallel_loop3A_901 = vector.shape_cast %parallel_loop3A_900 : vector<16x1xi32> to vector<16xi32>
        %parallel_loop3A_902 = tpu.dynamic_gather %parallel_loop3A_114[%parallel_loop3A_901] in [0] : vector<16xf32>, vector<16xi32> -> vector<16xf32>
        %parallel_loop3A_903 = arith.constant 16 : i32
        %parallel_loop3A_904 = arith.muli %parallel_loop3A_106, %parallel_loop3A_903 : i32
        %parallel_loop3A_905 = arith.constant 14 : i32
        %parallel_loop3A_906 = arith.addi %parallel_loop3A_904, %parallel_loop3A_905 : i32
        %parallel_loop3A_907 = arith.index_cast %parallel_loop3A_906 : i32 to index
        %parallel_loop3A_908 = arith.constant 0 : index
        %parallel_loop3A_909 = tpu.vector_load %arg11[%parallel_loop3A_907, %parallel_loop3A_908] {strides = array<i32>} : memref<48x32xi32, #tpu.memory_space<vmem>>, vector<1x16xi32>,
        %parallel_loop3A_910 = vector.shape_cast %parallel_loop3A_909 : vector<1x16xi32> to vector<16xi32>
        %parallel_loop3A_911 = arith.constant 16 : i32
        %parallel_loop3A_912 = vector.broadcast %parallel_loop3A_911 : i32 to vector<16xi32>
        %parallel_loop3A_913 = arith.shli %parallel_loop3A_910, %parallel_loop3A_912 : vector<16xi32>
        %parallel_loop3A_914 = tpu.bitcast %parallel_loop3A_913 : vector<16xi32> -> vector<16xf32>
        %parallel_loop3A_915 = arith.constant -65536 : i32
        %parallel_loop3A_916 = vector.broadcast %parallel_loop3A_915 : i32 to vector<16xi32>
        %parallel_loop3A_917 = arith.andi %parallel_loop3A_910, %parallel_loop3A_916 : vector<16xi32>
        %parallel_loop3A_918 = tpu.bitcast %parallel_loop3A_917 : vector<16xi32> -> vector<16xf32>
        %parallel_loop3A_919 = arith.mulf %parallel_loop3A_914, %parallel_loop3A_902 : vector<16xf32>
        %parallel_loop3A_920 = arith.index_cast %parallel_loop3A_906 : i32 to index
        %parallel_loop3A_921 = arith.constant 0 : index
        %parallel_loop3A_922 = tpu.vector_load %arg13[%parallel_loop3A_920, %parallel_loop3A_921] {strides = array<i32>} : memref<48x64xf32, #tpu.memory_space<vmem>>, vector<1x16xf32>,
        %parallel_loop3A_923 = vector.shape_cast %parallel_loop3A_922 : vector<1x16xf32> to vector<16xf32>
        %parallel_loop3A_924 = vector.shape_cast %parallel_loop3A_919 : vector<16xf32> to vector<1x16xf32>
        tpu.vector_store %arg13[%parallel_loop3A_920, %parallel_loop3A_921], %parallel_loop3A_924 {strides = array<i32>} : memref<48x64xf32, #tpu.memory_space<vmem>>, vector<1x16xf32>,
        %parallel_loop3A_925 = arith.mulf %parallel_loop3A_918, %parallel_loop3A_902 : vector<16xf32>
        %parallel_loop3A_926 = arith.index_cast %parallel_loop3A_906 : i32 to index
        %parallel_loop3A_927 = arith.constant 16 : index
        %parallel_loop3A_928 = tpu.vector_load %arg13[%parallel_loop3A_926, %parallel_loop3A_927] {strides = array<i32>} : memref<48x64xf32, #tpu.memory_space<vmem>>, vector<1x16xf32>,
        %parallel_loop3A_929 = vector.shape_cast %parallel_loop3A_928 : vector<1x16xf32> to vector<16xf32>
        %parallel_loop3A_930 = vector.shape_cast %parallel_loop3A_925 : vector<16xf32> to vector<1x16xf32>
        tpu.vector_store %arg13[%parallel_loop3A_926, %parallel_loop3A_927], %parallel_loop3A_930 {strides = array<i32>} : memref<48x64xf32, #tpu.memory_space<vmem>>, vector<1x16xf32>,
        %parallel_loop3A_931 = arith.index_cast %parallel_loop3A_906 : i32 to index
        %parallel_loop3A_932 = arith.constant 16 : index
        %parallel_loop3A_933 = tpu.vector_load %arg11[%parallel_loop3A_931, %parallel_loop3A_932] {strides = array<i32>} : memref<48x32xi32, #tpu.memory_space<vmem>>, vector<1x16xi32>,
        %parallel_loop3A_934 = vector.shape_cast %parallel_loop3A_933 : vector<1x16xi32> to vector<16xi32>
        %parallel_loop3A_935 = arith.constant 16 : i32
        %parallel_loop3A_936 = vector.broadcast %parallel_loop3A_935 : i32 to vector<16xi32>
        %parallel_loop3A_937 = arith.shli %parallel_loop3A_934, %parallel_loop3A_936 : vector<16xi32>
        %parallel_loop3A_938 = tpu.bitcast %parallel_loop3A_937 : vector<16xi32> -> vector<16xf32>
        %parallel_loop3A_939 = arith.constant -65536 : i32
        %parallel_loop3A_940 = vector.broadcast %parallel_loop3A_939 : i32 to vector<16xi32>
        %parallel_loop3A_941 = arith.andi %parallel_loop3A_934, %parallel_loop3A_940 : vector<16xi32>
        %parallel_loop3A_942 = tpu.bitcast %parallel_loop3A_941 : vector<16xi32> -> vector<16xf32>
        %parallel_loop3A_943 = arith.mulf %parallel_loop3A_938, %parallel_loop3A_902 : vector<16xf32>
        %parallel_loop3A_944 = arith.index_cast %parallel_loop3A_906 : i32 to index
        %parallel_loop3A_945 = arith.constant 32 : index
        %parallel_loop3A_946 = tpu.vector_load %arg13[%parallel_loop3A_944, %parallel_loop3A_945] {strides = array<i32>} : memref<48x64xf32, #tpu.memory_space<vmem>>, vector<1x16xf32>,
        %parallel_loop3A_947 = vector.shape_cast %parallel_loop3A_946 : vector<1x16xf32> to vector<16xf32>
        %parallel_loop3A_948 = vector.shape_cast %parallel_loop3A_943 : vector<16xf32> to vector<1x16xf32>
        tpu.vector_store %arg13[%parallel_loop3A_944, %parallel_loop3A_945], %parallel_loop3A_948 {strides = array<i32>} : memref<48x64xf32, #tpu.memory_space<vmem>>, vector<1x16xf32>,
        %parallel_loop3A_949 = arith.mulf %parallel_loop3A_942, %parallel_loop3A_902 : vector<16xf32>
        %parallel_loop3A_950 = arith.index_cast %parallel_loop3A_906 : i32 to index
        %parallel_loop3A_951 = arith.constant 48 : index
        %parallel_loop3A_952 = tpu.vector_load %arg13[%parallel_loop3A_950, %parallel_loop3A_951] {strides = array<i32>} : memref<48x64xf32, #tpu.memory_space<vmem>>, vector<1x16xf32>,
        %parallel_loop3A_953 = vector.shape_cast %parallel_loop3A_952 : vector<1x16xf32> to vector<16xf32>
        %parallel_loop3A_954 = vector.shape_cast %parallel_loop3A_949 : vector<16xf32> to vector<1x16xf32>
        tpu.vector_store %arg13[%parallel_loop3A_950, %parallel_loop3A_951], %parallel_loop3A_954 {strides = array<i32>} : memref<48x64xf32, #tpu.memory_space<vmem>>, vector<1x16xf32>,
        %parallel_loop3A_955 = arith.constant 15 : i32
        %parallel_loop3A_956 = vector.broadcast %parallel_loop3A_955 : i32 to vector<16x1xi32>
        %parallel_loop3A_957 = vector.shape_cast %parallel_loop3A_956 : vector<16x1xi32> to vector<16xi32>
        %parallel_loop3A_958 = tpu.dynamic_gather %parallel_loop3A_114[%parallel_loop3A_957] in [0] : vector<16xf32>, vector<16xi32> -> vector<16xf32>
        %parallel_loop3A_959 = arith.constant 16 : i32
        %parallel_loop3A_960 = arith.muli %parallel_loop3A_106, %parallel_loop3A_959 : i32
        %parallel_loop3A_961 = arith.constant 15 : i32
        %parallel_loop3A_962 = arith.addi %parallel_loop3A_960, %parallel_loop3A_961 : i32
        %parallel_loop3A_963 = arith.index_cast %parallel_loop3A_962 : i32 to index
        %parallel_loop3A_964 = arith.constant 0 : index
        %parallel_loop3A_965 = tpu.vector_load %arg11[%parallel_loop3A_963, %parallel_loop3A_964] {strides = array<i32>} : memref<48x32xi32, #tpu.memory_space<vmem>>, vector<1x16xi32>,
        %parallel_loop3A_966 = vector.shape_cast %parallel_loop3A_965 : vector<1x16xi32> to vector<16xi32>
        %parallel_loop3A_967 = arith.constant 16 : i32
        %parallel_loop3A_968 = vector.broadcast %parallel_loop3A_967 : i32 to vector<16xi32>
        %parallel_loop3A_969 = arith.shli %parallel_loop3A_966, %parallel_loop3A_968 : vector<16xi32>
        %parallel_loop3A_970 = tpu.bitcast %parallel_loop3A_969 : vector<16xi32> -> vector<16xf32>
        %parallel_loop3A_971 = arith.constant -65536 : i32
        %parallel_loop3A_972 = vector.broadcast %parallel_loop3A_971 : i32 to vector<16xi32>
        %parallel_loop3A_973 = arith.andi %parallel_loop3A_966, %parallel_loop3A_972 : vector<16xi32>
        %parallel_loop3A_974 = tpu.bitcast %parallel_loop3A_973 : vector<16xi32> -> vector<16xf32>
        %parallel_loop3A_975 = arith.mulf %parallel_loop3A_970, %parallel_loop3A_958 : vector<16xf32>
        %parallel_loop3A_976 = arith.index_cast %parallel_loop3A_962 : i32 to index
        %parallel_loop3A_977 = arith.constant 0 : index
        %parallel_loop3A_978 = tpu.vector_load %arg13[%parallel_loop3A_976, %parallel_loop3A_977] {strides = array<i32>} : memref<48x64xf32, #tpu.memory_space<vmem>>, vector<1x16xf32>,
        %parallel_loop3A_979 = vector.shape_cast %parallel_loop3A_978 : vector<1x16xf32> to vector<16xf32>
        %parallel_loop3A_980 = vector.shape_cast %parallel_loop3A_975 : vector<16xf32> to vector<1x16xf32>
        tpu.vector_store %arg13[%parallel_loop3A_976, %parallel_loop3A_977], %parallel_loop3A_980 {strides = array<i32>} : memref<48x64xf32, #tpu.memory_space<vmem>>, vector<1x16xf32>,
        %parallel_loop3A_981 = arith.mulf %parallel_loop3A_974, %parallel_loop3A_958 : vector<16xf32>
        %parallel_loop3A_982 = arith.index_cast %parallel_loop3A_962 : i32 to index
        %parallel_loop3A_983 = arith.constant 16 : index
        %parallel_loop3A_984 = tpu.vector_load %arg13[%parallel_loop3A_982, %parallel_loop3A_983] {strides = array<i32>} : memref<48x64xf32, #tpu.memory_space<vmem>>, vector<1x16xf32>,
        %parallel_loop3A_985 = vector.shape_cast %parallel_loop3A_984 : vector<1x16xf32> to vector<16xf32>
        %parallel_loop3A_986 = vector.shape_cast %parallel_loop3A_981 : vector<16xf32> to vector<1x16xf32>
        tpu.vector_store %arg13[%parallel_loop3A_982, %parallel_loop3A_983], %parallel_loop3A_986 {strides = array<i32>} : memref<48x64xf32, #tpu.memory_space<vmem>>, vector<1x16xf32>,
        %parallel_loop3A_987 = arith.index_cast %parallel_loop3A_962 : i32 to index
        %parallel_loop3A_988 = arith.constant 16 : index
        %parallel_loop3A_989 = tpu.vector_load %arg11[%parallel_loop3A_987, %parallel_loop3A_988] {strides = array<i32>} : memref<48x32xi32, #tpu.memory_space<vmem>>, vector<1x16xi32>,
        %parallel_loop3A_990 = vector.shape_cast %parallel_loop3A_989 : vector<1x16xi32> to vector<16xi32>
        %parallel_loop3A_991 = arith.constant 16 : i32
        %parallel_loop3A_992 = vector.broadcast %parallel_loop3A_991 : i32 to vector<16xi32>
        %parallel_loop3A_993 = arith.shli %parallel_loop3A_990, %parallel_loop3A_992 : vector<16xi32>
        %parallel_loop3A_994 = tpu.bitcast %parallel_loop3A_993 : vector<16xi32> -> vector<16xf32>
        %parallel_loop3A_995 = arith.constant -65536 : i32
        %parallel_loop3A_996 = vector.broadcast %parallel_loop3A_995 : i32 to vector<16xi32>
        %parallel_loop3A_997 = arith.andi %parallel_loop3A_990, %parallel_loop3A_996 : vector<16xi32>
        %parallel_loop3A_998 = tpu.bitcast %parallel_loop3A_997 : vector<16xi32> -> vector<16xf32>
        %parallel_loop3A_999 = arith.mulf %parallel_loop3A_994, %parallel_loop3A_958 : vector<16xf32>
        %parallel_loop3A_1000 = arith.index_cast %parallel_loop3A_962 : i32 to index
        %parallel_loop3A_1001 = arith.constant 32 : index
        %parallel_loop3A_1002 = tpu.vector_load %arg13[%parallel_loop3A_1000, %parallel_loop3A_1001] {strides = array<i32>} : memref<48x64xf32, #tpu.memory_space<vmem>>, vector<1x16xf32>,
        %parallel_loop3A_1003 = vector.shape_cast %parallel_loop3A_1002 : vector<1x16xf32> to vector<16xf32>
        %parallel_loop3A_1004 = vector.shape_cast %parallel_loop3A_999 : vector<16xf32> to vector<1x16xf32>
        tpu.vector_store %arg13[%parallel_loop3A_1000, %parallel_loop3A_1001], %parallel_loop3A_1004 {strides = array<i32>} : memref<48x64xf32, #tpu.memory_space<vmem>>, vector<1x16xf32>,
        %parallel_loop3A_1005 = arith.mulf %parallel_loop3A_998, %parallel_loop3A_958 : vector<16xf32>
        %parallel_loop3A_1006 = arith.index_cast %parallel_loop3A_962 : i32 to index
        %parallel_loop3A_1007 = arith.constant 48 : index
        %parallel_loop3A_1008 = tpu.vector_load %arg13[%parallel_loop3A_1006, %parallel_loop3A_1007] {strides = array<i32>} : memref<48x64xf32, #tpu.memory_space<vmem>>, vector<1x16xf32>,
        %parallel_loop3A_1009 = vector.shape_cast %parallel_loop3A_1008 : vector<1x16xf32> to vector<16xf32>
        %parallel_loop3A_1010 = vector.shape_cast %parallel_loop3A_1005 : vector<16xf32> to vector<1x16xf32>
        tpu.vector_store %arg13[%parallel_loop3A_1006, %parallel_loop3A_1007], %parallel_loop3A_1010 {strides = array<i32>} : memref<48x64xf32, #tpu.memory_space<vmem>>, vector<1x16xf32>,
      } {sc.loop_unroll_factor = 3 : i64, sc.parallel_access}
      %dma_start3A_100 = arith.constant 0 : i32
      %dma_start3A_101 = tpu.memref_slice %arg8[%add3A_76, %dma_start3A_100] : memref<418x48xi32, #tpu.memory_space<vmem>> -> memref<1x48xi32, #tpu.memory_space<vmem>>
      %dma_start3A_102 = tpu.memref_squeeze %dma_start3A_101 : memref<1x48xi32, #tpu.memory_space<vmem>> -> memref<48xi32, #tpu.memory_space<vmem>>
      %dma_start3A_103 = arith.constant 0 : i32
      %dma_start3A_104 = arith.constant 0 : i32
      %dma_start3A_105 = tpu.memref_slice %arg14[%dma_start3A_103, %dma_start3A_104] : memref<10000x64xf32, #tpu.memory_space<vmem_shared>> -> memref<10000x64xf32, #tpu.memory_space<vmem_shared>>
      tpu.enqueue_indirect_dma source(%arg13 : memref<48x64xf32, #tpu.memory_space<vmem>>) target(%dma_start3A_105 : memref<10000x64xf32, #tpu.memory_space<vmem_shared>>) offsets(%dma_start3A_102 : memref<48xi32, #tpu.memory_space<vmem>>) semaphore(%arg19 : memref<!tpu.dma_semaphore, #tpu.memory_space<semaphore_mem>>) {add = true}
    }
    %scan3A_18 = arith.constant 209 : i32
    %dma_wait3A = arith.constant 416 : i32
    %dma_wait3A_19 = arith.constant 0 : i32
    %dma_wait3A_20 = tpu.memref_slice %arg8[%dma_wait3A, %dma_wait3A_19] : memref<418x48xi32, #tpu.memory_space<vmem>> -> memref<1x48xi32, #tpu.memory_space<vmem>>
    %dma_wait3A_21 = tpu.memref_squeeze %dma_wait3A_20 : memref<1x48xi32, #tpu.memory_space<vmem>> -> memref<48xi32, #tpu.memory_space<vmem>>
    %dma_wait3A_22 = arith.constant 0 : i32
    %dma_wait3A_23 = arith.constant 0 : i32
    %dma_wait3A_24 = tpu.memref_slice %arg14[%dma_wait3A_22, %dma_wait3A_23] : memref<10000x64xf32, #tpu.memory_space<vmem_shared>> -> memref<10000x64xf32, #tpu.memory_space<vmem_shared>>
    tpu.wait_indirect_dma semaphore(%arg18 : memref<!tpu.dma_semaphore, #tpu.memory_space<semaphore_mem>>) src(%arg12 : memref<48x64xf32, #tpu.memory_space<vmem>>) dst(%dma_wait3A_24 : memref<10000x64xf32, #tpu.memory_space<vmem_shared>>)
    %dma_wait3A_25 = arith.constant 417 : i32
    %dma_wait3A_26 = arith.constant 0 : i32
    %dma_wait3A_27 = tpu.memref_slice %arg8[%dma_wait3A_25, %dma_wait3A_26] : memref<418x48xi32, #tpu.memory_space<vmem>> -> memref<1x48xi32, #tpu.memory_space<vmem>>
    %dma_wait3A_28 = tpu.memref_squeeze %dma_wait3A_27 : memref<1x48xi32, #tpu.memory_space<vmem>> -> memref<48xi32, #tpu.memory_space<vmem>>
    %dma_wait3A_29 = arith.constant 0 : i32
    %dma_wait3A_30 = arith.constant 0 : i32
    %dma_wait3A_31 = tpu.memref_slice %arg14[%dma_wait3A_29, %dma_wait3A_30] : memref<10000x64xf32, #tpu.memory_space<vmem_shared>> -> memref<10000x64xf32, #tpu.memory_space<vmem_shared>>
    tpu.wait_indirect_dma semaphore(%arg19 : memref<!tpu.dma_semaphore, #tpu.memory_space<semaphore_mem>>) src(%arg13 : memref<48x64xf32, #tpu.memory_space<vmem>>) dst(%dma_wait3A_31 : memref<10000x64xf32, #tpu.memory_space<vmem_shared>>)
    %barrier3A_32 = arith.constant 0 : index
    tpu.barrier barrier_id(%barrier3A_32)
    %lt3A_33 = arith.constant 15 : i32
    %lt3A_34 = arith.cmpi slt, %arg1, %lt3A_33 : i32
    %convert_element_type3A_35 = arith.extui %lt3A_34 : i1 to i32
    %cond3A_36 = arith.constant 0 : i32
    %cond3A_37 = arith.cmpi ne, %convert_element_type3A_35, %cond3A_36 : i32
    scf.if %cond3A_37 {
      %mul3A = arith.constant 640 : i32
      %mul3A_43 = arith.muli %arg1, %mul3A : i32
      %mul3A_44 = arith.constant 640 : i32
      %mul3A_45 = arith.muli %arg1, %mul3A_44 : i32
      "tpu.region"() ({
        %run_scoped3A = tpu.sem_alloc : memref<!tpu.dma_semaphore, #tpu.memory_space<semaphore_mem>>
        %dma_start3A_46 = arith.constant 0 : i32
        %dma_start3A_47 = tpu.memref_slice %arg6[%arg0, %mul3A_45, %dma_start3A_46] : memref<2x10000x64xf32, #tpu.memory_space<hbm>> -> memref<1x640x64xf32, #tpu.memory_space<hbm>>
        %dma_start3A_48 = tpu.memref_squeeze %dma_start3A_47 : memref<1x640x64xf32, #tpu.memory_space<hbm>> -> memref<640x64xf32, #tpu.memory_space<hbm>>
        %dma_start3A_49 = arith.constant 0 : i32
        %dma_start3A_50 = tpu.memref_slice %arg14[%mul3A_43, %dma_start3A_49] : memref<10000x64xf32, #tpu.memory_space<vmem_shared>> -> memref<640x64xf32, #tpu.memory_space<vmem_shared>>
        tpu.enqueue_dma source(%dma_start3A_50 : memref<640x64xf32, #tpu.memory_space<vmem_shared>>) target(%dma_start3A_48 : memref<640x64xf32, #tpu.memory_space<hbm>>) target_semaphore(%run_scoped3A : memref<!tpu.dma_semaphore, #tpu.memory_space<semaphore_mem>>)
        %dma_wait3A_51 = arith.constant 0 : i32
        %dma_wait3A_52 = tpu.memref_slice %arg6[%arg0, %mul3A_45, %dma_wait3A_51] : memref<2x10000x64xf32, #tpu.memory_space<hbm>> -> memref<1x640x64xf32, #tpu.memory_space<hbm>>
        %dma_wait3A_53 = tpu.memref_squeeze %dma_wait3A_52 : memref<1x640x64xf32, #tpu.memory_space<hbm>> -> memref<640x64xf32, #tpu.memory_space<hbm>>
        %dma_wait3A_54 = arith.constant 0 : i32
        %dma_wait3A_55 = tpu.memref_slice %arg14[%mul3A_43, %dma_wait3A_54] : memref<10000x64xf32, #tpu.memory_space<vmem_shared>> -> memref<640x64xf32, #tpu.memory_space<vmem_shared>>
        tpu.wait_dma2 semaphore(%run_scoped3A : memref<!tpu.dma_semaphore, #tpu.memory_space<semaphore_mem>>) src(%dma_wait3A_55 : memref<640x64xf32, #tpu.memory_space<vmem_shared>>) dst(%dma_wait3A_53 : memref<640x64xf32, #tpu.memory_space<hbm>>)
        tpu.yield
      }) : () -> ()
    } else {
    }
    %eq3A_38 = arith.constant 15 : i32
    %eq3A_39 = arith.cmpi eq, %arg1, %eq3A_38 : i32
    %convert_element_type3A_40 = arith.extui %eq3A_39 : i1 to i32
    %cond3A_41 = arith.constant 0 : i32
    %cond3A_42 = arith.cmpi ne, %convert_element_type3A_40, %cond3A_41 : i32
    scf.if %cond3A_42 {
      "tpu.region"() ({
        %run_scoped3A = tpu.sem_alloc : memref<!tpu.dma_semaphore, #tpu.memory_space<semaphore_mem>>
        %dma_start3A_43 = arith.constant 9600 : i32
        %dma_start3A_44 = arith.constant 0 : i32
        %dma_start3A_45 = tpu.memref_slice %arg6[%arg0, %dma_start3A_43, %dma_start3A_44] : memref<2x10000x64xf32, #tpu.memory_space<hbm>> -> memref<1x400x64xf32, #tpu.memory_space<hbm>>
        %dma_start3A_46 = tpu.memref_squeeze %dma_start3A_45 : memref<1x400x64xf32, #tpu.memory_space<hbm>> -> memref<400x64xf32, #tpu.memory_space<hbm>>
        %dma_start3A_47 = arith.constant 9600 : i32
        %dma_start3A_48 = arith.constant 0 : i32
        %dma_start3A_49 = tpu.memref_slice %arg14[%dma_start3A_47, %dma_start3A_48] : memref<10000x64xf32, #tpu.memory_space<vmem_shared>> -> memref<400x64xf32, #tpu.memory_space<vmem_shared>>
        tpu.enqueue_dma source(%dma_start3A_49 : memref<400x64xf32, #tpu.memory_space<vmem_shared>>) target(%dma_start3A_46 : memref<400x64xf32, #tpu.memory_space<hbm>>) target_semaphore(%run_scoped3A : memref<!tpu.dma_semaphore, #tpu.memory_space<semaphore_mem>>)
        %dma_wait3A_50 = arith.constant 9600 : i32
        %dma_wait3A_51 = arith.constant 0 : i32
        %dma_wait3A_52 = tpu.memref_slice %arg6[%arg0, %dma_wait3A_50, %dma_wait3A_51] : memref<2x10000x64xf32, #tpu.memory_space<hbm>> -> memref<1x400x64xf32, #tpu.memory_space<hbm>>
        %dma_wait3A_53 = tpu.memref_squeeze %dma_wait3A_52 : memref<1x400x64xf32, #tpu.memory_space<hbm>> -> memref<400x64xf32, #tpu.memory_space<hbm>>
        %dma_wait3A_54 = arith.constant 9600 : i32
        %dma_wait3A_55 = arith.constant 0 : i32
        %dma_wait3A_56 = tpu.memref_slice %arg14[%dma_wait3A_54, %dma_wait3A_55] : memref<10000x64xf32, #tpu.memory_space<vmem_shared>> -> memref<400x64xf32, #tpu.memory_space<vmem_shared>>
        tpu.wait_dma2 semaphore(%run_scoped3A : memref<!tpu.dma_semaphore, #tpu.memory_space<semaphore_mem>>) src(%dma_wait3A_56 : memref<400x64xf32, #tpu.memory_space<vmem_shared>>) dst(%dma_wait3A_53 : memref<400x64xf32, #tpu.memory_space<hbm>>)
        tpu.yield
      }) : () -> ()
    } else {
    }
    return
  }
}

module attributes {stable_mosaic.version = 14 : i64} {
  func.func @body(%arg0: i32, %arg1: memref<400x128xf32, #tpu.memory_space<vmem>>, %arg2: memref<2x400x32xi32, #tpu.memory_space<vmem>>) attributes {dimension_semantics = [#tpu.dimension_semantics<arbitrary>], iteration_bounds = array<i64: 25>, scalar_prefetch = 0 : i64, scratch_operands = 0 : i64, tpu.core_type = #tpu.core_type<tc>, window_params = [{transform_indices = @transform_0, window_bounds = array<i64: 400, 128>}, {transform_indices = @transform_1, window_bounds = array<i64: 2, 400, 32>}]} {
    %get3A = arith.constant 0 : index
    %get3A_0 = arith.constant 0 : index
    %get3A_1 = vector.load %arg1[%get3A, %get3A_0] : memref<400x128xf32, #tpu.memory_space<vmem>>, vector<400x16xf32>
    %bitcast_convert_type3A = tpu.bitcast %get3A_1 : vector<400x16xf32> -> vector<400x16xi32>
    %get3A_2 = arith.constant 0 : index
    %get3A_3 = arith.constant 16 : index
    %get3A_4 = vector.load %arg1[%get3A_2, %get3A_3] : memref<400x128xf32, #tpu.memory_space<vmem>>, vector<400x16xf32>
    %bitcast_convert_type3A_5 = tpu.bitcast %get3A_4 : vector<400x16xf32> -> vector<400x16xi32>
    %add3A = arith.constant 32768 : i32
    %add3A_6 = vector.broadcast %add3A : i32 to vector<400x16xi32>
    %add3A_7 = arith.addi %bitcast_convert_type3A, %add3A_6 : vector<400x16xi32>
    %shift_right_arithmetic3A = arith.constant 16 : i32
    %shift_right_arithmetic3A_8 = vector.broadcast %shift_right_arithmetic3A : i32 to vector<400x16xi32>
    %shift_right_arithmetic3A_9 = arith.shrsi %add3A_7, %shift_right_arithmetic3A_8 : vector<400x16xi32>
    %and3A = arith.constant 65535 : i32
    %and3A_10 = vector.broadcast %and3A : i32 to vector<400x16xi32>
    %and3A_11 = arith.andi %shift_right_arithmetic3A_9, %and3A_10 : vector<400x16xi32>
    %add3A_12 = arith.constant 32768 : i32
    %add3A_13 = vector.broadcast %add3A_12 : i32 to vector<400x16xi32>
    %add3A_14 = arith.addi %bitcast_convert_type3A_5, %add3A_13 : vector<400x16xi32>
    %and3A_15 = arith.constant -65536 : i32
    %and3A_16 = vector.broadcast %and3A_15 : i32 to vector<400x16xi32>
    %and3A_17 = arith.andi %add3A_14, %and3A_16 : vector<400x16xi32>
    %or3A = arith.ori %and3A_11, %and3A_17 : vector<400x16xi32>
    %swap3A = arith.constant 0 : index
    %swap3A_18 = arith.constant 0 : index
    %swap3A_19 = arith.constant 0 : index
    %swap3A_20 = vector.load %arg2[%swap3A, %swap3A_18, %swap3A_19] : memref<2x400x32xi32, #tpu.memory_space<vmem>>, vector<1x400x16xi32>
    %swap3A_21 = vector.shape_cast %swap3A_20 : vector<1x400x16xi32> to vector<400x16xi32>
    %swap3A_22 = vector.shape_cast %or3A : vector<400x16xi32> to vector<1x400x16xi32>
    tpu.vector_store %arg2[%swap3A, %swap3A_18, %swap3A_19], %swap3A_22 {strides = array<i32>} : memref<2x400x32xi32, #tpu.memory_space<vmem>>, vector<1x400x16xi32>,
    %get3A_23 = arith.constant 0 : index
    %get3A_24 = arith.constant 32 : index
    %get3A_25 = vector.load %arg1[%get3A_23, %get3A_24] : memref<400x128xf32, #tpu.memory_space<vmem>>, vector<400x16xf32>
    %bitcast_convert_type3A_26 = tpu.bitcast %get3A_25 : vector<400x16xf32> -> vector<400x16xi32>
    %get3A_27 = arith.constant 0 : index
    %get3A_28 = arith.constant 48 : index
    %get3A_29 = vector.load %arg1[%get3A_27, %get3A_28] : memref<400x128xf32, #tpu.memory_space<vmem>>, vector<400x16xf32>
    %bitcast_convert_type3A_30 = tpu.bitcast %get3A_29 : vector<400x16xf32> -> vector<400x16xi32>
    %add3A_31 = arith.constant 32768 : i32
    %add3A_32 = vector.broadcast %add3A_31 : i32 to vector<400x16xi32>
    %add3A_33 = arith.addi %bitcast_convert_type3A_26, %add3A_32 : vector<400x16xi32>
    %shift_right_arithmetic3A_34 = arith.constant 16 : i32
    %shift_right_arithmetic3A_35 = vector.broadcast %shift_right_arithmetic3A_34 : i32 to vector<400x16xi32>
    %shift_right_arithmetic3A_36 = arith.shrsi %add3A_33, %shift_right_arithmetic3A_35 : vector<400x16xi32>
    %and3A_37 = arith.constant 65535 : i32
    %and3A_38 = vector.broadcast %and3A_37 : i32 to vector<400x16xi32>
    %and3A_39 = arith.andi %shift_right_arithmetic3A_36, %and3A_38 : vector<400x16xi32>
    %add3A_40 = arith.constant 32768 : i32
    %add3A_41 = vector.broadcast %add3A_40 : i32 to vector<400x16xi32>
    %add3A_42 = arith.addi %bitcast_convert_type3A_30, %add3A_41 : vector<400x16xi32>
    %and3A_43 = arith.constant -65536 : i32
    %and3A_44 = vector.broadcast %and3A_43 : i32 to vector<400x16xi32>
    %and3A_45 = arith.andi %add3A_42, %and3A_44 : vector<400x16xi32>
    %or3A_46 = arith.ori %and3A_39, %and3A_45 : vector<400x16xi32>
    %swap3A_47 = arith.constant 0 : index
    %swap3A_48 = arith.constant 0 : index
    %swap3A_49 = arith.constant 16 : index
    %swap3A_50 = vector.load %arg2[%swap3A_47, %swap3A_48, %swap3A_49] : memref<2x400x32xi32, #tpu.memory_space<vmem>>, vector<1x400x16xi32>
    %swap3A_51 = vector.shape_cast %swap3A_50 : vector<1x400x16xi32> to vector<400x16xi32>
    %swap3A_52 = vector.shape_cast %or3A_46 : vector<400x16xi32> to vector<1x400x16xi32>
    tpu.vector_store %arg2[%swap3A_47, %swap3A_48, %swap3A_49], %swap3A_52 {strides = array<i32>} : memref<2x400x32xi32, #tpu.memory_space<vmem>>, vector<1x400x16xi32>,
    %get3A_53 = arith.constant 0 : index
    %get3A_54 = arith.constant 64 : index
    %get3A_55 = vector.load %arg1[%get3A_53, %get3A_54] : memref<400x128xf32, #tpu.memory_space<vmem>>, vector<400x16xf32>
    %bitcast_convert_type3A_56 = tpu.bitcast %get3A_55 : vector<400x16xf32> -> vector<400x16xi32>
    %get3A_57 = arith.constant 0 : index
    %get3A_58 = arith.constant 80 : index
    %get3A_59 = vector.load %arg1[%get3A_57, %get3A_58] : memref<400x128xf32, #tpu.memory_space<vmem>>, vector<400x16xf32>
    %bitcast_convert_type3A_60 = tpu.bitcast %get3A_59 : vector<400x16xf32> -> vector<400x16xi32>
    %add3A_61 = arith.constant 32768 : i32
    %add3A_62 = vector.broadcast %add3A_61 : i32 to vector<400x16xi32>
    %add3A_63 = arith.addi %bitcast_convert_type3A_56, %add3A_62 : vector<400x16xi32>
    %shift_right_arithmetic3A_64 = arith.constant 16 : i32
    %shift_right_arithmetic3A_65 = vector.broadcast %shift_right_arithmetic3A_64 : i32 to vector<400x16xi32>
    %shift_right_arithmetic3A_66 = arith.shrsi %add3A_63, %shift_right_arithmetic3A_65 : vector<400x16xi32>
    %and3A_67 = arith.constant 65535 : i32
    %and3A_68 = vector.broadcast %and3A_67 : i32 to vector<400x16xi32>
    %and3A_69 = arith.andi %shift_right_arithmetic3A_66, %and3A_68 : vector<400x16xi32>
    %add3A_70 = arith.constant 32768 : i32
    %add3A_71 = vector.broadcast %add3A_70 : i32 to vector<400x16xi32>
    %add3A_72 = arith.addi %bitcast_convert_type3A_60, %add3A_71 : vector<400x16xi32>
    %and3A_73 = arith.constant -65536 : i32
    %and3A_74 = vector.broadcast %and3A_73 : i32 to vector<400x16xi32>
    %and3A_75 = arith.andi %add3A_72, %and3A_74 : vector<400x16xi32>
    %or3A_76 = arith.ori %and3A_69, %and3A_75 : vector<400x16xi32>
    %swap3A_77 = arith.constant 1 : index
    %swap3A_78 = arith.constant 0 : index
    %swap3A_79 = arith.constant 0 : index
    %swap3A_80 = vector.load %arg2[%swap3A_77, %swap3A_78, %swap3A_79] : memref<2x400x32xi32, #tpu.memory_space<vmem>>, vector<1x400x16xi32>
    %swap3A_81 = vector.shape_cast %swap3A_80 : vector<1x400x16xi32> to vector<400x16xi32>
    %swap3A_82 = vector.shape_cast %or3A_76 : vector<400x16xi32> to vector<1x400x16xi32>
    tpu.vector_store %arg2[%swap3A_77, %swap3A_78, %swap3A_79], %swap3A_82 {strides = array<i32>} : memref<2x400x32xi32, #tpu.memory_space<vmem>>, vector<1x400x16xi32>,
    %get3A_83 = arith.constant 0 : index
    %get3A_84 = arith.constant 96 : index
    %get3A_85 = vector.load %arg1[%get3A_83, %get3A_84] : memref<400x128xf32, #tpu.memory_space<vmem>>, vector<400x16xf32>
    %bitcast_convert_type3A_86 = tpu.bitcast %get3A_85 : vector<400x16xf32> -> vector<400x16xi32>
    %get3A_87 = arith.constant 0 : index
    %get3A_88 = arith.constant 112 : index
    %get3A_89 = vector.load %arg1[%get3A_87, %get3A_88] : memref<400x128xf32, #tpu.memory_space<vmem>>, vector<400x16xf32>
    %bitcast_convert_type3A_90 = tpu.bitcast %get3A_89 : vector<400x16xf32> -> vector<400x16xi32>
    %add3A_91 = arith.constant 32768 : i32
    %add3A_92 = vector.broadcast %add3A_91 : i32 to vector<400x16xi32>
    %add3A_93 = arith.addi %bitcast_convert_type3A_86, %add3A_92 : vector<400x16xi32>
    %shift_right_arithmetic3A_94 = arith.constant 16 : i32
    %shift_right_arithmetic3A_95 = vector.broadcast %shift_right_arithmetic3A_94 : i32 to vector<400x16xi32>
    %shift_right_arithmetic3A_96 = arith.shrsi %add3A_93, %shift_right_arithmetic3A_95 : vector<400x16xi32>
    %and3A_97 = arith.constant 65535 : i32
    %and3A_98 = vector.broadcast %and3A_97 : i32 to vector<400x16xi32>
    %and3A_99 = arith.andi %shift_right_arithmetic3A_96, %and3A_98 : vector<400x16xi32>
    %add3A_100 = arith.constant 32768 : i32
    %add3A_101 = vector.broadcast %add3A_100 : i32 to vector<400x16xi32>
    %add3A_102 = arith.addi %bitcast_convert_type3A_90, %add3A_101 : vector<400x16xi32>
    %and3A_103 = arith.constant -65536 : i32
    %and3A_104 = vector.broadcast %and3A_103 : i32 to vector<400x16xi32>
    %and3A_105 = arith.andi %add3A_102, %and3A_104 : vector<400x16xi32>
    %or3A_106 = arith.ori %and3A_99, %and3A_105 : vector<400x16xi32>
    %swap3A_107 = arith.constant 1 : index
    %swap3A_108 = arith.constant 0 : index
    %swap3A_109 = arith.constant 16 : index
    %swap3A_110 = vector.load %arg2[%swap3A_107, %swap3A_108, %swap3A_109] : memref<2x400x32xi32, #tpu.memory_space<vmem>>, vector<1x400x16xi32>
    %swap3A_111 = vector.shape_cast %swap3A_110 : vector<1x400x16xi32> to vector<400x16xi32>
    %swap3A_112 = vector.shape_cast %or3A_106 : vector<400x16xi32> to vector<1x400x16xi32>
    tpu.vector_store %arg2[%swap3A_107, %swap3A_108, %swap3A_109], %swap3A_112 {strides = array<i32>} : memref<2x400x32xi32, #tpu.memory_space<vmem>>, vector<1x400x16xi32>,
    return
  }
  func.func @transform_0(%arg0: i32) -> (i32, i32) {
    %c0_i32 = arith.constant 0 : i32
    %c0_i32_0 = arith.constant 0 : i32
    return %arg0, %c0_i32 : i32, i32
  }
  func.func @transform_1(%arg0: i32) -> (i32, i32, i32) {
    %c0_i32 = arith.constant 0 : i32
    %c0_i32_0 = arith.constant 0 : i32
    %c0_i32_1 = arith.constant 0 : i32
    return %c0_i32, %arg0, %c0_i32_0 : i32, i32, i32
  }
}

module attributes {stable_mosaic.version = 14 : i64} {
  func.func @body(%arg0: i32, %arg1: memref<400x128xf32, #tpu.memory_space<vmem>>, %arg2: memref<2x400x64xf32, #tpu.memory_space<vmem>>, %arg3: memref<128x128xf32, #tpu.memory_space<vmem>>, %arg4: memref<64x128xf32, #tpu.memory_space<vmem>>, %arg5: memref<64x128xf32, #tpu.memory_space<vmem>>, %arg6: memref<1x128xf32, #tpu.memory_space<vmem>>, %arg7: memref<400x128xf32, #tpu.memory_space<vmem>>) attributes {dimension_semantics = [#tpu.dimension_semantics<arbitrary>], iteration_bounds = array<i64: 25>, scalar_prefetch = 0 : i64, scratch_operands = 0 : i64, tpu.core_type = #tpu.core_type<tc>, window_params = [{transform_indices = @transform_0, window_bounds = array<i64: 400, 128>}, {transform_indices = @transform_1, window_bounds = array<i64: 2, 400, 64>}, {pipeline_mode = #tpu.pipeline_mode<synchronous>, transform_indices = @transform_2, window_bounds = array<i64: 128, 128>}, {transform_indices = @transform_3, window_bounds = array<i64: 64, 128>}, {transform_indices = @transform_4, window_bounds = array<i64: 64, 128>}, {pipeline_mode = #tpu.pipeline_mode<synchronous>, transform_indices = @transform_5, window_bounds = array<i64: 1, 128>}, {transform_indices = @transform_6, window_bounds = array<i64: 400, 128>}]} {
    %get3A = arith.constant 0 : index
    %get3A_0 = arith.constant 0 : index
    %get3A_1 = vector.load %arg1[%get3A, %get3A_0] : memref<400x128xf32, #tpu.memory_space<vmem>>, vector<400x128xf32>
    %get3A_2 = arith.constant 0 : index
    %get3A_3 = arith.constant 0 : index
    %get3A_4 = vector.load %arg3[%get3A_2, %get3A_3] : memref<128x128xf32, #tpu.memory_space<vmem>>, vector<128x128xf32>
    %dot_general3A = arith.constant dense<0.000000e+00> : vector<400x128xf32>
    %dot_general3A_5 = tpu.matmul %get3A_1, %get3A_4, %dot_general3A {dimension_numbers = #tpu.dot_dimension_numbers<[1], [0], [0], [1], [0, 0, 1, 1], [], []>, transpose_lhs_hint = false} : vector<400x128xf32>, vector<128x128xf32>, vector<400x128xf32> -> vector<400x128xf32>
    %get3A_6 = arith.constant 0 : index
    %get3A_7 = arith.constant 0 : index
    %get3A_8 = arith.constant 0 : index
    %get3A_9 = vector.load %arg2[%get3A_6, %get3A_7, %get3A_8] : memref<2x400x64xf32, #tpu.memory_space<vmem>>, vector<1x400x64xf32>
    %get3A_10 = vector.shape_cast %get3A_9 : vector<1x400x64xf32> to vector<400x64xf32>
    %get3A_11 = arith.constant 0 : index
    %get3A_12 = arith.constant 0 : index
    %get3A_13 = vector.load %arg4[%get3A_11, %get3A_12] : memref<64x128xf32, #tpu.memory_space<vmem>>, vector<64x128xf32>
    %dot_general3A_14 = arith.constant dense<0.000000e+00> : vector<400x128xf32>
    %dot_general3A_15 = tpu.matmul %get3A_10, %get3A_13, %dot_general3A_14 {dimension_numbers = #tpu.dot_dimension_numbers<[1], [0], [0], [1], [0, 0, 1, 1], [], []>, transpose_lhs_hint = false} : vector<400x64xf32>, vector<64x128xf32>, vector<400x128xf32> -> vector<400x128xf32>
    %add3A = arith.addf %dot_general3A_5, %dot_general3A_15 : vector<400x128xf32>
    %get3A_16 = arith.constant 1 : index
    %get3A_17 = arith.constant 0 : index
    %get3A_18 = arith.constant 0 : index
    %get3A_19 = vector.load %arg2[%get3A_16, %get3A_17, %get3A_18] : memref<2x400x64xf32, #tpu.memory_space<vmem>>, vector<1x400x64xf32>
    %get3A_20 = vector.shape_cast %get3A_19 : vector<1x400x64xf32> to vector<400x64xf32>
    %get3A_21 = arith.constant 0 : index
    %get3A_22 = arith.constant 0 : index
    %get3A_23 = vector.load %arg5[%get3A_21, %get3A_22] : memref<64x128xf32, #tpu.memory_space<vmem>>, vector<64x128xf32>
    %dot_general3A_24 = arith.constant dense<0.000000e+00> : vector<400x128xf32>
    %dot_general3A_25 = tpu.matmul %get3A_20, %get3A_23, %dot_general3A_24 {dimension_numbers = #tpu.dot_dimension_numbers<[1], [0], [0], [1], [0, 0, 1, 1], [], []>, transpose_lhs_hint = false} : vector<400x64xf32>, vector<64x128xf32>, vector<400x128xf32> -> vector<400x128xf32>
    %add3A_26 = arith.addf %add3A, %dot_general3A_25 : vector<400x128xf32>
    %get3A_27 = arith.constant 0 : index
    %get3A_28 = arith.constant 0 : index
    %get3A_29 = vector.load %arg6[%get3A_27, %get3A_28] : memref<1x128xf32, #tpu.memory_space<vmem>>, vector<1x128xf32>
    %add3A_30 = vector.broadcast %get3A_29 : vector<1x128xf32> to vector<400x128xf32>
    %add3A_31 = arith.addf %add3A_26, %add3A_30 : vector<400x128xf32>
    %swap3A = arith.constant 0 : index
    %swap3A_32 = arith.constant 0 : index
    %swap3A_33 = vector.load %arg7[%swap3A, %swap3A_32] : memref<400x128xf32, #tpu.memory_space<vmem>>, vector<400x128xf32>
    tpu.vector_store %arg7[%swap3A, %swap3A_32], %add3A_31 {strides = array<i32>} : memref<400x128xf32, #tpu.memory_space<vmem>>, vector<400x128xf32>,
    return
  }
  func.func @transform_0(%arg0: i32) -> (i32, i32) {
    %c0_i32 = arith.constant 0 : i32
    %c0_i32_0 = arith.constant 0 : i32
    return %arg0, %c0_i32 : i32, i32
  }
  func.func @transform_1(%arg0: i32) -> (i32, i32, i32) {
    %c0_i32 = arith.constant 0 : i32
    %c0_i32_0 = arith.constant 0 : i32
    %c0_i32_1 = arith.constant 0 : i32
    return %c0_i32, %arg0, %c0_i32_0 : i32, i32, i32
  }
  func.func @transform_2(%arg0: i32) -> (i32, i32) {
    %c0_i32 = arith.constant 0 : i32
    %c0_i32_0 = arith.constant 0 : i32
    %c0_i32_1 = arith.constant 0 : i32
    return %c0_i32, %c0_i32_0 : i32, i32
  }
  func.func @transform_3(%arg0: i32) -> (i32, i32) {
    %c0_i32 = arith.constant 0 : i32
    %c0_i32_0 = arith.constant 0 : i32
    %c0_i32_1 = arith.constant 0 : i32
    return %c0_i32, %c0_i32_0 : i32, i32
  }
  func.func @transform_4(%arg0: i32) -> (i32, i32) {
    %c1_i32 = arith.constant 1 : i32
    %c0_i32 = arith.constant 0 : i32
    %c0_i32_0 = arith.constant 0 : i32
    return %c1_i32, %c0_i32 : i32, i32
  }
  func.func @transform_5(%arg0: i32) -> (i32, i32) {
    %c0_i32 = arith.constant 0 : i32
    %c0_i32_0 = arith.constant 0 : i32
    %c0_i32_1 = arith.constant 0 : i32
    return %c0_i32, %c0_i32_0 : i32, i32
  }
  func.func @transform_6(%arg0: i32) -> (i32, i32) {
    %c0_i32 = arith.constant 0 : i32
    %c0_i32_0 = arith.constant 0 : i32
    return %arg0, %c0_i32 : i32, i32
  }
}

</mosaic_0001>

<sc_bundles>
// kernel: kernel.5.cloned.1.call-start
scs
__scs_entry_jumppad:
0x0: {  	(pc) =	sbr.rel $0x88, $3  }
0x1: {  	(tag) =	ssettag $0x0;
	lr =	simm.s32 $0x1  }
0x2: {  	[smem:$0x3F9B] =	sst lr;
	_ =	strace $0xD0000000  }
0x3: {  	_ = 	snop  }
0x4: {  	_ = 	snop  }
0x5: {  	_ = 	snop  }
0x6: {  	_ = 	snop  }
0x7: {  	_ = 	snop  }
__scs_overlays_trampoline_lowered:
0x8: {  	[smem:$0x3FAA] =	sst s0  }
0x9: {  	[smem:$0x3FAB] =	sst s1  }
0xa: {  	[smem:$0x3FAC] =	sst s2  }
0xb: {  	[smem:$0x3FAD] =	sst s3  }
0xc: {  	[smem:$0x3FAE] =	sst s4  }
0xd: {  	[smem:$0x3FAF] =	sst s5  }
0xe: {  	[smem:$0x3FB0] =	sst s6  }
0xf: {  	[smem:$0x3FB1] =	sst s7  }
0x10: {  	[smem:$0x3FB2] =	sst s8  }
0x11: {  	[smem:$0x3FB3] =	sst s9;
	s0 =	simm.s32 @!p0 $0x0  }
0x12: {  	s1 =	sld [smem:$0x3F99];
	s0 =	simm.s32 @p0 $0x1  }
0x13: {  	[smem:$0x3FB4] =	sst s0;
	s0 =	simm.s32 @!p1 $0x0  }
0x14: {  	s2 =	sld [smem:$0x3F98];
	s0 =	simm.s32 @p1 $0x1  }
0x15: {  	[smem:$0x3FB5] =	sst s0;
	s0 =	simm.s32 @!p2 $0x0  }
0x16: {  	s3 =	sld [smem:$0x3FDB];
	s0 =	simm.s32 @p2 $0x1  }
0x17: {  	s4 =	simm.s32 $0x1BF5;
	[smem:$0x3FB7] =	sst s0  }
0x18: {  	s0 =	sld [smem:$0x3F9A];
	_ =	swait.ge [sflag:s4], $0x0  }
0x19: {  	s7 =	sld [smem:$0x3F9B]  }
0x1a: {  	s8 =	sadd.s32 $0xFFFFE003, lr  }
0x1b: {  	s9 =	sadd.s32 $0xFFFFFEF7, lr;
	s5 =	simm.s32 $0xFFFFFFFF;
	p2 =	slt.u32 s8, $0xFFFFF086  }
0x1c: {  	p1 =	slt.u32 s9, $0xF7A;
	s5 =	simm.s32 @!p2 $0x0  }
0x1d: {  	s5 =	simm.s32 @p1 $0x1;
	p0 =	seq.s32 s7, s2  }
0x1e: {  	s7 =	smul.u32 @!p0 $0xF7A, s2;
	p2 =	seq.s32 @!p0 s5, $0x0  }
0x1f: {  	s9 =	smul.u32 $0xF7A, s1;
	s8 =	simm.s32 @!p0 $0x1BF5;
	p2 =	por !p2, p0  }
0x20: {  	[sflag:s8] =	ssyncset.s32 @!p0 $0xFFFFF086;
	s6 =	sadd.s32 @!p0 s3, s7;
	s7 =	simm.s32 @!p0 $0x108  }
0x21: {  	s3 =	sadd.s32 s3, s9;
	s6 =	sadd.s32 @!p0 $0x88, s6;
	s7 =	simm.s32 @p2 $0x1082  }
0x22: {  	[simem:s7], [sflag:s8] =	dma.local @!p0 [hbm:s6], $0xF7A  }
0x23: {  	s9 =	sor.u32 $0xD0000000, s2;
	s6 =	simm.s32 $0x108;
	_ =	swait.ge @!p0 [sflag:s8], $0x0  }
0x24: {  	s3 =	sadd.s32 $0x88, s3;
	s6 =	simm.s32 @!p1 $0x1082;
	[sflag:s4] =	ssyncset.s32 $0xFFFFF086  }
0x25: {  	[simem:s6], [sflag:s4] =	dma.local [hbm:s3], $0xF7A  }
0x26: {  	[smem:$0x3F9B] =	sst s1;
	(tag) =	ssettag s2;
	_ =	strace s9  }
0x27: {  	s1 =	sld [smem:$0x3FAB]  }
0x28: {  	s2 =	sld [smem:$0x3FAC]  }
0x29: {  	s4 =	sld [smem:$0x3FAE]  }
0x2a: {  	p0 =	seq.s32 s5, $0x0;
	s5 =	sld [smem:$0x3FAF]  }
0x2b: {  	s6 =	sld [smem:$0x3FB0]  }
0x2c: {  	s7 =	sld [smem:$0x3FB1]  }
0x2d: {  	s3 =	simm.s32 $0x108;
	s8 =	sld [smem:$0x3FB2]  }
0x2e: {  	s3 =	simm.s32 @!p0 $0x1082;
	s9 =	sld [smem:$0x3FB3]  }
0x2f: {  	lr =	sadd.s32 s0, s3;
	s0 =	sld [smem:$0x3FAA]  }
0x30: {  	s3 =	sld [smem:$0x3FAD]  }
0x31: {  	[smem:$0x3FB6] =	sst s10  }
0x32: {  	s10 =	sld [smem:$0x3FB4];
	_ =	sdelay $0x3  }
0x33: {  	p0 =	seq.s32 s10, $0x1;
	s10 =	sld [smem:$0x3FB6];
	_ =	sdelay $0x3  }
0x34: {  	[smem:$0x3FB6] =	sst s10  }
0x35: {  	s10 =	sld [smem:$0x3FB5];
	_ =	sdelay $0x3  }
0x36: {  	p1 =	seq.s32 s10, $0x1;
	s10 =	sld [smem:$0x3FB6];
	_ =	sdelay $0x3  }
0x37: {  	[smem:$0x3FB6] =	sst s10  }
0x38: {  	s10 =	sld [smem:$0x3FB7]  }
0x39: {  	_ = 	snop;
	(pc) =	sbr.ind lr, $3  }
0x3a: {  	_ = 	snop  }
0x3b: {  	_ = 	snop  }
0x3c: {  	p2 =	seq.s32 s10, $0x1;
	s10 =	sld [smem:$0x3FB6]  }
0x3d: {  	_ =	shalt  }
0x3e: {  	_ =	shalt  }
0x3f: {  	_ =	shalt  }
0x40: {  	_ =	shalt  }
0x41: {  	_ =	shalt  }
0x42: {  	_ =	shalt  }
0x43: {  	_ =	shalt  }
0x44: {  	_ =	shalt  }
0x45: {  	_ =	shalt  }
0x46: {  	_ =	shalt  }
0x47: {  	_ =	shalt  }
0x48: {  	_ =	shalt  }
0x49: {  	_ =	shalt  }
0x4a: {  	_ =	shalt  }
0x4b: {  	_ =	shalt  }
0x4c: {  	_ =	shalt  }
0x4d: {  	_ =	shalt  }
0x4e: {  	_ =	shalt  }
0x4f: {  	_ =	shalt  }
0x50: {  	_ =	shalt  }
0x51: {  	_ =	shalt  }
0x52: {  	_ =	shalt  }
0x53: {  	_ =	shalt  }
0x54: {  	_ =	shalt  }
0x55: {  	_ =	shalt  }
0x56: {  	_ =	shalt  }
0x57: {  	_ =	shalt  }
0x58: {  	_ =	shalt  }
0x59: {  	_ =	shalt  }
0x5a: {  	_ =	shalt  }
0x5b: {  	_ =	shalt  }
0x5c: {  	_ =	shalt  }
0x5d: {  	_ =	shalt  }
0x5e: {  	_ =	shalt  }
0x5f: {  	_ =	shalt  }
0x60: {  	_ =	shalt  }
0x61: {  	_ =	shalt  }
0x62: {  	_ =	shalt  }
0x63: {  	_ =	shalt  }
0x64: {  	_ =	shalt  }
0x65: {  	_ =	shalt  }
0x66: {  	_ =	shalt  }
0x67: {  	_ =	shalt  }
0x68: {  	_ =	shalt  }
0x69: {  	_ =	shalt  }
0x6a: {  	_ =	shalt  }
0x6b: {  	_ =	shalt  }
0x6c: {  	_ =	shalt  }
0x6d: {  	_ =	shalt  }
0x6e: {  	_ =	shalt  }
0x6f: {  	_ =	shalt  }
0x70: {  	_ =	shalt  }
0x71: {  	_ =	shalt  }
0x72: {  	_ =	shalt  }
0x73: {  	_ =	shalt  }
0x74: {  	_ =	shalt  }
0x75: {  	_ =	shalt  }
0x76: {  	_ =	shalt  }
0x77: {  	_ =	shalt  }
0x78: {  	_ =	shalt  }
0x79: {  	_ =	shalt  }
0x7a: {  	_ =	shalt  }
0x7b: {  	_ =	shalt  }
0x7c: {  	_ =	shalt  }
0x7d: {  	_ =	shalt  }
0x7e: {  	_ =	shalt  }
0x7f: {  	_ =	shalt  }
0x80: {  	_ =	shalt  }
0x81: {  	_ =	shalt  }
0x82: {  	_ =	shalt  }
0x83: {  	_ =	shalt  }
0x84: {  	_ =	shalt  }
0x85: {  	_ =	shalt  }
0x86: {  	_ =	shalt  }
0x87: {  	_ =	shalt  }
.Lfunc_end0:
.L_simem_size_0:
called_computation_lowered:
.L_overlay_start_0:
0x88: {  	s2 =	sld [smem:$0x3FD9]  }
0x89: {  	s3 =	sld [smem:$0x3FFE];
	_ =	sdelay $0x1  }
0x8a: {  	s1 =	srdreg.scid  }
0x8b: {  	s0 =	sand.u32 $0x1, s1  }
0x8c: {  	s17 =	sshll.u32 s0, $0xA;
	s2 =	sadd.s32 s3, s2  }
0x8d: {  	s2 =	sadd.s32 s2, s17  }
0x8e: {  	[smem:$0x3FC2] =	sst s2  }
0x8f: {  	_ = 	snop  }
0x90: {  	s2 =	sld [smem:$0x3FD0];
	(tm) =	ssettm $0x1  }
0x91: {  	s18 =	sld [smem:$0x3FFB];
	_ =	sdelay $0x3  }
0x92: {  	_ =	strace s18  }
0x93: {  	s3 =	sld [smem:$0x3FFC];
	_ =	sdelay $0x3  }
0x94: {  	_ =	strace s3  }
0x95: {  	s3 =	sld [smem:$0x3FFD];
	_ =	sdelay $0x3  }
0x96: {  	_ =	strace s3  }
0x97: {  	_ =	strace $0x8FFFFFFF  }
0x98: {  	s19 =	sld [smem:$0x3FDB];
	_ =	sdelay $0x1  }
0x99: {  	s4 =	simm.s32 $_scs_section_size  }
0x9a: {  	s5 =	simm.s32 $_size__tile_overlayer_lowered;
	s6 =	simm.s32 $_tile_overlayer_lowered  }
0x9b: {  	s22 =	simm.s32 $0x1BFF;
	s21 =	sshll.u32 s6, $0x1;
	s3 =	sadd.s32 s4, s19  }
0x9c: {  	s7 =	simm.s32 $0x0;
	s20 =	sshll.u32 s5, $0x1;
	s5 =	sadd.s32 s21, s3  }
0x9d: {  	[timem:s7], [sflag:s22] =	dma.local [hbm:s5], s20  }
0x9e: {  	_ =	swait.ge [sflag:s22], s20  }
0x9f: {  	s4 =	ssub.s32 $0x0, s20;
	[sflag:s22] =	ssyncset.done $0x0  }
0xa0: {  	[sflag:s22] =	ssyncadd.s32 s4;
	_ =	sdelay $0x1  }
0xa1: {  	s23 =	simm.s32 $0x1B8B  }
0xa2: {  	_ =	swait.ge [sflag:s23], $0x1  }
0xa3: {  	[sflag:s23] =	ssyncset.done $0x0  }
0xa4: {  	s25 =	simm.s32 $0x1B8E;
	s24 =	sld [smem:$0x3FFE];
	[sflag:s23] =	ssyncadd.s32 $0xFFFFFFFF  }
0xa5: {  	s26 =	simm.s32 $execute0_lowered;
	[smem:$0x3FD2] =	sst s25  }
0xa6: {  	s5 =	sshll.u32 s26, $0x1;
	_ =	strace $0x80000046;
	[dreg:$0x1] =	wrdreg $0xFFFFFFFF  }
0xa7: {  	s28 =	simm.s32 $_size_execute0_lowered;
	s3 =	sadd.s32 s3, s5;
	[dreg:$0x0] =	wrdreg $0x0  }
0xa8: {  	s5 =	sshll.u32 s28, $0x1;
	[dreg:$0x2] =	wrdreg s3  }
0xa9: {  	[dreg:$0x3] =	wrdreg s5  }
0xaa: {  	[dreg:$0x4] =	wrdreg $0xC0  }
0xab: {  	_ =	task [dreg:s7], $0x5FFFF  }
0xac: {  	[dreg:$0x1] =	wrdreg $0xFFFFFFFF  }
0xad: {  	[dreg:$0x0] =	wrdreg $0x60  }
0xae: {  	[dreg:$0x2] =	wrdreg s24  }
0xaf: {  	[dreg:$0x3] =	wrdreg s2  }
0xb0: {  	[dreg:$0x4] =	wrdreg $0x1AB600  }
0xb1: {  	[dreg:$0x5] =	wrdreg $0x10F200  }
0xb2: {  	[dreg:$0x6] =	wrdreg $0x9  }
0xb3: {  	_ =	task.clear_ibuf [dreg:s7], $0x7FFFF;
	_ =	strace $0x90000046  }
0xb4: {  	s29 =	simm.s32 $0x9;
	_ =	strace $0x80000048  }
0xb5: {  	_ =	swait.ge [sflag:s29], $0x1  }
0xb6: {  	[sflag:s29] =	ssyncadd.s32 $0xFFFFFFFF  }
0xb7: {  	_ =	strace $0x90000048  }
0xb8: {  	_ =	sfence  }
0xb9: {  	s30 =	sld [smem:$0x0];
	_ =	sdelay $0x2  }
0xba: {  	s31 =	sshll.u32 s1, $0xD;
	s1 =	sshrl.u32 s1, $0x2  }
0xbb: {  	s3 =	sand.u32 $0x4000, s31;
	s1 =	sadd.s32 s1, s30  }
0xbc: {  	s0 =	sor.u32 s3, s0;
	s1 =	sshll.u32 s1, $0x11  }
0xbd: {  	s0 =	sor.u32 s1, s0  }
0xbe: {  	s0 =	sadd.s32 $0x8F2B, s0  }
0xbf: {  	[sflag:s0] =	ssyncadd.remote.s32 $0x1  }
0xc0: {  	_ =	sfence.sel $0xFFFF  }
0xc1: {  	[dreg:$0x0] =	wrdreg $0xFFFFFFFF;
	(pc) =	sbr.abs _section_cstart, $3  }
0xc2: {  	[dreg:$0x1] =	wrdreg $0xFFFFFFFF  }
0xc3: {  	_ =	task.clear_ibuf [dreg:s7], $0x2FFFF;
	_ =	strace $0x9FFFFFFF  }
0xc4: {  	(tm) =	ssettm $0x7FFFFFFF  }
0xc5: {  	_ =	shalt  }
tec
execute0_lowered:
.L_overlay_start_1:
0x0: {  	(tag) =	ssettag $0x1  }
0x1: {  	s0 =	rddreg [dreg:$0x0]  }
0x2: {  	s1 =	rddreg [dreg:$0x1]  }
0x3: {  	s2 =	rddreg [dreg:$0x2];
	s20 =	stileid.u32  }
0x4: {  	s3 =	rddreg [dreg:$0x3];
	s6 =	smul.u32 $0x9CC, s20  }
0x5: {  	s4 =	simm.s32 $0x0;
	s5 =	srdreg.scid;
	s10 =	smul.u32 $0x5000, s20  }
0x6: {  	[smem:$0x7FF] =	sst s4;
	s11 =	smul.u32 $0x28000, s20  }
0x7: {  	s5 =	sand.u32 $0x1, s5;
	s9 =	sadd.s32 $0x800, s0;
	s24 =	smul.u32 $0xA000, s20  }
0x8: {  	p0 =	seq.s32 s20, $0xF;
	s20 =	simm.s32 $0x3;
	s7 =	smul.u32 $0x4E200, s5  }
0x9: {  	_ =	strace $0x80000047;
	s8 =	ssub.s32 $0x2, s5;
	s23 =	smul.u32 $0x9C400, s5  }
0xa: {  	s0 =	sadd.s32 s6, s0;
	s17 =	sshrl.u32 s8, $0x1;
	s22 =	sshrl.u32 s11, $0x2  }
0xb: {  	s5 =	sadd.s32 s24, s3;
	s6 =	ssub.s32 s8, s17;
	s18 =	sadd.s32 $0x14200, s0  }
0xc: {  	s19 =	sadd.s32 $0x1E000, s0;
	s0 =	sadd.s32 $0x27E00, s0;
	[dreg:$0x5] =	wrdreg s18  }
0xd: {  	s21 =	sadd.s32 s10, s7;
	s8 =	sadd.s32 s22, s3;
	[dreg:$0x6] =	wrdreg s19  }
0xe: {  	s7 =	sshrl.u32 s7, $0x3;
	s22 =	simm.s32 $0x0;
	[dreg:$0x7] =	wrdreg s0  }
0xf: {  	s18 =	sadd.s32 s10, s2;
	s0 =	sshrl.u32 s21, $0x3;
	s10 =	sadd.s32 $0x4800, s8  }
0x10: {  	s11 =	sadd.s32 $0x5400, s8;
	s12 =	sadd.s32 $0x6000, s8;
	s13 =	sadd.s32 $0x6C00, s8  }
0x11: {  	s14 =	sadd.s32 $0x7800, s8;
	s15 =	sadd.s32 $0x8400, s8;
	s16 =	sadd.s32 $0x9000, s8  }
0x12: {  	s19 =	sadd.s32 s24, s23;
	s17 =	sadd.s32 $0x9C00, s8;
	s7 =	sadd.s32 s9, s7  }
0x13: {  	s26 =	smax.u32 s6, $0x1;
	s28 =	sadd.s32 $0xC00, s8;
	s29 =	sadd.s32 $0x1800, s8  }
0x14: {  	s30 =	sadd.s32 $0x2400, s8;
	s31 =	sadd.s32 $0x3000, s8;
	[dreg:$0xc] =	wrdreg s26  }
0x15: {  	s6 =	simm.s32 $0x1;
	s21 =	simm.s32 $0x4;
	[dreg:$0x10] =	wrdreg s28  }
0x16: {  	s0 =	sadd.s32 s9, s0;
	s25 =	sshrl.u32 s19, $0x3;
	[dreg:$0x11] =	wrdreg s29  }
0x17: {  	s19 =	sadd.s32 $0x96C00, s3;
	s7 =	sadd.s32 $0x9600, s7;
	[dreg:$0x12] =	wrdreg s30  }
0x18: {  	[dreg:$0x8] =	wrdreg s0;
	s9 =	sadd.s32 s1, s25;
	s0 =	sshrl.u32 s23, $0x3  }
0x19: {  	s10 =	smov.u32 @p0 s19;
	s19 =	sadd.s32 $0x3C00, s8;
	[dreg:$0xa] =	wrdreg s7  }
0x1a: {  	s23 =	sadd.s32 $0x96000, s3;
	s7 =	simm.s32 $0xF120;
	[dreg:$0x9] =	wrdreg s9  }
0x1b: {  	s0 =	sadd.s32 s1, s0;
	s1 =	sadd.s32 $0x97800, s3;
	s9 =	sadd.s32 $0x98400, s3  }
0x1c: {  	s19 =	smov.u32 @p0 s23;
	s11 =	smov.u32 @p0 s1;
	s1 =	sadd.s32 $0x99000, s3  }
0x1d: {  	s12 =	smov.u32 @p0 s9;
	s9 =	sadd.s32 $0x99C00, s3;
	s0 =	sadd.s32 $0x12C00, s0  }
0x1e: {  	s13 =	smov.u32 @p0 s1;
	s1 =	sadd.s32 $0x9A800, s3;
	s14 =	smov.u32 @p0 s9  }
0x1f: {  	v0 =	vimm.f32 $0.0e+00;
	v1 =	vimm.s32 $0x0;
	s9 =	sadd.s32 $0x9B400, s3;
	s15 =	smov.u32 @p0 s1;
	s1 =	sadd.s32 $0x9C000, s3  }
0x20: {  	v2 =	vimm.s32 $0x1;
	v3 =	vimm.s32 $0x2;
	v4 =	vimm.s32 $0x3;
	[dreg:$0xb] =	wrdreg s0;
	s17 =	smov.u32 @p0 s1;
	s1 =	sadd.s32 $0x4B000, s2  }
0x21: {  	v5 =	vimm.s32 $0x4;
	v6 =	vimm.s32 $0x5;
	v7 =	vimm.s32 $0x6;
	s16 =	smov.u32 @p0 s9;
	s9 =	simm.s32 $0x2;
	s0 =	sshrl.u32 @p0 s1, $0x3  }
0x22: {  	v8 =	vimm.s32 $0x7;
	v9 =	vimm.s32 $0x8;
	v10 =	vimm.s32 $0x9;
	s1 =	simm.s32 $0xF720;
	[dreg:$0xd] =	wrdreg s0;
	s0 =	sshrl.u32 @!p0 s18, $0x3  }
0x23: {  	v11 =	vimm.s32 $0xA;
	v12 =	vimm.s32 $0xB;
	v13 =	vimm.s32 $0xC;
	s18 =	simm.s32 $0x10320;
	[dreg:$0xe] =	wrdreg s0;
	s0 =	sshrl.u32 @!p0 s5, $0x3  }
0x24: {  	v14 =	vimm.s32 $0xD;
	v15 =	vimm.s32 $0xE;
	v16 =	vimm.s32 $0xF;
	s5 =	simm.s32 $0x30;
	[dreg:$0xf] =	wrdreg s0;
	s0 =	simm.s32 $0x5  }
.LBB2_1:
0x25: {  	s24 =	rddreg [dreg:$0x5]  }
0x26: {  	[tilespmem:s4], [sflag:$0x5] =	stream.linear.gather [hbm4b:s24+s4], $0x4E60, $0x38;
	[tilespmem:$0x1F980] =	vst v63  }
0x27: {  	_ =	swait.ge [sflag:s0], $0x4E60  }
0x28: {  	[sflag:s0] =	ssyncset.done $0x0  }
0x29: {  	s25 =	simm.s32 $0x4E60;
	s28 =	rddreg [dreg:$0x6];
	[sflag:s0] =	ssyncadd.s32 $0xFFFFB1A0  }
0x2a: {  	[tilespmem:s25], [sflag:$0x5] =	stream.linear.gather [hbm4b:s28+s4], $0x4E60, $0x38;
	[tilespmem:$0x1F980] =	vst v63  }
0x2b: {  	_ =	swait.ge [sflag:s0], $0x4E60  }
0x2c: {  	[sflag:s0] =	ssyncset.done $0x0  }
0x2d: {  	s30 =	simm.s32 $0x9CC0;
	s29 =	rddreg [dreg:$0x7];
	[sflag:s0] =	ssyncadd.s32 $0xFFFFB1A0  }
0x2e: {  	[tilespmem:s30], [sflag:$0x5] =	stream.linear.gather [hbm4b:s29+s4], $0x4E60, $0x38;
	[tilespmem:$0x1F980] =	vst v63  }
0x2f: {  	_ =	swait.ge [sflag:s0], $0x4E60  }
0x30: {  	[sflag:s0] =	ssyncset.done $0x0  }
0x31: {  	s24 =	simm.s32 $0xF820;
	[sflag:s0] =	ssyncadd.s32 $0xFFFFB1A0  }
0x32: {  	[tilespmem:s24+$0xFFFFFF00] =	vst v0  }
0x33: {  	[tilespmem:s24+$0xF0] =	vst v0  }
0x34: {  	[tilespmem:s24+$0xE0] =	vst v0  }
0x35: {  	[tilespmem:s24+$0xD0] =	vst v0  }
0x36: {  	[tilespmem:s24+$0xC0] =	vst v0  }
0x37: {  	[tilespmem:s24+$0xB0] =	vst v0  }
0x38: {  	[tilespmem:s24+$0xA0] =	vst v0  }
0x39: {  	[tilespmem:s24+$0x90] =	vst v0  }
0x3a: {  	[tilespmem:s24+$0x80] =	vst v0  }
0x3b: {  	[tilespmem:s24+$0x70] =	vst v0  }
0x3c: {  	[tilespmem:s24+$0x60] =	vst v0  }
0x3d: {  	[tilespmem:s24+$0x50] =	vst v0  }
0x3e: {  	[tilespmem:s24+$0x40] =	vst v0  }
0x3f: {  	[tilespmem:s24+$0x30] =	vst v0  }
0x40: {  	[tilespmem:s24+$0x20] =	vst v0  }
0x41: {  	[tilespmem:s24+$0x10] =	vst v0  }
0x42: {  	[tilespmem:s24+$0x0] =	vst v0  }
0x43: {  	[tilespmem:s24+$0xFFFFFFF0] =	vst v0  }
0x44: {  	[tilespmem:s24+$0xFFFFFFE0] =	vst v0  }
0x45: {  	[tilespmem:s24+$0xFFFFFFD0] =	vst v0  }
0x46: {  	[tilespmem:s24+$0xFFFFFFC0] =	vst v0  }
0x47: {  	[tilespmem:s24+$0xFFFFFFB0] =	vst v0  }
0x48: {  	[tilespmem:s24+$0xFFFFFFA0] =	vst v0  }
0x49: {  	[tilespmem:s24+$0xFFFFFF90] =	vst v0  }
0x4a: {  	[tilespmem:s24+$0xFFFFFF80] =	vst v0  }
0x4b: {  	[tilespmem:s24+$0xFFFFFF70] =	vst v0  }
0x4c: {  	[tilespmem:s24+$0xFFFFFF60] =	vst v0  }
0x4d: {  	[tilespmem:s24+$0xFFFFFF50] =	vst v0  }
0x4e: {  	[tilespmem:s24+$0xFFFFFF40] =	vst v0  }
0x4f: {  	[tilespmem:s24+$0xFFFFFF30] =	vst v0  }
0x50: {  	s25 =	simm.s32 $0x0;
	[tilespmem:s24+$0xFFFFFF20] =	vst v0  }
.LBB2_2:
0x51: {  	s25 =	sadd.s32 $0x8, s25;
	[tilespmem:s24+$0xFFFFFF10] =	vst v0;
	s24 =	sadd.s32 $0x200, s24  }
0x52: {  	[tilespmem:s24+$0xFFFFFF00] =	vst v0;
	p1 =	slt.u32 s25, $0x28  }
0x53: {  	[tilespmem:s24+$0xF0] =	vst v0  }
0x54: {  	[tilespmem:s24+$0xE0] =	vst v0  }
0x55: {  	[tilespmem:s24+$0xD0] =	vst v0  }
0x56: {  	[tilespmem:s24+$0xC0] =	vst v0  }
0x57: {  	[tilespmem:s24+$0xB0] =	vst v0  }
0x58: {  	[tilespmem:s24+$0xA0] =	vst v0  }
0x59: {  	[tilespmem:s24+$0x90] =	vst v0  }
0x5a: {  	[tilespmem:s24+$0x80] =	vst v0  }
0x5b: {  	[tilespmem:s24+$0x70] =	vst v0  }
0x5c: {  	[tilespmem:s24+$0x60] =	vst v0  }
0x5d: {  	[tilespmem:s24+$0x50] =	vst v0  }
0x5e: {  	[tilespmem:s24+$0x40] =	vst v0  }
0x5f: {  	[tilespmem:s24+$0x30] =	vst v0  }
0x60: {  	[tilespmem:s24+$0x20] =	vst v0  }
0x61: {  	[tilespmem:s24+$0x10] =	vst v0  }
0x62: {  	[tilespmem:s24+$0x0] =	vst v0  }
0x63: {  	[tilespmem:s24+$0xFFFFFFF0] =	vst v0  }
0x64: {  	[tilespmem:s24+$0xFFFFFFE0] =	vst v0  }
0x65: {  	[tilespmem:s24+$0xFFFFFFD0] =	vst v0  }
0x66: {  	[tilespmem:s24+$0xFFFFFFC0] =	vst v0  }
0x67: {  	[tilespmem:s24+$0xFFFFFFB0] =	vst v0  }
0x68: {  	[tilespmem:s24+$0xFFFFFFA0] =	vst v0  }
0x69: {  	[tilespmem:s24+$0xFFFFFF90] =	vst v0  }
0x6a: {  	[tilespmem:s24+$0xFFFFFF80] =	vst v0  }
0x6b: {  	[tilespmem:s24+$0xFFFFFF70] =	vst v0  }
.Ltmp0:
0x6c: {  	[tilespmem:s24+$0xFFFFFF60] =	vst v0;
	(pc) =	sbr.rel @p1 .LBB2_2-.Ltmp0, $4  }
0x6d: {  	[tilespmem:s24+$0xFFFFFF50] =	vst v0  }
0x6e: {  	[tilespmem:s24+$0xFFFFFF40] =	vst v0  }
0x6f: {  	[tilespmem:s24+$0xFFFFFF30] =	vst v0  }
0x70: {  	[tilespmem:s24+$0xFFFFFF20] =	vst v0  }
0x71: {  	[tilespmem:s24+$0xFFFFFF10] =	vst v0  }
0x72: {  	s25 =	rddreg [dreg:$0xa]  }
0x73: {  	s24 =	simm.s32 @p0 $0x1FC5;
	s26 =	rddreg [dreg:$0xd]  }
0x74: {  	[spmem:s26], [sflag:s24] =	dma.local @p0 [hbm:s25], $0x640  }
0x75: {  	s24 =	simm.s32 @p0 $0x5  }
0x76: {  	s25 =	stileid.u32;
	_ =	swait.ge @p0 [sflag:s24], $0x640  }
0x77: {  	s25 =	sshll.u32 @!p0 s25, $0x6;
	[sflag:s24] =	ssyncset.done @p0 $0x0;
	s26 =	rddreg [dreg:$0xe]  }
0x78: {  	[sflag:s24] =	ssyncadd.s32 @p0 $0xFFFFF9C0;
	s24 =	sor.u32 @!p0 $0x1C05, s25;
	s25 =	rddreg [dreg:$0x8]  }
0x79: {  	[spmem:s26], [sflag:s24] =	dma.local @!p0 [hbm:s25], $0xA00  }
0x7a: {  	s25 =	simm.s32 @!p0 $0x5  }
0x7b: {  	_ =	swait.ge @!p0 [sflag:s25], $0xA00  }
0x7c: {  	[sflag:s25] =	ssyncset.done @!p0 $0x0  }
0x7d: {  	s26 =	simm.s32 @!p0 $0xF720;
	[sflag:s25] =	ssyncadd.s32 @!p0 $0xFFFFF600  }
0x7e: {  	[spmem:s8] =	stream.linear.scatter @!p0 [tilespmem:s26], [sflag:$0x5], $0xC00, $0x38;
	[tilespmem:$0x1F980] =	vst v63  }
0x7f: {  	_ =	swait.ge @!p0 [sflag:s25], $0xC00  }
0x80: {  	[sflag:s25] =	ssyncset.done @!p0 $0x0  }
0x81: {  	s28 =	rddreg [dreg:$0x10];
	[sflag:s25] =	ssyncadd.s32 @!p0 $0xFFFFF400  }
0x82: {  	[spmem:s28] =	stream.linear.scatter @!p0 [tilespmem:s26], [sflag:$0x5], $0xC00, $0x38;
	[tilespmem:$0x1F980] =	vst v63  }
0x83: {  	_ =	swait.ge @!p0 [sflag:s25], $0xC00  }
0x84: {  	[sflag:s25] =	ssyncset.done @!p0 $0x0  }
0x85: {  	s28 =	rddreg [dreg:$0x11];
	[sflag:s25] =	ssyncadd.s32 @!p0 $0xFFFFF400  }
0x86: {  	[spmem:s28] =	stream.linear.scatter @!p0 [tilespmem:s26], [sflag:$0x5], $0xC00, $0x38;
	[tilespmem:$0x1F980] =	vst v63  }
0x87: {  	_ =	swait.ge @!p0 [sflag:s25], $0xC00  }
0x88: {  	[sflag:s25] =	ssyncset.done @!p0 $0x0  }
0x89: {  	s28 =	rddreg [dreg:$0x12];
	[sflag:s25] =	ssyncadd.s32 @!p0 $0xFFFFF400  }
0x8a: {  	[spmem:s28] =	stream.linear.scatter @!p0 [tilespmem:s26], [sflag:$0x5], $0xC00, $0x38;
	[tilespmem:$0x1F980] =	vst v63  }
0x8b: {  	_ =	swait.ge @!p0 [sflag:s25], $0xC00  }
0x8c: {  	[sflag:s25] =	ssyncset.done @!p0 $0x0  }
0x8d: {  	[sflag:s25] =	ssyncadd.s32 @!p0 $0xFFFFF400  }
0x8e: {  	[spmem:s31] =	stream.linear.scatter @!p0 [tilespmem:s26], [sflag:$0x5], $0xC00, $0x38;
	[tilespmem:$0x1F980] =	vst v63  }
0x8f: {  	_ =	swait.ge @!p0 [sflag:s25], $0xC00  }
0x90: {  	[sflag:s25] =	ssyncset.done @!p0 $0x0  }
0x91: {  	[sflag:s25] =	ssyncadd.s32 @!p0 $0xFFFFF400  }
0x92: {  	[spmem:s19] =	stream.linear.scatter [tilespmem:s1], [sflag:$0x5], $0xC00, $0x38;
	[tilespmem:$0x1F980] =	vst v63  }
0x93: {  	_ =	swait.ge [sflag:s0], $0xC00  }
0x94: {  	[sflag:s0] =	ssyncset.done $0x0  }
0x95: {  	[sflag:s0] =	ssyncadd.s32 $0xFFFFF400  }
0x96: {  	[spmem:s10] =	stream.linear.scatter [tilespmem:s1], [sflag:$0x5], $0xC00, $0x38;
	[tilespmem:$0x1F980] =	vst v63  }
0x97: {  	_ =	swait.ge [sflag:s0], $0xC00  }
0x98: {  	[sflag:s0] =	ssyncset.done $0x0  }
0x99: {  	[sflag:s0] =	ssyncadd.s32 $0xFFFFF400  }
0x9a: {  	[spmem:s11] =	stream.linear.scatter [tilespmem:s1], [sflag:$0x5], $0xC00, $0x38;
	[tilespmem:$0x1F980] =	vst v63  }
0x9b: {  	_ =	swait.ge [sflag:s0], $0xC00  }
0x9c: {  	[sflag:s0] =	ssyncset.done $0x0  }
0x9d: {  	[sflag:s0] =	ssyncadd.s32 $0xFFFFF400  }
0x9e: {  	[spmem:s12] =	stream.linear.scatter [tilespmem:s1], [sflag:$0x5], $0xC00, $0x38;
	[tilespmem:$0x1F980] =	vst v63  }
0x9f: {  	_ =	swait.ge [sflag:s0], $0xC00  }
0xa0: {  	[sflag:s0] =	ssyncset.done $0x0  }
0xa1: {  	[sflag:s0] =	ssyncadd.s32 $0xFFFFF400  }
0xa2: {  	[spmem:s13] =	stream.linear.scatter [tilespmem:s1], [sflag:$0x5], $0xC00, $0x38;
	[tilespmem:$0x1F980] =	vst v63  }
0xa3: {  	_ =	swait.ge [sflag:s0], $0xC00  }
0xa4: {  	[sflag:s0] =	ssyncset.done $0x0  }
0xa5: {  	[sflag:s0] =	ssyncadd.s32 $0xFFFFF400  }
0xa6: {  	[spmem:s14] =	stream.linear.scatter [tilespmem:s1], [sflag:$0x5], $0xC00, $0x38;
	[tilespmem:$0x1F980] =	vst v63  }
0xa7: {  	_ =	swait.ge [sflag:s0], $0xC00  }
0xa8: {  	[sflag:s0] =	ssyncset.done $0x0  }
0xa9: {  	[sflag:s0] =	ssyncadd.s32 $0xFFFFF400  }
0xaa: {  	[spmem:s15] =	stream.linear.scatter [tilespmem:s1], [sflag:$0x5], $0xC00, $0x38;
	[tilespmem:$0x1F980] =	vst v63  }
0xab: {  	_ =	swait.ge [sflag:s0], $0xC00  }
0xac: {  	[sflag:s0] =	ssyncset.done $0x0  }
0xad: {  	[sflag:s0] =	ssyncadd.s32 $0xFFFFF400  }
0xae: {  	[spmem:s16] =	stream.linear.scatter [tilespmem:s1], [sflag:$0x5], $0xC00, $0x38;
	[tilespmem:$0x1F980] =	vst v63  }
0xaf: {  	_ =	swait.ge [sflag:s0], $0xC00  }
0xb0: {  	[sflag:s0] =	ssyncset.done $0x0  }
0xb1: {  	[sflag:s0] =	ssyncadd.s32 $0xFFFFF400  }
0xb2: {  	[spmem:s17] =	stream.linear.scatter [tilespmem:s1], [sflag:$0x5], $0x400, $0x38;
	[tilespmem:$0x1F980] =	vst v63  }
0xb3: {  	_ =	swait.ge [sflag:s0], $0x400  }
0xb4: {  	[sflag:s0] =	ssyncset.done $0x0  }
0xb5: {  	[sflag:s0] =	ssyncadd.s32 $0xFFFFFC00  }
0xb6: {  	s30 =	simm.s32 $0xEB20;
	s25 =	simm.s32 $0x0;
	[bflag:$0x0] =	sbarrier.arrive $0xFFFF  }
0xb7: {  	[tilespmem:s30], [sflag:$0x1] =	stream.indirect.gather [spmem:s2], $0x20, s25, s5, $0xb8;
	[tilespmem:$0x1F980] =	vst v63  }
.LBB2_4:
0xb8: {  	_ =	swait.ge [sflag:s6], $0x600  }
0xb9: {  	s26 =	sshra.s32 s25, $0x2;
	[sflag:s6] =	ssyncset.done $0x0  }
0xba: {  	p1 =	seq.s32 s25, $0x0;
	s28 =	sadd.s32 $0x30, s26;
	[sflag:s6] =	ssyncadd.s32 $0xFFFFFA00  }
0xbb: {  	[tilespmem:s7], [sflag:$0x2] =	stream.indirect.gather [spmem:s2], $0x20, s28, s5, $0xb8;
	[tilespmem:$0x1F980] =	vst v63  }
0xbc: {  	s28 =	simm.s32 @!p1 $0x3  }
0xbd: {  	_ =	swait.ge @!p1 [sflag:s28], $0xC00  }
0xbe: {  	[sflag:s28] =	ssyncset.done @!p1 $0x0  }
0xbf: {  	[sflag:s28] =	ssyncadd.s32 @!p1 $0xFFFFF400  }
0xc0: {  	v18 =	vld [tilespmem:s26+$0x9CC0]  }
0xc1: {  	v17 =	vld [tilespmem:$0xEB20];
	_ =	sdelay $0x1  }
0xc2: {  	v19 =	vld [tilespmem:$0xEB30];
	_ =	sdelay $0x1  }
0xc3: {  	v21 =	vld [tilespmem:$0xEB40];
	v20 =	vperm.xlane v18, v1  }
0xc4: {  	v22 =	vshll.u32 v17, $0x10  }
0xc5: {  	v23 =	vld [tilespmem:$0xEB50];
	v17 =	vand.u32 $0xFFFF0000, v17;
	v22 =	vmul.f32 v22, v20  }
0xc6: {  	v24 =	vshll.u32 v19, $0x10;
	v17 =	vmul.f32 v17, v20  }
0xc7: {  	v25 =	vld [tilespmem:$0xEB60];
	v19 =	vand.u32 $0xFFFF0000, v19;
	v61 =	vperm.xlane v18, v2;
	v60 =	vmul.f32 v24, v20;
	[tilespmem:$0xF720] =	vst v22  }
0xc8: {  	[tilespmem:$0xF730] =	vst v17;
	v17 =	vmul.f32 v19, v20;
	v19 =	vshll.u32 v21, $0x10  }
0xc9: {  	v63 =	vld [tilespmem:$0xEB70];
	v62 =	vand.u32 $0xFFFF0000, v21;
	[tilespmem:$0xF740] =	vst v60;
	v19 =	vmul.f32 v19, v61  }
0xca: {  	v27 =	vshll.u32 v23, $0x10;
	[tilespmem:$0xF750] =	vst v17;
	v17 =	vmul.f32 v62, v61  }
0xcb: {  	v29 =	vld [tilespmem:$0xEB80];
	v28 =	vperm.xlane v18, v3;
	v20 =	vmul.f32 v27, v61;
	[tilespmem:$0xF760] =	vst v19;
	v19 =	vand.u32 $0xFFFF0000, v23  }
0xcc: {  	[tilespmem:$0xF770] =	vst v17;
	v17 =	vmul.f32 v19, v61;
	v19 =	vshll.u32 v25, $0x10  }
0xcd: {  	v31 =	vld [tilespmem:$0xEB90];
	v30 =	vand.u32 $0xFFFF0000, v25;
	[tilespmem:$0xF780] =	vst v20;
	v19 =	vmul.f32 v19, v28  }
0xce: {  	v32 =	vshll.u32 v63, $0x10;
	[tilespmem:$0xF790] =	vst v17;
	v17 =	vmul.f32 v30, v28  }
0xcf: {  	v34 =	vld [tilespmem:$0xEBA0];
	v33 =	vperm.xlane v18, v4;
	v20 =	vmul.f32 v32, v28;
	[tilespmem:$0xF7A0] =	vst v19;
	v19 =	vand.u32 $0xFFFF0000, v63  }
0xd0: {  	[tilespmem:$0xF7B0] =	vst v17;
	v17 =	vmul.f32 v19, v28;
	v19 =	vshll.u32 v29, $0x10  }
0xd1: {  	v36 =	vld [tilespmem:$0xEBB0];
	v35 =	vand.u32 $0xFFFF0000, v29;
	[tilespmem:$0xF7C0] =	vst v20;
	v19 =	vmul.f32 v19, v33  }
0xd2: {  	v37 =	vshll.u32 v31, $0x10;
	[tilespmem:$0xF7D0] =	vst v17;
	v17 =	vmul.f32 v35, v33  }
0xd3: {  	v39 =	vld [tilespmem:$0xEBC0];
	v38 =	vperm.xlane v18, v5;
	v20 =	vmul.f32 v37, v33;
	[tilespmem:$0xF7E0] =	vst v19;
	v19 =	vand.u32 $0xFFFF0000, v31  }
0xd4: {  	[tilespmem:$0xF7F0] =	vst v17;
	v17 =	vmul.f32 v19, v33;
	v19 =	vshll.u32 v34, $0x10  }
0xd5: {  	v41 =	vld [tilespmem:$0xEBD0];
	v40 =	vand.u32 $0xFFFF0000, v34;
	[tilespmem:$0xF800] =	vst v20;
	v19 =	vmul.f32 v19, v38  }
0xd6: {  	v42 =	vshll.u32 v36, $0x10;
	[tilespmem:$0xF810] =	vst v17;
	v17 =	vmul.f32 v40, v38  }
0xd7: {  	v44 =	vld [tilespmem:$0xEBE0];
	v43 =	vperm.xlane v18, v6;
	v20 =	vmul.f32 v42, v38;
	[tilespmem:$0xF820] =	vst v19;
	v19 =	vand.u32 $0xFFFF0000, v36  }
0xd8: {  	[tilespmem:$0xF830] =	vst v17;
	v17 =	vmul.f32 v19, v38;
	v19 =	vshll.u32 v39, $0x10  }
0xd9: {  	v46 =	vld [tilespmem:$0xEBF0];
	v45 =	vand.u32 $0xFFFF0000, v39;
	[tilespmem:$0xF840] =	vst v20;
	v19 =	vmul.f32 v19, v43  }
0xda: {  	v47 =	vshll.u32 v41, $0x10;
	[tilespmem:$0xF850] =	vst v17;
	v17 =	vmul.f32 v45, v43  }
0xdb: {  	v49 =	vld [tilespmem:$0xEC00];
	v48 =	vperm.xlane v18, v7;
	v20 =	vmul.f32 v47, v43;
	[tilespmem:$0xF860] =	vst v19;
	v19 =	vand.u32 $0xFFFF0000, v41  }
0xdc: {  	[tilespmem:$0xF870] =	vst v17;
	v17 =	vmul.f32 v19, v43;
	v19 =	vshll.u32 v44, $0x10  }
0xdd: {  	v51 =	vld [tilespmem:$0xEC10];
	v50 =	vand.u32 $0xFFFF0000, v44;
	[tilespmem:$0xF880] =	vst v20;
	v19 =	vmul.f32 v19, v48  }
0xde: {  	v52 =	vshll.u32 v46, $0x10;
	[tilespmem:$0xF890] =	vst v17;
	v17 =	vmul.f32 v50, v48  }
0xdf: {  	v54 =	vld [tilespmem:$0xEC20];
	v53 =	vperm.xlane v18, v8;
	v20 =	vmul.f32 v52, v48;
	[tilespmem:$0xF8A0] =	vst v19;
	v19 =	vand.u32 $0xFFFF0000, v46  }
0xe0: {  	[tilespmem:$0xF8B0] =	vst v17;
	v17 =	vmul.f32 v19, v48;
	v19 =	vshll.u32 v49, $0x10  }
0xe1: {  	v56 =	vld [tilespmem:$0xEC30];
	v55 =	vand.u32 $0xFFFF0000, v49;
	[tilespmem:$0xF8C0] =	vst v20;
	v19 =	vmul.f32 v19, v53  }
0xe2: {  	v57 =	vshll.u32 v51, $0x10;
	[tilespmem:$0xF8D0] =	vst v17;
	v17 =	vmul.f32 v55, v53  }
0xe3: {  	v59 =	vld [tilespmem:$0xEC40];
	v58 =	vperm.xlane v18, v9;
	v20 =	vmul.f32 v57, v53;
	[tilespmem:$0xF8E0] =	vst v19;
	v19 =	vand.u32 $0xFFFF0000, v51  }
0xe4: {  	[tilespmem:$0xF8F0] =	vst v17;
	v17 =	vmul.f32 v19, v53;
	v19 =	vshll.u32 v54, $0x10  }
0xe5: {  	v60 =	vand.u32 $0xFFFF0000, v54;
	v61 =	vld [tilespmem:$0xEC50];
	[tilespmem:$0xF900] =	vst v20;
	v19 =	vmul.f32 v19, v58  }
0xe6: {  	v62 =	vshll.u32 v56, $0x10;
	[tilespmem:$0xF910] =	vst v17;
	v17 =	vmul.f32 v60, v58  }
0xe7: {  	v63 =	vperm.xlane v18, v10;
	v28 =	vld [tilespmem:$0xEC60];
	v20 =	vmul.f32 v62, v58;
	[tilespmem:$0xF920] =	vst v19;
	v19 =	vand.u32 $0xFFFF0000, v56  }
0xe8: {  	[tilespmem:$0xF930] =	vst v17;
	v17 =	vmul.f32 v19, v58;
	v19 =	vshll.u32 v59, $0x10  }
0xe9: {  	v30 =	vld [tilespmem:$0xEC70];
	v29 =	vand.u32 $0xFFFF0000, v59;
	[tilespmem:$0xF940] =	vst v20;
	v19 =	vmul.f32 v19, v63  }
0xea: {  	v31 =	vshll.u32 v61, $0x10;
	[tilespmem:$0xF950] =	vst v17;
	v17 =	vmul.f32 v29, v63  }
0xeb: {  	v32 =	vperm.xlane v18, v11;
	v33 =	vld [tilespmem:$0xEC80];
	v20 =	vmul.f32 v31, v63;
	[tilespmem:$0xF960] =	vst v19;
	v19 =	vand.u32 $0xFFFF0000, v61  }
0xec: {  	[tilespmem:$0xF970] =	vst v17;
	v17 =	vmul.f32 v19, v63;
	v19 =	vshll.u32 v28, $0x10  }
0xed: {  	v35 =	vld [tilespmem:$0xEC90];
	v34 =	vand.u32 $0xFFFF0000, v28;
	[tilespmem:$0xF980] =	vst v20;
	v19 =	vmul.f32 v19, v32  }
0xee: {  	v36 =	vshll.u32 v30, $0x10;
	[tilespmem:$0xF990] =	vst v17;
	v17 =	vmul.f32 v34, v32  }
0xef: {  	v37 =	vperm.xlane v18, v12;
	v38 =	vld [tilespmem:$0xECA0];
	v20 =	vmul.f32 v36, v32;
	[tilespmem:$0xF9A0] =	vst v19;
	v19 =	vand.u32 $0xFFFF0000, v30  }
0xf0: {  	[tilespmem:$0xF9B0] =	vst v17;
	v17 =	vmul.f32 v19, v32;
	v19 =	vshll.u32 v33, $0x10  }
0xf1: {  	v40 =	vld [tilespmem:$0xECB0];
	v39 =	vand.u32 $0xFFFF0000, v33;
	[tilespmem:$0xF9C0] =	vst v20;
	v19 =	vmul.f32 v19, v37  }
0xf2: {  	v41 =	vshll.u32 v35, $0x10;
	[tilespmem:$0xF9D0] =	vst v17;
	v17 =	vmul.f32 v39, v37  }
0xf3: {  	v42 =	vperm.xlane v18, v13;
	v20 =	vmul.f32 v41, v37;
	v43 =	vld [tilespmem:$0xECC0];
	[tilespmem:$0xF9E0] =	vst v19;
	v19 =	vand.u32 $0xFFFF0000, v35  }
0xf4: {  	[tilespmem:$0xF9F0] =	vst v17;
	v17 =	vmul.f32 v19, v37;
	v19 =	vshll.u32 v38, $0x10  }
0xf5: {  	v45 =	vld [tilespmem:$0xECD0];
	v44 =	vand.u32 $0xFFFF0000, v38;
	[tilespmem:$0xFA00] =	vst v20;
	v19 =	vmul.f32 v19, v42  }
0xf6: {  	v46 =	vshll.u32 v40, $0x10;
	[tilespmem:$0xFA10] =	vst v17;
	v17 =	vmul.f32 v44, v42  }
0xf7: {  	v47 =	vperm.xlane v18, v14;
	v20 =	vmul.f32 v46, v42;
	[tilespmem:$0xFA20] =	vst v19;
	v19 =	vand.u32 $0xFFFF0000, v40  }
0xf8: {  	v48 =	vld [tilespmem:$0xECE0];
	[tilespmem:$0xFA30] =	vst v17;
	v17 =	vmul.f32 v19, v42;
	v19 =	vshll.u32 v43, $0x10  }
0xf9: {  	v49 =	vand.u32 $0xFFFF0000, v43;
	[tilespmem:$0xFA40] =	vst v20;
	v19 =	vmul.f32 v19, v47  }
0xfa: {  	v50 =	vld [tilespmem:$0xECF0];
	v51 =	vshll.u32 v45, $0x10;
	[tilespmem:$0xFA50] =	vst v17;
	v17 =	vmul.f32 v49, v47  }
0xfb: {  	v20 =	vmul.f32 v51, v47;
	[tilespmem:$0xFA60] =	vst v19;
	v19 =	vand.u32 $0xFFFF0000, v45  }
0xfc: {  	v52 =	vperm.xlane v18, v15;
	v55 =	vld [tilespmem:$0xED10];
	[tilespmem:$0xFA70] =	vst v17;
	v17 =	vmul.f32 v19, v47  }
0xfd: {  	v53 =	vld [tilespmem:$0xED00];
	[tilespmem:$0xFA80] =	vst v20;
	v19 =	vshll.u32 v48, $0x10  }
0xfe: {  	v54 =	vand.u32 $0xFFFF0000, v48;
	v19 =	vmul.f32 v19, v52;
	[tilespmem:$0xFA90] =	vst v17  }
0xff: {  	v20 =	vmul.f32 v54, v52;
	v56 =	vshll.u32 v50, $0x10;
	v17 =	vld [tilespmem:s26+$0x9CD0]  }
0x100: {  	v18 =	vperm.xlane v18, v16;
	v57 =	vmul.f32 v56, v52;
	[tilespmem:$0xFAA0] =	vst v19;
	v19 =	vand.u32 $0xFFFF0000, v50;
	v58 =	vld [tilespmem:$0xED20]  }
0x101: {  	v62 =	vshll.u32 v55, $0x10;
	[tilespmem:$0xFAB0] =	vst v20;
	v19 =	vmul.f32 v19, v52  }
0x102: {  	v21 =	vmul.f32 v62, v18;
	v60 =	vand.u32 $0xFFFF0000, v53;
	[tilespmem:$0xFAC0] =	vst v57;
	v61 =	vld [tilespmem:$0xED30]  }
0x103: {  	v59 =	vshll.u32 v53, $0x10;
	[tilespmem:$0xFAD0] =	vst v19;
	v19 =	vmul.f32 v60, v18  }
0x104: {  	v63 =	vand.u32 $0xFFFF0000, v55;
	v20 =	vmul.f32 v59, v18;
	v29 =	vld [tilespmem:$0xED40];
	[tilespmem:$0xFB00] =	vst v21;
	v28 =	vperm.xlane v17, v1  }
0x105: {  	v18 =	vmul.f32 v63, v18;
	[tilespmem:$0xFAF0] =	vst v19;
	v19 =	vshll.u32 v58, $0x10  }
0x106: {  	v31 =	vld [tilespmem:$0xED50];
	[tilespmem:$0xFAE0] =	vst v20;
	v30 =	vand.u32 $0xFFFF0000, v58;
	v19 =	vmul.f32 v19, v28  }
0x107: {  	[tilespmem:$0xFB10] =	vst v18;
	v32 =	vshll.u32 v61, $0x10;
	v18 =	vmul.f32 v30, v28  }
0x108: {  	v34 =	vld [tilespmem:$0xED60];
	v33 =	vperm.xlane v17, v2;
	v20 =	vmul.f32 v32, v28;
	[tilespmem:$0xFB20] =	vst v19;
	v19 =	vand.u32 $0xFFFF0000, v61  }
0x109: {  	[tilespmem:$0xFB30] =	vst v18;
	v18 =	vmul.f32 v19, v28;
	v19 =	vshll.u32 v29, $0x10  }
0x10a: {  	v36 =	vld [tilespmem:$0xED70];
	v35 =	vand.u32 $0xFFFF0000, v29;
	[tilespmem:$0xFB40] =	vst v20;
	v19 =	vmul.f32 v19, v33  }
0x10b: {  	v37 =	vshll.u32 v31, $0x10;
	[tilespmem:$0xFB50] =	vst v18;
	v18 =	vmul.f32 v35, v33  }
0x10c: {  	v39 =	vld [tilespmem:$0xED80];
	v38 =	vperm.xlane v17, v3;
	v20 =	vmul.f32 v37, v33;
	[tilespmem:$0xFB60] =	vst v19;
	v19 =	vand.u32 $0xFFFF0000, v31  }
0x10d: {  	[tilespmem:$0xFB70] =	vst v18;
	v18 =	vmul.f32 v19, v33;
	v19 =	vshll.u32 v34, $0x10  }
0x10e: {  	v41 =	vld [tilespmem:$0xED90];
	v40 =	vand.u32 $0xFFFF0000, v34;
	[tilespmem:$0xFB80] =	vst v20;
	v19 =	vmul.f32 v19, v38  }
0x10f: {  	v42 =	vshll.u32 v36, $0x10;
	[tilespmem:$0xFB90] =	vst v18;
	v18 =	vmul.f32 v40, v38  }
0x110: {  	v44 =	vld [tilespmem:$0xEDA0];
	v43 =	vperm.xlane v17, v4;
	v20 =	vmul.f32 v42, v38;
	[tilespmem:$0xFBA0] =	vst v19;
	v19 =	vand.u32 $0xFFFF0000, v36  }
0x111: {  	[tilespmem:$0xFBB0] =	vst v18;
	v18 =	vmul.f32 v19, v38;
	v19 =	vshll.u32 v39, $0x10  }
0x112: {  	v46 =	vld [tilespmem:$0xEDB0];
	v45 =	vand.u32 $0xFFFF0000, v39;
	[tilespmem:$0xFBC0] =	vst v20;
	v19 =	vmul.f32 v19, v43  }
0x113: {  	v47 =	vshll.u32 v41, $0x10;
	[tilespmem:$0xFBD0] =	vst v18;
	v18 =	vmul.f32 v45, v43  }
0x114: {  	v49 =	vld [tilespmem:$0xEDC0];
	v48 =	vperm.xlane v17, v5;
	v20 =	vmul.f32 v47, v43;
	[tilespmem:$0xFBE0] =	vst v19;
	v19 =	vand.u32 $0xFFFF0000, v41  }
0x115: {  	[tilespmem:$0xFBF0] =	vst v18;
	v18 =	vmul.f32 v19, v43;
	v19 =	vshll.u32 v44, $0x10  }
0x116: {  	v51 =	vld [tilespmem:$0xEDD0];
	v50 =	vand.u32 $0xFFFF0000, v44;
	[tilespmem:$0xFC00] =	vst v20;
	v19 =	vmul.f32 v19, v48  }
0x117: {  	v52 =	vshll.u32 v46, $0x10;
	[tilespmem:$0xFC10] =	vst v18;
	v18 =	vmul.f32 v50, v48  }
0x118: {  	v54 =	vld [tilespmem:$0xEDE0];
	v53 =	vperm.xlane v17, v6;
	v20 =	vmul.f32 v52, v48;
	[tilespmem:$0xFC20] =	vst v19;
	v19 =	vand.u32 $0xFFFF0000, v46  }
0x119: {  	[tilespmem:$0xFC30] =	vst v18;
	v18 =	vmul.f32 v19, v48;
	v19 =	vshll.u32 v49, $0x10  }
0x11a: {  	v56 =	vld [tilespmem:$0xEDF0];
	v55 =	vand.u32 $0xFFFF0000, v49;
	[tilespmem:$0xFC40] =	vst v20;
	v19 =	vmul.f32 v19, v53  }
0x11b: {  	v57 =	vshll.u32 v51, $0x10;
	[tilespmem:$0xFC50] =	vst v18;
	v18 =	vmul.f32 v55, v53  }
0x11c: {  	v59 =	vld [tilespmem:$0xEE00];
	v58 =	vperm.xlane v17, v7;
	v20 =	vmul.f32 v57, v53;
	[tilespmem:$0xFC60] =	vst v19;
	v19 =	vand.u32 $0xFFFF0000, v51  }
0x11d: {  	[tilespmem:$0xFC70] =	vst v18;
	v18 =	vmul.f32 v19, v53;
	v19 =	vshll.u32 v54, $0x10  }
0x11e: {  	v60 =	vand.u32 $0xFFFF0000, v54;
	v61 =	vld [tilespmem:$0xEE10];
	[tilespmem:$0xFC80] =	vst v20;
	v19 =	vmul.f32 v19, v58  }
0x11f: {  	v62 =	vshll.u32 v56, $0x10;
	[tilespmem:$0xFC90] =	vst v18;
	v18 =	vmul.f32 v60, v58  }
0x120: {  	v63 =	vperm.xlane v17, v8;
	v28 =	vld [tilespmem:$0xEE20];
	v20 =	vmul.f32 v62, v58;
	[tilespmem:$0xFCA0] =	vst v19;
	v19 =	vand.u32 $0xFFFF0000, v56  }
0x121: {  	[tilespmem:$0xFCB0] =	vst v18;
	v18 =	vmul.f32 v19, v58;
	v19 =	vshll.u32 v59, $0x10  }
0x122: {  	v30 =	vld [tilespmem:$0xEE30];
	v29 =	vand.u32 $0xFFFF0000, v59;
	[tilespmem:$0xFCC0] =	vst v20;
	v19 =	vmul.f32 v19, v63  }
0x123: {  	v31 =	vshll.u32 v61, $0x10;
	[tilespmem:$0xFCD0] =	vst v18;
	v18 =	vmul.f32 v29, v63  }
0x124: {  	v32 =	vperm.xlane v17, v9;
	v33 =	vld [tilespmem:$0xEE40];
	v20 =	vmul.f32 v31, v63;
	[tilespmem:$0xFCE0] =	vst v19;
	v19 =	vand.u32 $0xFFFF0000, v61  }
0x125: {  	[tilespmem:$0xFCF0] =	vst v18;
	v18 =	vmul.f32 v19, v63;
	v19 =	vshll.u32 v28, $0x10  }
0x126: {  	v35 =	vld [tilespmem:$0xEE50];
	v34 =	vand.u32 $0xFFFF0000, v28;
	[tilespmem:$0xFD00] =	vst v20;
	v19 =	vmul.f32 v19, v32  }
0x127: {  	v36 =	vshll.u32 v30, $0x10;
	[tilespmem:$0xFD10] =	vst v18;
	v18 =	vmul.f32 v34, v32  }
0x128: {  	v37 =	vperm.xlane v17, v10;
	v38 =	vld [tilespmem:$0xEE60];
	v20 =	vmul.f32 v36, v32;
	[tilespmem:$0xFD20] =	vst v19;
	v19 =	vand.u32 $0xFFFF0000, v30  }
0x129: {  	[tilespmem:$0xFD30] =	vst v18;
	v18 =	vmul.f32 v19, v32;
	v19 =	vshll.u32 v33, $0x10  }
0x12a: {  	v40 =	vld [tilespmem:$0xEE70];
	v39 =	vand.u32 $0xFFFF0000, v33;
	[tilespmem:$0xFD40] =	vst v20;
	v19 =	vmul.f32 v19, v37  }
0x12b: {  	v41 =	vshll.u32 v35, $0x10;
	[tilespmem:$0xFD50] =	vst v18;
	v18 =	vmul.f32 v39, v37  }
0x12c: {  	v42 =	vperm.xlane v17, v11;
	v43 =	vld [tilespmem:$0xEE80];
	v20 =	vmul.f32 v41, v37;
	[tilespmem:$0xFD60] =	vst v19;
	v19 =	vand.u32 $0xFFFF0000, v35  }
0x12d: {  	[tilespmem:$0xFD70] =	vst v18;
	v18 =	vmul.f32 v19, v37;
	v19 =	vshll.u32 v38, $0x10  }
0x12e: {  	v45 =	vld [tilespmem:$0xEE90];
	v44 =	vand.u32 $0xFFFF0000, v38;
	[tilespmem:$0xFD80] =	vst v20;
	v19 =	vmul.f32 v19, v42  }
0x12f: {  	v46 =	vshll.u32 v40, $0x10;
	[tilespmem:$0xFD90] =	vst v18;
	v18 =	vmul.f32 v44, v42  }
0x130: {  	v47 =	vperm.xlane v17, v12;
	v48 =	vld [tilespmem:$0xEEA0];
	v20 =	vmul.f32 v46, v42;
	[tilespmem:$0xFDA0] =	vst v19;
	v19 =	vand.u32 $0xFFFF0000, v40  }
0x131: {  	[tilespmem:$0xFDB0] =	vst v18;
	v18 =	vmul.f32 v19, v42;
	v19 =	vshll.u32 v43, $0x10  }
0x132: {  	v50 =	vld [tilespmem:$0xEEB0];
	v49 =	vand.u32 $0xFFFF0000, v43;
	[tilespmem:$0xFDC0] =	vst v20;
	v19 =	vmul.f32 v19, v47  }
0x133: {  	v51 =	vshll.u32 v45, $0x10;
	[tilespmem:$0xFDD0] =	vst v18;
	v18 =	vmul.f32 v49, v47  }
0x134: {  	v52 =	vperm.xlane v17, v13;
	v20 =	vmul.f32 v51, v47;
	v53 =	vld [tilespmem:$0xEEC0];
	[tilespmem:$0xFDE0] =	vst v19;
	v19 =	vand.u32 $0xFFFF0000, v45  }
0x135: {  	[tilespmem:$0xFDF0] =	vst v18;
	v18 =	vmul.f32 v19, v47;
	v19 =	vshll.u32 v48, $0x10  }
0x136: {  	v55 =	vld [tilespmem:$0xEED0];
	v54 =	vand.u32 $0xFFFF0000, v48;
	[tilespmem:$0xFE00] =	vst v20;
	v19 =	vmul.f32 v19, v52  }
0x137: {  	v56 =	vshll.u32 v50, $0x10;
	[tilespmem:$0xFE10] =	vst v18;
	v18 =	vmul.f32 v54, v52  }
0x138: {  	v57 =	vperm.xlane v17, v14;
	v20 =	vmul.f32 v56, v52;
	v58 =	vld [tilespmem:$0xEEE0];
	[tilespmem:$0xFE20] =	vst v19;
	v19 =	vand.u32 $0xFFFF0000, v50  }
0x139: {  	[tilespmem:$0xFE30] =	vst v18;
	v18 =	vmul.f32 v19, v52;
	v19 =	vshll.u32 v53, $0x10  }
0x13a: {  	v60 =	vld [tilespmem:$0xEEF0];
	v59 =	vand.u32 $0xFFFF0000, v53;
	[tilespmem:$0xFE40] =	vst v20;
	v19 =	vmul.f32 v19, v57  }
0x13b: {  	v61 =	vshll.u32 v55, $0x10;
	[tilespmem:$0xFE50] =	vst v18;
	v18 =	vmul.f32 v59, v57  }
0x13c: {  	v62 =	vperm.xlane v17, v15;
	v29 =	vld [tilespmem:$0xEF10];
	v20 =	vmul.f32 v61, v57;
	[tilespmem:$0xFE60] =	vst v19;
	v19 =	vand.u32 $0xFFFF0000, v55  }
0x13d: {  	v63 =	vld [tilespmem:$0xEF00];
	[tilespmem:$0xFE70] =	vst v18;
	v18 =	vmul.f32 v19, v57;
	v19 =	vshll.u32 v58, $0x10  }
0x13e: {  	v28 =	vand.u32 $0xFFFF0000, v58;
	[tilespmem:$0xFE80] =	vst v20;
	v19 =	vmul.f32 v19, v62  }
0x13f: {  	v20 =	vmul.f32 v28, v62;
	v30 =	vshll.u32 v60, $0x10;
	[tilespmem:$0xFE90] =	vst v18;
	v18 =	vld [tilespmem:s26+$0x9CE0]  }
0x140: {  	v17 =	vperm.xlane v17, v16;
	v31 =	vmul.f32 v30, v62;
	v32 =	vld [tilespmem:$0xEF20];
	[tilespmem:$0xFEA0] =	vst v19;
	v19 =	vand.u32 $0xFFFF0000, v60  }
0x141: {  	v36 =	vshll.u32 v29, $0x10;
	[tilespmem:$0xFEB0] =	vst v20;
	v19 =	vmul.f32 v19, v62  }
0x142: {  	v21 =	vmul.f32 v36, v17;
	v34 =	vand.u32 $0xFFFF0000, v63;
	[tilespmem:$0xFEC0] =	vst v31;
	v35 =	vld [tilespmem:$0xEF30]  }
0x143: {  	v33 =	vshll.u32 v63, $0x10;
	[tilespmem:$0xFED0] =	vst v19;
	v19 =	vmul.f32 v34, v17  }
0x144: {  	v20 =	vmul.f32 v33, v17;
	v39 =	vld [tilespmem:$0xEF40];
	[tilespmem:$0xFF00] =	vst v21;
	v37 =	vand.u32 $0xFFFF0000, v29;
	v38 =	vperm.xlane v18, v1  }
0x145: {  	v17 =	vmul.f32 v37, v17;
	[tilespmem:$0xFEF0] =	vst v19;
	v19 =	vshll.u32 v32, $0x10  }
0x146: {  	v41 =	vld [tilespmem:$0xEF50];
	[tilespmem:$0xFEE0] =	vst v20;
	v40 =	vand.u32 $0xFFFF0000, v32;
	v19 =	vmul.f32 v19, v38  }
0x147: {  	v42 =	vshll.u32 v35, $0x10;
	[tilespmem:$0xFF10] =	vst v17;
	v17 =	vmul.f32 v40, v38  }
0x148: {  	v44 =	vld [tilespmem:$0xEF60];
	v43 =	vperm.xlane v18, v2;
	v20 =	vmul.f32 v42, v38;
	[tilespmem:$0xFF20] =	vst v19;
	v19 =	vand.u32 $0xFFFF0000, v35  }
0x149: {  	[tilespmem:$0xFF30] =	vst v17;
	v17 =	vmul.f32 v19, v38;
	v19 =	vshll.u32 v39, $0x10  }
0x14a: {  	v46 =	vld [tilespmem:$0xEF70];
	v45 =	vand.u32 $0xFFFF0000, v39;
	[tilespmem:$0xFF40] =	vst v20;
	v19 =	vmul.f32 v19, v43  }
0x14b: {  	v47 =	vshll.u32 v41, $0x10;
	[tilespmem:$0xFF50] =	vst v17;
	v17 =	vmul.f32 v45, v43  }
0x14c: {  	v49 =	vld [tilespmem:$0xEF80];
	v48 =	vperm.xlane v18, v3;
	v20 =	vmul.f32 v47, v43;
	[tilespmem:$0xFF60] =	vst v19;
	v19 =	vand.u32 $0xFFFF0000, v41  }
0x14d: {  	[tilespmem:$0xFF70] =	vst v17;
	v17 =	vmul.f32 v19, v43;
	v19 =	vshll.u32 v44, $0x10  }
0x14e: {  	v51 =	vld [tilespmem:$0xEF90];
	v50 =	vand.u32 $0xFFFF0000, v44;
	[tilespmem:$0xFF80] =	vst v20;
	v19 =	vmul.f32 v19, v48  }
0x14f: {  	v52 =	vshll.u32 v46, $0x10;
	[tilespmem:$0xFF90] =	vst v17;
	v17 =	vmul.f32 v50, v48  }
0x150: {  	v54 =	vld [tilespmem:$0xEFA0];
	v53 =	vperm.xlane v18, v4;
	v20 =	vmul.f32 v52, v48;
	[tilespmem:$0xFFA0] =	vst v19;
	v19 =	vand.u32 $0xFFFF0000, v46  }
0x151: {  	[tilespmem:$0xFFB0] =	vst v17;
	v17 =	vmul.f32 v19, v48;
	v19 =	vshll.u32 v49, $0x10  }
0x152: {  	v56 =	vld [tilespmem:$0xEFB0];
	v55 =	vand.u32 $0xFFFF0000, v49;
	[tilespmem:$0xFFC0] =	vst v20;
	v19 =	vmul.f32 v19, v53  }
0x153: {  	v57 =	vshll.u32 v51, $0x10;
	[tilespmem:$0xFFD0] =	vst v17;
	v17 =	vmul.f32 v55, v53  }
0x154: {  	v59 =	vld [tilespmem:$0xEFC0];
	v58 =	vperm.xlane v18, v5;
	v20 =	vmul.f32 v57, v53;
	[tilespmem:$0xFFE0] =	vst v19;
	v19 =	vand.u32 $0xFFFF0000, v51  }
0x155: {  	[tilespmem:$0xFFF0] =	vst v17;
	v17 =	vmul.f32 v19, v53;
	v19 =	vshll.u32 v54, $0x10  }
0x156: {  	v61 =	vld [tilespmem:$0xEFD0];
	v60 =	vand.u32 $0xFFFF0000, v54;
	[tilespmem:$0x10000] =	vst v20;
	v19 =	vmul.f32 v19, v58  }
0x157: {  	v62 =	vshll.u32 v56, $0x10;
	[tilespmem:$0x10010] =	vst v17;
	v17 =	vmul.f32 v60, v58  }
0x158: {  	v28 =	vld [tilespmem:$0xEFE0];
	v63 =	vperm.xlane v18, v6;
	v20 =	vmul.f32 v62, v58;
	[tilespmem:$0x10020] =	vst v19;
	v19 =	vand.u32 $0xFFFF0000, v56  }
0x159: {  	[tilespmem:$0x10030] =	vst v17;
	v17 =	vmul.f32 v19, v58;
	v19 =	vshll.u32 v59, $0x10  }
0x15a: {  	v30 =	vld [tilespmem:$0xEFF0];
	v29 =	vand.u32 $0xFFFF0000, v59;
	[tilespmem:$0x10040] =	vst v20;
	v19 =	vmul.f32 v19, v63  }
0x15b: {  	v31 =	vshll.u32 v61, $0x10;
	[tilespmem:$0x10050] =	vst v17;
	v17 =	vmul.f32 v29, v63  }
0x15c: {  	v33 =	vld [tilespmem:$0xF000];
	v32 =	vperm.xlane v18, v7;
	v20 =	vmul.f32 v31, v63;
	[tilespmem:$0x10060] =	vst v19;
	v19 =	vand.u32 $0xFFFF0000, v61  }
0x15d: {  	[tilespmem:$0x10070] =	vst v17;
	v17 =	vmul.f32 v19, v63;
	v19 =	vshll.u32 v28, $0x10  }
0x15e: {  	v34 =	vand.u32 $0xFFFF0000, v28;
	v35 =	vld [tilespmem:$0xF010];
	[tilespmem:$0x10080] =	vst v20;
	v19 =	vmul.f32 v19, v32  }
0x15f: {  	v36 =	vshll.u32 v30, $0x10;
	[tilespmem:$0x10090] =	vst v17;
	v17 =	vmul.f32 v34, v32  }
0x160: {  	v37 =	vperm.xlane v18, v8;
	v38 =	vld [tilespmem:$0xF020];
	v20 =	vmul.f32 v36, v32;
	[tilespmem:$0x100A0] =	vst v19;
	v19 =	vand.u32 $0xFFFF0000, v30  }
0x161: {  	[tilespmem:$0x100B0] =	vst v17;
	v17 =	vmul.f32 v19, v32;
	v19 =	vshll.u32 v33, $0x10  }
0x162: {  	v40 =	vld [tilespmem:$0xF030];
	v39 =	vand.u32 $0xFFFF0000, v33;
	[tilespmem:$0x100C0] =	vst v20;
	v19 =	vmul.f32 v19, v37  }
0x163: {  	v41 =	vshll.u32 v35, $0x10;
	[tilespmem:$0x100D0] =	vst v17;
	v17 =	vmul.f32 v39, v37  }
0x164: {  	v42 =	vperm.xlane v18, v9;
	v43 =	vld [tilespmem:$0xF040];
	v20 =	vmul.f32 v41, v37;
	[tilespmem:$0x100E0] =	vst v19;
	v19 =	vand.u32 $0xFFFF0000, v35  }
0x165: {  	[tilespmem:$0x100F0] =	vst v17;
	v17 =	vmul.f32 v19, v37;
	v19 =	vshll.u32 v38, $0x10  }
0x166: {  	v45 =	vld [tilespmem:$0xF050];
	v44 =	vand.u32 $0xFFFF0000, v38;
	[tilespmem:$0x10100] =	vst v20;
	v19 =	vmul.f32 v19, v42  }
0x167: {  	v46 =	vshll.u32 v40, $0x10;
	[tilespmem:$0x10110] =	vst v17;
	v17 =	vmul.f32 v44, v42  }
0x168: {  	v47 =	vperm.xlane v18, v10;
	v48 =	vld [tilespmem:$0xF060];
	v20 =	vmul.f32 v46, v42;
	[tilespmem:$0x10120] =	vst v19;
	v19 =	vand.u32 $0xFFFF0000, v40  }
0x169: {  	[tilespmem:$0x10130] =	vst v17;
	v17 =	vmul.f32 v19, v42;
	v19 =	vshll.u32 v43, $0x10  }
0x16a: {  	v50 =	vld [tilespmem:$0xF070];
	v49 =	vand.u32 $0xFFFF0000, v43;
	[tilespmem:$0x10140] =	vst v20;
	v19 =	vmul.f32 v19, v47  }
0x16b: {  	v51 =	vshll.u32 v45, $0x10;
	[tilespmem:$0x10150] =	vst v17;
	v17 =	vmul.f32 v49, v47  }
0x16c: {  	v52 =	vperm.xlane v18, v11;
	v53 =	vld [tilespmem:$0xF080];
	v20 =	vmul.f32 v51, v47;
	[tilespmem:$0x10160] =	vst v19;
	v19 =	vand.u32 $0xFFFF0000, v45  }
0x16d: {  	[tilespmem:$0x10170] =	vst v17;
	v17 =	vmul.f32 v19, v47;
	v19 =	vshll.u32 v48, $0x10  }
0x16e: {  	v55 =	vld [tilespmem:$0xF090];
	v54 =	vand.u32 $0xFFFF0000, v48;
	[tilespmem:$0x10180] =	vst v20;
	v19 =	vmul.f32 v19, v52  }
0x16f: {  	v56 =	vshll.u32 v50, $0x10;
	[tilespmem:$0x10190] =	vst v17;
	v17 =	vmul.f32 v54, v52  }
0x170: {  	v57 =	vperm.xlane v18, v12;
	v58 =	vld [tilespmem:$0xF0A0];
	v20 =	vmul.f32 v56, v52;
	[tilespmem:$0x101A0] =	vst v19;
	v19 =	vand.u32 $0xFFFF0000, v50  }
0x171: {  	[tilespmem:$0x101B0] =	vst v17;
	v17 =	vmul.f32 v19, v52;
	v19 =	vshll.u32 v53, $0x10  }
0x172: {  	v60 =	vld [tilespmem:$0xF0B0];
	v59 =	vand.u32 $0xFFFF0000, v53;
	[tilespmem:$0x101C0] =	vst v20;
	v19 =	vmul.f32 v19, v57  }
0x173: {  	v61 =	vshll.u32 v55, $0x10;
	[tilespmem:$0x101D0] =	vst v17;
	v17 =	vmul.f32 v59, v57  }
0x174: {  	v62 =	vperm.xlane v18, v13;
	v20 =	vmul.f32 v61, v57;
	v63 =	vld [tilespmem:$0xF0C0];
	[tilespmem:$0x101E0] =	vst v19;
	v19 =	vand.u32 $0xFFFF0000, v55  }
0x175: {  	[tilespmem:$0x101F0] =	vst v17;
	v17 =	vmul.f32 v19, v57;
	v19 =	vshll.u32 v58, $0x10  }
0x176: {  	v28 =	vld [tilespmem:$0xF0D0];
	v27 =	vand.u32 $0xFFFF0000, v58;
	[tilespmem:$0x10200] =	vst v20;
	v19 =	vmul.f32 v19, v62  }
0x177: {  	v29 =	vshll.u32 v60, $0x10;
	[tilespmem:$0x10210] =	vst v17;
	v17 =	vmul.f32 v27, v62  }
0x178: {  	v31 =	vld [tilespmem:$0xF0E0];
	v20 =	vmul.f32 v29, v62;
	v30 =	vperm.xlane v18, v14;
	[tilespmem:$0x10220] =	vst v19;
	v19 =	vand.u32 $0xFFFF0000, v60  }
0x179: {  	[tilespmem:$0x10230] =	vst v17;
	v17 =	vmul.f32 v19, v62;
	v19 =	vshll.u32 v63, $0x10  }
0x17a: {  	[tilespmem:$0x10240] =	vst v20;
	v33 =	vld [tilespmem:$0xF0F0];
	v32 =	vand.u32 $0xFFFF0000, v63;
	v19 =	vmul.f32 v19, v30  }
0x17b: {  	v34 =	vshll.u32 v28, $0x10;
	[tilespmem:$0x10250] =	vst v17;
	v17 =	vmul.f32 v32, v30  }
0x17c: {  	v36 =	vld [tilespmem:$0xF100];
	v20 =	vmul.f32 v34, v30;
	v35 =	vperm.xlane v18, v15;
	[tilespmem:$0x10260] =	vst v19;
	v19 =	vand.u32 $0xFFFF0000, v28  }
0x17d: {  	[tilespmem:$0x10270] =	vst v17;
	v17 =	vmul.f32 v19, v30;
	v19 =	vshll.u32 v31, $0x10  }
0x17e: {  	[tilespmem:$0x10280] =	vst v20;
	v37 =	vand.u32 $0xFFFF0000, v31;
	v38 =	vld [tilespmem:$0xF110];
	v19 =	vmul.f32 v19, v35  }
0x17f: {  	v39 =	vshll.u32 v33, $0x10;
	[tilespmem:$0x10290] =	vst v17;
	v17 =	vmul.f32 v37, v35  }
0x180: {  	v18 =	vperm.xlane v18, v16;
	v20 =	vmul.f32 v39, v35;
	[tilespmem:$0x102A0] =	vst v19;
	v19 =	vand.u32 $0xFFFF0000, v33  }
0x181: {  	[tilespmem:$0x102B0] =	vst v17;
	v17 =	vmul.f32 v19, v35;
	v19 =	vshll.u32 v36, $0x10  }
0x182: {  	v40 =	vand.u32 $0xFFFF0000, v36;
	[tilespmem:$0x102C0] =	vst v20;
	v19 =	vmul.f32 v19, v18  }
0x183: {  	v41 =	vshll.u32 v38, $0x10;
	[tilespmem:$0x102D0] =	vst v17;
	v17 =	vmul.f32 v40, v18  }
0x184: {  	v20 =	vmul.f32 v41, v18;
	[tilespmem:$0x102E0] =	vst v19;
	v19 =	vand.u32 $0xFFFF0000, v38  }
0x185: {  	[tilespmem:$0x102F0] =	vst v17;
	v17 =	vmul.f32 v19, v18  }
0x186: {  	[tilespmem:$0x10300] =	vst v20  }
0x187: {  	s30 =	sadd.s32 $0x4E60, s26;
	p1 =	seq.s32 s25, $0x13800;
	[tilespmem:$0x10310] =	vst v17  }
0x188: {  	[spmem:s3] =	stream.indirect.scatter.add.f32 [tilespmem:s1], [sflag:$0x3], $0x40, s30, s5, $0xb8;
	[tilespmem:$0x1F980] =	vst v63  }
0x189: {  	p2 =	seq.s32 @!p1 s25, $0x0;
	_ =	swait.ge [sflag:s9], $0x600  }
0x18a: {  	s28 =	sshra.s32 @!p1 s25, $0x2;
	s29 =	simm.s32 @!p1 $0x30;
	[sflag:s9] =	ssyncset.done $0x0  }
0x18b: {  	s28 =	sadd.s32 @!p1 $0x60, s28;
	s30 =	simm.s32 @!p1 $0xEB20;
	[sflag:s9] =	ssyncadd.s32 $0xFFFFFA00  }
0x18c: {  	[tilespmem:s30], [sflag:$0x1] =	stream.indirect.gather @!p1 [spmem:s2], $0x20, s28, s29, $0xb8;
	[tilespmem:$0x1F980] =	vst v63  }
0x18d: {  	p1 =	por p1, !p2  }
0x18e: {  	_ =	swait.ge @p1 [sflag:s21], $0xC00  }
0x18f: {  	[sflag:s21] =	ssyncset.done @p1 $0x0  }
0x190: {  	[sflag:s21] =	ssyncadd.s32 @p1 $0xFFFFF400  }
0x191: {  	v18 =	vld [tilespmem:s26+$0x9CF0]  }
0x192: {  	v17 =	vld [tilespmem:$0xF120];
	_ =	sdelay $0x1  }
0x193: {  	v19 =	vld [tilespmem:$0xF130];
	_ =	sdelay $0x1  }
0x194: {  	v43 =	vld [tilespmem:$0xF140];
	v42 =	vperm.xlane v18, v1  }
0x195: {  	v44 =	vshll.u32 v17, $0x10  }
0x196: {  	v45 =	vld [tilespmem:$0xF150];
	v17 =	vand.u32 $0xFFFF0000, v17;
	v22 =	vmul.f32 v44, v42  }
0x197: {  	v46 =	vshll.u32 v19, $0x10;
	v17 =	vmul.f32 v17, v42  }
0x198: {  	v49 =	vld [tilespmem:$0xF160];
	v19 =	vand.u32 $0xFFFF0000, v19;
	v48 =	vperm.xlane v18, v2;
	v47 =	vmul.f32 v46, v42;
	[tilespmem:$0x10320] =	vst v22  }
0x199: {  	[tilespmem:$0x10330] =	vst v17;
	v17 =	vmul.f32 v19, v42;
	v19 =	vshll.u32 v43, $0x10  }
0x19a: {  	v51 =	vld [tilespmem:$0xF170];
	v50 =	vand.u32 $0xFFFF0000, v43;
	[tilespmem:$0x10340] =	vst v47;
	v19 =	vmul.f32 v19, v48  }
0x19b: {  	v52 =	vshll.u32 v45, $0x10;
	[tilespmem:$0x10350] =	vst v17;
	v17 =	vmul.f32 v50, v48  }
0x19c: {  	v54 =	vld [tilespmem:$0xF180];
	v53 =	vperm.xlane v18, v3;
	v20 =	vmul.f32 v52, v48;
	[tilespmem:$0x10360] =	vst v19;
	v19 =	vand.u32 $0xFFFF0000, v45  }
0x19d: {  	[tilespmem:$0x10370] =	vst v17;
	v17 =	vmul.f32 v19, v48;
	v19 =	vshll.u32 v49, $0x10  }
0x19e: {  	v56 =	vld [tilespmem:$0xF190];
	v55 =	vand.u32 $0xFFFF0000, v49;
	[tilespmem:$0x10380] =	vst v20;
	v19 =	vmul.f32 v19, v53  }
0x19f: {  	v57 =	vshll.u32 v51, $0x10;
	[tilespmem:$0x10390] =	vst v17;
	v17 =	vmul.f32 v55, v53  }
0x1a0: {  	v59 =	vld [tilespmem:$0xF1A0];
	v58 =	vperm.xlane v18, v4;
	v20 =	vmul.f32 v57, v53;
	[tilespmem:$0x103A0] =	vst v19;
	v19 =	vand.u32 $0xFFFF0000, v51  }
0x1a1: {  	[tilespmem:$0x103B0] =	vst v17;
	v17 =	vmul.f32 v19, v53;
	v19 =	vshll.u32 v54, $0x10  }
0x1a2: {  	v61 =	vld [tilespmem:$0xF1B0];
	v60 =	vand.u32 $0xFFFF0000, v54;
	[tilespmem:$0x103C0] =	vst v20;
	v19 =	vmul.f32 v19, v58  }
0x1a3: {  	v62 =	vshll.u32 v56, $0x10;
	[tilespmem:$0x103D0] =	vst v17;
	v17 =	vmul.f32 v60, v58  }
0x1a4: {  	v28 =	vld [tilespmem:$0xF1C0];
	v63 =	vperm.xlane v18, v5;
	v20 =	vmul.f32 v62, v58;
	[tilespmem:$0x103E0] =	vst v19;
	v19 =	vand.u32 $0xFFFF0000, v56  }
0x1a5: {  	[tilespmem:$0x103F0] =	vst v17;
	v17 =	vmul.f32 v19, v58;
	v19 =	vshll.u32 v59, $0x10  }
0x1a6: {  	v30 =	vld [tilespmem:$0xF1D0];
	v29 =	vand.u32 $0xFFFF0000, v59;
	[tilespmem:$0x10400] =	vst v20;
	v19 =	vmul.f32 v19, v63  }
0x1a7: {  	v31 =	vshll.u32 v61, $0x10;
	[tilespmem:$0x10410] =	vst v17;
	v17 =	vmul.f32 v29, v63  }
0x1a8: {  	v33 =	vld [tilespmem:$0xF1E0];
	v32 =	vperm.xlane v18, v6;
	v20 =	vmul.f32 v31, v63;
	[tilespmem:$0x10420] =	vst v19;
	v19 =	vand.u32 $0xFFFF0000, v61  }
0x1a9: {  	[tilespmem:$0x10430] =	vst v17;
	v17 =	vmul.f32 v19, v63;
	v19 =	vshll.u32 v28, $0x10  }
0x1aa: {  	v35 =	vld [tilespmem:$0xF1F0];
	v34 =	vand.u32 $0xFFFF0000, v28;
	[tilespmem:$0x10440] =	vst v20;
	v19 =	vmul.f32 v19, v32  }
0x1ab: {  	v36 =	vshll.u32 v30, $0x10;
	[tilespmem:$0x10450] =	vst v17;
	v17 =	vmul.f32 v34, v32  }
0x1ac: {  	v38 =	vld [tilespmem:$0xF200];
	v37 =	vperm.xlane v18, v7;
	v20 =	vmul.f32 v36, v32;
	[tilespmem:$0x10460] =	vst v19;
	v19 =	vand.u32 $0xFFFF0000, v30  }
0x1ad: {  	[tilespmem:$0x10470] =	vst v17;
	v17 =	vmul.f32 v19, v32;
	v19 =	vshll.u32 v33, $0x10  }
0x1ae: {  	v40 =	vld [tilespmem:$0xF210];
	v39 =	vand.u32 $0xFFFF0000, v33;
	[tilespmem:$0x10480] =	vst v20;
	v19 =	vmul.f32 v19, v37  }
0x1af: {  	v41 =	vshll.u32 v35, $0x10;
	[tilespmem:$0x10490] =	vst v17;
	v17 =	vmul.f32 v39, v37  }
0x1b0: {  	v42 =	vperm.xlane v18, v8;
	v43 =	vld [tilespmem:$0xF220];
	v20 =	vmul.f32 v41, v37;
	[tilespmem:$0x104A0] =	vst v19;
	v19 =	vand.u32 $0xFFFF0000, v35  }
0x1b1: {  	[tilespmem:$0x104B0] =	vst v17;
	v17 =	vmul.f32 v19, v37;
	v19 =	vshll.u32 v38, $0x10  }
0x1b2: {  	v44 =	vand.u32 $0xFFFF0000, v38;
	v45 =	vld [tilespmem:$0xF230];
	[tilespmem:$0x104C0] =	vst v20;
	v19 =	vmul.f32 v19, v42  }
0x1b3: {  	v46 =	vshll.u32 v40, $0x10;
	[tilespmem:$0x104D0] =	vst v17;
	v17 =	vmul.f32 v44, v42  }
0x1b4: {  	v47 =	vperm.xlane v18, v9;
	v48 =	vld [tilespmem:$0xF240];
	v20 =	vmul.f32 v46, v42;
	[tilespmem:$0x104E0] =	vst v19;
	v19 =	vand.u32 $0xFFFF0000, v40  }
0x1b5: {  	[tilespmem:$0x104F0] =	vst v17;
	v17 =	vmul.f32 v19, v42;
	v19 =	vshll.u32 v43, $0x10  }
0x1b6: {  	v50 =	vld [tilespmem:$0xF250];
	v49 =	vand.u32 $0xFFFF0000, v43;
	[tilespmem:$0x10500] =	vst v20;
	v19 =	vmul.f32 v19, v47  }
0x1b7: {  	v51 =	vshll.u32 v45, $0x10;
	[tilespmem:$0x10510] =	vst v17;
	v17 =	vmul.f32 v49, v47  }
0x1b8: {  	v52 =	vperm.xlane v18, v10;
	v53 =	vld [tilespmem:$0xF260];
	v20 =	vmul.f32 v51, v47;
	[tilespmem:$0x10520] =	vst v19;
	v19 =	vand.u32 $0xFFFF0000, v45  }
0x1b9: {  	[tilespmem:$0x10530] =	vst v17;
	v17 =	vmul.f32 v19, v47;
	v19 =	vshll.u32 v48, $0x10  }
0x1ba: {  	v55 =	vld [tilespmem:$0xF270];
	v54 =	vand.u32 $0xFFFF0000, v48;
	[tilespmem:$0x10540] =	vst v20;
	v19 =	vmul.f32 v19, v52  }
0x1bb: {  	v56 =	vshll.u32 v50, $0x10;
	[tilespmem:$0x10550] =	vst v17;
	v17 =	vmul.f32 v54, v52  }
0x1bc: {  	v57 =	vperm.xlane v18, v11;
	v58 =	vld [tilespmem:$0xF280];
	v20 =	vmul.f32 v56, v52;
	[tilespmem:$0x10560] =	vst v19;
	v19 =	vand.u32 $0xFFFF0000, v50  }
0x1bd: {  	[tilespmem:$0x10570] =	vst v17;
	v17 =	vmul.f32 v19, v52;
	v19 =	vshll.u32 v53, $0x10  }
0x1be: {  	v60 =	vld [tilespmem:$0xF290];
	v59 =	vand.u32 $0xFFFF0000, v53;
	[tilespmem:$0x10580] =	vst v20;
	v19 =	vmul.f32 v19, v57  }
0x1bf: {  	v61 =	vshll.u32 v55, $0x10;
	[tilespmem:$0x10590] =	vst v17;
	v17 =	vmul.f32 v59, v57  }
0x1c0: {  	v62 =	vperm.xlane v18, v12;
	v20 =	vmul.f32 v61, v57;
	v63 =	vld [tilespmem:$0xF2A0];
	[tilespmem:$0x105A0] =	vst v19;
	v19 =	vand.u32 $0xFFFF0000, v55  }
0x1c1: {  	[tilespmem:$0x105B0] =	vst v17;
	v17 =	vmul.f32 v19, v57;
	v19 =	vshll.u32 v58, $0x10  }
0x1c2: {  	v28 =	vld [tilespmem:$0xF2B0];
	v27 =	vand.u32 $0xFFFF0000, v58;
	[tilespmem:$0x105C0] =	vst v20;
	v19 =	vmul.f32 v19, v62  }
0x1c3: {  	v29 =	vshll.u32 v60, $0x10;
	[tilespmem:$0x105D0] =	vst v17;
	v17 =	vmul.f32 v27, v62  }
0x1c4: {  	v31 =	vld [tilespmem:$0xF2C0];
	v20 =	vmul.f32 v29, v62;
	v30 =	vperm.xlane v18, v13;
	[tilespmem:$0x105E0] =	vst v19;
	v19 =	vand.u32 $0xFFFF0000, v60  }
0x1c5: {  	[tilespmem:$0x105F0] =	vst v17;
	v17 =	vmul.f32 v19, v62;
	v19 =	vshll.u32 v63, $0x10  }
0x1c6: {  	[tilespmem:$0x10600] =	vst v20;
	v33 =	vld [tilespmem:$0xF2D0];
	v32 =	vand.u32 $0xFFFF0000, v63;
	v19 =	vmul.f32 v19, v30  }
0x1c7: {  	v34 =	vshll.u32 v28, $0x10;
	[tilespmem:$0x10610] =	vst v17;
	v17 =	vmul.f32 v32, v30  }
0x1c8: {  	v36 =	vld [tilespmem:$0xF2E0];
	v20 =	vmul.f32 v34, v30;
	v35 =	vperm.xlane v18, v14;
	[tilespmem:$0x10620] =	vst v19;
	v19 =	vand.u32 $0xFFFF0000, v28  }
0x1c9: {  	[tilespmem:$0x10630] =	vst v17;
	v17 =	vmul.f32 v19, v30;
	v19 =	vshll.u32 v31, $0x10  }
0x1ca: {  	[tilespmem:$0x10640] =	vst v20;
	v37 =	vand.u32 $0xFFFF0000, v31;
	v38 =	vld [tilespmem:$0xF2F0];
	v19 =	vmul.f32 v19, v35  }
0x1cb: {  	v39 =	vshll.u32 v33, $0x10;
	[tilespmem:$0x10650] =	vst v17;
	v17 =	vmul.f32 v37, v35  }
0x1cc: {  	v41 =	vld [tilespmem:$0xF300];
	v20 =	vmul.f32 v39, v35;
	v40 =	vperm.xlane v18, v15;
	[tilespmem:$0x10660] =	vst v19;
	v19 =	vand.u32 $0xFFFF0000, v33  }
0x1cd: {  	[tilespmem:$0x10670] =	vst v17;
	v17 =	vmul.f32 v19, v35;
	v19 =	vshll.u32 v36, $0x10  }
0x1ce: {  	[tilespmem:$0x10680] =	vst v20;
	v42 =	vand.u32 $0xFFFF0000, v36;
	v43 =	vld [tilespmem:$0xF310];
	v19 =	vmul.f32 v19, v40  }
0x1cf: {  	v20 =	vmul.f32 v42, v40;
	v44 =	vshll.u32 v38, $0x10;
	[tilespmem:$0x10690] =	vst v17;
	v17 =	vld [tilespmem:s26+$0x9D00]  }
0x1d0: {  	v46 =	vld [tilespmem:$0xF320];
	v18 =	vperm.xlane v18, v16;
	v45 =	vmul.f32 v44, v40;
	[tilespmem:$0x106A0] =	vst v19;
	v19 =	vand.u32 $0xFFFF0000, v38  }
0x1d1: {  	[tilespmem:$0x106B0] =	vst v20;
	v47 =	vshll.u32 v41, $0x10;
	v19 =	vmul.f32 v19, v40  }
0x1d2: {  	v49 =	vld [tilespmem:$0xF330];
	v48 =	vand.u32 $0xFFFF0000, v41;
	[tilespmem:$0x106C0] =	vst v45;
	v20 =	vmul.f32 v47, v18  }
0x1d3: {  	v50 =	vshll.u32 v43, $0x10;
	[tilespmem:$0x106D0] =	vst v19;
	v19 =	vmul.f32 v48, v18  }
0x1d4: {  	v51 =	vand.u32 $0xFFFF0000, v43;
	[tilespmem:$0x106E0] =	vst v20;
	v21 =	vmul.f32 v50, v18;
	v53 =	vld [tilespmem:$0xF340];
	v52 =	vperm.xlane v17, v1  }
0x1d5: {  	v18 =	vmul.f32 v51, v18;
	[tilespmem:$0x106F0] =	vst v19;
	v19 =	vshll.u32 v46, $0x10  }
0x1d6: {  	v54 =	vand.u32 $0xFFFF0000, v46;
	[tilespmem:$0x10700] =	vst v21;
	v55 =	vld [tilespmem:$0xF350];
	v19 =	vmul.f32 v19, v52  }
0x1d7: {  	v56 =	vshll.u32 v49, $0x10;
	[tilespmem:$0x10710] =	vst v18;
	v18 =	vmul.f32 v54, v52  }
0x1d8: {  	v58 =	vld [tilespmem:$0xF360];
	v57 =	vperm.xlane v17, v2;
	v20 =	vmul.f32 v56, v52;
	[tilespmem:$0x10720] =	vst v19;
	v19 =	vand.u32 $0xFFFF0000, v49  }
0x1d9: {  	[tilespmem:$0x10730] =	vst v18;
	v18 =	vmul.f32 v19, v52;
	v19 =	vshll.u32 v53, $0x10  }
0x1da: {  	v59 =	vand.u32 $0xFFFF0000, v53;
	v60 =	vld [tilespmem:$0xF370];
	[tilespmem:$0x10740] =	vst v20;
	v19 =	vmul.f32 v19, v57  }
0x1db: {  	v61 =	vshll.u32 v55, $0x10;
	[tilespmem:$0x10750] =	vst v18;
	v18 =	vmul.f32 v59, v57  }
0x1dc: {  	v63 =	vld [tilespmem:$0xF380];
	v62 =	vperm.xlane v17, v3;
	v20 =	vmul.f32 v61, v57;
	[tilespmem:$0x10760] =	vst v19;
	v19 =	vand.u32 $0xFFFF0000, v55  }
0x1dd: {  	[tilespmem:$0x10770] =	vst v18;
	v18 =	vmul.f32 v19, v57;
	v19 =	vshll.u32 v58, $0x10  }
0x1de: {  	v27 =	vand.u32 $0xFFFF0000, v58;
	v28 =	vld [tilespmem:$0xF390];
	[tilespmem:$0x10780] =	vst v20;
	v19 =	vmul.f32 v19, v62  }
0x1df: {  	v29 =	vshll.u32 v60, $0x10;
	[tilespmem:$0x10790] =	vst v18;
	v18 =	vmul.f32 v27, v62  }
0x1e0: {  	v31 =	vld [tilespmem:$0xF3A0];
	v30 =	vperm.xlane v17, v4;
	v20 =	vmul.f32 v29, v62;
	[tilespmem:$0x107A0] =	vst v19;
	v19 =	vand.u32 $0xFFFF0000, v60  }
0x1e1: {  	[tilespmem:$0x107B0] =	vst v18;
	v18 =	vmul.f32 v19, v62;
	v19 =	vshll.u32 v63, $0x10  }
0x1e2: {  	v32 =	vand.u32 $0xFFFF0000, v63;
	v33 =	vld [tilespmem:$0xF3B0];
	[tilespmem:$0x107C0] =	vst v20;
	v19 =	vmul.f32 v19, v30  }
0x1e3: {  	v34 =	vshll.u32 v28, $0x10;
	[tilespmem:$0x107D0] =	vst v18;
	v18 =	vmul.f32 v32, v30  }
0x1e4: {  	v36 =	vld [tilespmem:$0xF3C0];
	v35 =	vperm.xlane v17, v5;
	v20 =	vmul.f32 v34, v30;
	[tilespmem:$0x107E0] =	vst v19;
	v19 =	vand.u32 $0xFFFF0000, v28  }
0x1e5: {  	[tilespmem:$0x107F0] =	vst v18;
	v18 =	vmul.f32 v19, v30;
	v19 =	vshll.u32 v31, $0x10  }
0x1e6: {  	v37 =	vand.u32 $0xFFFF0000, v31;
	v38 =	vld [tilespmem:$0xF3D0];
	[tilespmem:$0x10800] =	vst v20;
	v19 =	vmul.f32 v19, v35  }
0x1e7: {  	v39 =	vshll.u32 v33, $0x10;
	[tilespmem:$0x10810] =	vst v18;
	v18 =	vmul.f32 v37, v35  }
0x1e8: {  	v41 =	vld [tilespmem:$0xF3E0];
	v40 =	vperm.xlane v17, v6;
	v20 =	vmul.f32 v39, v35;
	[tilespmem:$0x10820] =	vst v19;
	v19 =	vand.u32 $0xFFFF0000, v33  }
0x1e9: {  	[tilespmem:$0x10830] =	vst v18;
	v18 =	vmul.f32 v19, v35;
	v19 =	vshll.u32 v36, $0x10  }
0x1ea: {  	v43 =	vld [tilespmem:$0xF3F0];
	v42 =	vand.u32 $0xFFFF0000, v36;
	[tilespmem:$0x10840] =	vst v20;
	v19 =	vmul.f32 v19, v40  }
0x1eb: {  	v44 =	vshll.u32 v38, $0x10;
	[tilespmem:$0x10850] =	vst v18;
	v18 =	vmul.f32 v42, v40  }
0x1ec: {  	v45 =	vperm.xlane v17, v7;
	v46 =	vld [tilespmem:$0xF400];
	v20 =	vmul.f32 v44, v40;
	[tilespmem:$0x10860] =	vst v19;
	v19 =	vand.u32 $0xFFFF0000, v38  }
0x1ed: {  	[tilespmem:$0x10870] =	vst v18;
	v18 =	vmul.f32 v19, v40;
	v19 =	vshll.u32 v41, $0x10  }
0x1ee: {  	v47 =	vand.u32 $0xFFFF0000, v41;
	v48 =	vld [tilespmem:$0xF410];
	[tilespmem:$0x10880] =	vst v20;
	v19 =	vmul.f32 v19, v45  }
0x1ef: {  	v49 =	vshll.u32 v43, $0x10;
	[tilespmem:$0x10890] =	vst v18;
	v18 =	vmul.f32 v47, v45  }
0x1f0: {  	v51 =	vld [tilespmem:$0xF420];
	v50 =	vperm.xlane v17, v8;
	v20 =	vmul.f32 v49, v45;
	[tilespmem:$0x108A0] =	vst v19;
	v19 =	vand.u32 $0xFFFF0000, v43  }
0x1f1: {  	[tilespmem:$0x108B0] =	vst v18;
	v18 =	vmul.f32 v19, v45;
	v19 =	vshll.u32 v46, $0x10  }
0x1f2: {  	v53 =	vld [tilespmem:$0xF430];
	v52 =	vand.u32 $0xFFFF0000, v46;
	[tilespmem:$0x108C0] =	vst v20;
	v19 =	vmul.f32 v19, v50  }
0x1f3: {  	v54 =	vshll.u32 v48, $0x10;
	[tilespmem:$0x108D0] =	vst v18;
	v18 =	vmul.f32 v52, v50  }
0x1f4: {  	v56 =	vld [tilespmem:$0xF440];
	v55 =	vperm.xlane v17, v9;
	v20 =	vmul.f32 v54, v50;
	[tilespmem:$0x108E0] =	vst v19;
	v19 =	vand.u32 $0xFFFF0000, v48  }
0x1f5: {  	[tilespmem:$0x108F0] =	vst v18;
	v18 =	vmul.f32 v19, v50;
	v19 =	vshll.u32 v51, $0x10  }
0x1f6: {  	v57 =	vand.u32 $0xFFFF0000, v51;
	v58 =	vld [tilespmem:$0xF450];
	[tilespmem:$0x10900] =	vst v20;
	v19 =	vmul.f32 v19, v55  }
0x1f7: {  	v59 =	vshll.u32 v53, $0x10;
	[tilespmem:$0x10910] =	vst v18;
	v18 =	vmul.f32 v57, v55  }
0x1f8: {  	v61 =	vld [tilespmem:$0xF460];
	v60 =	vperm.xlane v17, v10;
	v20 =	vmul.f32 v59, v55;
	[tilespmem:$0x10920] =	vst v19;
	v19 =	vand.u32 $0xFFFF0000, v53  }
0x1f9: {  	[tilespmem:$0x10930] =	vst v18;
	v18 =	vmul.f32 v19, v55;
	v19 =	vshll.u32 v56, $0x10  }
0x1fa: {  	v62 =	vand.u32 $0xFFFF0000, v56;
	v63 =	vld [tilespmem:$0xF470];
	[tilespmem:$0x10940] =	vst v20;
	v19 =	vmul.f32 v19, v60  }
0x1fb: {  	v27 =	vshll.u32 v58, $0x10;
	[tilespmem:$0x10950] =	vst v18;
	v18 =	vmul.f32 v62, v60  }
0x1fc: {  	v29 =	vld [tilespmem:$0xF480];
	v28 =	vperm.xlane v17, v11;
	v20 =	vmul.f32 v27, v60;
	[tilespmem:$0x10960] =	vst v19;
	v19 =	vand.u32 $0xFFFF0000, v58  }
0x1fd: {  	[tilespmem:$0x10970] =	vst v18;
	v18 =	vmul.f32 v19, v60;
	v19 =	vshll.u32 v61, $0x10  }
0x1fe: {  	v30 =	vand.u32 $0xFFFF0000, v61;
	v31 =	vld [tilespmem:$0xF490];
	[tilespmem:$0x10980] =	vst v20;
	v19 =	vmul.f32 v19, v28  }
0x1ff: {  	v32 =	vshll.u32 v63, $0x10;
	[tilespmem:$0x10990] =	vst v18;
	v18 =	vmul.f32 v30, v28  }
0x200: {  	v34 =	vld [tilespmem:$0xF4A0];
	v33 =	vperm.xlane v17, v12;
	v20 =	vmul.f32 v32, v28;
	[tilespmem:$0x109A0] =	vst v19;
	v19 =	vand.u32 $0xFFFF0000, v63  }
0x201: {  	[tilespmem:$0x109B0] =	vst v18;
	v18 =	vmul.f32 v19, v28;
	v19 =	vshll.u32 v29, $0x10  }
0x202: {  	v35 =	vand.u32 $0xFFFF0000, v29;
	v36 =	vld [tilespmem:$0xF4B0];
	[tilespmem:$0x109C0] =	vst v20;
	v19 =	vmul.f32 v19, v33  }
0x203: {  	v37 =	vshll.u32 v31, $0x10;
	[tilespmem:$0x109D0] =	vst v18;
	v18 =	vmul.f32 v35, v33  }
0x204: {  	v39 =	vld [tilespmem:$0xF4C0];
	v20 =	vmul.f32 v37, v33;
	v38 =	vperm.xlane v17, v13;
	[tilespmem:$0x109E0] =	vst v19;
	v19 =	vand.u32 $0xFFFF0000, v31  }
0x205: {  	[tilespmem:$0x109F0] =	vst v18;
	v18 =	vmul.f32 v19, v33;
	v19 =	vshll.u32 v34, $0x10  }
0x206: {  	v40 =	vand.u32 $0xFFFF0000, v34;
	v41 =	vld [tilespmem:$0xF4D0];
	[tilespmem:$0x10A00] =	vst v20;
	v19 =	vmul.f32 v19, v38  }
0x207: {  	v42 =	vshll.u32 v36, $0x10;
	[tilespmem:$0x10A10] =	vst v18;
	v18 =	vmul.f32 v40, v38  }
0x208: {  	v44 =	vld [tilespmem:$0xF4E0];
	v20 =	vmul.f32 v42, v38;
	v43 =	vperm.xlane v17, v14;
	[tilespmem:$0x10A20] =	vst v19;
	v19 =	vand.u32 $0xFFFF0000, v36  }
0x209: {  	[tilespmem:$0x10A30] =	vst v18;
	v18 =	vmul.f32 v19, v38;
	v19 =	vshll.u32 v39, $0x10  }
0x20a: {  	[tilespmem:$0x10A40] =	vst v20;
	v45 =	vand.u32 $0xFFFF0000, v39;
	v46 =	vld [tilespmem:$0xF4F0];
	v19 =	vmul.f32 v19, v43  }
0x20b: {  	v47 =	vshll.u32 v41, $0x10;
	[tilespmem:$0x10A50] =	vst v18;
	v18 =	vmul.f32 v45, v43  }
0x20c: {  	v49 =	vld [tilespmem:$0xF500];
	v20 =	vmul.f32 v47, v43;
	v48 =	vperm.xlane v17, v15;
	[tilespmem:$0x10A60] =	vst v19;
	v19 =	vand.u32 $0xFFFF0000, v41  }
0x20d: {  	[tilespmem:$0x10A70] =	vst v18;
	v18 =	vmul.f32 v19, v43;
	v19 =	vshll.u32 v44, $0x10  }
0x20e: {  	[tilespmem:$0x10A80] =	vst v20;
	v50 =	vand.u32 $0xFFFF0000, v44;
	v51 =	vld [tilespmem:$0xF510];
	v19 =	vmul.f32 v19, v48  }
0x20f: {  	v20 =	vmul.f32 v50, v48;
	v52 =	vshll.u32 v46, $0x10;
	[tilespmem:$0x10A90] =	vst v18;
	v18 =	vld [tilespmem:s26+$0x9D10]  }
0x210: {  	v54 =	vld [tilespmem:$0xF520];
	v17 =	vperm.xlane v17, v16;
	v53 =	vmul.f32 v52, v48;
	[tilespmem:$0x10AA0] =	vst v19;
	v19 =	vand.u32 $0xFFFF0000, v46  }
0x211: {  	[tilespmem:$0x10AB0] =	vst v20;
	v55 =	vshll.u32 v49, $0x10;
	v19 =	vmul.f32 v19, v48  }
0x212: {  	v57 =	vld [tilespmem:$0xF530];
	v56 =	vand.u32 $0xFFFF0000, v49;
	[tilespmem:$0x10AC0] =	vst v53;
	v20 =	vmul.f32 v55, v17  }
0x213: {  	v58 =	vshll.u32 v51, $0x10;
	[tilespmem:$0x10AD0] =	vst v19;
	v19 =	vmul.f32 v56, v17  }
0x214: {  	v59 =	vand.u32 $0xFFFF0000, v51;
	[tilespmem:$0x10AE0] =	vst v20;
	v21 =	vmul.f32 v58, v17;
	v61 =	vld [tilespmem:$0xF540];
	v60 =	vperm.xlane v18, v1  }
0x215: {  	v17 =	vmul.f32 v59, v17;
	[tilespmem:$0x10AF0] =	vst v19;
	v19 =	vshll.u32 v54, $0x10  }
0x216: {  	v62 =	vand.u32 $0xFFFF0000, v54;
	[tilespmem:$0x10B00] =	vst v21;
	v63 =	vld [tilespmem:$0xF550];
	v19 =	vmul.f32 v19, v60  }
0x217: {  	v27 =	vshll.u32 v57, $0x10;
	[tilespmem:$0x10B10] =	vst v17;
	v17 =	vmul.f32 v62, v60  }
0x218: {  	v29 =	vld [tilespmem:$0xF560];
	v28 =	vperm.xlane v18, v2;
	v20 =	vmul.f32 v27, v60;
	[tilespmem:$0x10B20] =	vst v19;
	v19 =	vand.u32 $0xFFFF0000, v57  }
0x219: {  	[tilespmem:$0x10B30] =	vst v17;
	v17 =	vmul.f32 v19, v60;
	v19 =	vshll.u32 v61, $0x10  }
0x21a: {  	v30 =	vand.u32 $0xFFFF0000, v61;
	v31 =	vld [tilespmem:$0xF570];
	[tilespmem:$0x10B40] =	vst v20;
	v19 =	vmul.f32 v19, v28  }
0x21b: {  	v32 =	vshll.u32 v63, $0x10;
	[tilespmem:$0x10B50] =	vst v17;
	v17 =	vmul.f32 v30, v28  }
0x21c: {  	v34 =	vld [tilespmem:$0xF580];
	v33 =	vperm.xlane v18, v3;
	v20 =	vmul.f32 v32, v28;
	[tilespmem:$0x10B60] =	vst v19;
	v19 =	vand.u32 $0xFFFF0000, v63  }
0x21d: {  	[tilespmem:$0x10B70] =	vst v17;
	v17 =	vmul.f32 v19, v28;
	v19 =	vshll.u32 v29, $0x10  }
0x21e: {  	v35 =	vand.u32 $0xFFFF0000, v29;
	v36 =	vld [tilespmem:$0xF590];
	[tilespmem:$0x10B80] =	vst v20;
	v19 =	vmul.f32 v19, v33  }
0x21f: {  	v37 =	vshll.u32 v31, $0x10;
	[tilespmem:$0x10B90] =	vst v17;
	v17 =	vmul.f32 v35, v33  }
0x220: {  	v39 =	vld [tilespmem:$0xF5A0];
	v38 =	vperm.xlane v18, v4;
	v20 =	vmul.f32 v37, v33;
	[tilespmem:$0x10BA0] =	vst v19;
	v19 =	vand.u32 $0xFFFF0000, v31  }
0x221: {  	[tilespmem:$0x10BB0] =	vst v17;
	v17 =	vmul.f32 v19, v33;
	v19 =	vshll.u32 v34, $0x10  }
0x222: {  	v40 =	vand.u32 $0xFFFF0000, v34;
	v41 =	vld [tilespmem:$0xF5B0];
	[tilespmem:$0x10BC0] =	vst v20;
	v19 =	vmul.f32 v19, v38  }
0x223: {  	v42 =	vshll.u32 v36, $0x10;
	[tilespmem:$0x10BD0] =	vst v17;
	v17 =	vmul.f32 v40, v38  }
0x224: {  	v44 =	vld [tilespmem:$0xF5C0];
	v43 =	vperm.xlane v18, v5;
	v20 =	vmul.f32 v42, v38;
	[tilespmem:$0x10BE0] =	vst v19;
	v19 =	vand.u32 $0xFFFF0000, v36  }
0x225: {  	[tilespmem:$0x10BF0] =	vst v17;
	v17 =	vmul.f32 v19, v38;
	v19 =	vshll.u32 v39, $0x10  }
0x226: {  	v45 =	vand.u32 $0xFFFF0000, v39;
	v46 =	vld [tilespmem:$0xF5D0];
	[tilespmem:$0x10C00] =	vst v20;
	v19 =	vmul.f32 v19, v43  }
0x227: {  	v47 =	vshll.u32 v41, $0x10;
	[tilespmem:$0x10C10] =	vst v17;
	v17 =	vmul.f32 v45, v43  }
0x228: {  	v49 =	vld [tilespmem:$0xF5E0];
	v48 =	vperm.xlane v18, v6;
	v20 =	vmul.f32 v47, v43;
	[tilespmem:$0x10C20] =	vst v19;
	v19 =	vand.u32 $0xFFFF0000, v41  }
0x229: {  	[tilespmem:$0x10C30] =	vst v17;
	v17 =	vmul.f32 v19, v43;
	v19 =	vshll.u32 v44, $0x10  }
0x22a: {  	v51 =	vld [tilespmem:$0xF5F0];
	v50 =	vand.u32 $0xFFFF0000, v44;
	[tilespmem:$0x10C40] =	vst v20;
	v19 =	vmul.f32 v19, v48  }
0x22b: {  	v52 =	vshll.u32 v46, $0x10;
	[tilespmem:$0x10C50] =	vst v17;
	v17 =	vmul.f32 v50, v48  }
0x22c: {  	v53 =	vperm.xlane v18, v7;
	v54 =	vld [tilespmem:$0xF600];
	v20 =	vmul.f32 v52, v48;
	[tilespmem:$0x10C60] =	vst v19;
	v19 =	vand.u32 $0xFFFF0000, v46  }
0x22d: {  	[tilespmem:$0x10C70] =	vst v17;
	v17 =	vmul.f32 v19, v48;
	v19 =	vshll.u32 v49, $0x10  }
0x22e: {  	v55 =	vand.u32 $0xFFFF0000, v49;
	v56 =	vld [tilespmem:$0xF610];
	[tilespmem:$0x10C80] =	vst v20;
	v19 =	vmul.f32 v19, v53  }
0x22f: {  	v57 =	vshll.u32 v51, $0x10;
	[tilespmem:$0x10C90] =	vst v17;
	v17 =	vmul.f32 v55, v53  }
0x230: {  	v59 =	vld [tilespmem:$0xF620];
	v58 =	vperm.xlane v18, v8;
	v20 =	vmul.f32 v57, v53;
	[tilespmem:$0x10CA0] =	vst v19;
	v19 =	vand.u32 $0xFFFF0000, v51  }
0x231: {  	[tilespmem:$0x10CB0] =	vst v17;
	v17 =	vmul.f32 v19, v53;
	v19 =	vshll.u32 v54, $0x10  }
0x232: {  	v61 =	vld [tilespmem:$0xF630];
	v60 =	vand.u32 $0xFFFF0000, v54;
	[tilespmem:$0x10CC0] =	vst v20;
	v19 =	vmul.f32 v19, v58  }
0x233: {  	v62 =	vshll.u32 v56, $0x10;
	[tilespmem:$0x10CD0] =	vst v17;
	v17 =	vmul.f32 v60, v58  }
0x234: {  	v63 =	vperm.xlane v18, v9;
	v28 =	vld [tilespmem:$0xF640];
	v20 =	vmul.f32 v62, v58;
	[tilespmem:$0x10CE0] =	vst v19;
	v19 =	vand.u32 $0xFFFF0000, v56  }
0x235: {  	[tilespmem:$0x10CF0] =	vst v17;
	v17 =	vmul.f32 v19, v58;
	v19 =	vshll.u32 v59, $0x10  }
0x236: {  	v30 =	vld [tilespmem:$0xF650];
	v29 =	vand.u32 $0xFFFF0000, v59;
	[tilespmem:$0x10D00] =	vst v20;
	v19 =	vmul.f32 v19, v63  }
0x237: {  	v31 =	vshll.u32 v61, $0x10;
	[tilespmem:$0x10D10] =	vst v17;
	v17 =	vmul.f32 v29, v63  }
0x238: {  	v32 =	vperm.xlane v18, v10;
	v33 =	vld [tilespmem:$0xF660];
	v20 =	vmul.f32 v31, v63;
	[tilespmem:$0x10D20] =	vst v19;
	v19 =	vand.u32 $0xFFFF0000, v61  }
0x239: {  	[tilespmem:$0x10D30] =	vst v17;
	v17 =	vmul.f32 v19, v63;
	v19 =	vshll.u32 v28, $0x10  }
0x23a: {  	v35 =	vld [tilespmem:$0xF670];
	v34 =	vand.u32 $0xFFFF0000, v28;
	[tilespmem:$0x10D40] =	vst v20;
	v19 =	vmul.f32 v19, v32  }
0x23b: {  	v36 =	vshll.u32 v30, $0x10;
	[tilespmem:$0x10D50] =	vst v17;
	v17 =	vmul.f32 v34, v32  }
0x23c: {  	v37 =	vperm.xlane v18, v11;
	v38 =	vld [tilespmem:$0xF680];
	v20 =	vmul.f32 v36, v32;
	[tilespmem:$0x10D60] =	vst v19;
	v19 =	vand.u32 $0xFFFF0000, v30  }
0x23d: {  	[tilespmem:$0x10D70] =	vst v17;
	v17 =	vmul.f32 v19, v32;
	v19 =	vshll.u32 v33, $0x10  }
0x23e: {  	v40 =	vld [tilespmem:$0xF690];
	v39 =	vand.u32 $0xFFFF0000, v33;
	[tilespmem:$0x10D80] =	vst v20;
	v19 =	vmul.f32 v19, v37  }
0x23f: {  	v41 =	vshll.u32 v35, $0x10;
	[tilespmem:$0x10D90] =	vst v17;
	v17 =	vmul.f32 v39, v37  }
0x240: {  	v42 =	vperm.xlane v18, v12;
	v43 =	vld [tilespmem:$0xF6A0];
	v20 =	vmul.f32 v41, v37;
	[tilespmem:$0x10DA0] =	vst v19;
	v19 =	vand.u32 $0xFFFF0000, v35  }
0x241: {  	[tilespmem:$0x10DB0] =	vst v17;
	v17 =	vmul.f32 v19, v37;
	v19 =	vshll.u32 v38, $0x10  }
0x242: {  	v45 =	vld [tilespmem:$0xF6B0];
	v44 =	vand.u32 $0xFFFF0000, v38;
	[tilespmem:$0x10DC0] =	vst v20;
	v19 =	vmul.f32 v19, v42  }
0x243: {  	v46 =	vshll.u32 v40, $0x10;
	[tilespmem:$0x10DD0] =	vst v17;
	v17 =	vmul.f32 v44, v42  }
0x244: {  	v47 =	vperm.xlane v18, v13;
	v20 =	vmul.f32 v46, v42;
	v48 =	vld [tilespmem:$0xF6C0];
	[tilespmem:$0x10DE0] =	vst v19;
	v19 =	vand.u32 $0xFFFF0000, v40  }
0x245: {  	[tilespmem:$0x10DF0] =	vst v17;
	v17 =	vmul.f32 v19, v42;
	v19 =	vshll.u32 v43, $0x10  }
0x246: {  	v50 =	vld [tilespmem:$0xF6D0];
	v49 =	vand.u32 $0xFFFF0000, v43;
	[tilespmem:$0x10E00] =	vst v20;
	v19 =	vmul.f32 v19, v47  }
0x247: {  	v51 =	vshll.u32 v45, $0x10;
	[tilespmem:$0x10E10] =	vst v17;
	v17 =	vmul.f32 v49, v47  }
0x248: {  	v52 =	vperm.xlane v18, v14;
	v20 =	vmul.f32 v51, v47;
	v53 =	vld [tilespmem:$0xF6E0];
	[tilespmem:$0x10E20] =	vst v19;
	v19 =	vand.u32 $0xFFFF0000, v45  }
0x249: {  	[tilespmem:$0x10E30] =	vst v17;
	v17 =	vmul.f32 v19, v47;
	v19 =	vshll.u32 v48, $0x10  }
0x24a: {  	v55 =	vld [tilespmem:$0xF6F0];
	v54 =	vand.u32 $0xFFFF0000, v48;
	[tilespmem:$0x10E40] =	vst v20;
	v19 =	vmul.f32 v19, v52  }
0x24b: {  	v56 =	vshll.u32 v50, $0x10;
	[tilespmem:$0x10E50] =	vst v17;
	v17 =	vmul.f32 v54, v52  }
0x24c: {  	v57 =	vperm.xlane v18, v15;
	v20 =	vmul.f32 v56, v52;
	v58 =	vld [tilespmem:$0xF700];
	[tilespmem:$0x10E60] =	vst v19;
	v19 =	vand.u32 $0xFFFF0000, v50  }
0x24d: {  	[tilespmem:$0x10E70] =	vst v17;
	v17 =	vmul.f32 v19, v52;
	v19 =	vshll.u32 v53, $0x10  }
0x24e: {  	v60 =	vld [tilespmem:$0xF710];
	v59 =	vand.u32 $0xFFFF0000, v53;
	[tilespmem:$0x10E80] =	vst v20;
	v19 =	vmul.f32 v19, v57  }
0x24f: {  	v61 =	vshll.u32 v55, $0x10;
	[tilespmem:$0x10E90] =	vst v17;
	v17 =	vmul.f32 v59, v57  }
0x250: {  	v18 =	vperm.xlane v18, v16;
	v20 =	vmul.f32 v61, v57;
	[tilespmem:$0x10EA0] =	vst v19;
	v19 =	vand.u32 $0xFFFF0000, v55  }
0x251: {  	[tilespmem:$0x10EB0] =	vst v17;
	v17 =	vmul.f32 v19, v57;
	v19 =	vshll.u32 v58, $0x10  }
0x252: {  	s25 =	sadd.s32 $0x180, s25;
	v62 =	vand.u32 $0xFFFF0000, v58;
	[tilespmem:$0x10EC0] =	vst v20;
	v19 =	vmul.f32 v19, v18  }
0x253: {  	p1 =	sne.s32 s25, $0x13980;
	v63 =	vshll.u32 v60, $0x10;
	[tilespmem:$0x10ED0] =	vst v17;
	v17 =	vmul.f32 v62, v18  }
.Ltmp1:
0x254: {  	v20 =	vmul.f32 v63, v18;
	[tilespmem:$0x10EE0] =	vst v19;
	v19 =	vand.u32 $0xFFFF0000, v60;
	(pc) =	sbr.rel @p1 .LBB2_4-.Ltmp1, $4  }
0x255: {  	[tilespmem:$0x10EF0] =	vst v17;
	v17 =	vmul.f32 v19, v18  }
0x256: {  	[tilespmem:$0x10F00] =	vst v20  }
0x257: {  	s26 =	sadd.s32 $0x4E90, s26;
	[tilespmem:$0x10F10] =	vst v17  }
0x258: {  	[spmem:s3] =	stream.indirect.scatter.add.f32 [tilespmem:s18], [sflag:$0x4], $0x40, s26, s5, $0xb8;
	[tilespmem:$0x1F980] =	vst v63  }
0x259: {  	_ =	swait.ge [sflag:s20], $0xC00  }
0x25a: {  	[sflag:s20] =	ssyncset.done $0x0  }
0x25b: {  	[sflag:s20] =	ssyncadd.s32 $0xFFFFF400  }
0x25c: {  	_ =	swait.ge [sflag:s21], $0xC00  }
0x25d: {  	[sflag:s21] =	ssyncset.done $0x0  }
0x25e: {  	[sflag:s21] =	ssyncadd.s32 $0xFFFFF400  }
0x25f: {  	[bflag:$0x0] =	sbarrier.arrive $0xFFFF  }
0x260: {  	s25 =	sshrl.u32 @p0 s23, $0x3;
	s26 =	simm.s32 @p0 $0x1FC5;
	s28 =	rddreg [dreg:$0xb]  }
0x261: {  	[hbm:s28], [sflag:s26] =	dma.local @p0 [spmem:s25], $0xC80  }
0x262: {  	s25 =	simm.s32 @p0 $0x5  }
0x263: {  	_ =	swait.ge @p0 [sflag:s25], $0xC80  }
0x264: {  	[sflag:s25] =	ssyncset.done @p0 $0x0;
	s26 =	rddreg [dreg:$0xf]  }
0x265: {  	[sflag:s25] =	ssyncadd.s32 @p0 $0xFFFFF380;
	s25 =	rddreg [dreg:$0x9]  }
0x266: {  	[hbm:s25], [sflag:s24] =	dma.local @!p0 [spmem:s26], $0x1400  }
0x267: {  	s24 =	simm.s32 @!p0 $0x5  }
0x268: {  	_ =	swait.ge @!p0 [sflag:s24], $0x1400  }
0x269: {  	s22 =	sadd.s32 $0x1, s22;
	s30 =	rddreg [dreg:$0xc]  }
0x26a: {  	p1 =	sne.s32 s22, s30  }
.Ltmp2:
0x26b: {  	_ = 	snop;
	(pc) =	sbr.rel @p1 .LBB2_1-.Ltmp2, $3  }
0x26c: {  	_ =	sdelay $0x1  }
0x26d: {  	[sflag:s24] =	ssyncset.done @!p0 $0x0  }
0x26e: {  	[sflag:s24] =	ssyncadd.s32 @!p0 $0xFFFFEC00  }
0x26f: {  	_ =	sfence.sel $0x180000  }
0x270: {  	[bflag:$0x0] =	sbarrier.arrive $0xFFFF  }
0x271: {  	_ =	strace $0x90000047  }
0x272: {  	s0 =	stileid.u32;
	[bflag:$0x2] =	sbarrier.arrive $0xFFFF  }
0x273: {  	p0 =	sne.s32 s0, $0x0;
	s0 =	rddreg [dreg:$0x4]  }
0x274: {  	s0 =	sadd.s32 @!p0 $0x100000, s0  }
0x275: {  	[sflag:s0] =	ssyncadd.tile.s32 @!p0 $0x1;
	_ =	shalt  }
.Lfunc_end2:
_tile_overlayer_lowered:
.L_overlay_start_2:
0x276: {  	(tag) =	ssettag $0x2  }
0x277: {  	s0 =	rddreg [dreg:$0x0];
	s2 =	stileid.u32  }
0x278: {  	s1 =	rddreg [dreg:$0x1];
	p0 =	sne.s32 s2, $0x0  }
0x279: {  	s3 =	rddreg [dreg:$0x2];
	[bflag:$0x3] =	sbarrier.arrive $0xFFFF;
	s2 =	simm.s32 @!p0 $0x1C05  }
0x27a: {  	[timem:s3], [sflag:s2] =	dma.local @!p0 [hbm:s0], s1  }
0x27b: {  	s0 =	simm.s32 @!p0 $0x5  }
0x27c: {  	_ =	swait.ge @!p0 [sflag:s0], s1  }
0x27d: {  	s1 =	ssub.s32 @!p0 $0x0, s1;
	[sflag:s0] =	ssyncset.done @!p0 $0x0  }
0x27e: {  	[sflag:s0] =	ssyncadd.s32 @!p0 s1  }
0x27f: {  	[bflag:$0x3] =	sbarrier.arrive $0xFFFF  }
0x280: {  	_ =	shalt  }

</sc_bundles>
